<compile_context>
chip_gen: v7x
topology: tpu7x:2x2x1
jax: 0.10.2.dev20260603
libtpu: 0.0.44.dev20260713+nightly
codegen_flags: <defaults>
</compile_context>

<pallas_src>
import functools

import jax
import jax.numpy as jnp
from jax import lax
from jax.experimental import pallas as pl
from jax.experimental.pallas import tpu as pltpu
from jax.experimental.pallas import tpu_sc as plsc

N_NODES = 100000
N_EDGES = 1600000
NH = 32
N_LAYERS = 2
C_WEIGHT = 0.001

NC = 2
NS = 16
NW = NC * NS

G_RANGES = 5
EQ = N_EDGES // G_RANGES
GK = 6400
G_NCHUNK = EQ // GK

SK = 6272
S_NCHUNK = 8
S_TILE = S_NCHUNK * SK
E_PAD = NW * S_TILE
NP_PAD = 100352
NZ = NP_PAD // NS

TB = 32000
T_GRID = N_EDGES // TB
TB2 = 32768
T_GRID2 = E_PAD // TB2


def _psi(v):
    return jnp.sign(v) * jnp.log(jnp.abs(v) + 1.0)


def _sc_gather(x3, ei3):
    mesh = plsc.VectorSubcoreMesh(core_axis_name="c", subcore_axis_name="s")

    @functools.partial(
        pl.kernel,
        out_type=jax.ShapeDtypeStruct((6, 1, N_EDGES), jnp.float32),
        mesh=mesh,
        compiler_params=pltpu.CompilerParams(use_tc_tiling_on_sc=False, needs_layout_passes=False),
        scratch_types=[
            pltpu.VMEM((N_NODES,), jnp.float32),
            pltpu.VMEM((2, GK), jnp.int32),
            pltpu.VMEM((2, GK), jnp.float32),
            pltpu.SemaphoreType.DMA,
            pltpu.SemaphoreType.DMA,
            pltpu.SemaphoreType.DMA,
            pltpu.SemaphoreType.DMA,
        ],
    )
    def gather_k(x_hbm, ei_hbm, out_hbm, col_v, idx_v, val_v,
                 isem0, isem1, osem0, osem1):
        wid = lax.axis_index("s") * NC + lax.axis_index("c")

        @pl.when(wid < 2 * 3 * G_RANGES)
        def _():
            side = wid // (3 * G_RANGES)
            sub = wid % (3 * G_RANGES)
            coord = sub % 3
            rng = sub // 3
            out6 = side * 3 + coord
            isems = (isem0, isem1)
            osems = (osem0, osem1)

            def idx_dma(ci, b):
                return pltpu.make_async_copy(
                    ei_hbm.at[side, 0, pl.ds(rng * EQ + ci * GK, GK)],
                    idx_v.at[b], isems[b])

            def out_dma(ci, b):
                return pltpu.make_async_copy(
                    val_v.at[b],
                    out_hbm.at[out6, 0, pl.ds(rng * EQ + ci * GK, GK)],
                    osems[b])

            pltpu.sync_copy(x_hbm.at[coord, 0], col_v)
            idx_dma(0, 0).start()
            idx_dma(1, 1).start()

            @pl.loop(0, G_NCHUNK // 2)
            def _pair(t):
                for b in range(2):
                    ci = 2 * t + b
                    idx_dma(ci, b).wait()

                    @pl.when(ci >= 2)
                    def _():
                        out_dma(ci - 2, b).wait()

                    @plsc.parallel_loop(0, GK, step=16, unroll=8)
                    def _vec(j):
                        iv = idx_v[b, pl.ds(j, 16)]
                        val_v[b, pl.ds(j, 16)] = plsc.load_gather(
                            col_v, [iv])

                    out_dma(ci, b).start()

                    @pl.when(ci + 2 < G_NCHUNK)
                    def _():
                        idx_dma(ci + 2, b).start()

            out_dma(G_NCHUNK - 2, 0).wait()
            out_dma(G_NCHUNK - 1, 1).wait()

    return gather_k(x3, ei3)


def _sc_scatter(upd0, upd1, upd2, src1d, zeros_row):
    mesh = plsc.VectorSubcoreMesh(core_axis_name="c", subcore_axis_name="s")

    @functools.partial(
        pl.kernel,
        out_type=jax.ShapeDtypeStruct((6, 1, NP_PAD), jnp.float32),
        mesh=mesh,
        compiler_params=pltpu.CompilerParams(use_tc_tiling_on_sc=False, needs_layout_passes=False),
        scratch_types=[
            pltpu.VMEM_SHARED((NP_PAD,), jnp.float32),
            pltpu.VMEM_SHARED((NP_PAD,), jnp.float32),
            pltpu.VMEM_SHARED((NP_PAD,), jnp.float32),
            pltpu.VMEM((2, SK), jnp.int32),
            pltpu.VMEM((2, 3, SK), jnp.float32),
            pltpu.SemaphoreType.DMA,
            pltpu.SemaphoreType.DMA,
            pltpu.SemaphoreType.DMA,
            pltpu.SemaphoreType.DMA,
            pltpu.SemaphoreType.DMA,
        ],
    )
    def scatter_k(upd0_hbm, upd1_hbm, upd2_hbm, src_hbm, zrow_hbm, out_hbm,
                  sh0, sh1, sh2, idx_v, val_v, isem0, isem1, vsem0, vsem1,
                  asem):
        cid = lax.axis_index("c")
        sid = lax.axis_index("s")
        wid = sid * NC + cid
        shared = (sh0, sh1, sh2)
        upds = (upd0_hbm, upd1_hbm, upd2_hbm)
        isems = (isem0, isem1)
        vsems = (vsem0, vsem1)

        def idx_dma(ci, b):
            return pltpu.make_async_copy(
                src_hbm.at[pl.ds(wid * S_TILE + ci * SK, SK)],
                idx_v.at[b], isems[b])

        def val_dma(ci, b, c):
            return pltpu.make_async_copy(
                upds[c].at[pl.ds(wid * S_TILE + ci * SK, SK)],
                val_v.at[b, c], vsems[b])

        for c in range(3):
            pltpu.sync_copy(zrow_hbm.at[pl.ds(sid * NZ, NZ)],
                            shared[c].at[pl.ds(sid * NZ, NZ)])
        plsc.subcore_barrier()

        for b in range(2):
            idx_dma(b, b).start()
            for c in range(3):
                val_dma(b, b, c).start()

        @pl.loop(0, S_NCHUNK // 2)
        def _pair(t):
            for b in range(2):
                ci = 2 * t + b
                idx_dma(ci, b).wait()
                adds = []
                for c in range(3):
                    val_dma(ci, b, c).wait()
                    adds.append(pltpu.make_async_copy(
                        val_v.at[b, c], shared[c].at[idx_v.at[b]], asem))
                for d in adds:
                    d.start(add=True)
                for d in adds:
                    d.wait()

                @pl.when(ci + 2 < S_NCHUNK)
                def _():
                    idx_dma(ci + 2, b).start()
                    for c in range(3):
                        val_dma(ci + 2, b, c).start()

        plsc.subcore_barrier()
        for c in range(3):
            pltpu.sync_copy(shared[c].at[pl.ds(sid * NZ, NZ)],
                            out_hbm.at[cid * 3 + c, 0, pl.ds(sid * NZ, NZ)])

    return scatter_k(upd0, upd1, upd2, src1d, zeros_row)


def _edge_features(xsd_ref, ea_ref):
    xs = xsd_ref[0:3, 0]
    xd = xsd_ref[3:6, 0]
    dif = xs - xd
    norms = _psi(jnp.sum(dif * dif, axis=0, keepdims=True))
    dots = _psi(jnp.sum(xs * xd, axis=0, keepdims=True))
    m_in = jnp.concatenate([xd, xs, ea_ref[...], norms, dots], axis=0)
    return m_in, dif


def _tc_stats(xsd, ea_t, w1t):
    def body(xsd_ref, ea_ref, w1t_ref, out_ref, nd_ref):
        i = pl.program_id(0)

        @pl.when(i == 0)
        def _():
            out_ref[...] = jnp.zeros_like(out_ref)

        m_in, _ = _edge_features(xsd_ref, ea_ref)
        nd_ref[...] = m_in[10:12]
        h0 = jnp.dot(w1t_ref[...], m_in, preferred_element_type=jnp.float32)
        out_ref[:, 0:1] += jnp.sum(h0, axis=1, keepdims=True)
        out_ref[:, 1:2] += jnp.sum(h0 * h0, axis=1, keepdims=True)

    return pl.pallas_call(
        body,
        grid=(T_GRID,),
        in_specs=[
            pl.BlockSpec((6, 1, TB), lambda i: (0, 0, i)),
            pl.BlockSpec((4, TB), lambda i: (0, i)),
            pl.BlockSpec((NH, 12), lambda i: (0, 0)),
        ],
        out_specs=[
            pl.BlockSpec((NH, 128), lambda i: (0, 0)),
            pl.BlockSpec((2, TB), lambda i: (0, i)),
        ],
        out_shape=[
            jax.ShapeDtypeStruct((NH, 128), jnp.float32),
            jax.ShapeDtypeStruct((2, N_EDGES), jnp.float32),
        ],
    )(xsd, ea_t, w1t)


def _tc_mlp(xsd, ea_t, nd, w1t, scale, shift, w2ct, b2c, wx1t, bx1, wx2t):
    def body(xsd_ref, ea_ref, nd_ref, w1t_ref, scale_ref, shift_ref, w2ct_ref,
             b2c_ref, wx1t_ref, bx1_ref, wx2t_ref, o0_ref, o1_ref, o2_ref):
        xs = xsd_ref[0:3, 0]
        xd = xsd_ref[3:6, 0]
        dif = xs - xd
        m_in = jnp.concatenate([xd, xs, ea_ref[...], nd_ref[...]], axis=0)
        h0 = jnp.dot(w1t_ref[...], m_in, preferred_element_type=jnp.float32)
        h1 = jax.nn.relu(h0 * scale_ref[...] + shift_ref[...])
        z = jnp.dot(w2ct_ref[...], h1,
                    preferred_element_type=jnp.float32) + b2c_ref[...]
        h2 = jax.nn.relu(z[0:NH])
        wgt = jax.nn.sigmoid(z[NH:NH + 1])
        m = h2 * wgt
        p = jax.nn.relu(
            jnp.dot(wx1t_ref[...], m,
                    preferred_element_type=jnp.float32) + bx1_ref[...])
        px = jnp.dot(wx2t_ref[...], p, preferred_element_type=jnp.float32)
        u = jnp.clip(dif * px, -100.0, 100.0)
        o0_ref[...] = u[0]
        o1_ref[...] = u[1]
        o2_ref[...] = u[2]

    return pl.pallas_call(
        body,
        grid=(T_GRID2,),
        in_specs=[
            pl.BlockSpec((6, 1, TB2), lambda i: (0, 0, i)),
            pl.BlockSpec((4, TB2), lambda i: (0, i)),
            pl.BlockSpec((2, TB2), lambda i: (0, i)),
            pl.BlockSpec((NH, 12), lambda i: (0, 0)),
            pl.BlockSpec((NH, 1), lambda i: (0, 0)),
            pl.BlockSpec((NH, 1), lambda i: (0, 0)),
            pl.BlockSpec((NH + 1, NH), lambda i: (0, 0)),
            pl.BlockSpec((NH + 1, 1), lambda i: (0, 0)),
            pl.BlockSpec((NH, NH), lambda i: (0, 0)),
            pl.BlockSpec((NH, 1), lambda i: (0, 0)),
            pl.BlockSpec((1, NH), lambda i: (0, 0)),
        ],
        out_specs=[
            pl.BlockSpec((TB2,), lambda i: (i,)),
            pl.BlockSpec((TB2,), lambda i: (i,)),
            pl.BlockSpec((TB2,), lambda i: (i,)),
        ],
        out_shape=[
            jax.ShapeDtypeStruct((E_PAD,), jnp.float32),
            jax.ShapeDtypeStruct((E_PAD,), jnp.float32),
            jax.ShapeDtypeStruct((E_PAD,), jnp.float32),
        ],
    )(xsd, ea_t, nd, w1t, scale, shift, w2ct, b2c, wx1t, bx1, wx2t)


XB = 12544


def _tc_xupdate(x3, partials):
    def body(x_ref, p_ref, out_ref):
        out_ref[...] = x_ref[...] + C_WEIGHT * (
            p_ref[0:3] + p_ref[3:6])

    return pl.pallas_call(
        body,
        grid=(NP_PAD // XB,),
        in_specs=[
            pl.BlockSpec((3, 1, XB), lambda i: (0, 0, i)),
            pl.BlockSpec((6, 1, XB), lambda i: (0, 0, i)),
        ],
        out_specs=pl.BlockSpec((3, 1, XB), lambda i: (0, 0, i)),
        out_shape=jax.ShapeDtypeStruct((3, 1, N_NODES), jnp.float32),
    )(x3, partials)


def _tc_final(xsd, we1t, be1, we2t, be2, we3t, be3):
    def body(xsd_ref, we1t_ref, be1_ref, we2t_ref, be2_ref, we3t_ref,
             be3_ref, out_ref):
        cat = jnp.concatenate([xsd_ref[3:6, 0], xsd_ref[0:3, 0]], axis=0)
        o1 = jax.nn.relu(
            jnp.dot(we1t_ref[...], cat,
                    preferred_element_type=jnp.float32) + be1_ref[...])
        o2 = jax.nn.relu(
            jnp.dot(we2t_ref[...], o1,
                    preferred_element_type=jnp.float32) + be2_ref[...])
        o3 = jnp.dot(we3t_ref[...], o2,
                     preferred_element_type=jnp.float32) + be3_ref[...]
        out_ref[...] = jax.nn.sigmoid(o3)

    return pl.pallas_call(
        body,
        grid=(T_GRID,),
        in_specs=[
            pl.BlockSpec((6, 1, TB), lambda i: (0, 0, i)),
            pl.BlockSpec((NH, 6), lambda i: (0, 0)),
            pl.BlockSpec((NH, 1), lambda i: (0, 0)),
            pl.BlockSpec((NH, NH), lambda i: (0, 0)),
            pl.BlockSpec((NH, 1), lambda i: (0, 0)),
            pl.BlockSpec((1, NH), lambda i: (0, 0)),
            pl.BlockSpec((1, 1), lambda i: (0, 0)),
        ],
        out_specs=pl.BlockSpec((1, TB), lambda i: (0, i)),
        out_shape=jax.ShapeDtypeStruct((1, N_EDGES), jnp.float32),
    )(xsd, we1t, be1, we2t, be2, we3t, be3)


def kernel(x, edge_index, edge_attr, W1, b1, gamma, beta, W2, b2, Wm, bm,
           Wx1, bx1, Wx2, We1, be1, We2, be2, We3, be3):
    f32 = jnp.float32
    x3 = x.T[:, None, :]
    ei3 = edge_index[:, None, :]
    ea_t = edge_attr.T
    zeros_row = jnp.zeros((NP_PAD,), f32)
    src1d = jnp.concatenate(
        [edge_index[0], jnp.full((E_PAD - N_EDGES,), N_NODES, jnp.int32)])

    for l in range(N_LAYERS):
        xsd = _sc_gather(x3, ei3)
        w1t = W1[l].T
        mom, nd = _tc_stats(xsd, ea_t, w1t)
        s1 = mom[:, 0:1] / N_EDGES
        s2 = mom[:, 1:2] / N_EDGES
        mu = s1 + b1[l][:, None]
        var = s2 - s1 * s1
        scale = gamma[l][:, None] * lax.rsqrt(var + 1e-5)
        shift = beta[l][:, None] - (mu * scale)
        w2ct = jnp.concatenate([W2[l], Wm[l]], axis=1).T
        b2c = jnp.concatenate([b2[l], bm[l]])[:, None]
        upd0, upd1, upd2 = _tc_mlp(xsd, ea_t, nd, w1t, scale, shift, w2ct,
                                   b2c, Wx1[l].T, bx1[l][:, None], Wx2[l].T)
        partials = _sc_scatter(upd0, upd1, upd2, src1d, zeros_row)
        x3 = _tc_xupdate(x3, partials)

    xsd = _sc_gather(x3, ei3)
    out = _tc_final(xsd, We1.T, be1[:, None], We2.T, be2[:, None],
                    We3.T, be3[None, :])
    return out.reshape(N_EDGES, 1)

# --- scband reference (transcript-rebuilt; emitter-appended) ---
"""Pipeline reference for scband-euclid-net-61443802136585 (READ-ONLY COPY).

The authoritative reference and input builder live on the scoring server;
editing this copy changes nothing except your own understanding.
"""

import jax, jax.numpy as jnp
import numpy as np

N = 100000
E = 1600000
NH = 32
L = 2
C_WEIGHT = 0.001

def psi(v):
    return jnp.sign(v) * jnp.log(jnp.abs(v) + 1.0)

def setup_inputs(seed: int = 0):
    key = jax.random.key(seed)
    ks = jax.random.split(key, 16)
    inp = {}
    inp['x'] = jax.random.normal(ks[0], (N, 3), dtype=jnp.float32)
    inp['edge_index'] = jax.random.randint(ks[1], (2, E), 0, N, dtype=jnp.int32)
    inp['edge_attr'] = jax.random.normal(ks[2], (E, 4), dtype=jnp.float32)
    def mk(k, shape, fan_in):
        return jax.random.normal(k, shape, dtype=jnp.float32) * (1.0 / np.sqrt(fan_in))
    inp['W1'] = mk(ks[3], (L, 12, NH), 12)
    inp['b1'] = jnp.zeros((L, NH), jnp.float32)
    inp['gamma'] = jnp.ones((L, NH), jnp.float32)
    inp['beta'] = jnp.zeros((L, NH), jnp.float32)
    inp['W2'] = mk(ks[4], (L, NH, NH), NH)
    inp['b2'] = jnp.zeros((L, NH), jnp.float32)
    inp['Wm'] = mk(ks[5], (L, NH, 1), NH)
    inp['bm'] = jnp.zeros((L, 1), jnp.float32)
    inp['Wx1'] = mk(ks[6], (L, NH, NH), NH)
    inp['bx1'] = jnp.zeros((L, NH), jnp.float32)
    inp['Wx2'] = jax.random.normal(ks[7], (L, NH, 1), dtype=jnp.float32) * 0.001
    inp['We1'] = mk(ks[8], (6, NH), 6)
    inp['be1'] = jnp.zeros((NH,), jnp.float32)
    inp['We2'] = mk(ks[9], (NH, NH), NH)
    inp['be2'] = jnp.zeros((NH,), jnp.float32)
    inp['We3'] = mk(ks[10], (NH, 1), NH)
    inp['be3'] = jnp.zeros((1,), jnp.float32)
    return inp

def reference(x, edge_index, edge_attr, W1, b1, gamma, beta, W2, b2, Wm, bm, Wx1, bx1, Wx2, We1, be1, We2, be2, We3, be3):
    src = edge_index[0]
    dst = edge_index[1]
    for l in range(L):
        x_src = x[src]
        x_dst = x[dst]
        x_diff = x_src - x_dst
        norms = psi(jnp.sum(x_diff * x_diff, axis=1, keepdims=True))
        dots = psi(jnp.sum(x_src * x_dst, axis=1, keepdims=True))
        # message: x_i = x[target]=x_dst, x_j = x[source]=x_src
        m_in = jnp.concatenate([x_dst, x_src, edge_attr, norms, dots], axis=1)
        h = m_in @ W1[l] + b1[l]
        mu = jnp.mean(h, axis=0)
        var = jnp.var(h, axis=0)
        h = (h - mu) / jnp.sqrt(var + 1e-5) * gamma[l] + beta[l]
        h = jax.nn.relu(h)
        h = jax.nn.relu(h @ W2[l] + b2[l])
        w = jax.nn.sigmoid(h @ Wm[l] + bm[l])
        m = h * w
        px = jax.nn.relu(m @ Wx1[l] + bx1[l]) @ Wx2[l]
        update_val = jnp.clip(x_diff * px, -100.0, 100.0)
        x_agg = jax.ops.segment_sum(update_val, src, num_segments=N)
        x = x + C_WEIGHT * x_agg
    out = jnp.concatenate([x[dst], x[src]], axis=1)
    out = jax.nn.relu(out @ We1 + be1)
    out = jax.nn.relu(out @ We2 + be2)
    out = out @ We3 + be3
    return jax.nn.sigmoid(out)

if __name__ == "__main__":
    import jax
    _d = setup_inputs()
    print(jax.jit(kernel)(*tuple(_d.values())))

</pallas_src>

<mosaic_0001>
#map = affine_map<(d0, d1) -> (0, 0, 0)>
module attributes {stable_mosaic.version = 14 : i64} {
  func.func @gather_k(%arg0: i32, %arg1: i32, %arg2: memref<3x1x100000xf32, #tpu.memory_space<hbm>>, %arg3: memref<2x1x1600000xi32, #tpu.memory_space<hbm>>, %arg4: memref<6x1x1600000xf32, #tpu.memory_space<hbm>>, %arg5: memref<100000xf32, #tpu.memory_space<vmem>>, %arg6: memref<2x6400xi32, #tpu.memory_space<vmem>>, %arg7: memref<2x6400xf32, #tpu.memory_space<vmem>>, %arg8: memref<!tpu.dma_semaphore, #tpu.memory_space<semaphore_mem>>, %arg9: memref<!tpu.dma_semaphore, #tpu.memory_space<semaphore_mem>>, %arg10: memref<!tpu.dma_semaphore, #tpu.memory_space<semaphore_mem>>, %arg11: memref<!tpu.dma_semaphore, #tpu.memory_space<semaphore_mem>>) attributes {dimension_semantics = [#tpu.dimension_semantics<core_parallel>, #tpu.dimension_semantics<subcore_parallel>], iteration_bounds = array<i64: 2, 16>, scalar_prefetch = 0 : i64, scratch_operands = 7 : i64, tpu.core_type = #tpu.core_type<sc_vector_subcore>, window_params = [{transform_indices = #map}, {transform_indices = #map}, {transform_indices = #map}]} {
    %mul3A = arith.constant 2 : i32
    %mul3A_0 = arith.muli %arg1, %mul3A : i32
    %add3A = arith.addi %mul3A_0, %arg0 : i32
    %lt3A = arith.constant 30 : i32
    %lt3A_1 = arith.cmpi slt, %add3A, %lt3A : i32
    %convert_element_type3A = arith.extui %lt3A_1 : i1 to i32
    %cond3A = arith.constant 0 : i32
    %cond3A_2 = arith.cmpi ne, %convert_element_type3A, %cond3A : i32
    scf.if %cond3A_2 {
      %jit3A = arith.constant 15 : i32
      %div3A = arith.divsi %add3A, %jit3A : i32
      %sign3A = arith.constant 0 : i32
      %sign3A_3 = arith.cmpi sgt, %add3A, %sign3A : i32
      %sign3A_4 = arith.extui %sign3A_3 : i1 to i32
      %sign3A_5 = arith.constant 0 : i32
      %sign3A_6 = arith.cmpi slt, %add3A, %sign3A_5 : i32
      %sign3A_7 = arith.extui %sign3A_6 : i1 to i32
      %sign3A_8 = arith.subi %sign3A_4, %sign3A_7 : i32
      %sign3A_9 = arith.constant 0 : i32
      %sign3A_10 = arith.cmpi sgt, %jit3A, %sign3A_9 : i32
      %sign3A_11 = arith.extui %sign3A_10 : i1 to i32
      %sign3A_12 = arith.constant 0 : i32
      %sign3A_13 = arith.cmpi slt, %jit3A, %sign3A_12 : i32
      %sign3A_14 = arith.extui %sign3A_13 : i1 to i32
      %sign3A_15 = arith.subi %sign3A_11, %sign3A_14 : i32
      %ne3A = arith.cmpi ne, %sign3A_8, %sign3A_15 : i32
      %rem3A = arith.remsi %add3A, %jit3A : i32
      %ne3A_16 = arith.constant 0 : i32
      %ne3A_17 = arith.cmpi ne, %rem3A, %ne3A_16 : i32
      %and3A = arith.andi %ne3A, %ne3A_17 : i1
      %sub3A = arith.constant 1 : i32
      %sub3A_18 = arith.subi %div3A, %sub3A : i32
      %select_n3A = arith.select %and3A, %sub3A_18, %div3A : i32
      %jit3A_19 = arith.constant 15 : i32
      %eq3A = arith.constant 0 : i32
      %eq3A_20 = arith.cmpi eq, %jit3A_19, %eq3A : i32
      %jit3A_21 = arith.constant 1 : i32
      %select_n3A_22 = arith.select %eq3A_20, %jit3A_21, %jit3A_19 : i32
      %rem3A_23 = arith.remsi %add3A, %select_n3A_22 : i32
      %ne3A_24 = arith.constant 0 : i32
      %ne3A_25 = arith.cmpi ne, %rem3A_23, %ne3A_24 : i32
      %lt3A_26 = arith.constant 0 : i32
      %lt3A_27 = arith.cmpi slt, %rem3A_23, %lt3A_26 : i32
      %lt3A_28 = arith.constant 0 : i32
      %lt3A_29 = arith.cmpi slt, %select_n3A_22, %lt3A_28 : i32
      %ne3A_30 = arith.xori %lt3A_27, %lt3A_29 : i1
      %and3A_31 = arith.andi %ne3A_30, %ne3A_25 : i1
      %add3A_32 = arith.addi %rem3A_23, %select_n3A_22 : i32
      %select_n3A_33 = arith.select %and3A_31, %add3A_32, %rem3A_23 : i32
      %jit3A_34 = arith.constant 3 : i32
      %eq3A_35 = arith.constant 0 : i32
      %eq3A_36 = arith.cmpi eq, %jit3A_34, %eq3A_35 : i32
      %jit3A_37 = arith.constant 1 : i32
      %select_n3A_38 = arith.select %eq3A_36, %jit3A_37, %jit3A_34 : i32
      %rem3A_39 = arith.remsi %select_n3A_33, %select_n3A_38 : i32
      %ne3A_40 = arith.constant 0 : i32
      %ne3A_41 = arith.cmpi ne, %rem3A_39, %ne3A_40 : i32
      %lt3A_42 = arith.constant 0 : i32
      %lt3A_43 = arith.cmpi slt, %rem3A_39, %lt3A_42 : i32
      %lt3A_44 = arith.constant 0 : i32
      %lt3A_45 = arith.cmpi slt, %select_n3A_38, %lt3A_44 : i32
      %ne3A_46 = arith.xori %lt3A_43, %lt3A_45 : i1
      %and3A_47 = arith.andi %ne3A_46, %ne3A_41 : i1
      %add3A_48 = arith.addi %rem3A_39, %select_n3A_38 : i32
      %select_n3A_49 = arith.select %and3A_47, %add3A_48, %rem3A_39 : i32
      %jit3A_50 = arith.constant 3 : i32
      %div3A_51 = arith.divsi %select_n3A_33, %jit3A_50 : i32
      %sign3A_52 = arith.constant 0 : i32
      %sign3A_53 = arith.cmpi sgt, %select_n3A_33, %sign3A_52 : i32
      %sign3A_54 = arith.extui %sign3A_53 : i1 to i32
      %sign3A_55 = arith.constant 0 : i32
      %sign3A_56 = arith.cmpi slt, %select_n3A_33, %sign3A_55 : i32
      %sign3A_57 = arith.extui %sign3A_56 : i1 to i32
      %sign3A_58 = arith.subi %sign3A_54, %sign3A_57 : i32
      %sign3A_59 = arith.constant 0 : i32
      %sign3A_60 = arith.cmpi sgt, %jit3A_50, %sign3A_59 : i32
      %sign3A_61 = arith.extui %sign3A_60 : i1 to i32
      %sign3A_62 = arith.constant 0 : i32
      %sign3A_63 = arith.cmpi slt, %jit3A_50, %sign3A_62 : i32
      %sign3A_64 = arith.extui %sign3A_63 : i1 to i32
      %sign3A_65 = arith.subi %sign3A_61, %sign3A_64 : i32
      %ne3A_66 = arith.cmpi ne, %sign3A_58, %sign3A_65 : i32
      %rem3A_67 = arith.remsi %select_n3A_33, %jit3A_50 : i32
      %ne3A_68 = arith.constant 0 : i32
      %ne3A_69 = arith.cmpi ne, %rem3A_67, %ne3A_68 : i32
      %and3A_70 = arith.andi %ne3A_66, %ne3A_69 : i1
      %sub3A_71 = arith.constant 1 : i32
      %sub3A_72 = arith.subi %div3A_51, %sub3A_71 : i32
      %select_n3A_73 = arith.select %and3A_70, %sub3A_72, %div3A_51 : i32
      %mul3A_74 = arith.constant 3 : i32
      %mul3A_75 = arith.muli %select_n3A, %mul3A_74 : i32
      %add3A_76 = arith.addi %mul3A_75, %select_n3A_49 : i32
      %run_scoped3A = arith.constant 0 : i32
      "tpu.region"() ({
        %run_scoped3A_143 = tpu.sem_alloc : memref<!tpu.dma_semaphore, #tpu.memory_space<semaphore_mem>>
        %dma_start3A_144 = arith.constant 0 : i32
        %dma_start3A_145 = tpu.memref_slice %arg2[%select_n3A_49, %run_scoped3A, %dma_start3A_144] : memref<3x1x100000xf32, #tpu.memory_space<hbm>> -> memref<1x1x100000xf32, #tpu.memory_space<hbm>>
        %dma_start3A_146 = tpu.memref_squeeze %dma_start3A_145 : memref<1x1x100000xf32, #tpu.memory_space<hbm>> -> memref<100000xf32, #tpu.memory_space<hbm>>
        %dma_start3A_147 = arith.constant 0 : i32
        %dma_start3A_148 = tpu.memref_slice %arg2[%select_n3A_49, %run_scoped3A, %dma_start3A_147] : memref<3x1x100000xf32, #tpu.memory_space<hbm>> -> memref<1x1x100000xf32, #tpu.memory_space<hbm>>
        %dma_start3A_149 = tpu.memref_squeeze %dma_start3A_148 : memref<1x1x100000xf32, #tpu.memory_space<hbm>> -> memref<100000xf32, #tpu.memory_space<hbm>>
        tpu.enqueue_dma source(%dma_start3A_149 : memref<100000xf32, #tpu.memory_space<hbm>>) target(%arg5 : memref<100000xf32, #tpu.memory_space<vmem>>) target_semaphore(%run_scoped3A_143 : memref<!tpu.dma_semaphore, #tpu.memory_space<semaphore_mem>>)
        %dma_wait3A_150 = arith.constant 0 : i32
        %dma_wait3A_151 = tpu.memref_slice %arg2[%select_n3A_49, %run_scoped3A, %dma_wait3A_150] : memref<3x1x100000xf32, #tpu.memory_space<hbm>> -> memref<1x1x100000xf32, #tpu.memory_space<hbm>>
        %dma_wait3A_152 = tpu.memref_squeeze %dma_wait3A_151 : memref<1x1x100000xf32, #tpu.memory_space<hbm>> -> memref<100000xf32, #tpu.memory_space<hbm>>
        %dma_wait3A_153 = arith.constant 0 : i32
        %dma_wait3A_154 = tpu.memref_slice %arg2[%select_n3A_49, %run_scoped3A, %dma_wait3A_153] : memref<3x1x100000xf32, #tpu.memory_space<hbm>> -> memref<1x1x100000xf32, #tpu.memory_space<hbm>>
        %dma_wait3A_155 = tpu.memref_squeeze %dma_wait3A_154 : memref<1x1x100000xf32, #tpu.memory_space<hbm>> -> memref<100000xf32, #tpu.memory_space<hbm>>
        tpu.wait_dma2 semaphore(%run_scoped3A_143 : memref<!tpu.dma_semaphore, #tpu.memory_space<semaphore_mem>>) src(%dma_wait3A_155 : memref<100000xf32, #tpu.memory_space<hbm>>) dst(%arg5 : memref<100000xf32, #tpu.memory_space<vmem>>)
        tpu.yield
      }) : () -> ()
      %mul3A_77 = arith.constant 320000 : i32
      %mul3A_78 = arith.muli %select_n3A_73, %mul3A_77 : i32
      %add3A_79 = arith.constant 0 : i32
      %add3A_80 = arith.addi %mul3A_78, %add3A_79 : i32
      %dma_start3A = arith.constant 0 : i32
      %dma_start3A_81 = arith.constant 0 : i32
      %dma_start3A_82 = arith.constant 0 : i32
      %dma_start3A_83 = tpu.memref_slice %arg6[%dma_start3A_81, %dma_start3A_82] : memref<2x6400xi32, #tpu.memory_space<vmem>> -> memref<1x6400xi32, #tpu.memory_space<vmem>>
      %dma_start3A_84 = tpu.memref_squeeze %dma_start3A_83 : memref<1x6400xi32, #tpu.memory_space<vmem>> -> memref<6400xi32, #tpu.memory_space<vmem>>
      %dma_start3A_85 = tpu.memref_slice %arg3[%select_n3A, %dma_start3A, %add3A_80] : memref<2x1x1600000xi32, #tpu.memory_space<hbm>> -> memref<1x1x6400xi32, #tpu.memory_space<hbm>>
      %dma_start3A_86 = tpu.memref_squeeze %dma_start3A_85 : memref<1x1x6400xi32, #tpu.memory_space<hbm>> -> memref<6400xi32, #tpu.memory_space<hbm>>
      %dma_start3A_87 = arith.constant 0 : i32
      %dma_start3A_88 = tpu.memref_slice %arg6[%dma_start3A_81, %dma_start3A_87] : memref<2x6400xi32, #tpu.memory_space<vmem>> -> memref<1x6400xi32, #tpu.memory_space<vmem>>
      %dma_start3A_89 = tpu.memref_squeeze %dma_start3A_88 : memref<1x6400xi32, #tpu.memory_space<vmem>> -> memref<6400xi32, #tpu.memory_space<vmem>>
      %dma_start3A_90 = tpu.memref_slice %arg3[%select_n3A, %dma_start3A, %add3A_80] : memref<2x1x1600000xi32, #tpu.memory_space<hbm>> -> memref<1x1x6400xi32, #tpu.memory_space<hbm>>
      %dma_start3A_91 = tpu.memref_squeeze %dma_start3A_90 : memref<1x1x6400xi32, #tpu.memory_space<hbm>> -> memref<6400xi32, #tpu.memory_space<hbm>>
      tpu.enqueue_dma source(%dma_start3A_91 : memref<6400xi32, #tpu.memory_space<hbm>>) target(%dma_start3A_89 : memref<6400xi32, #tpu.memory_space<vmem>>) target_semaphore(%arg8 : memref<!tpu.dma_semaphore, #tpu.memory_space<semaphore_mem>>)
      %mul3A_92 = arith.constant 320000 : i32
      %mul3A_93 = arith.muli %select_n3A_73, %mul3A_92 : i32
      %add3A_94 = arith.constant 6400 : i32
      %add3A_95 = arith.addi %mul3A_93, %add3A_94 : i32
      %dma_start3A_96 = arith.constant 0 : i32
      %dma_start3A_97 = arith.constant 1 : i32
      %dma_start3A_98 = arith.constant 0 : i32
      %dma_start3A_99 = tpu.memref_slice %arg6[%dma_start3A_97, %dma_start3A_98] : memref<2x6400xi32, #tpu.memory_space<vmem>> -> memref<1x6400xi32, #tpu.memory_space<vmem>>
      %dma_start3A_100 = tpu.memref_squeeze %dma_start3A_99 : memref<1x6400xi32, #tpu.memory_space<vmem>> -> memref<6400xi32, #tpu.memory_space<vmem>>
      %dma_start3A_101 = tpu.memref_slice %arg3[%select_n3A, %dma_start3A_96, %add3A_95] : memref<2x1x1600000xi32, #tpu.memory_space<hbm>> -> memref<1x1x6400xi32, #tpu.memory_space<hbm>>
      %dma_start3A_102 = tpu.memref_squeeze %dma_start3A_101 : memref<1x1x6400xi32, #tpu.memory_space<hbm>> -> memref<6400xi32, #tpu.memory_space<hbm>>
      %dma_start3A_103 = arith.constant 0 : i32
      %dma_start3A_104 = tpu.memref_slice %arg6[%dma_start3A_97, %dma_start3A_103] : memref<2x6400xi32, #tpu.memory_space<vmem>> -> memref<1x6400xi32, #tpu.memory_space<vmem>>
      %dma_start3A_105 = tpu.memref_squeeze %dma_start3A_104 : memref<1x6400xi32, #tpu.memory_space<vmem>> -> memref<6400xi32, #tpu.memory_space<vmem>>
      %dma_start3A_106 = tpu.memref_slice %arg3[%select_n3A, %dma_start3A_96, %add3A_95] : memref<2x1x1600000xi32, #tpu.memory_space<hbm>> -> memref<1x1x6400xi32, #tpu.memory_space<hbm>>
      %dma_start3A_107 = tpu.memref_squeeze %dma_start3A_106 : memref<1x1x6400xi32, #tpu.memory_space<hbm>> -> memref<6400xi32, #tpu.memory_space<hbm>>
      tpu.enqueue_dma source(%dma_start3A_107 : memref<6400xi32, #tpu.memory_space<hbm>>) target(%dma_start3A_105 : memref<6400xi32, #tpu.memory_space<vmem>>) target_semaphore(%arg9 : memref<!tpu.dma_semaphore, #tpu.memory_space<semaphore_mem>>)
      %scan3A = arith.constant 0 : i32
      %scan3A_108 = arith.constant 25 : i32
      %scan3A_109 = arith.addi %scan3A, %scan3A_108 : i32
      %scan3A_110 = arith.constant 1 : i32
      scf.for %scan3A_143 = %scan3A to %scan3A_109 step %scan3A_110  : i32 {
        %mul3A_144 = arith.constant 1 : i32
        %mul3A_145 = arith.muli %scan3A_143, %mul3A_144 : i32
        %add3A_146 = arith.constant 0 : i32
        %add3A_147 = arith.addi %add3A_146, %mul3A_145 : i32
        %mul3A_148 = arith.constant 2 : i32
        %mul3A_149 = arith.muli %mul3A_148, %add3A_147 : i32
        %add3A_150 = arith.constant 0 : i32
        %add3A_151 = arith.addi %mul3A_149, %add3A_150 : i32
        %mul3A_152 = arith.constant 320000 : i32
        %mul3A_153 = arith.muli %select_n3A_73, %mul3A_152 : i32
        %mul3A_154 = arith.constant 6400 : i32
        %mul3A_155 = arith.muli %add3A_151, %mul3A_154 : i32
        %add3A_156 = arith.addi %mul3A_153, %mul3A_155 : i32
        %dma_wait3A_157 = arith.constant 0 : i32
        %dma_wait3A_158 = arith.constant 0 : i32
        %dma_wait3A_159 = arith.constant 0 : i32
        %dma_wait3A_160 = tpu.memref_slice %arg6[%dma_wait3A_158, %dma_wait3A_159] : memref<2x6400xi32, #tpu.memory_space<vmem>> -> memref<1x6400xi32, #tpu.memory_space<vmem>>
        %dma_wait3A_161 = tpu.memref_squeeze %dma_wait3A_160 : memref<1x6400xi32, #tpu.memory_space<vmem>> -> memref<6400xi32, #tpu.memory_space<vmem>>
        %dma_wait3A_162 = tpu.memref_slice %arg3[%select_n3A, %dma_wait3A_157, %add3A_156] : memref<2x1x1600000xi32, #tpu.memory_space<hbm>> -> memref<1x1x6400xi32, #tpu.memory_space<hbm>>
        %dma_wait3A_163 = tpu.memref_squeeze %dma_wait3A_162 : memref<1x1x6400xi32, #tpu.memory_space<hbm>> -> memref<6400xi32, #tpu.memory_space<hbm>>
        %dma_wait3A_164 = arith.constant 0 : i32
        %dma_wait3A_165 = tpu.memref_slice %arg6[%dma_wait3A_158, %dma_wait3A_164] : memref<2x6400xi32, #tpu.memory_space<vmem>> -> memref<1x6400xi32, #tpu.memory_space<vmem>>
        %dma_wait3A_166 = tpu.memref_squeeze %dma_wait3A_165 : memref<1x6400xi32, #tpu.memory_space<vmem>> -> memref<6400xi32, #tpu.memory_space<vmem>>
        %dma_wait3A_167 = tpu.memref_slice %arg3[%select_n3A, %dma_wait3A_157, %add3A_156] : memref<2x1x1600000xi32, #tpu.memory_space<hbm>> -> memref<1x1x6400xi32, #tpu.memory_space<hbm>>
        %dma_wait3A_168 = tpu.memref_squeeze %dma_wait3A_167 : memref<1x1x6400xi32, #tpu.memory_space<hbm>> -> memref<6400xi32, #tpu.memory_space<hbm>>
        tpu.wait_dma2 semaphore(%arg8 : memref<!tpu.dma_semaphore, #tpu.memory_space<semaphore_mem>>) src(%dma_wait3A_168 : memref<6400xi32, #tpu.memory_space<hbm>>) dst(%dma_wait3A_166 : memref<6400xi32, #tpu.memory_space<vmem>>)
        %ge3A = arith.constant 2 : i32
        %ge3A_169 = arith.cmpi sge, %add3A_151, %ge3A : i32
        %convert_element_type3A_170 = arith.extui %ge3A_169 : i1 to i32
        %cond3A_171 = arith.constant 0 : i32
        %cond3A_172 = arith.cmpi ne, %convert_element_type3A_170, %cond3A_171 : i32
        scf.if %cond3A_172 {
          %sub3A_252 = arith.constant 2 : i32
          %sub3A_253 = arith.subi %add3A_151, %sub3A_252 : i32
          %mul3A_254 = arith.constant 320000 : i32
          %mul3A_255 = arith.muli %select_n3A_73, %mul3A_254 : i32
          %mul3A_256 = arith.constant 6400 : i32
          %mul3A_257 = arith.muli %sub3A_253, %mul3A_256 : i32
          %add3A_258 = arith.addi %mul3A_255, %mul3A_257 : i32
          %dma_wait3A_259 = arith.constant 0 : i32
          %dma_wait3A_260 = arith.constant 0 : i32
          %dma_wait3A_261 = arith.constant 0 : i32
          %dma_wait3A_262 = tpu.memref_slice %arg7[%dma_wait3A_259, %dma_wait3A_261] : memref<2x6400xf32, #tpu.memory_space<vmem>> -> memref<1x6400xf32, #tpu.memory_space<vmem>>
          %dma_wait3A_263 = tpu.memref_squeeze %dma_wait3A_262 : memref<1x6400xf32, #tpu.memory_space<vmem>> -> memref<6400xf32, #tpu.memory_space<vmem>>
          %dma_wait3A_264 = tpu.memref_slice %arg4[%add3A_76, %dma_wait3A_260, %add3A_258] : memref<6x1x1600000xf32, #tpu.memory_space<hbm>> -> memref<1x1x6400xf32, #tpu.memory_space<hbm>>
          %dma_wait3A_265 = tpu.memref_squeeze %dma_wait3A_264 : memref<1x1x6400xf32, #tpu.memory_space<hbm>> -> memref<6400xf32, #tpu.memory_space<hbm>>
          %dma_wait3A_266 = tpu.memref_slice %arg4[%add3A_76, %dma_wait3A_260, %add3A_258] : memref<6x1x1600000xf32, #tpu.memory_space<hbm>> -> memref<1x1x6400xf32, #tpu.memory_space<hbm>>
          %dma_wait3A_267 = tpu.memref_squeeze %dma_wait3A_266 : memref<1x1x6400xf32, #tpu.memory_space<hbm>> -> memref<6400xf32, #tpu.memory_space<hbm>>
          %dma_wait3A_268 = arith.constant 0 : i32
          %dma_wait3A_269 = tpu.memref_slice %arg7[%dma_wait3A_259, %dma_wait3A_268] : memref<2x6400xf32, #tpu.memory_space<vmem>> -> memref<1x6400xf32, #tpu.memory_space<vmem>>
          %dma_wait3A_270 = tpu.memref_squeeze %dma_wait3A_269 : memref<1x6400xf32, #tpu.memory_space<vmem>> -> memref<6400xf32, #tpu.memory_space<vmem>>
          tpu.wait_dma2 semaphore(%arg10 : memref<!tpu.dma_semaphore, #tpu.memory_space<semaphore_mem>>) src(%dma_wait3A_270 : memref<6400xf32, #tpu.memory_space<vmem>>) dst(%dma_wait3A_267 : memref<6400xf32, #tpu.memory_space<hbm>>)
        } else {
        }
        %parallel_loop3A = arith.constant 0 : i32
        %parallel_loop3A_173 = arith.constant 6400 : i32
        %parallel_loop3A_174 = arith.constant 16 : i32
        scf.for %parallel_loop3A_252 = %parallel_loop3A to %parallel_loop3A_173 step %parallel_loop3A_174  : i32 {
          %parallel_loop3A_253 = arith.constant 0 : i32
          %parallel_loop3A_254 = arith.index_cast %parallel_loop3A_253 : i32 to index
          %parallel_loop3A_255 = arith.index_cast %parallel_loop3A_252 : i32 to index
          %parallel_loop3A_256 = tpu.vector_load %arg6[%parallel_loop3A_254, %parallel_loop3A_255] {strides = array<i32>} : memref<2x6400xi32, #tpu.memory_space<vmem>>, vector<16xi32>,
          %parallel_loop3A_257 = tpu.vector_load_idx %arg5[%parallel_loop3A_256] : memref<100000xf32, #tpu.memory_space<vmem>>[vector<16xi32>], vector<16xf32>,
          %parallel_loop3A_258 = arith.constant 0 : i32
          %parallel_loop3A_259 = arith.index_cast %parallel_loop3A_258 : i32 to index
          %parallel_loop3A_260 = arith.index_cast %parallel_loop3A_252 : i32 to index
          %parallel_loop3A_261 = tpu.vector_load %arg7[%parallel_loop3A_259, %parallel_loop3A_260] {strides = array<i32>} : memref<2x6400xf32, #tpu.memory_space<vmem>>, vector<16xf32>,
          tpu.vector_store %arg7[%parallel_loop3A_259, %parallel_loop3A_260], %parallel_loop3A_257 {strides = array<i32>} : memref<2x6400xf32, #tpu.memory_space<vmem>>, vector<16xf32>,
        } {sc.loop_unroll_factor = 8 : i64, sc.parallel_access}
        %mul3A_175 = arith.constant 320000 : i32
        %mul3A_176 = arith.muli %select_n3A_73, %mul3A_175 : i32
        %mul3A_177 = arith.constant 6400 : i32
        %mul3A_178 = arith.muli %add3A_151, %mul3A_177 : i32
        %add3A_179 = arith.addi %mul3A_176, %mul3A_178 : i32
        %dma_start3A_180 = arith.constant 0 : i32
        %dma_start3A_181 = arith.constant 0 : i32
        %dma_start3A_182 = arith.constant 0 : i32
        %dma_start3A_183 = tpu.memref_slice %arg7[%dma_start3A_180, %dma_start3A_182] : memref<2x6400xf32, #tpu.memory_space<vmem>> -> memref<1x6400xf32, #tpu.memory_space<vmem>>
        %dma_start3A_184 = tpu.memref_squeeze %dma_start3A_183 : memref<1x6400xf32, #tpu.memory_space<vmem>> -> memref<6400xf32, #tpu.memory_space<vmem>>
        %dma_start3A_185 = tpu.memref_slice %arg4[%add3A_76, %dma_start3A_181, %add3A_179] : memref<6x1x1600000xf32, #tpu.memory_space<hbm>> -> memref<1x1x6400xf32, #tpu.memory_space<hbm>>
        %dma_start3A_186 = tpu.memref_squeeze %dma_start3A_185 : memref<1x1x6400xf32, #tpu.memory_space<hbm>> -> memref<6400xf32, #tpu.memory_space<hbm>>
        %dma_start3A_187 = tpu.memref_slice %arg4[%add3A_76, %dma_start3A_181, %add3A_179] : memref<6x1x1600000xf32, #tpu.memory_space<hbm>> -> memref<1x1x6400xf32, #tpu.memory_space<hbm>>
        %dma_start3A_188 = tpu.memref_squeeze %dma_start3A_187 : memref<1x1x6400xf32, #tpu.memory_space<hbm>> -> memref<6400xf32, #tpu.memory_space<hbm>>
        %dma_start3A_189 = arith.constant 0 : i32
        %dma_start3A_190 = tpu.memref_slice %arg7[%dma_start3A_180, %dma_start3A_189] : memref<2x6400xf32, #tpu.memory_space<vmem>> -> memref<1x6400xf32, #tpu.memory_space<vmem>>
        %dma_start3A_191 = tpu.memref_squeeze %dma_start3A_190 : memref<1x6400xf32, #tpu.memory_space<vmem>> -> memref<6400xf32, #tpu.memory_space<vmem>>
        tpu.enqueue_dma source(%dma_start3A_191 : memref<6400xf32, #tpu.memory_space<vmem>>) target(%dma_start3A_188 : memref<6400xf32, #tpu.memory_space<hbm>>) target_semaphore(%arg10 : memref<!tpu.dma_semaphore, #tpu.memory_space<semaphore_mem>>)
        %add3A_192 = arith.constant 2 : i32
        %add3A_193 = arith.addi %add3A_151, %add3A_192 : i32
        %lt3A_194 = arith.constant 50 : i32
        %lt3A_195 = arith.cmpi slt, %add3A_193, %lt3A_194 : i32
        %convert_element_type3A_196 = arith.extui %lt3A_195 : i1 to i32
        %cond3A_197 = arith.constant 0 : i32
        %cond3A_198 = arith.cmpi ne, %convert_element_type3A_196, %cond3A_197 : i32
        scf.if %cond3A_198 {
          %add3A_252 = arith.constant 2 : i32
          %add3A_253 = arith.addi %add3A_151, %add3A_252 : i32
          %mul3A_254 = arith.constant 320000 : i32
          %mul3A_255 = arith.muli %select_n3A_73, %mul3A_254 : i32
          %mul3A_256 = arith.constant 6400 : i32
          %mul3A_257 = arith.muli %add3A_253, %mul3A_256 : i32
          %add3A_258 = arith.addi %mul3A_255, %mul3A_257 : i32
          %dma_start3A_259 = arith.constant 0 : i32
          %dma_start3A_260 = arith.constant 0 : i32
          %dma_start3A_261 = arith.constant 0 : i32
          %dma_start3A_262 = tpu.memref_slice %arg6[%dma_start3A_260, %dma_start3A_261] : memref<2x6400xi32, #tpu.memory_space<vmem>> -> memref<1x6400xi32, #tpu.memory_space<vmem>>
          %dma_start3A_263 = tpu.memref_squeeze %dma_start3A_262 : memref<1x6400xi32, #tpu.memory_space<vmem>> -> memref<6400xi32, #tpu.memory_space<vmem>>
          %dma_start3A_264 = tpu.memref_slice %arg3[%select_n3A, %dma_start3A_259, %add3A_258] : memref<2x1x1600000xi32, #tpu.memory_space<hbm>> -> memref<1x1x6400xi32, #tpu.memory_space<hbm>>
          %dma_start3A_265 = tpu.memref_squeeze %dma_start3A_264 : memref<1x1x6400xi32, #tpu.memory_space<hbm>> -> memref<6400xi32, #tpu.memory_space<hbm>>
          %dma_start3A_266 = arith.constant 0 : i32
          %dma_start3A_267 = tpu.memref_slice %arg6[%dma_start3A_260, %dma_start3A_266] : memref<2x6400xi32, #tpu.memory_space<vmem>> -> memref<1x6400xi32, #tpu.memory_space<vmem>>
          %dma_start3A_268 = tpu.memref_squeeze %dma_start3A_267 : memref<1x6400xi32, #tpu.memory_space<vmem>> -> memref<6400xi32, #tpu.memory_space<vmem>>
          %dma_start3A_269 = tpu.memref_slice %arg3[%select_n3A, %dma_start3A_259, %add3A_258] : memref<2x1x1600000xi32, #tpu.memory_space<hbm>> -> memref<1x1x6400xi32, #tpu.memory_space<hbm>>
          %dma_start3A_270 = tpu.memref_squeeze %dma_start3A_269 : memref<1x1x6400xi32, #tpu.memory_space<hbm>> -> memref<6400xi32, #tpu.memory_space<hbm>>
          tpu.enqueue_dma source(%dma_start3A_270 : memref<6400xi32, #tpu.memory_space<hbm>>) target(%dma_start3A_268 : memref<6400xi32, #tpu.memory_space<vmem>>) target_semaphore(%arg8 : memref<!tpu.dma_semaphore, #tpu.memory_space<semaphore_mem>>)
        } else {
        }
        %mul3A_199 = arith.constant 2 : i32
        %mul3A_200 = arith.muli %mul3A_199, %add3A_147 : i32
        %add3A_201 = arith.constant 1 : i32
        %add3A_202 = arith.addi %mul3A_200, %add3A_201 : i32
        %mul3A_203 = arith.constant 320000 : i32
        %mul3A_204 = arith.muli %select_n3A_73, %mul3A_203 : i32
        %mul3A_205 = arith.constant 6400 : i32
        %mul3A_206 = arith.muli %add3A_202, %mul3A_205 : i32
        %add3A_207 = arith.addi %mul3A_204, %mul3A_206 : i32
        %dma_wait3A_208 = arith.constant 0 : i32
        %dma_wait3A_209 = arith.constant 1 : i32
        %dma_wait3A_210 = arith.constant 0 : i32
        %dma_wait3A_211 = tpu.memref_slice %arg6[%dma_wait3A_209, %dma_wait3A_210] : memref<2x6400xi32, #tpu.memory_space<vmem>> -> memref<1x6400xi32, #tpu.memory_space<vmem>>
        %dma_wait3A_212 = tpu.memref_squeeze %dma_wait3A_211 : memref<1x6400xi32, #tpu.memory_space<vmem>> -> memref<6400xi32, #tpu.memory_space<vmem>>
        %dma_wait3A_213 = tpu.memref_slice %arg3[%select_n3A, %dma_wait3A_208, %add3A_207] : memref<2x1x1600000xi32, #tpu.memory_space<hbm>> -> memref<1x1x6400xi32, #tpu.memory_space<hbm>>
        %dma_wait3A_214 = tpu.memref_squeeze %dma_wait3A_213 : memref<1x1x6400xi32, #tpu.memory_space<hbm>> -> memref<6400xi32, #tpu.memory_space<hbm>>
        %dma_wait3A_215 = arith.constant 0 : i32
        %dma_wait3A_216 = tpu.memref_slice %arg6[%dma_wait3A_209, %dma_wait3A_215] : memref<2x6400xi32, #tpu.memory_space<vmem>> -> memref<1x6400xi32, #tpu.memory_space<vmem>>
        %dma_wait3A_217 = tpu.memref_squeeze %dma_wait3A_216 : memref<1x6400xi32, #tpu.memory_space<vmem>> -> memref<6400xi32, #tpu.memory_space<vmem>>
        %dma_wait3A_218 = tpu.memref_slice %arg3[%select_n3A, %dma_wait3A_208, %add3A_207] : memref<2x1x1600000xi32, #tpu.memory_space<hbm>> -> memref<1x1x6400xi32, #tpu.memory_space<hbm>>
        %dma_wait3A_219 = tpu.memref_squeeze %dma_wait3A_218 : memref<1x1x6400xi32, #tpu.memory_space<hbm>> -> memref<6400xi32, #tpu.memory_space<hbm>>
        tpu.wait_dma2 semaphore(%arg9 : memref<!tpu.dma_semaphore, #tpu.memory_space<semaphore_mem>>) src(%dma_wait3A_219 : memref<6400xi32, #tpu.memory_space<hbm>>) dst(%dma_wait3A_217 : memref<6400xi32, #tpu.memory_space<vmem>>)
        %ge3A_220 = arith.constant 2 : i32
        %ge3A_221 = arith.cmpi sge, %add3A_202, %ge3A_220 : i32
        %convert_element_type3A_222 = arith.extui %ge3A_221 : i1 to i32
        %cond3A_223 = arith.constant 0 : i32
        %cond3A_224 = arith.cmpi ne, %convert_element_type3A_222, %cond3A_223 : i32
        scf.if %cond3A_224 {
          %sub3A_252 = arith.constant 2 : i32
          %sub3A_253 = arith.subi %add3A_202, %sub3A_252 : i32
          %mul3A_254 = arith.constant 320000 : i32
          %mul3A_255 = arith.muli %select_n3A_73, %mul3A_254 : i32
          %mul3A_256 = arith.constant 6400 : i32
          %mul3A_257 = arith.muli %sub3A_253, %mul3A_256 : i32
          %add3A_258 = arith.addi %mul3A_255, %mul3A_257 : i32
          %dma_wait3A_259 = arith.constant 1 : i32
          %dma_wait3A_260 = arith.constant 0 : i32
          %dma_wait3A_261 = arith.constant 0 : i32
          %dma_wait3A_262 = tpu.memref_slice %arg7[%dma_wait3A_259, %dma_wait3A_261] : memref<2x6400xf32, #tpu.memory_space<vmem>> -> memref<1x6400xf32, #tpu.memory_space<vmem>>
          %dma_wait3A_263 = tpu.memref_squeeze %dma_wait3A_262 : memref<1x6400xf32, #tpu.memory_space<vmem>> -> memref<6400xf32, #tpu.memory_space<vmem>>
          %dma_wait3A_264 = tpu.memref_slice %arg4[%add3A_76, %dma_wait3A_260, %add3A_258] : memref<6x1x1600000xf32, #tpu.memory_space<hbm>> -> memref<1x1x6400xf32, #tpu.memory_space<hbm>>
          %dma_wait3A_265 = tpu.memref_squeeze %dma_wait3A_264 : memref<1x1x6400xf32, #tpu.memory_space<hbm>> -> memref<6400xf32, #tpu.memory_space<hbm>>
          %dma_wait3A_266 = tpu.memref_slice %arg4[%add3A_76, %dma_wait3A_260, %add3A_258] : memref<6x1x1600000xf32, #tpu.memory_space<hbm>> -> memref<1x1x6400xf32, #tpu.memory_space<hbm>>
          %dma_wait3A_267 = tpu.memref_squeeze %dma_wait3A_266 : memref<1x1x6400xf32, #tpu.memory_space<hbm>> -> memref<6400xf32, #tpu.memory_space<hbm>>
          %dma_wait3A_268 = arith.constant 0 : i32
          %dma_wait3A_269 = tpu.memref_slice %arg7[%dma_wait3A_259, %dma_wait3A_268] : memref<2x6400xf32, #tpu.memory_space<vmem>> -> memref<1x6400xf32, #tpu.memory_space<vmem>>
          %dma_wait3A_270 = tpu.memref_squeeze %dma_wait3A_269 : memref<1x6400xf32, #tpu.memory_space<vmem>> -> memref<6400xf32, #tpu.memory_space<vmem>>
          tpu.wait_dma2 semaphore(%arg11 : memref<!tpu.dma_semaphore, #tpu.memory_space<semaphore_mem>>) src(%dma_wait3A_270 : memref<6400xf32, #tpu.memory_space<vmem>>) dst(%dma_wait3A_267 : memref<6400xf32, #tpu.memory_space<hbm>>)
        } else {
        }
        %parallel_loop3A_225 = arith.constant 0 : i32
        %parallel_loop3A_226 = arith.constant 6400 : i32
        %parallel_loop3A_227 = arith.constant 16 : i32
        scf.for %parallel_loop3A_252 = %parallel_loop3A_225 to %parallel_loop3A_226 step %parallel_loop3A_227  : i32 {
          %parallel_loop3A_253 = arith.constant 1 : i32
          %parallel_loop3A_254 = arith.index_cast %parallel_loop3A_253 : i32 to index
          %parallel_loop3A_255 = arith.index_cast %parallel_loop3A_252 : i32 to index
          %parallel_loop3A_256 = tpu.vector_load %arg6[%parallel_loop3A_254, %parallel_loop3A_255] {strides = array<i32>} : memref<2x6400xi32, #tpu.memory_space<vmem>>, vector<16xi32>,
          %parallel_loop3A_257 = tpu.vector_load_idx %arg5[%parallel_loop3A_256] : memref<100000xf32, #tpu.memory_space<vmem>>[vector<16xi32>], vector<16xf32>,
          %parallel_loop3A_258 = arith.constant 1 : i32
          %parallel_loop3A_259 = arith.index_cast %parallel_loop3A_258 : i32 to index
          %parallel_loop3A_260 = arith.index_cast %parallel_loop3A_252 : i32 to index
          %parallel_loop3A_261 = tpu.vector_load %arg7[%parallel_loop3A_259, %parallel_loop3A_260] {strides = array<i32>} : memref<2x6400xf32, #tpu.memory_space<vmem>>, vector<16xf32>,
          tpu.vector_store %arg7[%parallel_loop3A_259, %parallel_loop3A_260], %parallel_loop3A_257 {strides = array<i32>} : memref<2x6400xf32, #tpu.memory_space<vmem>>, vector<16xf32>,
        } {sc.loop_unroll_factor = 8 : i64, sc.parallel_access}
        %mul3A_228 = arith.constant 320000 : i32
        %mul3A_229 = arith.muli %select_n3A_73, %mul3A_228 : i32
        %mul3A_230 = arith.constant 6400 : i32
        %mul3A_231 = arith.muli %add3A_202, %mul3A_230 : i32
        %add3A_232 = arith.addi %mul3A_229, %mul3A_231 : i32
        %dma_start3A_233 = arith.constant 1 : i32
        %dma_start3A_234 = arith.constant 0 : i32
        %dma_start3A_235 = arith.constant 0 : i32
        %dma_start3A_236 = tpu.memref_slice %arg7[%dma_start3A_233, %dma_start3A_235] : memref<2x6400xf32, #tpu.memory_space<vmem>> -> memref<1x6400xf32, #tpu.memory_space<vmem>>
        %dma_start3A_237 = tpu.memref_squeeze %dma_start3A_236 : memref<1x6400xf32, #tpu.memory_space<vmem>> -> memref<6400xf32, #tpu.memory_space<vmem>>
        %dma_start3A_238 = tpu.memref_slice %arg4[%add3A_76, %dma_start3A_234, %add3A_232] : memref<6x1x1600000xf32, #tpu.memory_space<hbm>> -> memref<1x1x6400xf32, #tpu.memory_space<hbm>>
        %dma_start3A_239 = tpu.memref_squeeze %dma_start3A_238 : memref<1x1x6400xf32, #tpu.memory_space<hbm>> -> memref<6400xf32, #tpu.memory_space<hbm>>
        %dma_start3A_240 = tpu.memref_slice %arg4[%add3A_76, %dma_start3A_234, %add3A_232] : memref<6x1x1600000xf32, #tpu.memory_space<hbm>> -> memref<1x1x6400xf32, #tpu.memory_space<hbm>>
        %dma_start3A_241 = tpu.memref_squeeze %dma_start3A_240 : memref<1x1x6400xf32, #tpu.memory_space<hbm>> -> memref<6400xf32, #tpu.memory_space<hbm>>
        %dma_start3A_242 = arith.constant 0 : i32
        %dma_start3A_243 = tpu.memref_slice %arg7[%dma_start3A_233, %dma_start3A_242] : memref<2x6400xf32, #tpu.memory_space<vmem>> -> memref<1x6400xf32, #tpu.memory_space<vmem>>
        %dma_start3A_244 = tpu.memref_squeeze %dma_start3A_243 : memref<1x6400xf32, #tpu.memory_space<vmem>> -> memref<6400xf32, #tpu.memory_space<vmem>>
        tpu.enqueue_dma source(%dma_start3A_244 : memref<6400xf32, #tpu.memory_space<vmem>>) target(%dma_start3A_241 : memref<6400xf32, #tpu.memory_space<hbm>>) target_semaphore(%arg11 : memref<!tpu.dma_semaphore, #tpu.memory_space<semaphore_mem>>)
        %add3A_245 = arith.constant 2 : i32
        %add3A_246 = arith.addi %add3A_202, %add3A_245 : i32
        %lt3A_247 = arith.constant 50 : i32
        %lt3A_248 = arith.cmpi slt, %add3A_246, %lt3A_247 : i32
        %convert_element_type3A_249 = arith.extui %lt3A_248 : i1 to i32
        %cond3A_250 = arith.constant 0 : i32
        %cond3A_251 = arith.cmpi ne, %convert_element_type3A_249, %cond3A_250 : i32
        scf.if %cond3A_251 {
          %add3A_252 = arith.constant 2 : i32
          %add3A_253 = arith.addi %add3A_202, %add3A_252 : i32
          %mul3A_254 = arith.constant 320000 : i32
          %mul3A_255 = arith.muli %select_n3A_73, %mul3A_254 : i32
          %mul3A_256 = arith.constant 6400 : i32
          %mul3A_257 = arith.muli %add3A_253, %mul3A_256 : i32
          %add3A_258 = arith.addi %mul3A_255, %mul3A_257 : i32
          %dma_start3A_259 = arith.constant 0 : i32
          %dma_start3A_260 = arith.constant 1 : i32
          %dma_start3A_261 = arith.constant 0 : i32
          %dma_start3A_262 = tpu.memref_slice %arg6[%dma_start3A_260, %dma_start3A_261] : memref<2x6400xi32, #tpu.memory_space<vmem>> -> memref<1x6400xi32, #tpu.memory_space<vmem>>
          %dma_start3A_263 = tpu.memref_squeeze %dma_start3A_262 : memref<1x6400xi32, #tpu.memory_space<vmem>> -> memref<6400xi32, #tpu.memory_space<vmem>>
          %dma_start3A_264 = tpu.memref_slice %arg3[%select_n3A, %dma_start3A_259, %add3A_258] : memref<2x1x1600000xi32, #tpu.memory_space<hbm>> -> memref<1x1x6400xi32, #tpu.memory_space<hbm>>
          %dma_start3A_265 = tpu.memref_squeeze %dma_start3A_264 : memref<1x1x6400xi32, #tpu.memory_space<hbm>> -> memref<6400xi32, #tpu.memory_space<hbm>>
          %dma_start3A_266 = arith.constant 0 : i32
          %dma_start3A_267 = tpu.memref_slice %arg6[%dma_start3A_260, %dma_start3A_266] : memref<2x6400xi32, #tpu.memory_space<vmem>> -> memref<1x6400xi32, #tpu.memory_space<vmem>>
          %dma_start3A_268 = tpu.memref_squeeze %dma_start3A_267 : memref<1x6400xi32, #tpu.memory_space<vmem>> -> memref<6400xi32, #tpu.memory_space<vmem>>
          %dma_start3A_269 = tpu.memref_slice %arg3[%select_n3A, %dma_start3A_259, %add3A_258] : memref<2x1x1600000xi32, #tpu.memory_space<hbm>> -> memref<1x1x6400xi32, #tpu.memory_space<hbm>>
          %dma_start3A_270 = tpu.memref_squeeze %dma_start3A_269 : memref<1x1x6400xi32, #tpu.memory_space<hbm>> -> memref<6400xi32, #tpu.memory_space<hbm>>
          tpu.enqueue_dma source(%dma_start3A_270 : memref<6400xi32, #tpu.memory_space<hbm>>) target(%dma_start3A_268 : memref<6400xi32, #tpu.memory_space<vmem>>) target_semaphore(%arg9 : memref<!tpu.dma_semaphore, #tpu.memory_space<semaphore_mem>>)
        } else {
        }
      }
      %scan3A_111 = arith.constant 25 : i32
      %mul3A_112 = arith.constant 320000 : i32
      %mul3A_113 = arith.muli %select_n3A_73, %mul3A_112 : i32
      %add3A_114 = arith.constant 307200 : i32
      %add3A_115 = arith.addi %mul3A_113, %add3A_114 : i32
      %dma_wait3A = arith.constant 0 : i32
      %dma_wait3A_116 = arith.constant 0 : i32
      %dma_wait3A_117 = arith.constant 0 : i32
      %dma_wait3A_118 = tpu.memref_slice %arg7[%dma_wait3A, %dma_wait3A_117] : memref<2x6400xf32, #tpu.memory_space<vmem>> -> memref<1x6400xf32, #tpu.memory_space<vmem>>
      %dma_wait3A_119 = tpu.memref_squeeze %dma_wait3A_118 : memref<1x6400xf32, #tpu.memory_space<vmem>> -> memref<6400xf32, #tpu.memory_space<vmem>>
      %dma_wait3A_120 = tpu.memref_slice %arg4[%add3A_76, %dma_wait3A_116, %add3A_115] : memref<6x1x1600000xf32, #tpu.memory_space<hbm>> -> memref<1x1x6400xf32, #tpu.memory_space<hbm>>
      %dma_wait3A_121 = tpu.memref_squeeze %dma_wait3A_120 : memref<1x1x6400xf32, #tpu.memory_space<hbm>> -> memref<6400xf32, #tpu.memory_space<hbm>>
      %dma_wait3A_122 = tpu.memref_slice %arg4[%add3A_76, %dma_wait3A_116, %add3A_115] : memref<6x1x1600000xf32, #tpu.memory_space<hbm>> -> memref<1x1x6400xf32, #tpu.memory_space<hbm>>
      %dma_wait3A_123 = tpu.memref_squeeze %dma_wait3A_122 : memref<1x1x6400xf32, #tpu.memory_space<hbm>> -> memref<6400xf32, #tpu.memory_space<hbm>>
      %dma_wait3A_124 = arith.constant 0 : i32
      %dma_wait3A_125 = tpu.memref_slice %arg7[%dma_wait3A, %dma_wait3A_124] : memref<2x6400xf32, #tpu.memory_space<vmem>> -> memref<1x6400xf32, #tpu.memory_space<vmem>>
      %dma_wait3A_126 = tpu.memref_squeeze %dma_wait3A_125 : memref<1x6400xf32, #tpu.memory_space<vmem>> -> memref<6400xf32, #tpu.memory_space<vmem>>
      tpu.wait_dma2 semaphore(%arg10 : memref<!tpu.dma_semaphore, #tpu.memory_space<semaphore_mem>>) src(%dma_wait3A_126 : memref<6400xf32, #tpu.memory_space<vmem>>) dst(%dma_wait3A_123 : memref<6400xf32, #tpu.memory_space<hbm>>)
      %mul3A_127 = arith.constant 320000 : i32
      %mul3A_128 = arith.muli %select_n3A_73, %mul3A_127 : i32
      %add3A_129 = arith.constant 313600 : i32
      %add3A_130 = arith.addi %mul3A_128, %add3A_129 : i32
      %dma_wait3A_131 = arith.constant 1 : i32
      %dma_wait3A_132 = arith.constant 0 : i32
      %dma_wait3A_133 = arith.constant 0 : i32
      %dma_wait3A_134 = tpu.memref_slice %arg7[%dma_wait3A_131, %dma_wait3A_133] : memref<2x6400xf32, #tpu.memory_space<vmem>> -> memref<1x6400xf32, #tpu.memory_space<vmem>>
      %dma_wait3A_135 = tpu.memref_squeeze %dma_wait3A_134 : memref<1x6400xf32, #tpu.memory_space<vmem>> -> memref<6400xf32, #tpu.memory_space<vmem>>
      %dma_wait3A_136 = tpu.memref_slice %arg4[%add3A_76, %dma_wait3A_132, %add3A_130] : memref<6x1x1600000xf32, #tpu.memory_space<hbm>> -> memref<1x1x6400xf32, #tpu.memory_space<hbm>>
      %dma_wait3A_137 = tpu.memref_squeeze %dma_wait3A_136 : memref<1x1x6400xf32, #tpu.memory_space<hbm>> -> memref<6400xf32, #tpu.memory_space<hbm>>
      %dma_wait3A_138 = tpu.memref_slice %arg4[%add3A_76, %dma_wait3A_132, %add3A_130] : memref<6x1x1600000xf32, #tpu.memory_space<hbm>> -> memref<1x1x6400xf32, #tpu.memory_space<hbm>>
      %dma_wait3A_139 = tpu.memref_squeeze %dma_wait3A_138 : memref<1x1x6400xf32, #tpu.memory_space<hbm>> -> memref<6400xf32, #tpu.memory_space<hbm>>
      %dma_wait3A_140 = arith.constant 0 : i32
      %dma_wait3A_141 = tpu.memref_slice %arg7[%dma_wait3A_131, %dma_wait3A_140] : memref<2x6400xf32, #tpu.memory_space<vmem>> -> memref<1x6400xf32, #tpu.memory_space<vmem>>
      %dma_wait3A_142 = tpu.memref_squeeze %dma_wait3A_141 : memref<1x6400xf32, #tpu.memory_space<vmem>> -> memref<6400xf32, #tpu.memory_space<vmem>>
      tpu.wait_dma2 semaphore(%arg11 : memref<!tpu.dma_semaphore, #tpu.memory_space<semaphore_mem>>) src(%dma_wait3A_142 : memref<6400xf32, #tpu.memory_space<vmem>>) dst(%dma_wait3A_139 : memref<6400xf32, #tpu.memory_space<hbm>>)
    } else {
    }
    return
  }
}

#map = affine_map<(d0, d1) -> (0)>
#map1 = affine_map<(d0, d1) -> (0, 0, 0)>
module attributes {stable_mosaic.version = 14 : i64} {
  func.func @scatter_k(%arg0: i32, %arg1: i32, %arg2: memref<1605632xf32, #tpu.memory_space<hbm>>, %arg3: memref<1605632xf32, #tpu.memory_space<hbm>>, %arg4: memref<1605632xf32, #tpu.memory_space<hbm>>, %arg5: memref<1605632xi32, #tpu.memory_space<hbm>>, %arg6: memref<100352xf32, #tpu.memory_space<hbm>>, %arg7: memref<6x1x100352xf32, #tpu.memory_space<hbm>>, %arg8: memref<100352xf32, #tpu.memory_space<vmem_shared>>, %arg9: memref<100352xf32, #tpu.memory_space<vmem_shared>>, %arg10: memref<100352xf32, #tpu.memory_space<vmem_shared>>, %arg11: memref<2x6272xi32, #tpu.memory_space<vmem>>, %arg12: memref<2x3x6272xf32, #tpu.memory_space<vmem>>, %arg13: memref<!tpu.dma_semaphore, #tpu.memory_space<semaphore_mem>>, %arg14: memref<!tpu.dma_semaphore, #tpu.memory_space<semaphore_mem>>, %arg15: memref<!tpu.dma_semaphore, #tpu.memory_space<semaphore_mem>>, %arg16: memref<!tpu.dma_semaphore, #tpu.memory_space<semaphore_mem>>, %arg17: memref<!tpu.dma_semaphore, #tpu.memory_space<semaphore_mem>>) attributes {dimension_semantics = [#tpu.dimension_semantics<core_parallel>, #tpu.dimension_semantics<subcore_parallel>], iteration_bounds = array<i64: 2, 16>, scalar_prefetch = 0 : i64, scratch_operands = 10 : i64, tpu.core_type = #tpu.core_type<sc_vector_subcore>, window_params = [{transform_indices = #map}, {transform_indices = #map}, {transform_indices = #map}, {transform_indices = #map}, {transform_indices = #map}, {transform_indices = #map1}]} {
    %mul3A = arith.constant 2 : i32
    %mul3A_0 = arith.muli %arg1, %mul3A : i32
    %add3A = arith.addi %mul3A_0, %arg0 : i32
    %mul3A_1 = arith.constant 6272 : i32
    %mul3A_2 = arith.muli %arg1, %mul3A_1 : i32
    %mul3A_3 = arith.constant 6272 : i32
    %mul3A_4 = arith.muli %arg1, %mul3A_3 : i32
    "tpu.region"() ({
      %run_scoped3A_153 = tpu.sem_alloc : memref<!tpu.dma_semaphore, #tpu.memory_space<semaphore_mem>>
      %dma_start3A_154 = tpu.memref_slice %arg8[%mul3A_4] : memref<100352xf32, #tpu.memory_space<vmem_shared>> -> memref<6272xf32, #tpu.memory_space<vmem_shared>>
      %dma_start3A_155 = tpu.memref_slice %arg6[%mul3A_2] : memref<100352xf32, #tpu.memory_space<hbm>> -> memref<6272xf32, #tpu.memory_space<hbm>>
      tpu.enqueue_dma source(%dma_start3A_155 : memref<6272xf32, #tpu.memory_space<hbm>>) target(%dma_start3A_154 : memref<6272xf32, #tpu.memory_space<vmem_shared>>) target_semaphore(%run_scoped3A_153 : memref<!tpu.dma_semaphore, #tpu.memory_space<semaphore_mem>>)
      %dma_wait3A = tpu.memref_slice %arg8[%mul3A_4] : memref<100352xf32, #tpu.memory_space<vmem_shared>> -> memref<6272xf32, #tpu.memory_space<vmem_shared>>
      %dma_wait3A_156 = tpu.memref_slice %arg6[%mul3A_2] : memref<100352xf32, #tpu.memory_space<hbm>> -> memref<6272xf32, #tpu.memory_space<hbm>>
      tpu.wait_dma2 semaphore(%run_scoped3A_153 : memref<!tpu.dma_semaphore, #tpu.memory_space<semaphore_mem>>) src(%dma_wait3A_156 : memref<6272xf32, #tpu.memory_space<hbm>>) dst(%dma_wait3A : memref<6272xf32, #tpu.memory_space<vmem_shared>>)
      tpu.yield
    }) : () -> ()
    %mul3A_5 = arith.constant 6272 : i32
    %mul3A_6 = arith.muli %arg1, %mul3A_5 : i32
    %mul3A_7 = arith.constant 6272 : i32
    %mul3A_8 = arith.muli %arg1, %mul3A_7 : i32
    "tpu.region"() ({
      %run_scoped3A_153 = tpu.sem_alloc : memref<!tpu.dma_semaphore, #tpu.memory_space<semaphore_mem>>
      %dma_start3A_154 = tpu.memref_slice %arg9[%mul3A_8] : memref<100352xf32, #tpu.memory_space<vmem_shared>> -> memref<6272xf32, #tpu.memory_space<vmem_shared>>
      %dma_start3A_155 = tpu.memref_slice %arg6[%mul3A_6] : memref<100352xf32, #tpu.memory_space<hbm>> -> memref<6272xf32, #tpu.memory_space<hbm>>
      tpu.enqueue_dma source(%dma_start3A_155 : memref<6272xf32, #tpu.memory_space<hbm>>) target(%dma_start3A_154 : memref<6272xf32, #tpu.memory_space<vmem_shared>>) target_semaphore(%run_scoped3A_153 : memref<!tpu.dma_semaphore, #tpu.memory_space<semaphore_mem>>)
      %dma_wait3A = tpu.memref_slice %arg9[%mul3A_8] : memref<100352xf32, #tpu.memory_space<vmem_shared>> -> memref<6272xf32, #tpu.memory_space<vmem_shared>>
      %dma_wait3A_156 = tpu.memref_slice %arg6[%mul3A_6] : memref<100352xf32, #tpu.memory_space<hbm>> -> memref<6272xf32, #tpu.memory_space<hbm>>
      tpu.wait_dma2 semaphore(%run_scoped3A_153 : memref<!tpu.dma_semaphore, #tpu.memory_space<semaphore_mem>>) src(%dma_wait3A_156 : memref<6272xf32, #tpu.memory_space<hbm>>) dst(%dma_wait3A : memref<6272xf32, #tpu.memory_space<vmem_shared>>)
      tpu.yield
    }) : () -> ()
    %mul3A_9 = arith.constant 6272 : i32
    %mul3A_10 = arith.muli %arg1, %mul3A_9 : i32
    %mul3A_11 = arith.constant 6272 : i32
    %mul3A_12 = arith.muli %arg1, %mul3A_11 : i32
    "tpu.region"() ({
      %run_scoped3A_153 = tpu.sem_alloc : memref<!tpu.dma_semaphore, #tpu.memory_space<semaphore_mem>>
      %dma_start3A_154 = tpu.memref_slice %arg10[%mul3A_12] : memref<100352xf32, #tpu.memory_space<vmem_shared>> -> memref<6272xf32, #tpu.memory_space<vmem_shared>>
      %dma_start3A_155 = tpu.memref_slice %arg6[%mul3A_10] : memref<100352xf32, #tpu.memory_space<hbm>> -> memref<6272xf32, #tpu.memory_space<hbm>>
      tpu.enqueue_dma source(%dma_start3A_155 : memref<6272xf32, #tpu.memory_space<hbm>>) target(%dma_start3A_154 : memref<6272xf32, #tpu.memory_space<vmem_shared>>) target_semaphore(%run_scoped3A_153 : memref<!tpu.dma_semaphore, #tpu.memory_space<semaphore_mem>>)
      %dma_wait3A = tpu.memref_slice %arg10[%mul3A_12] : memref<100352xf32, #tpu.memory_space<vmem_shared>> -> memref<6272xf32, #tpu.memory_space<vmem_shared>>
      %dma_wait3A_156 = tpu.memref_slice %arg6[%mul3A_10] : memref<100352xf32, #tpu.memory_space<hbm>> -> memref<6272xf32, #tpu.memory_space<hbm>>
      tpu.wait_dma2 semaphore(%run_scoped3A_153 : memref<!tpu.dma_semaphore, #tpu.memory_space<semaphore_mem>>) src(%dma_wait3A_156 : memref<6272xf32, #tpu.memory_space<hbm>>) dst(%dma_wait3A : memref<6272xf32, #tpu.memory_space<vmem_shared>>)
      tpu.yield
    }) : () -> ()
    %barrier3A = arith.constant 0 : index
    tpu.barrier barrier_id(%barrier3A)
    %mul3A_13 = arith.constant 50176 : i32
    %mul3A_14 = arith.muli %add3A, %mul3A_13 : i32
    %add3A_15 = arith.constant 0 : i32
    %add3A_16 = arith.addi %mul3A_14, %add3A_15 : i32
    %dma_start3A = arith.constant 0 : i32
    %dma_start3A_17 = arith.constant 0 : i32
    %dma_start3A_18 = tpu.memref_slice %arg11[%dma_start3A, %dma_start3A_17] : memref<2x6272xi32, #tpu.memory_space<vmem>> -> memref<1x6272xi32, #tpu.memory_space<vmem>>
    %dma_start3A_19 = tpu.memref_squeeze %dma_start3A_18 : memref<1x6272xi32, #tpu.memory_space<vmem>> -> memref<6272xi32, #tpu.memory_space<vmem>>
    %dma_start3A_20 = tpu.memref_slice %arg5[%add3A_16] : memref<1605632xi32, #tpu.memory_space<hbm>> -> memref<6272xi32, #tpu.memory_space<hbm>>
    %dma_start3A_21 = arith.constant 0 : i32
    %dma_start3A_22 = tpu.memref_slice %arg11[%dma_start3A, %dma_start3A_21] : memref<2x6272xi32, #tpu.memory_space<vmem>> -> memref<1x6272xi32, #tpu.memory_space<vmem>>
    %dma_start3A_23 = tpu.memref_squeeze %dma_start3A_22 : memref<1x6272xi32, #tpu.memory_space<vmem>> -> memref<6272xi32, #tpu.memory_space<vmem>>
    %dma_start3A_24 = tpu.memref_slice %arg5[%add3A_16] : memref<1605632xi32, #tpu.memory_space<hbm>> -> memref<6272xi32, #tpu.memory_space<hbm>>
    tpu.enqueue_dma source(%dma_start3A_24 : memref<6272xi32, #tpu.memory_space<hbm>>) target(%dma_start3A_23 : memref<6272xi32, #tpu.memory_space<vmem>>) target_semaphore(%arg13 : memref<!tpu.dma_semaphore, #tpu.memory_space<semaphore_mem>>)
    %mul3A_25 = arith.constant 50176 : i32
    %mul3A_26 = arith.muli %add3A, %mul3A_25 : i32
    %add3A_27 = arith.constant 0 : i32
    %add3A_28 = arith.addi %mul3A_26, %add3A_27 : i32
    %dma_start3A_29 = arith.constant 0 : i32
    %dma_start3A_30 = arith.constant 0 : i32
    %dma_start3A_31 = arith.constant 0 : i32
    %dma_start3A_32 = tpu.memref_slice %arg12[%dma_start3A_29, %dma_start3A_30, %dma_start3A_31] : memref<2x3x6272xf32, #tpu.memory_space<vmem>> -> memref<1x1x6272xf32, #tpu.memory_space<vmem>>
    %dma_start3A_33 = tpu.memref_squeeze %dma_start3A_32 : memref<1x1x6272xf32, #tpu.memory_space<vmem>> -> memref<6272xf32, #tpu.memory_space<vmem>>
    %dma_start3A_34 = tpu.memref_slice %arg2[%add3A_28] : memref<1605632xf32, #tpu.memory_space<hbm>> -> memref<6272xf32, #tpu.memory_space<hbm>>
    %dma_start3A_35 = arith.constant 0 : i32
    %dma_start3A_36 = tpu.memref_slice %arg12[%dma_start3A_29, %dma_start3A_30, %dma_start3A_35] : memref<2x3x6272xf32, #tpu.memory_space<vmem>> -> memref<1x1x6272xf32, #tpu.memory_space<vmem>>
    %dma_start3A_37 = tpu.memref_squeeze %dma_start3A_36 : memref<1x1x6272xf32, #tpu.memory_space<vmem>> -> memref<6272xf32, #tpu.memory_space<vmem>>
    %dma_start3A_38 = tpu.memref_slice %arg2[%add3A_28] : memref<1605632xf32, #tpu.memory_space<hbm>> -> memref<6272xf32, #tpu.memory_space<hbm>>
    tpu.enqueue_dma source(%dma_start3A_38 : memref<6272xf32, #tpu.memory_space<hbm>>) target(%dma_start3A_37 : memref<6272xf32, #tpu.memory_space<vmem>>) target_semaphore(%arg15 : memref<!tpu.dma_semaphore, #tpu.memory_space<semaphore_mem>>)
    %mul3A_39 = arith.constant 50176 : i32
    %mul3A_40 = arith.muli %add3A, %mul3A_39 : i32
    %add3A_41 = arith.constant 0 : i32
    %add3A_42 = arith.addi %mul3A_40, %add3A_41 : i32
    %dma_start3A_43 = arith.constant 0 : i32
    %dma_start3A_44 = arith.constant 1 : i32
    %dma_start3A_45 = arith.constant 0 : i32
    %dma_start3A_46 = tpu.memref_slice %arg12[%dma_start3A_43, %dma_start3A_44, %dma_start3A_45] : memref<2x3x6272xf32, #tpu.memory_space<vmem>> -> memref<1x1x6272xf32, #tpu.memory_space<vmem>>
    %dma_start3A_47 = tpu.memref_squeeze %dma_start3A_46 : memref<1x1x6272xf32, #tpu.memory_space<vmem>> -> memref<6272xf32, #tpu.memory_space<vmem>>
    %dma_start3A_48 = tpu.memref_slice %arg3[%add3A_42] : memref<1605632xf32, #tpu.memory_space<hbm>> -> memref<6272xf32, #tpu.memory_space<hbm>>
    %dma_start3A_49 = arith.constant 0 : i32
    %dma_start3A_50 = tpu.memref_slice %arg12[%dma_start3A_43, %dma_start3A_44, %dma_start3A_49] : memref<2x3x6272xf32, #tpu.memory_space<vmem>> -> memref<1x1x6272xf32, #tpu.memory_space<vmem>>
    %dma_start3A_51 = tpu.memref_squeeze %dma_start3A_50 : memref<1x1x6272xf32, #tpu.memory_space<vmem>> -> memref<6272xf32, #tpu.memory_space<vmem>>
    %dma_start3A_52 = tpu.memref_slice %arg3[%add3A_42] : memref<1605632xf32, #tpu.memory_space<hbm>> -> memref<6272xf32, #tpu.memory_space<hbm>>
    tpu.enqueue_dma source(%dma_start3A_52 : memref<6272xf32, #tpu.memory_space<hbm>>) target(%dma_start3A_51 : memref<6272xf32, #tpu.memory_space<vmem>>) target_semaphore(%arg15 : memref<!tpu.dma_semaphore, #tpu.memory_space<semaphore_mem>>)
    %mul3A_53 = arith.constant 50176 : i32
    %mul3A_54 = arith.muli %add3A, %mul3A_53 : i32
    %add3A_55 = arith.constant 0 : i32
    %add3A_56 = arith.addi %mul3A_54, %add3A_55 : i32
    %dma_start3A_57 = arith.constant 0 : i32
    %dma_start3A_58 = arith.constant 2 : i32
    %dma_start3A_59 = arith.constant 0 : i32
    %dma_start3A_60 = tpu.memref_slice %arg12[%dma_start3A_57, %dma_start3A_58, %dma_start3A_59] : memref<2x3x6272xf32, #tpu.memory_space<vmem>> -> memref<1x1x6272xf32, #tpu.memory_space<vmem>>
    %dma_start3A_61 = tpu.memref_squeeze %dma_start3A_60 : memref<1x1x6272xf32, #tpu.memory_space<vmem>> -> memref<6272xf32, #tpu.memory_space<vmem>>
    %dma_start3A_62 = tpu.memref_slice %arg4[%add3A_56] : memref<1605632xf32, #tpu.memory_space<hbm>> -> memref<6272xf32, #tpu.memory_space<hbm>>
    %dma_start3A_63 = arith.constant 0 : i32
    %dma_start3A_64 = tpu.memref_slice %arg12[%dma_start3A_57, %dma_start3A_58, %dma_start3A_63] : memref<2x3x6272xf32, #tpu.memory_space<vmem>> -> memref<1x1x6272xf32, #tpu.memory_space<vmem>>
    %dma_start3A_65 = tpu.memref_squeeze %dma_start3A_64 : memref<1x1x6272xf32, #tpu.memory_space<vmem>> -> memref<6272xf32, #tpu.memory_space<vmem>>
    %dma_start3A_66 = tpu.memref_slice %arg4[%add3A_56] : memref<1605632xf32, #tpu.memory_space<hbm>> -> memref<6272xf32, #tpu.memory_space<hbm>>
    tpu.enqueue_dma source(%dma_start3A_66 : memref<6272xf32, #tpu.memory_space<hbm>>) target(%dma_start3A_65 : memref<6272xf32, #tpu.memory_space<vmem>>) target_semaphore(%arg15 : memref<!tpu.dma_semaphore, #tpu.memory_space<semaphore_mem>>)
    %mul3A_67 = arith.constant 50176 : i32
    %mul3A_68 = arith.muli %add3A, %mul3A_67 : i32
    %add3A_69 = arith.constant 6272 : i32
    %add3A_70 = arith.addi %mul3A_68, %add3A_69 : i32
    %dma_start3A_71 = arith.constant 1 : i32
    %dma_start3A_72 = arith.constant 0 : i32
    %dma_start3A_73 = tpu.memref_slice %arg11[%dma_start3A_71, %dma_start3A_72] : memref<2x6272xi32, #tpu.memory_space<vmem>> -> memref<1x6272xi32, #tpu.memory_space<vmem>>
    %dma_start3A_74 = tpu.memref_squeeze %dma_start3A_73 : memref<1x6272xi32, #tpu.memory_space<vmem>> -> memref<6272xi32, #tpu.memory_space<vmem>>
    %dma_start3A_75 = tpu.memref_slice %arg5[%add3A_70] : memref<1605632xi32, #tpu.memory_space<hbm>> -> memref<6272xi32, #tpu.memory_space<hbm>>
    %dma_start3A_76 = arith.constant 0 : i32
    %dma_start3A_77 = tpu.memref_slice %arg11[%dma_start3A_71, %dma_start3A_76] : memref<2x6272xi32, #tpu.memory_space<vmem>> -> memref<1x6272xi32, #tpu.memory_space<vmem>>
    %dma_start3A_78 = tpu.memref_squeeze %dma_start3A_77 : memref<1x6272xi32, #tpu.memory_space<vmem>> -> memref<6272xi32, #tpu.memory_space<vmem>>
    %dma_start3A_79 = tpu.memref_slice %arg5[%add3A_70] : memref<1605632xi32, #tpu.memory_space<hbm>> -> memref<6272xi32, #tpu.memory_space<hbm>>
    tpu.enqueue_dma source(%dma_start3A_79 : memref<6272xi32, #tpu.memory_space<hbm>>) target(%dma_start3A_78 : memref<6272xi32, #tpu.memory_space<vmem>>) target_semaphore(%arg14 : memref<!tpu.dma_semaphore, #tpu.memory_space<semaphore_mem>>)
    %mul3A_80 = arith.constant 50176 : i32
    %mul3A_81 = arith.muli %add3A, %mul3A_80 : i32
    %add3A_82 = arith.constant 6272 : i32
    %add3A_83 = arith.addi %mul3A_81, %add3A_82 : i32
    %dma_start3A_84 = arith.constant 1 : i32
    %dma_start3A_85 = arith.constant 0 : i32
    %dma_start3A_86 = arith.constant 0 : i32
    %dma_start3A_87 = tpu.memref_slice %arg12[%dma_start3A_84, %dma_start3A_85, %dma_start3A_86] : memref<2x3x6272xf32, #tpu.memory_space<vmem>> -> memref<1x1x6272xf32, #tpu.memory_space<vmem>>
    %dma_start3A_88 = tpu.memref_squeeze %dma_start3A_87 : memref<1x1x6272xf32, #tpu.memory_space<vmem>> -> memref<6272xf32, #tpu.memory_space<vmem>>
    %dma_start3A_89 = tpu.memref_slice %arg2[%add3A_83] : memref<1605632xf32, #tpu.memory_space<hbm>> -> memref<6272xf32, #tpu.memory_space<hbm>>
    %dma_start3A_90 = arith.constant 0 : i32
    %dma_start3A_91 = tpu.memref_slice %arg12[%dma_start3A_84, %dma_start3A_85, %dma_start3A_90] : memref<2x3x6272xf32, #tpu.memory_space<vmem>> -> memref<1x1x6272xf32, #tpu.memory_space<vmem>>
    %dma_start3A_92 = tpu.memref_squeeze %dma_start3A_91 : memref<1x1x6272xf32, #tpu.memory_space<vmem>> -> memref<6272xf32, #tpu.memory_space<vmem>>
    %dma_start3A_93 = tpu.memref_slice %arg2[%add3A_83] : memref<1605632xf32, #tpu.memory_space<hbm>> -> memref<6272xf32, #tpu.memory_space<hbm>>
    tpu.enqueue_dma source(%dma_start3A_93 : memref<6272xf32, #tpu.memory_space<hbm>>) target(%dma_start3A_92 : memref<6272xf32, #tpu.memory_space<vmem>>) target_semaphore(%arg16 : memref<!tpu.dma_semaphore, #tpu.memory_space<semaphore_mem>>)
    %mul3A_94 = arith.constant 50176 : i32
    %mul3A_95 = arith.muli %add3A, %mul3A_94 : i32
    %add3A_96 = arith.constant 6272 : i32
    %add3A_97 = arith.addi %mul3A_95, %add3A_96 : i32
    %dma_start3A_98 = arith.constant 1 : i32
    %dma_start3A_99 = arith.constant 1 : i32
    %dma_start3A_100 = arith.constant 0 : i32
    %dma_start3A_101 = tpu.memref_slice %arg12[%dma_start3A_98, %dma_start3A_99, %dma_start3A_100] : memref<2x3x6272xf32, #tpu.memory_space<vmem>> -> memref<1x1x6272xf32, #tpu.memory_space<vmem>>
    %dma_start3A_102 = tpu.memref_squeeze %dma_start3A_101 : memref<1x1x6272xf32, #tpu.memory_space<vmem>> -> memref<6272xf32, #tpu.memory_space<vmem>>
    %dma_start3A_103 = tpu.memref_slice %arg3[%add3A_97] : memref<1605632xf32, #tpu.memory_space<hbm>> -> memref<6272xf32, #tpu.memory_space<hbm>>
    %dma_start3A_104 = arith.constant 0 : i32
    %dma_start3A_105 = tpu.memref_slice %arg12[%dma_start3A_98, %dma_start3A_99, %dma_start3A_104] : memref<2x3x6272xf32, #tpu.memory_space<vmem>> -> memref<1x1x6272xf32, #tpu.memory_space<vmem>>
    %dma_start3A_106 = tpu.memref_squeeze %dma_start3A_105 : memref<1x1x6272xf32, #tpu.memory_space<vmem>> -> memref<6272xf32, #tpu.memory_space<vmem>>
    %dma_start3A_107 = tpu.memref_slice %arg3[%add3A_97] : memref<1605632xf32, #tpu.memory_space<hbm>> -> memref<6272xf32, #tpu.memory_space<hbm>>
    tpu.enqueue_dma source(%dma_start3A_107 : memref<6272xf32, #tpu.memory_space<hbm>>) target(%dma_start3A_106 : memref<6272xf32, #tpu.memory_space<vmem>>) target_semaphore(%arg16 : memref<!tpu.dma_semaphore, #tpu.memory_space<semaphore_mem>>)
    %mul3A_108 = arith.constant 50176 : i32
    %mul3A_109 = arith.muli %add3A, %mul3A_108 : i32
    %add3A_110 = arith.constant 6272 : i32
    %add3A_111 = arith.addi %mul3A_109, %add3A_110 : i32
    %dma_start3A_112 = arith.constant 1 : i32
    %dma_start3A_113 = arith.constant 2 : i32
    %dma_start3A_114 = arith.constant 0 : i32
    %dma_start3A_115 = tpu.memref_slice %arg12[%dma_start3A_112, %dma_start3A_113, %dma_start3A_114] : memref<2x3x6272xf32, #tpu.memory_space<vmem>> -> memref<1x1x6272xf32, #tpu.memory_space<vmem>>
    %dma_start3A_116 = tpu.memref_squeeze %dma_start3A_115 : memref<1x1x6272xf32, #tpu.memory_space<vmem>> -> memref<6272xf32, #tpu.memory_space<vmem>>
    %dma_start3A_117 = tpu.memref_slice %arg4[%add3A_111] : memref<1605632xf32, #tpu.memory_space<hbm>> -> memref<6272xf32, #tpu.memory_space<hbm>>
    %dma_start3A_118 = arith.constant 0 : i32
    %dma_start3A_119 = tpu.memref_slice %arg12[%dma_start3A_112, %dma_start3A_113, %dma_start3A_118] : memref<2x3x6272xf32, #tpu.memory_space<vmem>> -> memref<1x1x6272xf32, #tpu.memory_space<vmem>>
    %dma_start3A_120 = tpu.memref_squeeze %dma_start3A_119 : memref<1x1x6272xf32, #tpu.memory_space<vmem>> -> memref<6272xf32, #tpu.memory_space<vmem>>
    %dma_start3A_121 = tpu.memref_slice %arg4[%add3A_111] : memref<1605632xf32, #tpu.memory_space<hbm>> -> memref<6272xf32, #tpu.memory_space<hbm>>
    tpu.enqueue_dma source(%dma_start3A_121 : memref<6272xf32, #tpu.memory_space<hbm>>) target(%dma_start3A_120 : memref<6272xf32, #tpu.memory_space<vmem>>) target_semaphore(%arg16 : memref<!tpu.dma_semaphore, #tpu.memory_space<semaphore_mem>>)
    %scan3A = arith.constant 0 : i32
    %scan3A_122 = arith.constant 4 : i32
    %scan3A_123 = arith.addi %scan3A, %scan3A_122 : i32
    %scan3A_124 = arith.constant 1 : i32
    scf.for %scan3A_153 = %scan3A to %scan3A_123 step %scan3A_124  : i32 {
      %mul3A_154 = arith.constant 1 : i32
      %mul3A_155 = arith.muli %scan3A_153, %mul3A_154 : i32
      %add3A_156 = arith.constant 0 : i32
      %add3A_157 = arith.addi %add3A_156, %mul3A_155 : i32
      %mul3A_158 = arith.constant 2 : i32
      %mul3A_159 = arith.muli %mul3A_158, %add3A_157 : i32
      %add3A_160 = arith.constant 0 : i32
      %add3A_161 = arith.addi %mul3A_159, %add3A_160 : i32
      %mul3A_162 = arith.constant 50176 : i32
      %mul3A_163 = arith.muli %add3A, %mul3A_162 : i32
      %mul3A_164 = arith.constant 6272 : i32
      %mul3A_165 = arith.muli %add3A_161, %mul3A_164 : i32
      %add3A_166 = arith.addi %mul3A_163, %mul3A_165 : i32
      %dma_wait3A = arith.constant 0 : i32
      %dma_wait3A_167 = arith.constant 0 : i32
      %dma_wait3A_168 = tpu.memref_slice %arg11[%dma_wait3A, %dma_wait3A_167] : memref<2x6272xi32, #tpu.memory_space<vmem>> -> memref<1x6272xi32, #tpu.memory_space<vmem>>
      %dma_wait3A_169 = tpu.memref_squeeze %dma_wait3A_168 : memref<1x6272xi32, #tpu.memory_space<vmem>> -> memref<6272xi32, #tpu.memory_space<vmem>>
      %dma_wait3A_170 = tpu.memref_slice %arg5[%add3A_166] : memref<1605632xi32, #tpu.memory_space<hbm>> -> memref<6272xi32, #tpu.memory_space<hbm>>
      %dma_wait3A_171 = arith.constant 0 : i32
      %dma_wait3A_172 = tpu.memref_slice %arg11[%dma_wait3A, %dma_wait3A_171] : memref<2x6272xi32, #tpu.memory_space<vmem>> -> memref<1x6272xi32, #tpu.memory_space<vmem>>
      %dma_wait3A_173 = tpu.memref_squeeze %dma_wait3A_172 : memref<1x6272xi32, #tpu.memory_space<vmem>> -> memref<6272xi32, #tpu.memory_space<vmem>>
      %dma_wait3A_174 = tpu.memref_slice %arg5[%add3A_166] : memref<1605632xi32, #tpu.memory_space<hbm>> -> memref<6272xi32, #tpu.memory_space<hbm>>
      tpu.wait_dma2 semaphore(%arg13 : memref<!tpu.dma_semaphore, #tpu.memory_space<semaphore_mem>>) src(%dma_wait3A_174 : memref<6272xi32, #tpu.memory_space<hbm>>) dst(%dma_wait3A_173 : memref<6272xi32, #tpu.memory_space<vmem>>)
      %mul3A_175 = arith.constant 50176 : i32
      %mul3A_176 = arith.muli %add3A, %mul3A_175 : i32
      %mul3A_177 = arith.constant 6272 : i32
      %mul3A_178 = arith.muli %add3A_161, %mul3A_177 : i32
      %add3A_179 = arith.addi %mul3A_176, %mul3A_178 : i32
      %dma_wait3A_180 = arith.constant 0 : i32
      %dma_wait3A_181 = arith.constant 0 : i32
      %dma_wait3A_182 = arith.constant 0 : i32
      %dma_wait3A_183 = tpu.memref_slice %arg12[%dma_wait3A_180, %dma_wait3A_181, %dma_wait3A_182] : memref<2x3x6272xf32, #tpu.memory_space<vmem>> -> memref<1x1x6272xf32, #tpu.memory_space<vmem>>
      %dma_wait3A_184 = tpu.memref_squeeze %dma_wait3A_183 : memref<1x1x6272xf32, #tpu.memory_space<vmem>> -> memref<6272xf32, #tpu.memory_space<vmem>>
      %dma_wait3A_185 = tpu.memref_slice %arg2[%add3A_179] : memref<1605632xf32, #tpu.memory_space<hbm>> -> memref<6272xf32, #tpu.memory_space<hbm>>
      %dma_wait3A_186 = arith.constant 0 : i32
      %dma_wait3A_187 = tpu.memref_slice %arg12[%dma_wait3A_180, %dma_wait3A_181, %dma_wait3A_186] : memref<2x3x6272xf32, #tpu.memory_space<vmem>> -> memref<1x1x6272xf32, #tpu.memory_space<vmem>>
      %dma_wait3A_188 = tpu.memref_squeeze %dma_wait3A_187 : memref<1x1x6272xf32, #tpu.memory_space<vmem>> -> memref<6272xf32, #tpu.memory_space<vmem>>
      %dma_wait3A_189 = tpu.memref_slice %arg2[%add3A_179] : memref<1605632xf32, #tpu.memory_space<hbm>> -> memref<6272xf32, #tpu.memory_space<hbm>>
      tpu.wait_dma2 semaphore(%arg15 : memref<!tpu.dma_semaphore, #tpu.memory_space<semaphore_mem>>) src(%dma_wait3A_189 : memref<6272xf32, #tpu.memory_space<hbm>>) dst(%dma_wait3A_188 : memref<6272xf32, #tpu.memory_space<vmem>>)
      %mul3A_190 = arith.constant 50176 : i32
      %mul3A_191 = arith.muli %add3A, %mul3A_190 : i32
      %mul3A_192 = arith.constant 6272 : i32
      %mul3A_193 = arith.muli %add3A_161, %mul3A_192 : i32
      %add3A_194 = arith.addi %mul3A_191, %mul3A_193 : i32
      %dma_wait3A_195 = arith.constant 0 : i32
      %dma_wait3A_196 = arith.constant 1 : i32
      %dma_wait3A_197 = arith.constant 0 : i32
      %dma_wait3A_198 = tpu.memref_slice %arg12[%dma_wait3A_195, %dma_wait3A_196, %dma_wait3A_197] : memref<2x3x6272xf32, #tpu.memory_space<vmem>> -> memref<1x1x6272xf32, #tpu.memory_space<vmem>>
      %dma_wait3A_199 = tpu.memref_squeeze %dma_wait3A_198 : memref<1x1x6272xf32, #tpu.memory_space<vmem>> -> memref<6272xf32, #tpu.memory_space<vmem>>
      %dma_wait3A_200 = tpu.memref_slice %arg3[%add3A_194] : memref<1605632xf32, #tpu.memory_space<hbm>> -> memref<6272xf32, #tpu.memory_space<hbm>>
      %dma_wait3A_201 = arith.constant 0 : i32
      %dma_wait3A_202 = tpu.memref_slice %arg12[%dma_wait3A_195, %dma_wait3A_196, %dma_wait3A_201] : memref<2x3x6272xf32, #tpu.memory_space<vmem>> -> memref<1x1x6272xf32, #tpu.memory_space<vmem>>
      %dma_wait3A_203 = tpu.memref_squeeze %dma_wait3A_202 : memref<1x1x6272xf32, #tpu.memory_space<vmem>> -> memref<6272xf32, #tpu.memory_space<vmem>>
      %dma_wait3A_204 = tpu.memref_slice %arg3[%add3A_194] : memref<1605632xf32, #tpu.memory_space<hbm>> -> memref<6272xf32, #tpu.memory_space<hbm>>
      tpu.wait_dma2 semaphore(%arg15 : memref<!tpu.dma_semaphore, #tpu.memory_space<semaphore_mem>>) src(%dma_wait3A_204 : memref<6272xf32, #tpu.memory_space<hbm>>) dst(%dma_wait3A_203 : memref<6272xf32, #tpu.memory_space<vmem>>)
      %mul3A_205 = arith.constant 50176 : i32
      %mul3A_206 = arith.muli %add3A, %mul3A_205 : i32
      %mul3A_207 = arith.constant 6272 : i32
      %mul3A_208 = arith.muli %add3A_161, %mul3A_207 : i32
      %add3A_209 = arith.addi %mul3A_206, %mul3A_208 : i32
      %dma_wait3A_210 = arith.constant 0 : i32
      %dma_wait3A_211 = arith.constant 2 : i32
      %dma_wait3A_212 = arith.constant 0 : i32
      %dma_wait3A_213 = tpu.memref_slice %arg12[%dma_wait3A_210, %dma_wait3A_211, %dma_wait3A_212] : memref<2x3x6272xf32, #tpu.memory_space<vmem>> -> memref<1x1x6272xf32, #tpu.memory_space<vmem>>
      %dma_wait3A_214 = tpu.memref_squeeze %dma_wait3A_213 : memref<1x1x6272xf32, #tpu.memory_space<vmem>> -> memref<6272xf32, #tpu.memory_space<vmem>>
      %dma_wait3A_215 = tpu.memref_slice %arg4[%add3A_209] : memref<1605632xf32, #tpu.memory_space<hbm>> -> memref<6272xf32, #tpu.memory_space<hbm>>
      %dma_wait3A_216 = arith.constant 0 : i32
      %dma_wait3A_217 = tpu.memref_slice %arg12[%dma_wait3A_210, %dma_wait3A_211, %dma_wait3A_216] : memref<2x3x6272xf32, #tpu.memory_space<vmem>> -> memref<1x1x6272xf32, #tpu.memory_space<vmem>>
      %dma_wait3A_218 = tpu.memref_squeeze %dma_wait3A_217 : memref<1x1x6272xf32, #tpu.memory_space<vmem>> -> memref<6272xf32, #tpu.memory_space<vmem>>
      %dma_wait3A_219 = tpu.memref_slice %arg4[%add3A_209] : memref<1605632xf32, #tpu.memory_space<hbm>> -> memref<6272xf32, #tpu.memory_space<hbm>>
      tpu.wait_dma2 semaphore(%arg15 : memref<!tpu.dma_semaphore, #tpu.memory_space<semaphore_mem>>) src(%dma_wait3A_219 : memref<6272xf32, #tpu.memory_space<hbm>>) dst(%dma_wait3A_218 : memref<6272xf32, #tpu.memory_space<vmem>>)
      %dma_start3A_220 = arith.constant 0 : i32
      %dma_start3A_221 = arith.constant 0 : i32
      %dma_start3A_222 = arith.constant 0 : i32
      %dma_start3A_223 = arith.constant 0 : i32
      %dma_start3A_224 = tpu.memref_slice %arg12[%dma_start3A_220, %dma_start3A_221, %dma_start3A_223] : memref<2x3x6272xf32, #tpu.memory_space<vmem>> -> memref<1x1x6272xf32, #tpu.memory_space<vmem>>
      %dma_start3A_225 = tpu.memref_squeeze %dma_start3A_224 : memref<1x1x6272xf32, #tpu.memory_space<vmem>> -> memref<6272xf32, #tpu.memory_space<vmem>>
      %dma_start3A_226 = arith.constant 0 : i32
      %dma_start3A_227 = tpu.memref_slice %arg11[%dma_start3A_222, %dma_start3A_226] : memref<2x6272xi32, #tpu.memory_space<vmem>> -> memref<1x6272xi32, #tpu.memory_space<vmem>>
      %dma_start3A_228 = tpu.memref_squeeze %dma_start3A_227 : memref<1x6272xi32, #tpu.memory_space<vmem>> -> memref<6272xi32, #tpu.memory_space<vmem>>
      %dma_start3A_229 = arith.constant 0 : i32
      %dma_start3A_230 = tpu.memref_slice %arg8[%dma_start3A_229] : memref<100352xf32, #tpu.memory_space<vmem_shared>> -> memref<100352xf32, #tpu.memory_space<vmem_shared>>
      tpu.enqueue_indirect_dma source(%dma_start3A_225 : memref<6272xf32, #tpu.memory_space<vmem>>) target(%dma_start3A_230 : memref<100352xf32, #tpu.memory_space<vmem_shared>>) offsets(%dma_start3A_228 : memref<6272xi32, #tpu.memory_space<vmem>>) semaphore(%arg17 : memref<!tpu.dma_semaphore, #tpu.memory_space<semaphore_mem>>) {add = true}
      %dma_start3A_231 = arith.constant 0 : i32
      %dma_start3A_232 = arith.constant 1 : i32
      %dma_start3A_233 = arith.constant 0 : i32
      %dma_start3A_234 = arith.constant 0 : i32
      %dma_start3A_235 = tpu.memref_slice %arg12[%dma_start3A_231, %dma_start3A_232, %dma_start3A_234] : memref<2x3x6272xf32, #tpu.memory_space<vmem>> -> memref<1x1x6272xf32, #tpu.memory_space<vmem>>
      %dma_start3A_236 = tpu.memref_squeeze %dma_start3A_235 : memref<1x1x6272xf32, #tpu.memory_space<vmem>> -> memref<6272xf32, #tpu.memory_space<vmem>>
      %dma_start3A_237 = arith.constant 0 : i32
      %dma_start3A_238 = tpu.memref_slice %arg11[%dma_start3A_233, %dma_start3A_237] : memref<2x6272xi32, #tpu.memory_space<vmem>> -> memref<1x6272xi32, #tpu.memory_space<vmem>>
      %dma_start3A_239 = tpu.memref_squeeze %dma_start3A_238 : memref<1x6272xi32, #tpu.memory_space<vmem>> -> memref<6272xi32, #tpu.memory_space<vmem>>
      %dma_start3A_240 = arith.constant 0 : i32
      %dma_start3A_241 = tpu.memref_slice %arg9[%dma_start3A_240] : memref<100352xf32, #tpu.memory_space<vmem_shared>> -> memref<100352xf32, #tpu.memory_space<vmem_shared>>
      tpu.enqueue_indirect_dma source(%dma_start3A_236 : memref<6272xf32, #tpu.memory_space<vmem>>) target(%dma_start3A_241 : memref<100352xf32, #tpu.memory_space<vmem_shared>>) offsets(%dma_start3A_239 : memref<6272xi32, #tpu.memory_space<vmem>>) semaphore(%arg17 : memref<!tpu.dma_semaphore, #tpu.memory_space<semaphore_mem>>) {add = true}
      %dma_start3A_242 = arith.constant 0 : i32
      %dma_start3A_243 = arith.constant 2 : i32
      %dma_start3A_244 = arith.constant 0 : i32
      %dma_start3A_245 = arith.constant 0 : i32
      %dma_start3A_246 = tpu.memref_slice %arg12[%dma_start3A_242, %dma_start3A_243, %dma_start3A_245] : memref<2x3x6272xf32, #tpu.memory_space<vmem>> -> memref<1x1x6272xf32, #tpu.memory_space<vmem>>
      %dma_start3A_247 = tpu.memref_squeeze %dma_start3A_246 : memref<1x1x6272xf32, #tpu.memory_space<vmem>> -> memref<6272xf32, #tpu.memory_space<vmem>>
      %dma_start3A_248 = arith.constant 0 : i32
      %dma_start3A_249 = tpu.memref_slice %arg11[%dma_start3A_244, %dma_start3A_248] : memref<2x6272xi32, #tpu.memory_space<vmem>> -> memref<1x6272xi32, #tpu.memory_space<vmem>>
      %dma_start3A_250 = tpu.memref_squeeze %dma_start3A_249 : memref<1x6272xi32, #tpu.memory_space<vmem>> -> memref<6272xi32, #tpu.memory_space<vmem>>
      %dma_start3A_251 = arith.constant 0 : i32
      %dma_start3A_252 = tpu.memref_slice %arg10[%dma_start3A_251] : memref<100352xf32, #tpu.memory_space<vmem_shared>> -> memref<100352xf32, #tpu.memory_space<vmem_shared>>
      tpu.enqueue_indirect_dma source(%dma_start3A_247 : memref<6272xf32, #tpu.memory_space<vmem>>) target(%dma_start3A_252 : memref<100352xf32, #tpu.memory_space<vmem_shared>>) offsets(%dma_start3A_250 : memref<6272xi32, #tpu.memory_space<vmem>>) semaphore(%arg17 : memref<!tpu.dma_semaphore, #tpu.memory_space<semaphore_mem>>) {add = true}
      %dma_wait3A_253 = arith.constant 0 : i32
      %dma_wait3A_254 = arith.constant 0 : i32
      %dma_wait3A_255 = arith.constant 0 : i32
      %dma_wait3A_256 = arith.constant 0 : i32
      %dma_wait3A_257 = tpu.memref_slice %arg12[%dma_wait3A_253, %dma_wait3A_254, %dma_wait3A_256] : memref<2x3x6272xf32, #tpu.memory_space<vmem>> -> memref<1x1x6272xf32, #tpu.memory_space<vmem>>
      %dma_wait3A_258 = tpu.memref_squeeze %dma_wait3A_257 : memref<1x1x6272xf32, #tpu.memory_space<vmem>> -> memref<6272xf32, #tpu.memory_space<vmem>>
      %dma_wait3A_259 = arith.constant 0 : i32
      %dma_wait3A_260 = tpu.memref_slice %arg11[%dma_wait3A_255, %dma_wait3A_259] : memref<2x6272xi32, #tpu.memory_space<vmem>> -> memref<1x6272xi32, #tpu.memory_space<vmem>>
      %dma_wait3A_261 = tpu.memref_squeeze %dma_wait3A_260 : memref<1x6272xi32, #tpu.memory_space<vmem>> -> memref<6272xi32, #tpu.memory_space<vmem>>
      %dma_wait3A_262 = arith.constant 0 : i32
      %dma_wait3A_263 = tpu.memref_slice %arg8[%dma_wait3A_262] : memref<100352xf32, #tpu.memory_space<vmem_shared>> -> memref<100352xf32, #tpu.memory_space<vmem_shared>>
      tpu.wait_indirect_dma semaphore(%arg17 : memref<!tpu.dma_semaphore, #tpu.memory_space<semaphore_mem>>) src(%dma_wait3A_258 : memref<6272xf32, #tpu.memory_space<vmem>>) dst(%dma_wait3A_263 : memref<100352xf32, #tpu.memory_space<vmem_shared>>)
      %dma_wait3A_264 = arith.constant 0 : i32
      %dma_wait3A_265 = arith.constant 1 : i32
      %dma_wait3A_266 = arith.constant 0 : i32
      %dma_wait3A_267 = arith.constant 0 : i32
      %dma_wait3A_268 = tpu.memref_slice %arg12[%dma_wait3A_264, %dma_wait3A_265, %dma_wait3A_267] : memref<2x3x6272xf32, #tpu.memory_space<vmem>> -> memref<1x1x6272xf32, #tpu.memory_space<vmem>>
      %dma_wait3A_269 = tpu.memref_squeeze %dma_wait3A_268 : memref<1x1x6272xf32, #tpu.memory_space<vmem>> -> memref<6272xf32, #tpu.memory_space<vmem>>
      %dma_wait3A_270 = arith.constant 0 : i32
      %dma_wait3A_271 = tpu.memref_slice %arg11[%dma_wait3A_266, %dma_wait3A_270] : memref<2x6272xi32, #tpu.memory_space<vmem>> -> memref<1x6272xi32, #tpu.memory_space<vmem>>
      %dma_wait3A_272 = tpu.memref_squeeze %dma_wait3A_271 : memref<1x6272xi32, #tpu.memory_space<vmem>> -> memref<6272xi32, #tpu.memory_space<vmem>>
      %dma_wait3A_273 = arith.constant 0 : i32
      %dma_wait3A_274 = tpu.memref_slice %arg9[%dma_wait3A_273] : memref<100352xf32, #tpu.memory_space<vmem_shared>> -> memref<100352xf32, #tpu.memory_space<vmem_shared>>
      tpu.wait_indirect_dma semaphore(%arg17 : memref<!tpu.dma_semaphore, #tpu.memory_space<semaphore_mem>>) src(%dma_wait3A_269 : memref<6272xf32, #tpu.memory_space<vmem>>) dst(%dma_wait3A_274 : memref<100352xf32, #tpu.memory_space<vmem_shared>>)
      %dma_wait3A_275 = arith.constant 0 : i32
      %dma_wait3A_276 = arith.constant 2 : i32
      %dma_wait3A_277 = arith.constant 0 : i32
      %dma_wait3A_278 = arith.constant 0 : i32
      %dma_wait3A_279 = tpu.memref_slice %arg12[%dma_wait3A_275, %dma_wait3A_276, %dma_wait3A_278] : memref<2x3x6272xf32, #tpu.memory_space<vmem>> -> memref<1x1x6272xf32, #tpu.memory_space<vmem>>
      %dma_wait3A_280 = tpu.memref_squeeze %dma_wait3A_279 : memref<1x1x6272xf32, #tpu.memory_space<vmem>> -> memref<6272xf32, #tpu.memory_space<vmem>>
      %dma_wait3A_281 = arith.constant 0 : i32
      %dma_wait3A_282 = tpu.memref_slice %arg11[%dma_wait3A_277, %dma_wait3A_281] : memref<2x6272xi32, #tpu.memory_space<vmem>> -> memref<1x6272xi32, #tpu.memory_space<vmem>>
      %dma_wait3A_283 = tpu.memref_squeeze %dma_wait3A_282 : memref<1x6272xi32, #tpu.memory_space<vmem>> -> memref<6272xi32, #tpu.memory_space<vmem>>
      %dma_wait3A_284 = arith.constant 0 : i32
      %dma_wait3A_285 = tpu.memref_slice %arg10[%dma_wait3A_284] : memref<100352xf32, #tpu.memory_space<vmem_shared>> -> memref<100352xf32, #tpu.memory_space<vmem_shared>>
      tpu.wait_indirect_dma semaphore(%arg17 : memref<!tpu.dma_semaphore, #tpu.memory_space<semaphore_mem>>) src(%dma_wait3A_280 : memref<6272xf32, #tpu.memory_space<vmem>>) dst(%dma_wait3A_285 : memref<100352xf32, #tpu.memory_space<vmem_shared>>)
      %add3A_286 = arith.constant 2 : i32
      %add3A_287 = arith.addi %add3A_161, %add3A_286 : i32
      %lt3A = arith.constant 8 : i32
      %lt3A_288 = arith.cmpi slt, %add3A_287, %lt3A : i32
      %convert_element_type3A = arith.extui %lt3A_288 : i1 to i32
      %cond3A = arith.constant 0 : i32
      %cond3A_289 = arith.cmpi ne, %convert_element_type3A, %cond3A : i32
      scf.if %cond3A_289 {
        %add3A_426 = arith.constant 2 : i32
        %add3A_427 = arith.addi %add3A_161, %add3A_426 : i32
        %mul3A_428 = arith.constant 50176 : i32
        %mul3A_429 = arith.muli %add3A, %mul3A_428 : i32
        %mul3A_430 = arith.constant 6272 : i32
        %mul3A_431 = arith.muli %add3A_427, %mul3A_430 : i32
        %add3A_432 = arith.addi %mul3A_429, %mul3A_431 : i32
        %dma_start3A_433 = arith.constant 0 : i32
        %dma_start3A_434 = arith.constant 0 : i32
        %dma_start3A_435 = tpu.memref_slice %arg11[%dma_start3A_433, %dma_start3A_434] : memref<2x6272xi32, #tpu.memory_space<vmem>> -> memref<1x6272xi32, #tpu.memory_space<vmem>>
        %dma_start3A_436 = tpu.memref_squeeze %dma_start3A_435 : memref<1x6272xi32, #tpu.memory_space<vmem>> -> memref<6272xi32, #tpu.memory_space<vmem>>
        %dma_start3A_437 = tpu.memref_slice %arg5[%add3A_432] : memref<1605632xi32, #tpu.memory_space<hbm>> -> memref<6272xi32, #tpu.memory_space<hbm>>
        %dma_start3A_438 = arith.constant 0 : i32
        %dma_start3A_439 = tpu.memref_slice %arg11[%dma_start3A_433, %dma_start3A_438] : memref<2x6272xi32, #tpu.memory_space<vmem>> -> memref<1x6272xi32, #tpu.memory_space<vmem>>
        %dma_start3A_440 = tpu.memref_squeeze %dma_start3A_439 : memref<1x6272xi32, #tpu.memory_space<vmem>> -> memref<6272xi32, #tpu.memory_space<vmem>>
        %dma_start3A_441 = tpu.memref_slice %arg5[%add3A_432] : memref<1605632xi32, #tpu.memory_space<hbm>> -> memref<6272xi32, #tpu.memory_space<hbm>>
        tpu.enqueue_dma source(%dma_start3A_441 : memref<6272xi32, #tpu.memory_space<hbm>>) target(%dma_start3A_440 : memref<6272xi32, #tpu.memory_space<vmem>>) target_semaphore(%arg13 : memref<!tpu.dma_semaphore, #tpu.memory_space<semaphore_mem>>)
        %add3A_442 = arith.constant 2 : i32
        %add3A_443 = arith.addi %add3A_161, %add3A_442 : i32
        %mul3A_444 = arith.constant 50176 : i32
        %mul3A_445 = arith.muli %add3A, %mul3A_444 : i32
        %mul3A_446 = arith.constant 6272 : i32
        %mul3A_447 = arith.muli %add3A_443, %mul3A_446 : i32
        %add3A_448 = arith.addi %mul3A_445, %mul3A_447 : i32
        %dma_start3A_449 = arith.constant 0 : i32
        %dma_start3A_450 = arith.constant 0 : i32
        %dma_start3A_451 = arith.constant 0 : i32
        %dma_start3A_452 = tpu.memref_slice %arg12[%dma_start3A_449, %dma_start3A_450, %dma_start3A_451] : memref<2x3x6272xf32, #tpu.memory_space<vmem>> -> memref<1x1x6272xf32, #tpu.memory_space<vmem>>
        %dma_start3A_453 = tpu.memref_squeeze %dma_start3A_452 : memref<1x1x6272xf32, #tpu.memory_space<vmem>> -> memref<6272xf32, #tpu.memory_space<vmem>>
        %dma_start3A_454 = tpu.memref_slice %arg2[%add3A_448] : memref<1605632xf32, #tpu.memory_space<hbm>> -> memref<6272xf32, #tpu.memory_space<hbm>>
        %dma_start3A_455 = arith.constant 0 : i32
        %dma_start3A_456 = tpu.memref_slice %arg12[%dma_start3A_449, %dma_start3A_450, %dma_start3A_455] : memref<2x3x6272xf32, #tpu.memory_space<vmem>> -> memref<1x1x6272xf32, #tpu.memory_space<vmem>>
        %dma_start3A_457 = tpu.memref_squeeze %dma_start3A_456 : memref<1x1x6272xf32, #tpu.memory_space<vmem>> -> memref<6272xf32, #tpu.memory_space<vmem>>
        %dma_start3A_458 = tpu.memref_slice %arg2[%add3A_448] : memref<1605632xf32, #tpu.memory_space<hbm>> -> memref<6272xf32, #tpu.memory_space<hbm>>
        tpu.enqueue_dma source(%dma_start3A_458 : memref<6272xf32, #tpu.memory_space<hbm>>) target(%dma_start3A_457 : memref<6272xf32, #tpu.memory_space<vmem>>) target_semaphore(%arg15 : memref<!tpu.dma_semaphore, #tpu.memory_space<semaphore_mem>>)
        %add3A_459 = arith.constant 2 : i32
        %add3A_460 = arith.addi %add3A_161, %add3A_459 : i32
        %mul3A_461 = arith.constant 50176 : i32
        %mul3A_462 = arith.muli %add3A, %mul3A_461 : i32
        %mul3A_463 = arith.constant 6272 : i32
        %mul3A_464 = arith.muli %add3A_460, %mul3A_463 : i32
        %add3A_465 = arith.addi %mul3A_462, %mul3A_464 : i32
        %dma_start3A_466 = arith.constant 0 : i32
        %dma_start3A_467 = arith.constant 1 : i32
        %dma_start3A_468 = arith.constant 0 : i32
        %dma_start3A_469 = tpu.memref_slice %arg12[%dma_start3A_466, %dma_start3A_467, %dma_start3A_468] : memref<2x3x6272xf32, #tpu.memory_space<vmem>> -> memref<1x1x6272xf32, #tpu.memory_space<vmem>>
        %dma_start3A_470 = tpu.memref_squeeze %dma_start3A_469 : memref<1x1x6272xf32, #tpu.memory_space<vmem>> -> memref<6272xf32, #tpu.memory_space<vmem>>
        %dma_start3A_471 = tpu.memref_slice %arg3[%add3A_465] : memref<1605632xf32, #tpu.memory_space<hbm>> -> memref<6272xf32, #tpu.memory_space<hbm>>
        %dma_start3A_472 = arith.constant 0 : i32
        %dma_start3A_473 = tpu.memref_slice %arg12[%dma_start3A_466, %dma_start3A_467, %dma_start3A_472] : memref<2x3x6272xf32, #tpu.memory_space<vmem>> -> memref<1x1x6272xf32, #tpu.memory_space<vmem>>
        %dma_start3A_474 = tpu.memref_squeeze %dma_start3A_473 : memref<1x1x6272xf32, #tpu.memory_space<vmem>> -> memref<6272xf32, #tpu.memory_space<vmem>>
        %dma_start3A_475 = tpu.memref_slice %arg3[%add3A_465] : memref<1605632xf32, #tpu.memory_space<hbm>> -> memref<6272xf32, #tpu.memory_space<hbm>>
        tpu.enqueue_dma source(%dma_start3A_475 : memref<6272xf32, #tpu.memory_space<hbm>>) target(%dma_start3A_474 : memref<6272xf32, #tpu.memory_space<vmem>>) target_semaphore(%arg15 : memref<!tpu.dma_semaphore, #tpu.memory_space<semaphore_mem>>)
        %add3A_476 = arith.constant 2 : i32
        %add3A_477 = arith.addi %add3A_161, %add3A_476 : i32
        %mul3A_478 = arith.constant 50176 : i32
        %mul3A_479 = arith.muli %add3A, %mul3A_478 : i32
        %mul3A_480 = arith.constant 6272 : i32
        %mul3A_481 = arith.muli %add3A_477, %mul3A_480 : i32
        %add3A_482 = arith.addi %mul3A_479, %mul3A_481 : i32
        %dma_start3A_483 = arith.constant 0 : i32
        %dma_start3A_484 = arith.constant 2 : i32
        %dma_start3A_485 = arith.constant 0 : i32
        %dma_start3A_486 = tpu.memref_slice %arg12[%dma_start3A_483, %dma_start3A_484, %dma_start3A_485] : memref<2x3x6272xf32, #tpu.memory_space<vmem>> -> memref<1x1x6272xf32, #tpu.memory_space<vmem>>
        %dma_start3A_487 = tpu.memref_squeeze %dma_start3A_486 : memref<1x1x6272xf32, #tpu.memory_space<vmem>> -> memref<6272xf32, #tpu.memory_space<vmem>>
        %dma_start3A_488 = tpu.memref_slice %arg4[%add3A_482] : memref<1605632xf32, #tpu.memory_space<hbm>> -> memref<6272xf32, #tpu.memory_space<hbm>>
        %dma_start3A_489 = arith.constant 0 : i32
        %dma_start3A_490 = tpu.memref_slice %arg12[%dma_start3A_483, %dma_start3A_484, %dma_start3A_489] : memref<2x3x6272xf32, #tpu.memory_space<vmem>> -> memref<1x1x6272xf32, #tpu.memory_space<vmem>>
        %dma_start3A_491 = tpu.memref_squeeze %dma_start3A_490 : memref<1x1x6272xf32, #tpu.memory_space<vmem>> -> memref<6272xf32, #tpu.memory_space<vmem>>
        %dma_start3A_492 = tpu.memref_slice %arg4[%add3A_482] : memref<1605632xf32, #tpu.memory_space<hbm>> -> memref<6272xf32, #tpu.memory_space<hbm>>
        tpu.enqueue_dma source(%dma_start3A_492 : memref<6272xf32, #tpu.memory_space<hbm>>) target(%dma_start3A_491 : memref<6272xf32, #tpu.memory_space<vmem>>) target_semaphore(%arg15 : memref<!tpu.dma_semaphore, #tpu.memory_space<semaphore_mem>>)
      } else {
      }
      %mul3A_290 = arith.constant 2 : i32
      %mul3A_291 = arith.muli %mul3A_290, %add3A_157 : i32
      %add3A_292 = arith.constant 1 : i32
      %add3A_293 = arith.addi %mul3A_291, %add3A_292 : i32
      %mul3A_294 = arith.constant 50176 : i32
      %mul3A_295 = arith.muli %add3A, %mul3A_294 : i32
      %mul3A_296 = arith.constant 6272 : i32
      %mul3A_297 = arith.muli %add3A_293, %mul3A_296 : i32
      %add3A_298 = arith.addi %mul3A_295, %mul3A_297 : i32
      %dma_wait3A_299 = arith.constant 1 : i32
      %dma_wait3A_300 = arith.constant 0 : i32
      %dma_wait3A_301 = tpu.memref_slice %arg11[%dma_wait3A_299, %dma_wait3A_300] : memref<2x6272xi32, #tpu.memory_space<vmem>> -> memref<1x6272xi32, #tpu.memory_space<vmem>>
      %dma_wait3A_302 = tpu.memref_squeeze %dma_wait3A_301 : memref<1x6272xi32, #tpu.memory_space<vmem>> -> memref<6272xi32, #tpu.memory_space<vmem>>
      %dma_wait3A_303 = tpu.memref_slice %arg5[%add3A_298] : memref<1605632xi32, #tpu.memory_space<hbm>> -> memref<6272xi32, #tpu.memory_space<hbm>>
      %dma_wait3A_304 = arith.constant 0 : i32
      %dma_wait3A_305 = tpu.memref_slice %arg11[%dma_wait3A_299, %dma_wait3A_304] : memref<2x6272xi32, #tpu.memory_space<vmem>> -> memref<1x6272xi32, #tpu.memory_space<vmem>>
      %dma_wait3A_306 = tpu.memref_squeeze %dma_wait3A_305 : memref<1x6272xi32, #tpu.memory_space<vmem>> -> memref<6272xi32, #tpu.memory_space<vmem>>
      %dma_wait3A_307 = tpu.memref_slice %arg5[%add3A_298] : memref<1605632xi32, #tpu.memory_space<hbm>> -> memref<6272xi32, #tpu.memory_space<hbm>>
      tpu.wait_dma2 semaphore(%arg14 : memref<!tpu.dma_semaphore, #tpu.memory_space<semaphore_mem>>) src(%dma_wait3A_307 : memref<6272xi32, #tpu.memory_space<hbm>>) dst(%dma_wait3A_306 : memref<6272xi32, #tpu.memory_space<vmem>>)
      %mul3A_308 = arith.constant 50176 : i32
      %mul3A_309 = arith.muli %add3A, %mul3A_308 : i32
      %mul3A_310 = arith.constant 6272 : i32
      %mul3A_311 = arith.muli %add3A_293, %mul3A_310 : i32
      %add3A_312 = arith.addi %mul3A_309, %mul3A_311 : i32
      %dma_wait3A_313 = arith.constant 1 : i32
      %dma_wait3A_314 = arith.constant 0 : i32
      %dma_wait3A_315 = arith.constant 0 : i32
      %dma_wait3A_316 = tpu.memref_slice %arg12[%dma_wait3A_313, %dma_wait3A_314, %dma_wait3A_315] : memref<2x3x6272xf32, #tpu.memory_space<vmem>> -> memref<1x1x6272xf32, #tpu.memory_space<vmem>>
      %dma_wait3A_317 = tpu.memref_squeeze %dma_wait3A_316 : memref<1x1x6272xf32, #tpu.memory_space<vmem>> -> memref<6272xf32, #tpu.memory_space<vmem>>
      %dma_wait3A_318 = tpu.memref_slice %arg2[%add3A_312] : memref<1605632xf32, #tpu.memory_space<hbm>> -> memref<6272xf32, #tpu.memory_space<hbm>>
      %dma_wait3A_319 = arith.constant 0 : i32
      %dma_wait3A_320 = tpu.memref_slice %arg12[%dma_wait3A_313, %dma_wait3A_314, %dma_wait3A_319] : memref<2x3x6272xf32, #tpu.memory_space<vmem>> -> memref<1x1x6272xf32, #tpu.memory_space<vmem>>
      %dma_wait3A_321 = tpu.memref_squeeze %dma_wait3A_320 : memref<1x1x6272xf32, #tpu.memory_space<vmem>> -> memref<6272xf32, #tpu.memory_space<vmem>>
      %dma_wait3A_322 = tpu.memref_slice %arg2[%add3A_312] : memref<1605632xf32, #tpu.memory_space<hbm>> -> memref<6272xf32, #tpu.memory_space<hbm>>
      tpu.wait_dma2 semaphore(%arg16 : memref<!tpu.dma_semaphore, #tpu.memory_space<semaphore_mem>>) src(%dma_wait3A_322 : memref<6272xf32, #tpu.memory_space<hbm>>) dst(%dma_wait3A_321 : memref<6272xf32, #tpu.memory_space<vmem>>)
      %mul3A_323 = arith.constant 50176 : i32
      %mul3A_324 = arith.muli %add3A, %mul3A_323 : i32
      %mul3A_325 = arith.constant 6272 : i32
      %mul3A_326 = arith.muli %add3A_293, %mul3A_325 : i32
      %add3A_327 = arith.addi %mul3A_324, %mul3A_326 : i32
      %dma_wait3A_328 = arith.constant 1 : i32
      %dma_wait3A_329 = arith.constant 1 : i32
      %dma_wait3A_330 = arith.constant 0 : i32
      %dma_wait3A_331 = tpu.memref_slice %arg12[%dma_wait3A_328, %dma_wait3A_329, %dma_wait3A_330] : memref<2x3x6272xf32, #tpu.memory_space<vmem>> -> memref<1x1x6272xf32, #tpu.memory_space<vmem>>
      %dma_wait3A_332 = tpu.memref_squeeze %dma_wait3A_331 : memref<1x1x6272xf32, #tpu.memory_space<vmem>> -> memref<6272xf32, #tpu.memory_space<vmem>>
      %dma_wait3A_333 = tpu.memref_slice %arg3[%add3A_327] : memref<1605632xf32, #tpu.memory_space<hbm>> -> memref<6272xf32, #tpu.memory_space<hbm>>
      %dma_wait3A_334 = arith.constant 0 : i32
      %dma_wait3A_335 = tpu.memref_slice %arg12[%dma_wait3A_328, %dma_wait3A_329, %dma_wait3A_334] : memref<2x3x6272xf32, #tpu.memory_space<vmem>> -> memref<1x1x6272xf32, #tpu.memory_space<vmem>>
      %dma_wait3A_336 = tpu.memref_squeeze %dma_wait3A_335 : memref<1x1x6272xf32, #tpu.memory_space<vmem>> -> memref<6272xf32, #tpu.memory_space<vmem>>
      %dma_wait3A_337 = tpu.memref_slice %arg3[%add3A_327] : memref<1605632xf32, #tpu.memory_space<hbm>> -> memref<6272xf32, #tpu.memory_space<hbm>>
      tpu.wait_dma2 semaphore(%arg16 : memref<!tpu.dma_semaphore, #tpu.memory_space<semaphore_mem>>) src(%dma_wait3A_337 : memref<6272xf32, #tpu.memory_space<hbm>>) dst(%dma_wait3A_336 : memref<6272xf32, #tpu.memory_space<vmem>>)
      %mul3A_338 = arith.constant 50176 : i32
      %mul3A_339 = arith.muli %add3A, %mul3A_338 : i32
      %mul3A_340 = arith.constant 6272 : i32
      %mul3A_341 = arith.muli %add3A_293, %mul3A_340 : i32
      %add3A_342 = arith.addi %mul3A_339, %mul3A_341 : i32
      %dma_wait3A_343 = arith.constant 1 : i32
      %dma_wait3A_344 = arith.constant 2 : i32
      %dma_wait3A_345 = arith.constant 0 : i32
      %dma_wait3A_346 = tpu.memref_slice %arg12[%dma_wait3A_343, %dma_wait3A_344, %dma_wait3A_345] : memref<2x3x6272xf32, #tpu.memory_space<vmem>> -> memref<1x1x6272xf32, #tpu.memory_space<vmem>>
      %dma_wait3A_347 = tpu.memref_squeeze %dma_wait3A_346 : memref<1x1x6272xf32, #tpu.memory_space<vmem>> -> memref<6272xf32, #tpu.memory_space<vmem>>
      %dma_wait3A_348 = tpu.memref_slice %arg4[%add3A_342] : memref<1605632xf32, #tpu.memory_space<hbm>> -> memref<6272xf32, #tpu.memory_space<hbm>>
      %dma_wait3A_349 = arith.constant 0 : i32
      %dma_wait3A_350 = tpu.memref_slice %arg12[%dma_wait3A_343, %dma_wait3A_344, %dma_wait3A_349] : memref<2x3x6272xf32, #tpu.memory_space<vmem>> -> memref<1x1x6272xf32, #tpu.memory_space<vmem>>
      %dma_wait3A_351 = tpu.memref_squeeze %dma_wait3A_350 : memref<1x1x6272xf32, #tpu.memory_space<vmem>> -> memref<6272xf32, #tpu.memory_space<vmem>>
      %dma_wait3A_352 = tpu.memref_slice %arg4[%add3A_342] : memref<1605632xf32, #tpu.memory_space<hbm>> -> memref<6272xf32, #tpu.memory_space<hbm>>
      tpu.wait_dma2 semaphore(%arg16 : memref<!tpu.dma_semaphore, #tpu.memory_space<semaphore_mem>>) src(%dma_wait3A_352 : memref<6272xf32, #tpu.memory_space<hbm>>) dst(%dma_wait3A_351 : memref<6272xf32, #tpu.memory_space<vmem>>)
      %dma_start3A_353 = arith.constant 1 : i32
      %dma_start3A_354 = arith.constant 0 : i32
      %dma_start3A_355 = arith.constant 1 : i32
      %dma_start3A_356 = arith.constant 0 : i32
      %dma_start3A_357 = tpu.memref_slice %arg12[%dma_start3A_353, %dma_start3A_354, %dma_start3A_356] : memref<2x3x6272xf32, #tpu.memory_space<vmem>> -> memref<1x1x6272xf32, #tpu.memory_space<vmem>>
      %dma_start3A_358 = tpu.memref_squeeze %dma_start3A_357 : memref<1x1x6272xf32, #tpu.memory_space<vmem>> -> memref<6272xf32, #tpu.memory_space<vmem>>
      %dma_start3A_359 = arith.constant 0 : i32
      %dma_start3A_360 = tpu.memref_slice %arg11[%dma_start3A_355, %dma_start3A_359] : memref<2x6272xi32, #tpu.memory_space<vmem>> -> memref<1x6272xi32, #tpu.memory_space<vmem>>
      %dma_start3A_361 = tpu.memref_squeeze %dma_start3A_360 : memref<1x6272xi32, #tpu.memory_space<vmem>> -> memref<6272xi32, #tpu.memory_space<vmem>>
      %dma_start3A_362 = arith.constant 0 : i32
      %dma_start3A_363 = tpu.memref_slice %arg8[%dma_start3A_362] : memref<100352xf32, #tpu.memory_space<vmem_shared>> -> memref<100352xf32, #tpu.memory_space<vmem_shared>>
      tpu.enqueue_indirect_dma source(%dma_start3A_358 : memref<6272xf32, #tpu.memory_space<vmem>>) target(%dma_start3A_363 : memref<100352xf32, #tpu.memory_space<vmem_shared>>) offsets(%dma_start3A_361 : memref<6272xi32, #tpu.memory_space<vmem>>) semaphore(%arg17 : memref<!tpu.dma_semaphore, #tpu.memory_space<semaphore_mem>>) {add = true}
      %dma_start3A_364 = arith.constant 1 : i32
      %dma_start3A_365 = arith.constant 1 : i32
      %dma_start3A_366 = arith.constant 1 : i32
      %dma_start3A_367 = arith.constant 0 : i32
      %dma_start3A_368 = tpu.memref_slice %arg12[%dma_start3A_364, %dma_start3A_365, %dma_start3A_367] : memref<2x3x6272xf32, #tpu.memory_space<vmem>> -> memref<1x1x6272xf32, #tpu.memory_space<vmem>>
      %dma_start3A_369 = tpu.memref_squeeze %dma_start3A_368 : memref<1x1x6272xf32, #tpu.memory_space<vmem>> -> memref<6272xf32, #tpu.memory_space<vmem>>
      %dma_start3A_370 = arith.constant 0 : i32
      %dma_start3A_371 = tpu.memref_slice %arg11[%dma_start3A_366, %dma_start3A_370] : memref<2x6272xi32, #tpu.memory_space<vmem>> -> memref<1x6272xi32, #tpu.memory_space<vmem>>
      %dma_start3A_372 = tpu.memref_squeeze %dma_start3A_371 : memref<1x6272xi32, #tpu.memory_space<vmem>> -> memref<6272xi32, #tpu.memory_space<vmem>>
      %dma_start3A_373 = arith.constant 0 : i32
      %dma_start3A_374 = tpu.memref_slice %arg9[%dma_start3A_373] : memref<100352xf32, #tpu.memory_space<vmem_shared>> -> memref<100352xf32, #tpu.memory_space<vmem_shared>>
      tpu.enqueue_indirect_dma source(%dma_start3A_369 : memref<6272xf32, #tpu.memory_space<vmem>>) target(%dma_start3A_374 : memref<100352xf32, #tpu.memory_space<vmem_shared>>) offsets(%dma_start3A_372 : memref<6272xi32, #tpu.memory_space<vmem>>) semaphore(%arg17 : memref<!tpu.dma_semaphore, #tpu.memory_space<semaphore_mem>>) {add = true}
      %dma_start3A_375 = arith.constant 1 : i32
      %dma_start3A_376 = arith.constant 2 : i32
      %dma_start3A_377 = arith.constant 1 : i32
      %dma_start3A_378 = arith.constant 0 : i32
      %dma_start3A_379 = tpu.memref_slice %arg12[%dma_start3A_375, %dma_start3A_376, %dma_start3A_378] : memref<2x3x6272xf32, #tpu.memory_space<vmem>> -> memref<1x1x6272xf32, #tpu.memory_space<vmem>>
      %dma_start3A_380 = tpu.memref_squeeze %dma_start3A_379 : memref<1x1x6272xf32, #tpu.memory_space<vmem>> -> memref<6272xf32, #tpu.memory_space<vmem>>
      %dma_start3A_381 = arith.constant 0 : i32
      %dma_start3A_382 = tpu.memref_slice %arg11[%dma_start3A_377, %dma_start3A_381] : memref<2x6272xi32, #tpu.memory_space<vmem>> -> memref<1x6272xi32, #tpu.memory_space<vmem>>
      %dma_start3A_383 = tpu.memref_squeeze %dma_start3A_382 : memref<1x6272xi32, #tpu.memory_space<vmem>> -> memref<6272xi32, #tpu.memory_space<vmem>>
      %dma_start3A_384 = arith.constant 0 : i32
      %dma_start3A_385 = tpu.memref_slice %arg10[%dma_start3A_384] : memref<100352xf32, #tpu.memory_space<vmem_shared>> -> memref<100352xf32, #tpu.memory_space<vmem_shared>>
      tpu.enqueue_indirect_dma source(%dma_start3A_380 : memref<6272xf32, #tpu.memory_space<vmem>>) target(%dma_start3A_385 : memref<100352xf32, #tpu.memory_space<vmem_shared>>) offsets(%dma_start3A_383 : memref<6272xi32, #tpu.memory_space<vmem>>) semaphore(%arg17 : memref<!tpu.dma_semaphore, #tpu.memory_space<semaphore_mem>>) {add = true}
      %dma_wait3A_386 = arith.constant 1 : i32
      %dma_wait3A_387 = arith.constant 0 : i32
      %dma_wait3A_388 = arith.constant 1 : i32
      %dma_wait3A_389 = arith.constant 0 : i32
      %dma_wait3A_390 = tpu.memref_slice %arg12[%dma_wait3A_386, %dma_wait3A_387, %dma_wait3A_389] : memref<2x3x6272xf32, #tpu.memory_space<vmem>> -> memref<1x1x6272xf32, #tpu.memory_space<vmem>>
      %dma_wait3A_391 = tpu.memref_squeeze %dma_wait3A_390 : memref<1x1x6272xf32, #tpu.memory_space<vmem>> -> memref<6272xf32, #tpu.memory_space<vmem>>
      %dma_wait3A_392 = arith.constant 0 : i32
      %dma_wait3A_393 = tpu.memref_slice %arg11[%dma_wait3A_388, %dma_wait3A_392] : memref<2x6272xi32, #tpu.memory_space<vmem>> -> memref<1x6272xi32, #tpu.memory_space<vmem>>
      %dma_wait3A_394 = tpu.memref_squeeze %dma_wait3A_393 : memref<1x6272xi32, #tpu.memory_space<vmem>> -> memref<6272xi32, #tpu.memory_space<vmem>>
      %dma_wait3A_395 = arith.constant 0 : i32
      %dma_wait3A_396 = tpu.memref_slice %arg8[%dma_wait3A_395] : memref<100352xf32, #tpu.memory_space<vmem_shared>> -> memref<100352xf32, #tpu.memory_space<vmem_shared>>
      tpu.wait_indirect_dma semaphore(%arg17 : memref<!tpu.dma_semaphore, #tpu.memory_space<semaphore_mem>>) src(%dma_wait3A_391 : memref<6272xf32, #tpu.memory_space<vmem>>) dst(%dma_wait3A_396 : memref<100352xf32, #tpu.memory_space<vmem_shared>>)
      %dma_wait3A_397 = arith.constant 1 : i32
      %dma_wait3A_398 = arith.constant 1 : i32
      %dma_wait3A_399 = arith.constant 1 : i32
      %dma_wait3A_400 = arith.constant 0 : i32
      %dma_wait3A_401 = tpu.memref_slice %arg12[%dma_wait3A_397, %dma_wait3A_398, %dma_wait3A_400] : memref<2x3x6272xf32, #tpu.memory_space<vmem>> -> memref<1x1x6272xf32, #tpu.memory_space<vmem>>
      %dma_wait3A_402 = tpu.memref_squeeze %dma_wait3A_401 : memref<1x1x6272xf32, #tpu.memory_space<vmem>> -> memref<6272xf32, #tpu.memory_space<vmem>>
      %dma_wait3A_403 = arith.constant 0 : i32
      %dma_wait3A_404 = tpu.memref_slice %arg11[%dma_wait3A_399, %dma_wait3A_403] : memref<2x6272xi32, #tpu.memory_space<vmem>> -> memref<1x6272xi32, #tpu.memory_space<vmem>>
      %dma_wait3A_405 = tpu.memref_squeeze %dma_wait3A_404 : memref<1x6272xi32, #tpu.memory_space<vmem>> -> memref<6272xi32, #tpu.memory_space<vmem>>
      %dma_wait3A_406 = arith.constant 0 : i32
      %dma_wait3A_407 = tpu.memref_slice %arg9[%dma_wait3A_406] : memref<100352xf32, #tpu.memory_space<vmem_shared>> -> memref<100352xf32, #tpu.memory_space<vmem_shared>>
      tpu.wait_indirect_dma semaphore(%arg17 : memref<!tpu.dma_semaphore, #tpu.memory_space<semaphore_mem>>) src(%dma_wait3A_402 : memref<6272xf32, #tpu.memory_space<vmem>>) dst(%dma_wait3A_407 : memref<100352xf32, #tpu.memory_space<vmem_shared>>)
      %dma_wait3A_408 = arith.constant 1 : i32
      %dma_wait3A_409 = arith.constant 2 : i32
      %dma_wait3A_410 = arith.constant 1 : i32
      %dma_wait3A_411 = arith.constant 0 : i32
      %dma_wait3A_412 = tpu.memref_slice %arg12[%dma_wait3A_408, %dma_wait3A_409, %dma_wait3A_411] : memref<2x3x6272xf32, #tpu.memory_space<vmem>> -> memref<1x1x6272xf32, #tpu.memory_space<vmem>>
      %dma_wait3A_413 = tpu.memref_squeeze %dma_wait3A_412 : memref<1x1x6272xf32, #tpu.memory_space<vmem>> -> memref<6272xf32, #tpu.memory_space<vmem>>
      %dma_wait3A_414 = arith.constant 0 : i32
      %dma_wait3A_415 = tpu.memref_slice %arg11[%dma_wait3A_410, %dma_wait3A_414] : memref<2x6272xi32, #tpu.memory_space<vmem>> -> memref<1x6272xi32, #tpu.memory_space<vmem>>
      %dma_wait3A_416 = tpu.memref_squeeze %dma_wait3A_415 : memref<1x6272xi32, #tpu.memory_space<vmem>> -> memref<6272xi32, #tpu.memory_space<vmem>>
      %dma_wait3A_417 = arith.constant 0 : i32
      %dma_wait3A_418 = tpu.memref_slice %arg10[%dma_wait3A_417] : memref<100352xf32, #tpu.memory_space<vmem_shared>> -> memref<100352xf32, #tpu.memory_space<vmem_shared>>
      tpu.wait_indirect_dma semaphore(%arg17 : memref<!tpu.dma_semaphore, #tpu.memory_space<semaphore_mem>>) src(%dma_wait3A_413 : memref<6272xf32, #tpu.memory_space<vmem>>) dst(%dma_wait3A_418 : memref<100352xf32, #tpu.memory_space<vmem_shared>>)
      %add3A_419 = arith.constant 2 : i32
      %add3A_420 = arith.addi %add3A_293, %add3A_419 : i32
      %lt3A_421 = arith.constant 8 : i32
      %lt3A_422 = arith.cmpi slt, %add3A_420, %lt3A_421 : i32
      %convert_element_type3A_423 = arith.extui %lt3A_422 : i1 to i32
      %cond3A_424 = arith.constant 0 : i32
      %cond3A_425 = arith.cmpi ne, %convert_element_type3A_423, %cond3A_424 : i32
      scf.if %cond3A_425 {
        %add3A_426 = arith.constant 2 : i32
        %add3A_427 = arith.addi %add3A_293, %add3A_426 : i32
        %mul3A_428 = arith.constant 50176 : i32
        %mul3A_429 = arith.muli %add3A, %mul3A_428 : i32
        %mul3A_430 = arith.constant 6272 : i32
        %mul3A_431 = arith.muli %add3A_427, %mul3A_430 : i32
        %add3A_432 = arith.addi %mul3A_429, %mul3A_431 : i32
        %dma_start3A_433 = arith.constant 1 : i32
        %dma_start3A_434 = arith.constant 0 : i32
        %dma_start3A_435 = tpu.memref_slice %arg11[%dma_start3A_433, %dma_start3A_434] : memref<2x6272xi32, #tpu.memory_space<vmem>> -> memref<1x6272xi32, #tpu.memory_space<vmem>>
        %dma_start3A_436 = tpu.memref_squeeze %dma_start3A_435 : memref<1x6272xi32, #tpu.memory_space<vmem>> -> memref<6272xi32, #tpu.memory_space<vmem>>
        %dma_start3A_437 = tpu.memref_slice %arg5[%add3A_432] : memref<1605632xi32, #tpu.memory_space<hbm>> -> memref<6272xi32, #tpu.memory_space<hbm>>
        %dma_start3A_438 = arith.constant 0 : i32
        %dma_start3A_439 = tpu.memref_slice %arg11[%dma_start3A_433, %dma_start3A_438] : memref<2x6272xi32, #tpu.memory_space<vmem>> -> memref<1x6272xi32, #tpu.memory_space<vmem>>
        %dma_start3A_440 = tpu.memref_squeeze %dma_start3A_439 : memref<1x6272xi32, #tpu.memory_space<vmem>> -> memref<6272xi32, #tpu.memory_space<vmem>>
        %dma_start3A_441 = tpu.memref_slice %arg5[%add3A_432] : memref<1605632xi32, #tpu.memory_space<hbm>> -> memref<6272xi32, #tpu.memory_space<hbm>>
        tpu.enqueue_dma source(%dma_start3A_441 : memref<6272xi32, #tpu.memory_space<hbm>>) target(%dma_start3A_440 : memref<6272xi32, #tpu.memory_space<vmem>>) target_semaphore(%arg14 : memref<!tpu.dma_semaphore, #tpu.memory_space<semaphore_mem>>)
        %add3A_442 = arith.constant 2 : i32
        %add3A_443 = arith.addi %add3A_293, %add3A_442 : i32
        %mul3A_444 = arith.constant 50176 : i32
        %mul3A_445 = arith.muli %add3A, %mul3A_444 : i32
        %mul3A_446 = arith.constant 6272 : i32
        %mul3A_447 = arith.muli %add3A_443, %mul3A_446 : i32
        %add3A_448 = arith.addi %mul3A_445, %mul3A_447 : i32
        %dma_start3A_449 = arith.constant 1 : i32
        %dma_start3A_450 = arith.constant 0 : i32
        %dma_start3A_451 = arith.constant 0 : i32
        %dma_start3A_452 = tpu.memref_slice %arg12[%dma_start3A_449, %dma_start3A_450, %dma_start3A_451] : memref<2x3x6272xf32, #tpu.memory_space<vmem>> -> memref<1x1x6272xf32, #tpu.memory_space<vmem>>
        %dma_start3A_453 = tpu.memref_squeeze %dma_start3A_452 : memref<1x1x6272xf32, #tpu.memory_space<vmem>> -> memref<6272xf32, #tpu.memory_space<vmem>>
        %dma_start3A_454 = tpu.memref_slice %arg2[%add3A_448] : memref<1605632xf32, #tpu.memory_space<hbm>> -> memref<6272xf32, #tpu.memory_space<hbm>>
        %dma_start3A_455 = arith.constant 0 : i32
        %dma_start3A_456 = tpu.memref_slice %arg12[%dma_start3A_449, %dma_start3A_450, %dma_start3A_455] : memref<2x3x6272xf32, #tpu.memory_space<vmem>> -> memref<1x1x6272xf32, #tpu.memory_space<vmem>>
        %dma_start3A_457 = tpu.memref_squeeze %dma_start3A_456 : memref<1x1x6272xf32, #tpu.memory_space<vmem>> -> memref<6272xf32, #tpu.memory_space<vmem>>
        %dma_start3A_458 = tpu.memref_slice %arg2[%add3A_448] : memref<1605632xf32, #tpu.memory_space<hbm>> -> memref<6272xf32, #tpu.memory_space<hbm>>
        tpu.enqueue_dma source(%dma_start3A_458 : memref<6272xf32, #tpu.memory_space<hbm>>) target(%dma_start3A_457 : memref<6272xf32, #tpu.memory_space<vmem>>) target_semaphore(%arg16 : memref<!tpu.dma_semaphore, #tpu.memory_space<semaphore_mem>>)
        %add3A_459 = arith.constant 2 : i32
        %add3A_460 = arith.addi %add3A_293, %add3A_459 : i32
        %mul3A_461 = arith.constant 50176 : i32
        %mul3A_462 = arith.muli %add3A, %mul3A_461 : i32
        %mul3A_463 = arith.constant 6272 : i32
        %mul3A_464 = arith.muli %add3A_460, %mul3A_463 : i32
        %add3A_465 = arith.addi %mul3A_462, %mul3A_464 : i32
        %dma_start3A_466 = arith.constant 1 : i32
        %dma_start3A_467 = arith.constant 1 : i32
        %dma_start3A_468 = arith.constant 0 : i32
        %dma_start3A_469 = tpu.memref_slice %arg12[%dma_start3A_466, %dma_start3A_467, %dma_start3A_468] : memref<2x3x6272xf32, #tpu.memory_space<vmem>> -> memref<1x1x6272xf32, #tpu.memory_space<vmem>>
        %dma_start3A_470 = tpu.memref_squeeze %dma_start3A_469 : memref<1x1x6272xf32, #tpu.memory_space<vmem>> -> memref<6272xf32, #tpu.memory_space<vmem>>
        %dma_start3A_471 = tpu.memref_slice %arg3[%add3A_465] : memref<1605632xf32, #tpu.memory_space<hbm>> -> memref<6272xf32, #tpu.memory_space<hbm>>
        %dma_start3A_472 = arith.constant 0 : i32
        %dma_start3A_473 = tpu.memref_slice %arg12[%dma_start3A_466, %dma_start3A_467, %dma_start3A_472] : memref<2x3x6272xf32, #tpu.memory_space<vmem>> -> memref<1x1x6272xf32, #tpu.memory_space<vmem>>
        %dma_start3A_474 = tpu.memref_squeeze %dma_start3A_473 : memref<1x1x6272xf32, #tpu.memory_space<vmem>> -> memref<6272xf32, #tpu.memory_space<vmem>>
        %dma_start3A_475 = tpu.memref_slice %arg3[%add3A_465] : memref<1605632xf32, #tpu.memory_space<hbm>> -> memref<6272xf32, #tpu.memory_space<hbm>>
        tpu.enqueue_dma source(%dma_start3A_475 : memref<6272xf32, #tpu.memory_space<hbm>>) target(%dma_start3A_474 : memref<6272xf32, #tpu.memory_space<vmem>>) target_semaphore(%arg16 : memref<!tpu.dma_semaphore, #tpu.memory_space<semaphore_mem>>)
        %add3A_476 = arith.constant 2 : i32
        %add3A_477 = arith.addi %add3A_293, %add3A_476 : i32
        %mul3A_478 = arith.constant 50176 : i32
        %mul3A_479 = arith.muli %add3A, %mul3A_478 : i32
        %mul3A_480 = arith.constant 6272 : i32
        %mul3A_481 = arith.muli %add3A_477, %mul3A_480 : i32
        %add3A_482 = arith.addi %mul3A_479, %mul3A_481 : i32
        %dma_start3A_483 = arith.constant 1 : i32
        %dma_start3A_484 = arith.constant 2 : i32
        %dma_start3A_485 = arith.constant 0 : i32
        %dma_start3A_486 = tpu.memref_slice %arg12[%dma_start3A_483, %dma_start3A_484, %dma_start3A_485] : memref<2x3x6272xf32, #tpu.memory_space<vmem>> -> memref<1x1x6272xf32, #tpu.memory_space<vmem>>
        %dma_start3A_487 = tpu.memref_squeeze %dma_start3A_486 : memref<1x1x6272xf32, #tpu.memory_space<vmem>> -> memref<6272xf32, #tpu.memory_space<vmem>>
        %dma_start3A_488 = tpu.memref_slice %arg4[%add3A_482] : memref<1605632xf32, #tpu.memory_space<hbm>> -> memref<6272xf32, #tpu.memory_space<hbm>>
        %dma_start3A_489 = arith.constant 0 : i32
        %dma_start3A_490 = tpu.memref_slice %arg12[%dma_start3A_483, %dma_start3A_484, %dma_start3A_489] : memref<2x3x6272xf32, #tpu.memory_space<vmem>> -> memref<1x1x6272xf32, #tpu.memory_space<vmem>>
        %dma_start3A_491 = tpu.memref_squeeze %dma_start3A_490 : memref<1x1x6272xf32, #tpu.memory_space<vmem>> -> memref<6272xf32, #tpu.memory_space<vmem>>
        %dma_start3A_492 = tpu.memref_slice %arg4[%add3A_482] : memref<1605632xf32, #tpu.memory_space<hbm>> -> memref<6272xf32, #tpu.memory_space<hbm>>
        tpu.enqueue_dma source(%dma_start3A_492 : memref<6272xf32, #tpu.memory_space<hbm>>) target(%dma_start3A_491 : memref<6272xf32, #tpu.memory_space<vmem>>) target_semaphore(%arg16 : memref<!tpu.dma_semaphore, #tpu.memory_space<semaphore_mem>>)
      } else {
      }
    }
    %scan3A_125 = arith.constant 4 : i32
    %barrier3A_126 = arith.constant 0 : index
    tpu.barrier barrier_id(%barrier3A_126)
    %mul3A_127 = arith.constant 6272 : i32
    %mul3A_128 = arith.muli %arg1, %mul3A_127 : i32
    %mul3A_129 = arith.constant 3 : i32
    %mul3A_130 = arith.muli %arg0, %mul3A_129 : i32
    %add3A_131 = arith.constant 0 : i32
    %add3A_132 = arith.addi %mul3A_130, %add3A_131 : i32
    %mul3A_133 = arith.constant 6272 : i32
    %mul3A_134 = arith.muli %arg1, %mul3A_133 : i32
    %run_scoped3A = arith.constant 0 : i32
    "tpu.region"() ({
      %run_scoped3A_153 = tpu.sem_alloc : memref<!tpu.dma_semaphore, #tpu.memory_space<semaphore_mem>>
      %dma_start3A_154 = tpu.memref_slice %arg7[%add3A_132, %run_scoped3A, %mul3A_134] : memref<6x1x100352xf32, #tpu.memory_space<hbm>> -> memref<1x1x6272xf32, #tpu.memory_space<hbm>>
      %dma_start3A_155 = tpu.memref_squeeze %dma_start3A_154 : memref<1x1x6272xf32, #tpu.memory_space<hbm>> -> memref<6272xf32, #tpu.memory_space<hbm>>
      %dma_start3A_156 = tpu.memref_slice %arg8[%mul3A_128] : memref<100352xf32, #tpu.memory_space<vmem_shared>> -> memref<6272xf32, #tpu.memory_space<vmem_shared>>
      tpu.enqueue_dma source(%dma_start3A_156 : memref<6272xf32, #tpu.memory_space<vmem_shared>>) target(%dma_start3A_155 : memref<6272xf32, #tpu.memory_space<hbm>>) target_semaphore(%run_scoped3A_153 : memref<!tpu.dma_semaphore, #tpu.memory_space<semaphore_mem>>)
      %dma_wait3A = tpu.memref_slice %arg7[%add3A_132, %run_scoped3A, %mul3A_134] : memref<6x1x100352xf32, #tpu.memory_space<hbm>> -> memref<1x1x6272xf32, #tpu.memory_space<hbm>>
      %dma_wait3A_157 = tpu.memref_squeeze %dma_wait3A : memref<1x1x6272xf32, #tpu.memory_space<hbm>> -> memref<6272xf32, #tpu.memory_space<hbm>>
      %dma_wait3A_158 = tpu.memref_slice %arg8[%mul3A_128] : memref<100352xf32, #tpu.memory_space<vmem_shared>> -> memref<6272xf32, #tpu.memory_space<vmem_shared>>
      tpu.wait_dma2 semaphore(%run_scoped3A_153 : memref<!tpu.dma_semaphore, #tpu.memory_space<semaphore_mem>>) src(%dma_wait3A_158 : memref<6272xf32, #tpu.memory_space<vmem_shared>>) dst(%dma_wait3A_157 : memref<6272xf32, #tpu.memory_space<hbm>>)
      tpu.yield
    }) : () -> ()
    %mul3A_135 = arith.constant 6272 : i32
    %mul3A_136 = arith.muli %arg1, %mul3A_135 : i32
    %mul3A_137 = arith.constant 3 : i32
    %mul3A_138 = arith.muli %arg0, %mul3A_137 : i32
    %add3A_139 = arith.constant 1 : i32
    %add3A_140 = arith.addi %mul3A_138, %add3A_139 : i32
    %mul3A_141 = arith.constant 6272 : i32
    %mul3A_142 = arith.muli %arg1, %mul3A_141 : i32
    %run_scoped3A_143 = arith.constant 0 : i32
    "tpu.region"() ({
      %run_scoped3A_153 = tpu.sem_alloc : memref<!tpu.dma_semaphore, #tpu.memory_space<semaphore_mem>>
      %dma_start3A_154 = tpu.memref_slice %arg7[%add3A_140, %run_scoped3A_143, %mul3A_142] : memref<6x1x100352xf32, #tpu.memory_space<hbm>> -> memref<1x1x6272xf32, #tpu.memory_space<hbm>>
      %dma_start3A_155 = tpu.memref_squeeze %dma_start3A_154 : memref<1x1x6272xf32, #tpu.memory_space<hbm>> -> memref<6272xf32, #tpu.memory_space<hbm>>
      %dma_start3A_156 = tpu.memref_slice %arg9[%mul3A_136] : memref<100352xf32, #tpu.memory_space<vmem_shared>> -> memref<6272xf32, #tpu.memory_space<vmem_shared>>
      tpu.enqueue_dma source(%dma_start3A_156 : memref<6272xf32, #tpu.memory_space<vmem_shared>>) target(%dma_start3A_155 : memref<6272xf32, #tpu.memory_space<hbm>>) target_semaphore(%run_scoped3A_153 : memref<!tpu.dma_semaphore, #tpu.memory_space<semaphore_mem>>)
      %dma_wait3A = tpu.memref_slice %arg7[%add3A_140, %run_scoped3A_143, %mul3A_142] : memref<6x1x100352xf32, #tpu.memory_space<hbm>> -> memref<1x1x6272xf32, #tpu.memory_space<hbm>>
      %dma_wait3A_157 = tpu.memref_squeeze %dma_wait3A : memref<1x1x6272xf32, #tpu.memory_space<hbm>> -> memref<6272xf32, #tpu.memory_space<hbm>>
      %dma_wait3A_158 = tpu.memref_slice %arg9[%mul3A_136] : memref<100352xf32, #tpu.memory_space<vmem_shared>> -> memref<6272xf32, #tpu.memory_space<vmem_shared>>
      tpu.wait_dma2 semaphore(%run_scoped3A_153 : memref<!tpu.dma_semaphore, #tpu.memory_space<semaphore_mem>>) src(%dma_wait3A_158 : memref<6272xf32, #tpu.memory_space<vmem_shared>>) dst(%dma_wait3A_157 : memref<6272xf32, #tpu.memory_space<hbm>>)
      tpu.yield
    }) : () -> ()
    %mul3A_144 = arith.constant 6272 : i32
    %mul3A_145 = arith.muli %arg1, %mul3A_144 : i32
    %mul3A_146 = arith.constant 3 : i32
    %mul3A_147 = arith.muli %arg0, %mul3A_146 : i32
    %add3A_148 = arith.constant 2 : i32
    %add3A_149 = arith.addi %mul3A_147, %add3A_148 : i32
    %mul3A_150 = arith.constant 6272 : i32
    %mul3A_151 = arith.muli %arg1, %mul3A_150 : i32
    %run_scoped3A_152 = arith.constant 0 : i32
    "tpu.region"() ({
      %run_scoped3A_153 = tpu.sem_alloc : memref<!tpu.dma_semaphore, #tpu.memory_space<semaphore_mem>>
      %dma_start3A_154 = tpu.memref_slice %arg7[%add3A_149, %run_scoped3A_152, %mul3A_151] : memref<6x1x100352xf32, #tpu.memory_space<hbm>> -> memref<1x1x6272xf32, #tpu.memory_space<hbm>>
      %dma_start3A_155 = tpu.memref_squeeze %dma_start3A_154 : memref<1x1x6272xf32, #tpu.memory_space<hbm>> -> memref<6272xf32, #tpu.memory_space<hbm>>
      %dma_start3A_156 = tpu.memref_slice %arg10[%mul3A_145] : memref<100352xf32, #tpu.memory_space<vmem_shared>> -> memref<6272xf32, #tpu.memory_space<vmem_shared>>
      tpu.enqueue_dma source(%dma_start3A_156 : memref<6272xf32, #tpu.memory_space<vmem_shared>>) target(%dma_start3A_155 : memref<6272xf32, #tpu.memory_space<hbm>>) target_semaphore(%run_scoped3A_153 : memref<!tpu.dma_semaphore, #tpu.memory_space<semaphore_mem>>)
      %dma_wait3A = tpu.memref_slice %arg7[%add3A_149, %run_scoped3A_152, %mul3A_151] : memref<6x1x100352xf32, #tpu.memory_space<hbm>> -> memref<1x1x6272xf32, #tpu.memory_space<hbm>>
      %dma_wait3A_157 = tpu.memref_squeeze %dma_wait3A : memref<1x1x6272xf32, #tpu.memory_space<hbm>> -> memref<6272xf32, #tpu.memory_space<hbm>>
      %dma_wait3A_158 = tpu.memref_slice %arg10[%mul3A_145] : memref<100352xf32, #tpu.memory_space<vmem_shared>> -> memref<6272xf32, #tpu.memory_space<vmem_shared>>
      tpu.wait_dma2 semaphore(%run_scoped3A_153 : memref<!tpu.dma_semaphore, #tpu.memory_space<semaphore_mem>>) src(%dma_wait3A_158 : memref<6272xf32, #tpu.memory_space<vmem_shared>>) dst(%dma_wait3A_157 : memref<6272xf32, #tpu.memory_space<hbm>>)
      tpu.yield
    }) : () -> ()
    return
  }
}

#map = affine_map<(d0, d1) -> (0)>
#map1 = affine_map<(d0, d1) -> (0, 0, 0)>
module attributes {stable_mosaic.version = 14 : i64} {
  func.func @scatter_k(%arg0: i32, %arg1: i32, %arg2: memref<1605632xf32, #tpu.memory_space<hbm>>, %arg3: memref<1605632xf32, #tpu.memory_space<hbm>>, %arg4: memref<1605632xf32, #tpu.memory_space<hbm>>, %arg5: memref<1605632xi32, #tpu.memory_space<hbm>>, %arg6: memref<100352xf32, #tpu.memory_space<hbm>>, %arg7: memref<6x1x100352xf32, #tpu.memory_space<hbm>>, %arg8: memref<100352xf32, #tpu.memory_space<vmem_shared>>, %arg9: memref<100352xf32, #tpu.memory_space<vmem_shared>>, %arg10: memref<100352xf32, #tpu.memory_space<vmem_shared>>, %arg11: memref<2x6272xi32, #tpu.memory_space<vmem>>, %arg12: memref<2x3x6272xf32, #tpu.memory_space<vmem>>, %arg13: memref<!tpu.dma_semaphore, #tpu.memory_space<semaphore_mem>>, %arg14: memref<!tpu.dma_semaphore, #tpu.memory_space<semaphore_mem>>, %arg15: memref<!tpu.dma_semaphore, #tpu.memory_space<semaphore_mem>>, %arg16: memref<!tpu.dma_semaphore, #tpu.memory_space<semaphore_mem>>, %arg17: memref<!tpu.dma_semaphore, #tpu.memory_space<semaphore_mem>>) attributes {dimension_semantics = [#tpu.dimension_semantics<core_parallel>, #tpu.dimension_semantics<subcore_parallel>], iteration_bounds = array<i64: 2, 16>, scalar_prefetch = 0 : i64, scratch_operands = 10 : i64, tpu.core_type = #tpu.core_type<sc_vector_subcore>, window_params = [{transform_indices = #map}, {transform_indices = #map}, {transform_indices = #map}, {transform_indices = #map}, {transform_indices = #map}, {transform_indices = #map1}]} {
    %mul3A = arith.constant 2 : i32
    %mul3A_0 = arith.muli %arg1, %mul3A : i32
    %add3A = arith.addi %mul3A_0, %arg0 : i32
    %mul3A_1 = arith.constant 6272 : i32
    %mul3A_2 = arith.muli %arg1, %mul3A_1 : i32
    %mul3A_3 = arith.constant 6272 : i32
    %mul3A_4 = arith.muli %arg1, %mul3A_3 : i32
    "tpu.region"() ({
      %run_scoped3A_153 = tpu.sem_alloc : memref<!tpu.dma_semaphore, #tpu.memory_space<semaphore_mem>>
      %dma_start3A_154 = tpu.memref_slice %arg8[%mul3A_4] : memref<100352xf32, #tpu.memory_space<vmem_shared>> -> memref<6272xf32, #tpu.memory_space<vmem_shared>>
      %dma_start3A_155 = tpu.memref_slice %arg6[%mul3A_2] : memref<100352xf32, #tpu.memory_space<hbm>> -> memref<6272xf32, #tpu.memory_space<hbm>>
      tpu.enqueue_dma source(%dma_start3A_155 : memref<6272xf32, #tpu.memory_space<hbm>>) target(%dma_start3A_154 : memref<6272xf32, #tpu.memory_space<vmem_shared>>) target_semaphore(%run_scoped3A_153 : memref<!tpu.dma_semaphore, #tpu.memory_space<semaphore_mem>>)
      %dma_wait3A = tpu.memref_slice %arg8[%mul3A_4] : memref<100352xf32, #tpu.memory_space<vmem_shared>> -> memref<6272xf32, #tpu.memory_space<vmem_shared>>
      %dma_wait3A_156 = tpu.memref_slice %arg6[%mul3A_2] : memref<100352xf32, #tpu.memory_space<hbm>> -> memref<6272xf32, #tpu.memory_space<hbm>>
      tpu.wait_dma2 semaphore(%run_scoped3A_153 : memref<!tpu.dma_semaphore, #tpu.memory_space<semaphore_mem>>) src(%dma_wait3A_156 : memref<6272xf32, #tpu.memory_space<hbm>>) dst(%dma_wait3A : memref<6272xf32, #tpu.memory_space<vmem_shared>>)
      tpu.yield
    }) : () -> ()
    %mul3A_5 = arith.constant 6272 : i32
    %mul3A_6 = arith.muli %arg1, %mul3A_5 : i32
    %mul3A_7 = arith.constant 6272 : i32
    %mul3A_8 = arith.muli %arg1, %mul3A_7 : i32
    "tpu.region"() ({
      %run_scoped3A_153 = tpu.sem_alloc : memref<!tpu.dma_semaphore, #tpu.memory_space<semaphore_mem>>
      %dma_start3A_154 = tpu.memref_slice %arg9[%mul3A_8] : memref<100352xf32, #tpu.memory_space<vmem_shared>> -> memref<6272xf32, #tpu.memory_space<vmem_shared>>
      %dma_start3A_155 = tpu.memref_slice %arg6[%mul3A_6] : memref<100352xf32, #tpu.memory_space<hbm>> -> memref<6272xf32, #tpu.memory_space<hbm>>
      tpu.enqueue_dma source(%dma_start3A_155 : memref<6272xf32, #tpu.memory_space<hbm>>) target(%dma_start3A_154 : memref<6272xf32, #tpu.memory_space<vmem_shared>>) target_semaphore(%run_scoped3A_153 : memref<!tpu.dma_semaphore, #tpu.memory_space<semaphore_mem>>)
      %dma_wait3A = tpu.memref_slice %arg9[%mul3A_8] : memref<100352xf32, #tpu.memory_space<vmem_shared>> -> memref<6272xf32, #tpu.memory_space<vmem_shared>>
      %dma_wait3A_156 = tpu.memref_slice %arg6[%mul3A_6] : memref<100352xf32, #tpu.memory_space<hbm>> -> memref<6272xf32, #tpu.memory_space<hbm>>
      tpu.wait_dma2 semaphore(%run_scoped3A_153 : memref<!tpu.dma_semaphore, #tpu.memory_space<semaphore_mem>>) src(%dma_wait3A_156 : memref<6272xf32, #tpu.memory_space<hbm>>) dst(%dma_wait3A : memref<6272xf32, #tpu.memory_space<vmem_shared>>)
      tpu.yield
    }) : () -> ()
    %mul3A_9 = arith.constant 6272 : i32
    %mul3A_10 = arith.muli %arg1, %mul3A_9 : i32
    %mul3A_11 = arith.constant 6272 : i32
    %mul3A_12 = arith.muli %arg1, %mul3A_11 : i32
    "tpu.region"() ({
      %run_scoped3A_153 = tpu.sem_alloc : memref<!tpu.dma_semaphore, #tpu.memory_space<semaphore_mem>>
      %dma_start3A_154 = tpu.memref_slice %arg10[%mul3A_12] : memref<100352xf32, #tpu.memory_space<vmem_shared>> -> memref<6272xf32, #tpu.memory_space<vmem_shared>>
      %dma_start3A_155 = tpu.memref_slice %arg6[%mul3A_10] : memref<100352xf32, #tpu.memory_space<hbm>> -> memref<6272xf32, #tpu.memory_space<hbm>>
      tpu.enqueue_dma source(%dma_start3A_155 : memref<6272xf32, #tpu.memory_space<hbm>>) target(%dma_start3A_154 : memref<6272xf32, #tpu.memory_space<vmem_shared>>) target_semaphore(%run_scoped3A_153 : memref<!tpu.dma_semaphore, #tpu.memory_space<semaphore_mem>>)
      %dma_wait3A = tpu.memref_slice %arg10[%mul3A_12] : memref<100352xf32, #tpu.memory_space<vmem_shared>> -> memref<6272xf32, #tpu.memory_space<vmem_shared>>
      %dma_wait3A_156 = tpu.memref_slice %arg6[%mul3A_10] : memref<100352xf32, #tpu.memory_space<hbm>> -> memref<6272xf32, #tpu.memory_space<hbm>>
      tpu.wait_dma2 semaphore(%run_scoped3A_153 : memref<!tpu.dma_semaphore, #tpu.memory_space<semaphore_mem>>) src(%dma_wait3A_156 : memref<6272xf32, #tpu.memory_space<hbm>>) dst(%dma_wait3A : memref<6272xf32, #tpu.memory_space<vmem_shared>>)
      tpu.yield
    }) : () -> ()
    %barrier3A = arith.constant 0 : index
    tpu.barrier barrier_id(%barrier3A)
    %mul3A_13 = arith.constant 50176 : i32
    %mul3A_14 = arith.muli %add3A, %mul3A_13 : i32
    %add3A_15 = arith.constant 0 : i32
    %add3A_16 = arith.addi %mul3A_14, %add3A_15 : i32
    %dma_start3A = arith.constant 0 : i32
    %dma_start3A_17 = arith.constant 0 : i32
    %dma_start3A_18 = tpu.memref_slice %arg11[%dma_start3A, %dma_start3A_17] : memref<2x6272xi32, #tpu.memory_space<vmem>> -> memref<1x6272xi32, #tpu.memory_space<vmem>>
    %dma_start3A_19 = tpu.memref_squeeze %dma_start3A_18 : memref<1x6272xi32, #tpu.memory_space<vmem>> -> memref<6272xi32, #tpu.memory_space<vmem>>
    %dma_start3A_20 = tpu.memref_slice %arg5[%add3A_16] : memref<1605632xi32, #tpu.memory_space<hbm>> -> memref<6272xi32, #tpu.memory_space<hbm>>
    %dma_start3A_21 = arith.constant 0 : i32
    %dma_start3A_22 = tpu.memref_slice %arg11[%dma_start3A, %dma_start3A_21] : memref<2x6272xi32, #tpu.memory_space<vmem>> -> memref<1x6272xi32, #tpu.memory_space<vmem>>
    %dma_start3A_23 = tpu.memref_squeeze %dma_start3A_22 : memref<1x6272xi32, #tpu.memory_space<vmem>> -> memref<6272xi32, #tpu.memory_space<vmem>>
    %dma_start3A_24 = tpu.memref_slice %arg5[%add3A_16] : memref<1605632xi32, #tpu.memory_space<hbm>> -> memref<6272xi32, #tpu.memory_space<hbm>>
    tpu.enqueue_dma source(%dma_start3A_24 : memref<6272xi32, #tpu.memory_space<hbm>>) target(%dma_start3A_23 : memref<6272xi32, #tpu.memory_space<vmem>>) target_semaphore(%arg13 : memref<!tpu.dma_semaphore, #tpu.memory_space<semaphore_mem>>)
    %mul3A_25 = arith.constant 50176 : i32
    %mul3A_26 = arith.muli %add3A, %mul3A_25 : i32
    %add3A_27 = arith.constant 0 : i32
    %add3A_28 = arith.addi %mul3A_26, %add3A_27 : i32
    %dma_start3A_29 = arith.constant 0 : i32
    %dma_start3A_30 = arith.constant 0 : i32
    %dma_start3A_31 = arith.constant 0 : i32
    %dma_start3A_32 = tpu.memref_slice %arg12[%dma_start3A_29, %dma_start3A_30, %dma_start3A_31] : memref<2x3x6272xf32, #tpu.memory_space<vmem>> -> memref<1x1x6272xf32, #tpu.memory_space<vmem>>
    %dma_start3A_33 = tpu.memref_squeeze %dma_start3A_32 : memref<1x1x6272xf32, #tpu.memory_space<vmem>> -> memref<6272xf32, #tpu.memory_space<vmem>>
    %dma_start3A_34 = tpu.memref_slice %arg2[%add3A_28] : memref<1605632xf32, #tpu.memory_space<hbm>> -> memref<6272xf32, #tpu.memory_space<hbm>>
    %dma_start3A_35 = arith.constant 0 : i32
    %dma_start3A_36 = tpu.memref_slice %arg12[%dma_start3A_29, %dma_start3A_30, %dma_start3A_35] : memref<2x3x6272xf32, #tpu.memory_space<vmem>> -> memref<1x1x6272xf32, #tpu.memory_space<vmem>>
    %dma_start3A_37 = tpu.memref_squeeze %dma_start3A_36 : memref<1x1x6272xf32, #tpu.memory_space<vmem>> -> memref<6272xf32, #tpu.memory_space<vmem>>
    %dma_start3A_38 = tpu.memref_slice %arg2[%add3A_28] : memref<1605632xf32, #tpu.memory_space<hbm>> -> memref<6272xf32, #tpu.memory_space<hbm>>
    tpu.enqueue_dma source(%dma_start3A_38 : memref<6272xf32, #tpu.memory_space<hbm>>) target(%dma_start3A_37 : memref<6272xf32, #tpu.memory_space<vmem>>) target_semaphore(%arg15 : memref<!tpu.dma_semaphore, #tpu.memory_space<semaphore_mem>>)
    %mul3A_39 = arith.constant 50176 : i32
    %mul3A_40 = arith.muli %add3A, %mul3A_39 : i32
    %add3A_41 = arith.constant 0 : i32
    %add3A_42 = arith.addi %mul3A_40, %add3A_41 : i32
    %dma_start3A_43 = arith.constant 0 : i32
    %dma_start3A_44 = arith.constant 1 : i32
    %dma_start3A_45 = arith.constant 0 : i32
    %dma_start3A_46 = tpu.memref_slice %arg12[%dma_start3A_43, %dma_start3A_44, %dma_start3A_45] : memref<2x3x6272xf32, #tpu.memory_space<vmem>> -> memref<1x1x6272xf32, #tpu.memory_space<vmem>>
    %dma_start3A_47 = tpu.memref_squeeze %dma_start3A_46 : memref<1x1x6272xf32, #tpu.memory_space<vmem>> -> memref<6272xf32, #tpu.memory_space<vmem>>
    %dma_start3A_48 = tpu.memref_slice %arg3[%add3A_42] : memref<1605632xf32, #tpu.memory_space<hbm>> -> memref<6272xf32, #tpu.memory_space<hbm>>
    %dma_start3A_49 = arith.constant 0 : i32
    %dma_start3A_50 = tpu.memref_slice %arg12[%dma_start3A_43, %dma_start3A_44, %dma_start3A_49] : memref<2x3x6272xf32, #tpu.memory_space<vmem>> -> memref<1x1x6272xf32, #tpu.memory_space<vmem>>
    %dma_start3A_51 = tpu.memref_squeeze %dma_start3A_50 : memref<1x1x6272xf32, #tpu.memory_space<vmem>> -> memref<6272xf32, #tpu.memory_space<vmem>>
    %dma_start3A_52 = tpu.memref_slice %arg3[%add3A_42] : memref<1605632xf32, #tpu.memory_space<hbm>> -> memref<6272xf32, #tpu.memory_space<hbm>>
    tpu.enqueue_dma source(%dma_start3A_52 : memref<6272xf32, #tpu.memory_space<hbm>>) target(%dma_start3A_51 : memref<6272xf32, #tpu.memory_space<vmem>>) target_semaphore(%arg15 : memref<!tpu.dma_semaphore, #tpu.memory_space<semaphore_mem>>)
    %mul3A_53 = arith.constant 50176 : i32
    %mul3A_54 = arith.muli %add3A, %mul3A_53 : i32
    %add3A_55 = arith.constant 0 : i32
    %add3A_56 = arith.addi %mul3A_54, %add3A_55 : i32
    %dma_start3A_57 = arith.constant 0 : i32
    %dma_start3A_58 = arith.constant 2 : i32
    %dma_start3A_59 = arith.constant 0 : i32
    %dma_start3A_60 = tpu.memref_slice %arg12[%dma_start3A_57, %dma_start3A_58, %dma_start3A_59] : memref<2x3x6272xf32, #tpu.memory_space<vmem>> -> memref<1x1x6272xf32, #tpu.memory_space<vmem>>
    %dma_start3A_61 = tpu.memref_squeeze %dma_start3A_60 : memref<1x1x6272xf32, #tpu.memory_space<vmem>> -> memref<6272xf32, #tpu.memory_space<vmem>>
    %dma_start3A_62 = tpu.memref_slice %arg4[%add3A_56] : memref<1605632xf32, #tpu.memory_space<hbm>> -> memref<6272xf32, #tpu.memory_space<hbm>>
    %dma_start3A_63 = arith.constant 0 : i32
    %dma_start3A_64 = tpu.memref_slice %arg12[%dma_start3A_57, %dma_start3A_58, %dma_start3A_63] : memref<2x3x6272xf32, #tpu.memory_space<vmem>> -> memref<1x1x6272xf32, #tpu.memory_space<vmem>>
    %dma_start3A_65 = tpu.memref_squeeze %dma_start3A_64 : memref<1x1x6272xf32, #tpu.memory_space<vmem>> -> memref<6272xf32, #tpu.memory_space<vmem>>
    %dma_start3A_66 = tpu.memref_slice %arg4[%add3A_56] : memref<1605632xf32, #tpu.memory_space<hbm>> -> memref<6272xf32, #tpu.memory_space<hbm>>
    tpu.enqueue_dma source(%dma_start3A_66 : memref<6272xf32, #tpu.memory_space<hbm>>) target(%dma_start3A_65 : memref<6272xf32, #tpu.memory_space<vmem>>) target_semaphore(%arg15 : memref<!tpu.dma_semaphore, #tpu.memory_space<semaphore_mem>>)
    %mul3A_67 = arith.constant 50176 : i32
    %mul3A_68 = arith.muli %add3A, %mul3A_67 : i32
    %add3A_69 = arith.constant 6272 : i32
    %add3A_70 = arith.addi %mul3A_68, %add3A_69 : i32
    %dma_start3A_71 = arith.constant 1 : i32
    %dma_start3A_72 = arith.constant 0 : i32
    %dma_start3A_73 = tpu.memref_slice %arg11[%dma_start3A_71, %dma_start3A_72] : memref<2x6272xi32, #tpu.memory_space<vmem>> -> memref<1x6272xi32, #tpu.memory_space<vmem>>
    %dma_start3A_74 = tpu.memref_squeeze %dma_start3A_73 : memref<1x6272xi32, #tpu.memory_space<vmem>> -> memref<6272xi32, #tpu.memory_space<vmem>>
    %dma_start3A_75 = tpu.memref_slice %arg5[%add3A_70] : memref<1605632xi32, #tpu.memory_space<hbm>> -> memref<6272xi32, #tpu.memory_space<hbm>>
    %dma_start3A_76 = arith.constant 0 : i32
    %dma_start3A_77 = tpu.memref_slice %arg11[%dma_start3A_71, %dma_start3A_76] : memref<2x6272xi32, #tpu.memory_space<vmem>> -> memref<1x6272xi32, #tpu.memory_space<vmem>>
    %dma_start3A_78 = tpu.memref_squeeze %dma_start3A_77 : memref<1x6272xi32, #tpu.memory_space<vmem>> -> memref<6272xi32, #tpu.memory_space<vmem>>
    %dma_start3A_79 = tpu.memref_slice %arg5[%add3A_70] : memref<1605632xi32, #tpu.memory_space<hbm>> -> memref<6272xi32, #tpu.memory_space<hbm>>
    tpu.enqueue_dma source(%dma_start3A_79 : memref<6272xi32, #tpu.memory_space<hbm>>) target(%dma_start3A_78 : memref<6272xi32, #tpu.memory_space<vmem>>) target_semaphore(%arg14 : memref<!tpu.dma_semaphore, #tpu.memory_space<semaphore_mem>>)
    %mul3A_80 = arith.constant 50176 : i32
    %mul3A_81 = arith.muli %add3A, %mul3A_80 : i32
    %add3A_82 = arith.constant 6272 : i32
    %add3A_83 = arith.addi %mul3A_81, %add3A_82 : i32
    %dma_start3A_84 = arith.constant 1 : i32
    %dma_start3A_85 = arith.constant 0 : i32
    %dma_start3A_86 = arith.constant 0 : i32
    %dma_start3A_87 = tpu.memref_slice %arg12[%dma_start3A_84, %dma_start3A_85, %dma_start3A_86] : memref<2x3x6272xf32, #tpu.memory_space<vmem>> -> memref<1x1x6272xf32, #tpu.memory_space<vmem>>
    %dma_start3A_88 = tpu.memref_squeeze %dma_start3A_87 : memref<1x1x6272xf32, #tpu.memory_space<vmem>> -> memref<6272xf32, #tpu.memory_space<vmem>>
    %dma_start3A_89 = tpu.memref_slice %arg2[%add3A_83] : memref<1605632xf32, #tpu.memory_space<hbm>> -> memref<6272xf32, #tpu.memory_space<hbm>>
    %dma_start3A_90 = arith.constant 0 : i32
    %dma_start3A_91 = tpu.memref_slice %arg12[%dma_start3A_84, %dma_start3A_85, %dma_start3A_90] : memref<2x3x6272xf32, #tpu.memory_space<vmem>> -> memref<1x1x6272xf32, #tpu.memory_space<vmem>>
    %dma_start3A_92 = tpu.memref_squeeze %dma_start3A_91 : memref<1x1x6272xf32, #tpu.memory_space<vmem>> -> memref<6272xf32, #tpu.memory_space<vmem>>
    %dma_start3A_93 = tpu.memref_slice %arg2[%add3A_83] : memref<1605632xf32, #tpu.memory_space<hbm>> -> memref<6272xf32, #tpu.memory_space<hbm>>
    tpu.enqueue_dma source(%dma_start3A_93 : memref<6272xf32, #tpu.memory_space<hbm>>) target(%dma_start3A_92 : memref<6272xf32, #tpu.memory_space<vmem>>) target_semaphore(%arg16 : memref<!tpu.dma_semaphore, #tpu.memory_space<semaphore_mem>>)
    %mul3A_94 = arith.constant 50176 : i32
    %mul3A_95 = arith.muli %add3A, %mul3A_94 : i32
    %add3A_96 = arith.constant 6272 : i32
    %add3A_97 = arith.addi %mul3A_95, %add3A_96 : i32
    %dma_start3A_98 = arith.constant 1 : i32
    %dma_start3A_99 = arith.constant 1 : i32
    %dma_start3A_100 = arith.constant 0 : i32
    %dma_start3A_101 = tpu.memref_slice %arg12[%dma_start3A_98, %dma_start3A_99, %dma_start3A_100] : memref<2x3x6272xf32, #tpu.memory_space<vmem>> -> memref<1x1x6272xf32, #tpu.memory_space<vmem>>
    %dma_start3A_102 = tpu.memref_squeeze %dma_start3A_101 : memref<1x1x6272xf32, #tpu.memory_space<vmem>> -> memref<6272xf32, #tpu.memory_space<vmem>>
    %dma_start3A_103 = tpu.memref_slice %arg3[%add3A_97] : memref<1605632xf32, #tpu.memory_space<hbm>> -> memref<6272xf32, #tpu.memory_space<hbm>>
    %dma_start3A_104 = arith.constant 0 : i32
    %dma_start3A_105 = tpu.memref_slice %arg12[%dma_start3A_98, %dma_start3A_99, %dma_start3A_104] : memref<2x3x6272xf32, #tpu.memory_space<vmem>> -> memref<1x1x6272xf32, #tpu.memory_space<vmem>>
    %dma_start3A_106 = tpu.memref_squeeze %dma_start3A_105 : memref<1x1x6272xf32, #tpu.memory_space<vmem>> -> memref<6272xf32, #tpu.memory_space<vmem>>
    %dma_start3A_107 = tpu.memref_slice %arg3[%add3A_97] : memref<1605632xf32, #tpu.memory_space<hbm>> -> memref<6272xf32, #tpu.memory_space<hbm>>
    tpu.enqueue_dma source(%dma_start3A_107 : memref<6272xf32, #tpu.memory_space<hbm>>) target(%dma_start3A_106 : memref<6272xf32, #tpu.memory_space<vmem>>) target_semaphore(%arg16 : memref<!tpu.dma_semaphore, #tpu.memory_space<semaphore_mem>>)
    %mul3A_108 = arith.constant 50176 : i32
    %mul3A_109 = arith.muli %add3A, %mul3A_108 : i32
    %add3A_110 = arith.constant 6272 : i32
    %add3A_111 = arith.addi %mul3A_109, %add3A_110 : i32
    %dma_start3A_112 = arith.constant 1 : i32
    %dma_start3A_113 = arith.constant 2 : i32
    %dma_start3A_114 = arith.constant 0 : i32
    %dma_start3A_115 = tpu.memref_slice %arg12[%dma_start3A_112, %dma_start3A_113, %dma_start3A_114] : memref<2x3x6272xf32, #tpu.memory_space<vmem>> -> memref<1x1x6272xf32, #tpu.memory_space<vmem>>
    %dma_start3A_116 = tpu.memref_squeeze %dma_start3A_115 : memref<1x1x6272xf32, #tpu.memory_space<vmem>> -> memref<6272xf32, #tpu.memory_space<vmem>>
    %dma_start3A_117 = tpu.memref_slice %arg4[%add3A_111] : memref<1605632xf32, #tpu.memory_space<hbm>> -> memref<6272xf32, #tpu.memory_space<hbm>>
    %dma_start3A_118 = arith.constant 0 : i32
    %dma_start3A_119 = tpu.memref_slice %arg12[%dma_start3A_112, %dma_start3A_113, %dma_start3A_118] : memref<2x3x6272xf32, #tpu.memory_space<vmem>> -> memref<1x1x6272xf32, #tpu.memory_space<vmem>>
    %dma_start3A_120 = tpu.memref_squeeze %dma_start3A_119 : memref<1x1x6272xf32, #tpu.memory_space<vmem>> -> memref<6272xf32, #tpu.memory_space<vmem>>
    %dma_start3A_121 = tpu.memref_slice %arg4[%add3A_111] : memref<1605632xf32, #tpu.memory_space<hbm>> -> memref<6272xf32, #tpu.memory_space<hbm>>
    tpu.enqueue_dma source(%dma_start3A_121 : memref<6272xf32, #tpu.memory_space<hbm>>) target(%dma_start3A_120 : memref<6272xf32, #tpu.memory_space<vmem>>) target_semaphore(%arg16 : memref<!tpu.dma_semaphore, #tpu.memory_space<semaphore_mem>>)
    %scan3A = arith.constant 0 : i32
    %scan3A_122 = arith.constant 4 : i32
    %scan3A_123 = arith.addi %scan3A, %scan3A_122 : i32
    %scan3A_124 = arith.constant 1 : i32
    scf.for %scan3A_153 = %scan3A to %scan3A_123 step %scan3A_124  : i32 {
      %mul3A_154 = arith.constant 1 : i32
      %mul3A_155 = arith.muli %scan3A_153, %mul3A_154 : i32
      %add3A_156 = arith.constant 0 : i32
      %add3A_157 = arith.addi %add3A_156, %mul3A_155 : i32
      %mul3A_158 = arith.constant 2 : i32
      %mul3A_159 = arith.muli %mul3A_158, %add3A_157 : i32
      %add3A_160 = arith.constant 0 : i32
      %add3A_161 = arith.addi %mul3A_159, %add3A_160 : i32
      %mul3A_162 = arith.constant 50176 : i32
      %mul3A_163 = arith.muli %add3A, %mul3A_162 : i32
      %mul3A_164 = arith.constant 6272 : i32
      %mul3A_165 = arith.muli %add3A_161, %mul3A_164 : i32
      %add3A_166 = arith.addi %mul3A_163, %mul3A_165 : i32
      %dma_wait3A = arith.constant 0 : i32
      %dma_wait3A_167 = arith.constant 0 : i32
      %dma_wait3A_168 = tpu.memref_slice %arg11[%dma_wait3A, %dma_wait3A_167] : memref<2x6272xi32, #tpu.memory_space<vmem>> -> memref<1x6272xi32, #tpu.memory_space<vmem>>
      %dma_wait3A_169 = tpu.memref_squeeze %dma_wait3A_168 : memref<1x6272xi32, #tpu.memory_space<vmem>> -> memref<6272xi32, #tpu.memory_space<vmem>>
      %dma_wait3A_170 = tpu.memref_slice %arg5[%add3A_166] : memref<1605632xi32, #tpu.memory_space<hbm>> -> memref<6272xi32, #tpu.memory_space<hbm>>
      %dma_wait3A_171 = arith.constant 0 : i32
      %dma_wait3A_172 = tpu.memref_slice %arg11[%dma_wait3A, %dma_wait3A_171] : memref<2x6272xi32, #tpu.memory_space<vmem>> -> memref<1x6272xi32, #tpu.memory_space<vmem>>
      %dma_wait3A_173 = tpu.memref_squeeze %dma_wait3A_172 : memref<1x6272xi32, #tpu.memory_space<vmem>> -> memref<6272xi32, #tpu.memory_space<vmem>>
      %dma_wait3A_174 = tpu.memref_slice %arg5[%add3A_166] : memref<1605632xi32, #tpu.memory_space<hbm>> -> memref<6272xi32, #tpu.memory_space<hbm>>
      tpu.wait_dma2 semaphore(%arg13 : memref<!tpu.dma_semaphore, #tpu.memory_space<semaphore_mem>>) src(%dma_wait3A_174 : memref<6272xi32, #tpu.memory_space<hbm>>) dst(%dma_wait3A_173 : memref<6272xi32, #tpu.memory_space<vmem>>)
      %mul3A_175 = arith.constant 50176 : i32
      %mul3A_176 = arith.muli %add3A, %mul3A_175 : i32
      %mul3A_177 = arith.constant 6272 : i32
      %mul3A_178 = arith.muli %add3A_161, %mul3A_177 : i32
      %add3A_179 = arith.addi %mul3A_176, %mul3A_178 : i32
      %dma_wait3A_180 = arith.constant 0 : i32
      %dma_wait3A_181 = arith.constant 0 : i32
      %dma_wait3A_182 = arith.constant 0 : i32
      %dma_wait3A_183 = tpu.memref_slice %arg12[%dma_wait3A_180, %dma_wait3A_181, %dma_wait3A_182] : memref<2x3x6272xf32, #tpu.memory_space<vmem>> -> memref<1x1x6272xf32, #tpu.memory_space<vmem>>
      %dma_wait3A_184 = tpu.memref_squeeze %dma_wait3A_183 : memref<1x1x6272xf32, #tpu.memory_space<vmem>> -> memref<6272xf32, #tpu.memory_space<vmem>>
      %dma_wait3A_185 = tpu.memref_slice %arg2[%add3A_179] : memref<1605632xf32, #tpu.memory_space<hbm>> -> memref<6272xf32, #tpu.memory_space<hbm>>
      %dma_wait3A_186 = arith.constant 0 : i32
      %dma_wait3A_187 = tpu.memref_slice %arg12[%dma_wait3A_180, %dma_wait3A_181, %dma_wait3A_186] : memref<2x3x6272xf32, #tpu.memory_space<vmem>> -> memref<1x1x6272xf32, #tpu.memory_space<vmem>>
      %dma_wait3A_188 = tpu.memref_squeeze %dma_wait3A_187 : memref<1x1x6272xf32, #tpu.memory_space<vmem>> -> memref<6272xf32, #tpu.memory_space<vmem>>
      %dma_wait3A_189 = tpu.memref_slice %arg2[%add3A_179] : memref<1605632xf32, #tpu.memory_space<hbm>> -> memref<6272xf32, #tpu.memory_space<hbm>>
      tpu.wait_dma2 semaphore(%arg15 : memref<!tpu.dma_semaphore, #tpu.memory_space<semaphore_mem>>) src(%dma_wait3A_189 : memref<6272xf32, #tpu.memory_space<hbm>>) dst(%dma_wait3A_188 : memref<6272xf32, #tpu.memory_space<vmem>>)
      %mul3A_190 = arith.constant 50176 : i32
      %mul3A_191 = arith.muli %add3A, %mul3A_190 : i32
      %mul3A_192 = arith.constant 6272 : i32
      %mul3A_193 = arith.muli %add3A_161, %mul3A_192 : i32
      %add3A_194 = arith.addi %mul3A_191, %mul3A_193 : i32
      %dma_wait3A_195 = arith.constant 0 : i32
      %dma_wait3A_196 = arith.constant 1 : i32
      %dma_wait3A_197 = arith.constant 0 : i32
      %dma_wait3A_198 = tpu.memref_slice %arg12[%dma_wait3A_195, %dma_wait3A_196, %dma_wait3A_197] : memref<2x3x6272xf32, #tpu.memory_space<vmem>> -> memref<1x1x6272xf32, #tpu.memory_space<vmem>>
      %dma_wait3A_199 = tpu.memref_squeeze %dma_wait3A_198 : memref<1x1x6272xf32, #tpu.memory_space<vmem>> -> memref<6272xf32, #tpu.memory_space<vmem>>
      %dma_wait3A_200 = tpu.memref_slice %arg3[%add3A_194] : memref<1605632xf32, #tpu.memory_space<hbm>> -> memref<6272xf32, #tpu.memory_space<hbm>>
      %dma_wait3A_201 = arith.constant 0 : i32
      %dma_wait3A_202 = tpu.memref_slice %arg12[%dma_wait3A_195, %dma_wait3A_196, %dma_wait3A_201] : memref<2x3x6272xf32, #tpu.memory_space<vmem>> -> memref<1x1x6272xf32, #tpu.memory_space<vmem>>
      %dma_wait3A_203 = tpu.memref_squeeze %dma_wait3A_202 : memref<1x1x6272xf32, #tpu.memory_space<vmem>> -> memref<6272xf32, #tpu.memory_space<vmem>>
      %dma_wait3A_204 = tpu.memref_slice %arg3[%add3A_194] : memref<1605632xf32, #tpu.memory_space<hbm>> -> memref<6272xf32, #tpu.memory_space<hbm>>
      tpu.wait_dma2 semaphore(%arg15 : memref<!tpu.dma_semaphore, #tpu.memory_space<semaphore_mem>>) src(%dma_wait3A_204 : memref<6272xf32, #tpu.memory_space<hbm>>) dst(%dma_wait3A_203 : memref<6272xf32, #tpu.memory_space<vmem>>)
      %mul3A_205 = arith.constant 50176 : i32
      %mul3A_206 = arith.muli %add3A, %mul3A_205 : i32
      %mul3A_207 = arith.constant 6272 : i32
      %mul3A_208 = arith.muli %add3A_161, %mul3A_207 : i32
      %add3A_209 = arith.addi %mul3A_206, %mul3A_208 : i32
      %dma_wait3A_210 = arith.constant 0 : i32
      %dma_wait3A_211 = arith.constant 2 : i32
      %dma_wait3A_212 = arith.constant 0 : i32
      %dma_wait3A_213 = tpu.memref_slice %arg12[%dma_wait3A_210, %dma_wait3A_211, %dma_wait3A_212] : memref<2x3x6272xf32, #tpu.memory_space<vmem>> -> memref<1x1x6272xf32, #tpu.memory_space<vmem>>
      %dma_wait3A_214 = tpu.memref_squeeze %dma_wait3A_213 : memref<1x1x6272xf32, #tpu.memory_space<vmem>> -> memref<6272xf32, #tpu.memory_space<vmem>>
      %dma_wait3A_215 = tpu.memref_slice %arg4[%add3A_209] : memref<1605632xf32, #tpu.memory_space<hbm>> -> memref<6272xf32, #tpu.memory_space<hbm>>
      %dma_wait3A_216 = arith.constant 0 : i32
      %dma_wait3A_217 = tpu.memref_slice %arg12[%dma_wait3A_210, %dma_wait3A_211, %dma_wait3A_216] : memref<2x3x6272xf32, #tpu.memory_space<vmem>> -> memref<1x1x6272xf32, #tpu.memory_space<vmem>>
      %dma_wait3A_218 = tpu.memref_squeeze %dma_wait3A_217 : memref<1x1x6272xf32, #tpu.memory_space<vmem>> -> memref<6272xf32, #tpu.memory_space<vmem>>
      %dma_wait3A_219 = tpu.memref_slice %arg4[%add3A_209] : memref<1605632xf32, #tpu.memory_space<hbm>> -> memref<6272xf32, #tpu.memory_space<hbm>>
      tpu.wait_dma2 semaphore(%arg15 : memref<!tpu.dma_semaphore, #tpu.memory_space<semaphore_mem>>) src(%dma_wait3A_219 : memref<6272xf32, #tpu.memory_space<hbm>>) dst(%dma_wait3A_218 : memref<6272xf32, #tpu.memory_space<vmem>>)
      %dma_start3A_220 = arith.constant 0 : i32
      %dma_start3A_221 = arith.constant 0 : i32
      %dma_start3A_222 = arith.constant 0 : i32
      %dma_start3A_223 = arith.constant 0 : i32
      %dma_start3A_224 = tpu.memref_slice %arg12[%dma_start3A_220, %dma_start3A_221, %dma_start3A_223] : memref<2x3x6272xf32, #tpu.memory_space<vmem>> -> memref<1x1x6272xf32, #tpu.memory_space<vmem>>
      %dma_start3A_225 = tpu.memref_squeeze %dma_start3A_224 : memref<1x1x6272xf32, #tpu.memory_space<vmem>> -> memref<6272xf32, #tpu.memory_space<vmem>>
      %dma_start3A_226 = arith.constant 0 : i32
      %dma_start3A_227 = tpu.memref_slice %arg11[%dma_start3A_222, %dma_start3A_226] : memref<2x6272xi32, #tpu.memory_space<vmem>> -> memref<1x6272xi32, #tpu.memory_space<vmem>>
      %dma_start3A_228 = tpu.memref_squeeze %dma_start3A_227 : memref<1x6272xi32, #tpu.memory_space<vmem>> -> memref<6272xi32, #tpu.memory_space<vmem>>
      %dma_start3A_229 = arith.constant 0 : i32
      %dma_start3A_230 = tpu.memref_slice %arg8[%dma_start3A_229] : memref<100352xf32, #tpu.memory_space<vmem_shared>> -> memref<100352xf32, #tpu.memory_space<vmem_shared>>
      tpu.enqueue_indirect_dma source(%dma_start3A_225 : memref<6272xf32, #tpu.memory_space<vmem>>) target(%dma_start3A_230 : memref<100352xf32, #tpu.memory_space<vmem_shared>>) offsets(%dma_start3A_228 : memref<6272xi32, #tpu.memory_space<vmem>>) semaphore(%arg17 : memref<!tpu.dma_semaphore, #tpu.memory_space<semaphore_mem>>) {add = true}
      %dma_start3A_231 = arith.constant 0 : i32
      %dma_start3A_232 = arith.constant 1 : i32
      %dma_start3A_233 = arith.constant 0 : i32
      %dma_start3A_234 = arith.constant 0 : i32
      %dma_start3A_235 = tpu.memref_slice %arg12[%dma_start3A_231, %dma_start3A_232, %dma_start3A_234] : memref<2x3x6272xf32, #tpu.memory_space<vmem>> -> memref<1x1x6272xf32, #tpu.memory_space<vmem>>
      %dma_start3A_236 = tpu.memref_squeeze %dma_start3A_235 : memref<1x1x6272xf32, #tpu.memory_space<vmem>> -> memref<6272xf32, #tpu.memory_space<vmem>>
      %dma_start3A_237 = arith.constant 0 : i32
      %dma_start3A_238 = tpu.memref_slice %arg11[%dma_start3A_233, %dma_start3A_237] : memref<2x6272xi32, #tpu.memory_space<vmem>> -> memref<1x6272xi32, #tpu.memory_space<vmem>>
      %dma_start3A_239 = tpu.memref_squeeze %dma_start3A_238 : memref<1x6272xi32, #tpu.memory_space<vmem>> -> memref<6272xi32, #tpu.memory_space<vmem>>
      %dma_start3A_240 = arith.constant 0 : i32
      %dma_start3A_241 = tpu.memref_slice %arg9[%dma_start3A_240] : memref<100352xf32, #tpu.memory_space<vmem_shared>> -> memref<100352xf32, #tpu.memory_space<vmem_shared>>
      tpu.enqueue_indirect_dma source(%dma_start3A_236 : memref<6272xf32, #tpu.memory_space<vmem>>) target(%dma_start3A_241 : memref<100352xf32, #tpu.memory_space<vmem_shared>>) offsets(%dma_start3A_239 : memref<6272xi32, #tpu.memory_space<vmem>>) semaphore(%arg17 : memref<!tpu.dma_semaphore, #tpu.memory_space<semaphore_mem>>) {add = true}
      %dma_start3A_242 = arith.constant 0 : i32
      %dma_start3A_243 = arith.constant 2 : i32
      %dma_start3A_244 = arith.constant 0 : i32
      %dma_start3A_245 = arith.constant 0 : i32
      %dma_start3A_246 = tpu.memref_slice %arg12[%dma_start3A_242, %dma_start3A_243, %dma_start3A_245] : memref<2x3x6272xf32, #tpu.memory_space<vmem>> -> memref<1x1x6272xf32, #tpu.memory_space<vmem>>
      %dma_start3A_247 = tpu.memref_squeeze %dma_start3A_246 : memref<1x1x6272xf32, #tpu.memory_space<vmem>> -> memref<6272xf32, #tpu.memory_space<vmem>>
      %dma_start3A_248 = arith.constant 0 : i32
      %dma_start3A_249 = tpu.memref_slice %arg11[%dma_start3A_244, %dma_start3A_248] : memref<2x6272xi32, #tpu.memory_space<vmem>> -> memref<1x6272xi32, #tpu.memory_space<vmem>>
      %dma_start3A_250 = tpu.memref_squeeze %dma_start3A_249 : memref<1x6272xi32, #tpu.memory_space<vmem>> -> memref<6272xi32, #tpu.memory_space<vmem>>
      %dma_start3A_251 = arith.constant 0 : i32
      %dma_start3A_252 = tpu.memref_slice %arg10[%dma_start3A_251] : memref<100352xf32, #tpu.memory_space<vmem_shared>> -> memref<100352xf32, #tpu.memory_space<vmem_shared>>
      tpu.enqueue_indirect_dma source(%dma_start3A_247 : memref<6272xf32, #tpu.memory_space<vmem>>) target(%dma_start3A_252 : memref<100352xf32, #tpu.memory_space<vmem_shared>>) offsets(%dma_start3A_250 : memref<6272xi32, #tpu.memory_space<vmem>>) semaphore(%arg17 : memref<!tpu.dma_semaphore, #tpu.memory_space<semaphore_mem>>) {add = true}
      %dma_wait3A_253 = arith.constant 0 : i32
      %dma_wait3A_254 = arith.constant 0 : i32
      %dma_wait3A_255 = arith.constant 0 : i32
      %dma_wait3A_256 = arith.constant 0 : i32
      %dma_wait3A_257 = tpu.memref_slice %arg12[%dma_wait3A_253, %dma_wait3A_254, %dma_wait3A_256] : memref<2x3x6272xf32, #tpu.memory_space<vmem>> -> memref<1x1x6272xf32, #tpu.memory_space<vmem>>
      %dma_wait3A_258 = tpu.memref_squeeze %dma_wait3A_257 : memref<1x1x6272xf32, #tpu.memory_space<vmem>> -> memref<6272xf32, #tpu.memory_space<vmem>>
      %dma_wait3A_259 = arith.constant 0 : i32
      %dma_wait3A_260 = tpu.memref_slice %arg11[%dma_wait3A_255, %dma_wait3A_259] : memref<2x6272xi32, #tpu.memory_space<vmem>> -> memref<1x6272xi32, #tpu.memory_space<vmem>>
      %dma_wait3A_261 = tpu.memref_squeeze %dma_wait3A_260 : memref<1x6272xi32, #tpu.memory_space<vmem>> -> memref<6272xi32, #tpu.memory_space<vmem>>
      %dma_wait3A_262 = arith.constant 0 : i32
      %dma_wait3A_263 = tpu.memref_slice %arg8[%dma_wait3A_262] : memref<100352xf32, #tpu.memory_space<vmem_shared>> -> memref<100352xf32, #tpu.memory_space<vmem_shared>>
      tpu.wait_indirect_dma semaphore(%arg17 : memref<!tpu.dma_semaphore, #tpu.memory_space<semaphore_mem>>) src(%dma_wait3A_258 : memref<6272xf32, #tpu.memory_space<vmem>>) dst(%dma_wait3A_263 : memref<100352xf32, #tpu.memory_space<vmem_shared>>)
      %dma_wait3A_264 = arith.constant 0 : i32
      %dma_wait3A_265 = arith.constant 1 : i32
      %dma_wait3A_266 = arith.constant 0 : i32
      %dma_wait3A_267 = arith.constant 0 : i32
      %dma_wait3A_268 = tpu.memref_slice %arg12[%dma_wait3A_264, %dma_wait3A_265, %dma_wait3A_267] : memref<2x3x6272xf32, #tpu.memory_space<vmem>> -> memref<1x1x6272xf32, #tpu.memory_space<vmem>>
      %dma_wait3A_269 = tpu.memref_squeeze %dma_wait3A_268 : memref<1x1x6272xf32, #tpu.memory_space<vmem>> -> memref<6272xf32, #tpu.memory_space<vmem>>
      %dma_wait3A_270 = arith.constant 0 : i32
      %dma_wait3A_271 = tpu.memref_slice %arg11[%dma_wait3A_266, %dma_wait3A_270] : memref<2x6272xi32, #tpu.memory_space<vmem>> -> memref<1x6272xi32, #tpu.memory_space<vmem>>
      %dma_wait3A_272 = tpu.memref_squeeze %dma_wait3A_271 : memref<1x6272xi32, #tpu.memory_space<vmem>> -> memref<6272xi32, #tpu.memory_space<vmem>>
      %dma_wait3A_273 = arith.constant 0 : i32
      %dma_wait3A_274 = tpu.memref_slice %arg9[%dma_wait3A_273] : memref<100352xf32, #tpu.memory_space<vmem_shared>> -> memref<100352xf32, #tpu.memory_space<vmem_shared>>
      tpu.wait_indirect_dma semaphore(%arg17 : memref<!tpu.dma_semaphore, #tpu.memory_space<semaphore_mem>>) src(%dma_wait3A_269 : memref<6272xf32, #tpu.memory_space<vmem>>) dst(%dma_wait3A_274 : memref<100352xf32, #tpu.memory_space<vmem_shared>>)
      %dma_wait3A_275 = arith.constant 0 : i32
      %dma_wait3A_276 = arith.constant 2 : i32
      %dma_wait3A_277 = arith.constant 0 : i32
      %dma_wait3A_278 = arith.constant 0 : i32
      %dma_wait3A_279 = tpu.memref_slice %arg12[%dma_wait3A_275, %dma_wait3A_276, %dma_wait3A_278] : memref<2x3x6272xf32, #tpu.memory_space<vmem>> -> memref<1x1x6272xf32, #tpu.memory_space<vmem>>
      %dma_wait3A_280 = tpu.memref_squeeze %dma_wait3A_279 : memref<1x1x6272xf32, #tpu.memory_space<vmem>> -> memref<6272xf32, #tpu.memory_space<vmem>>
      %dma_wait3A_281 = arith.constant 0 : i32
      %dma_wait3A_282 = tpu.memref_slice %arg11[%dma_wait3A_277, %dma_wait3A_281] : memref<2x6272xi32, #tpu.memory_space<vmem>> -> memref<1x6272xi32, #tpu.memory_space<vmem>>
      %dma_wait3A_283 = tpu.memref_squeeze %dma_wait3A_282 : memref<1x6272xi32, #tpu.memory_space<vmem>> -> memref<6272xi32, #tpu.memory_space<vmem>>
      %dma_wait3A_284 = arith.constant 0 : i32
      %dma_wait3A_285 = tpu.memref_slice %arg10[%dma_wait3A_284] : memref<100352xf32, #tpu.memory_space<vmem_shared>> -> memref<100352xf32, #tpu.memory_space<vmem_shared>>
      tpu.wait_indirect_dma semaphore(%arg17 : memref<!tpu.dma_semaphore, #tpu.memory_space<semaphore_mem>>) src(%dma_wait3A_280 : memref<6272xf32, #tpu.memory_space<vmem>>) dst(%dma_wait3A_285 : memref<100352xf32, #tpu.memory_space<vmem_shared>>)
      %add3A_286 = arith.constant 2 : i32
      %add3A_287 = arith.addi %add3A_161, %add3A_286 : i32
      %lt3A = arith.constant 8 : i32
      %lt3A_288 = arith.cmpi slt, %add3A_287, %lt3A : i32
      %convert_element_type3A = arith.extui %lt3A_288 : i1 to i32
      %cond3A = arith.constant 0 : i32
      %cond3A_289 = arith.cmpi ne, %convert_element_type3A, %cond3A : i32
      scf.if %cond3A_289 {
        %add3A_426 = arith.constant 2 : i32
        %add3A_427 = arith.addi %add3A_161, %add3A_426 : i32
        %mul3A_428 = arith.constant 50176 : i32
        %mul3A_429 = arith.muli %add3A, %mul3A_428 : i32
        %mul3A_430 = arith.constant 6272 : i32
        %mul3A_431 = arith.muli %add3A_427, %mul3A_430 : i32
        %add3A_432 = arith.addi %mul3A_429, %mul3A_431 : i32
        %dma_start3A_433 = arith.constant 0 : i32
        %dma_start3A_434 = arith.constant 0 : i32
        %dma_start3A_435 = tpu.memref_slice %arg11[%dma_start3A_433, %dma_start3A_434] : memref<2x6272xi32, #tpu.memory_space<vmem>> -> memref<1x6272xi32, #tpu.memory_space<vmem>>
        %dma_start3A_436 = tpu.memref_squeeze %dma_start3A_435 : memref<1x6272xi32, #tpu.memory_space<vmem>> -> memref<6272xi32, #tpu.memory_space<vmem>>
        %dma_start3A_437 = tpu.memref_slice %arg5[%add3A_432] : memref<1605632xi32, #tpu.memory_space<hbm>> -> memref<6272xi32, #tpu.memory_space<hbm>>
        %dma_start3A_438 = arith.constant 0 : i32
        %dma_start3A_439 = tpu.memref_slice %arg11[%dma_start3A_433, %dma_start3A_438] : memref<2x6272xi32, #tpu.memory_space<vmem>> -> memref<1x6272xi32, #tpu.memory_space<vmem>>
        %dma_start3A_440 = tpu.memref_squeeze %dma_start3A_439 : memref<1x6272xi32, #tpu.memory_space<vmem>> -> memref<6272xi32, #tpu.memory_space<vmem>>
        %dma_start3A_441 = tpu.memref_slice %arg5[%add3A_432] : memref<1605632xi32, #tpu.memory_space<hbm>> -> memref<6272xi32, #tpu.memory_space<hbm>>
        tpu.enqueue_dma source(%dma_start3A_441 : memref<6272xi32, #tpu.memory_space<hbm>>) target(%dma_start3A_440 : memref<6272xi32, #tpu.memory_space<vmem>>) target_semaphore(%arg13 : memref<!tpu.dma_semaphore, #tpu.memory_space<semaphore_mem>>)
        %add3A_442 = arith.constant 2 : i32
        %add3A_443 = arith.addi %add3A_161, %add3A_442 : i32
        %mul3A_444 = arith.constant 50176 : i32
        %mul3A_445 = arith.muli %add3A, %mul3A_444 : i32
        %mul3A_446 = arith.constant 6272 : i32
        %mul3A_447 = arith.muli %add3A_443, %mul3A_446 : i32
        %add3A_448 = arith.addi %mul3A_445, %mul3A_447 : i32
        %dma_start3A_449 = arith.constant 0 : i32
        %dma_start3A_450 = arith.constant 0 : i32
        %dma_start3A_451 = arith.constant 0 : i32
        %dma_start3A_452 = tpu.memref_slice %arg12[%dma_start3A_449, %dma_start3A_450, %dma_start3A_451] : memref<2x3x6272xf32, #tpu.memory_space<vmem>> -> memref<1x1x6272xf32, #tpu.memory_space<vmem>>
        %dma_start3A_453 = tpu.memref_squeeze %dma_start3A_452 : memref<1x1x6272xf32, #tpu.memory_space<vmem>> -> memref<6272xf32, #tpu.memory_space<vmem>>
        %dma_start3A_454 = tpu.memref_slice %arg2[%add3A_448] : memref<1605632xf32, #tpu.memory_space<hbm>> -> memref<6272xf32, #tpu.memory_space<hbm>>
        %dma_start3A_455 = arith.constant 0 : i32
        %dma_start3A_456 = tpu.memref_slice %arg12[%dma_start3A_449, %dma_start3A_450, %dma_start3A_455] : memref<2x3x6272xf32, #tpu.memory_space<vmem>> -> memref<1x1x6272xf32, #tpu.memory_space<vmem>>
        %dma_start3A_457 = tpu.memref_squeeze %dma_start3A_456 : memref<1x1x6272xf32, #tpu.memory_space<vmem>> -> memref<6272xf32, #tpu.memory_space<vmem>>
        %dma_start3A_458 = tpu.memref_slice %arg2[%add3A_448] : memref<1605632xf32, #tpu.memory_space<hbm>> -> memref<6272xf32, #tpu.memory_space<hbm>>
        tpu.enqueue_dma source(%dma_start3A_458 : memref<6272xf32, #tpu.memory_space<hbm>>) target(%dma_start3A_457 : memref<6272xf32, #tpu.memory_space<vmem>>) target_semaphore(%arg15 : memref<!tpu.dma_semaphore, #tpu.memory_space<semaphore_mem>>)
        %add3A_459 = arith.constant 2 : i32
        %add3A_460 = arith.addi %add3A_161, %add3A_459 : i32
        %mul3A_461 = arith.constant 50176 : i32
        %mul3A_462 = arith.muli %add3A, %mul3A_461 : i32
        %mul3A_463 = arith.constant 6272 : i32
        %mul3A_464 = arith.muli %add3A_460, %mul3A_463 : i32
        %add3A_465 = arith.addi %mul3A_462, %mul3A_464 : i32
        %dma_start3A_466 = arith.constant 0 : i32
        %dma_start3A_467 = arith.constant 1 : i32
        %dma_start3A_468 = arith.constant 0 : i32
        %dma_start3A_469 = tpu.memref_slice %arg12[%dma_start3A_466, %dma_start3A_467, %dma_start3A_468] : memref<2x3x6272xf32, #tpu.memory_space<vmem>> -> memref<1x1x6272xf32, #tpu.memory_space<vmem>>
        %dma_start3A_470 = tpu.memref_squeeze %dma_start3A_469 : memref<1x1x6272xf32, #tpu.memory_space<vmem>> -> memref<6272xf32, #tpu.memory_space<vmem>>
        %dma_start3A_471 = tpu.memref_slice %arg3[%add3A_465] : memref<1605632xf32, #tpu.memory_space<hbm>> -> memref<6272xf32, #tpu.memory_space<hbm>>
        %dma_start3A_472 = arith.constant 0 : i32
        %dma_start3A_473 = tpu.memref_slice %arg12[%dma_start3A_466, %dma_start3A_467, %dma_start3A_472] : memref<2x3x6272xf32, #tpu.memory_space<vmem>> -> memref<1x1x6272xf32, #tpu.memory_space<vmem>>
        %dma_start3A_474 = tpu.memref_squeeze %dma_start3A_473 : memref<1x1x6272xf32, #tpu.memory_space<vmem>> -> memref<6272xf32, #tpu.memory_space<vmem>>
        %dma_start3A_475 = tpu.memref_slice %arg3[%add3A_465] : memref<1605632xf32, #tpu.memory_space<hbm>> -> memref<6272xf32, #tpu.memory_space<hbm>>
        tpu.enqueue_dma source(%dma_start3A_475 : memref<6272xf32, #tpu.memory_space<hbm>>) target(%dma_start3A_474 : memref<6272xf32, #tpu.memory_space<vmem>>) target_semaphore(%arg15 : memref<!tpu.dma_semaphore, #tpu.memory_space<semaphore_mem>>)
        %add3A_476 = arith.constant 2 : i32
        %add3A_477 = arith.addi %add3A_161, %add3A_476 : i32
        %mul3A_478 = arith.constant 50176 : i32
        %mul3A_479 = arith.muli %add3A, %mul3A_478 : i32
        %mul3A_480 = arith.constant 6272 : i32
        %mul3A_481 = arith.muli %add3A_477, %mul3A_480 : i32
        %add3A_482 = arith.addi %mul3A_479, %mul3A_481 : i32
        %dma_start3A_483 = arith.constant 0 : i32
        %dma_start3A_484 = arith.constant 2 : i32
        %dma_start3A_485 = arith.constant 0 : i32
        %dma_start3A_486 = tpu.memref_slice %arg12[%dma_start3A_483, %dma_start3A_484, %dma_start3A_485] : memref<2x3x6272xf32, #tpu.memory_space<vmem>> -> memref<1x1x6272xf32, #tpu.memory_space<vmem>>
        %dma_start3A_487 = tpu.memref_squeeze %dma_start3A_486 : memref<1x1x6272xf32, #tpu.memory_space<vmem>> -> memref<6272xf32, #tpu.memory_space<vmem>>
        %dma_start3A_488 = tpu.memref_slice %arg4[%add3A_482] : memref<1605632xf32, #tpu.memory_space<hbm>> -> memref<6272xf32, #tpu.memory_space<hbm>>
        %dma_start3A_489 = arith.constant 0 : i32
        %dma_start3A_490 = tpu.memref_slice %arg12[%dma_start3A_483, %dma_start3A_484, %dma_start3A_489] : memref<2x3x6272xf32, #tpu.memory_space<vmem>> -> memref<1x1x6272xf32, #tpu.memory_space<vmem>>
        %dma_start3A_491 = tpu.memref_squeeze %dma_start3A_490 : memref<1x1x6272xf32, #tpu.memory_space<vmem>> -> memref<6272xf32, #tpu.memory_space<vmem>>
        %dma_start3A_492 = tpu.memref_slice %arg4[%add3A_482] : memref<1605632xf32, #tpu.memory_space<hbm>> -> memref<6272xf32, #tpu.memory_space<hbm>>
        tpu.enqueue_dma source(%dma_start3A_492 : memref<6272xf32, #tpu.memory_space<hbm>>) target(%dma_start3A_491 : memref<6272xf32, #tpu.memory_space<vmem>>) target_semaphore(%arg15 : memref<!tpu.dma_semaphore, #tpu.memory_space<semaphore_mem>>)
      } else {
      }
      %mul3A_290 = arith.constant 2 : i32
      %mul3A_291 = arith.muli %mul3A_290, %add3A_157 : i32
      %add3A_292 = arith.constant 1 : i32
      %add3A_293 = arith.addi %mul3A_291, %add3A_292 : i32
      %mul3A_294 = arith.constant 50176 : i32
      %mul3A_295 = arith.muli %add3A, %mul3A_294 : i32
      %mul3A_296 = arith.constant 6272 : i32
      %mul3A_297 = arith.muli %add3A_293, %mul3A_296 : i32
      %add3A_298 = arith.addi %mul3A_295, %mul3A_297 : i32
      %dma_wait3A_299 = arith.constant 1 : i32
      %dma_wait3A_300 = arith.constant 0 : i32
      %dma_wait3A_301 = tpu.memref_slice %arg11[%dma_wait3A_299, %dma_wait3A_300] : memref<2x6272xi32, #tpu.memory_space<vmem>> -> memref<1x6272xi32, #tpu.memory_space<vmem>>
      %dma_wait3A_302 = tpu.memref_squeeze %dma_wait3A_301 : memref<1x6272xi32, #tpu.memory_space<vmem>> -> memref<6272xi32, #tpu.memory_space<vmem>>
      %dma_wait3A_303 = tpu.memref_slice %arg5[%add3A_298] : memref<1605632xi32, #tpu.memory_space<hbm>> -> memref<6272xi32, #tpu.memory_space<hbm>>
      %dma_wait3A_304 = arith.constant 0 : i32
      %dma_wait3A_305 = tpu.memref_slice %arg11[%dma_wait3A_299, %dma_wait3A_304] : memref<2x6272xi32, #tpu.memory_space<vmem>> -> memref<1x6272xi32, #tpu.memory_space<vmem>>
      %dma_wait3A_306 = tpu.memref_squeeze %dma_wait3A_305 : memref<1x6272xi32, #tpu.memory_space<vmem>> -> memref<6272xi32, #tpu.memory_space<vmem>>
      %dma_wait3A_307 = tpu.memref_slice %arg5[%add3A_298] : memref<1605632xi32, #tpu.memory_space<hbm>> -> memref<6272xi32, #tpu.memory_space<hbm>>
      tpu.wait_dma2 semaphore(%arg14 : memref<!tpu.dma_semaphore, #tpu.memory_space<semaphore_mem>>) src(%dma_wait3A_307 : memref<6272xi32, #tpu.memory_space<hbm>>) dst(%dma_wait3A_306 : memref<6272xi32, #tpu.memory_space<vmem>>)
      %mul3A_308 = arith.constant 50176 : i32
      %mul3A_309 = arith.muli %add3A, %mul3A_308 : i32
      %mul3A_310 = arith.constant 6272 : i32
      %mul3A_311 = arith.muli %add3A_293, %mul3A_310 : i32
      %add3A_312 = arith.addi %mul3A_309, %mul3A_311 : i32
      %dma_wait3A_313 = arith.constant 1 : i32
      %dma_wait3A_314 = arith.constant 0 : i32
      %dma_wait3A_315 = arith.constant 0 : i32
      %dma_wait3A_316 = tpu.memref_slice %arg12[%dma_wait3A_313, %dma_wait3A_314, %dma_wait3A_315] : memref<2x3x6272xf32, #tpu.memory_space<vmem>> -> memref<1x1x6272xf32, #tpu.memory_space<vmem>>
      %dma_wait3A_317 = tpu.memref_squeeze %dma_wait3A_316 : memref<1x1x6272xf32, #tpu.memory_space<vmem>> -> memref<6272xf32, #tpu.memory_space<vmem>>
      %dma_wait3A_318 = tpu.memref_slice %arg2[%add3A_312] : memref<1605632xf32, #tpu.memory_space<hbm>> -> memref<6272xf32, #tpu.memory_space<hbm>>
      %dma_wait3A_319 = arith.constant 0 : i32
      %dma_wait3A_320 = tpu.memref_slice %arg12[%dma_wait3A_313, %dma_wait3A_314, %dma_wait3A_319] : memref<2x3x6272xf32, #tpu.memory_space<vmem>> -> memref<1x1x6272xf32, #tpu.memory_space<vmem>>
      %dma_wait3A_321 = tpu.memref_squeeze %dma_wait3A_320 : memref<1x1x6272xf32, #tpu.memory_space<vmem>> -> memref<6272xf32, #tpu.memory_space<vmem>>
      %dma_wait3A_322 = tpu.memref_slice %arg2[%add3A_312] : memref<1605632xf32, #tpu.memory_space<hbm>> -> memref<6272xf32, #tpu.memory_space<hbm>>
      tpu.wait_dma2 semaphore(%arg16 : memref<!tpu.dma_semaphore, #tpu.memory_space<semaphore_mem>>) src(%dma_wait3A_322 : memref<6272xf32, #tpu.memory_space<hbm>>) dst(%dma_wait3A_321 : memref<6272xf32, #tpu.memory_space<vmem>>)
      %mul3A_323 = arith.constant 50176 : i32
      %mul3A_324 = arith.muli %add3A, %mul3A_323 : i32
      %mul3A_325 = arith.constant 6272 : i32
      %mul3A_326 = arith.muli %add3A_293, %mul3A_325 : i32
      %add3A_327 = arith.addi %mul3A_324, %mul3A_326 : i32
      %dma_wait3A_328 = arith.constant 1 : i32
      %dma_wait3A_329 = arith.constant 1 : i32
      %dma_wait3A_330 = arith.constant 0 : i32
      %dma_wait3A_331 = tpu.memref_slice %arg12[%dma_wait3A_328, %dma_wait3A_329, %dma_wait3A_330] : memref<2x3x6272xf32, #tpu.memory_space<vmem>> -> memref<1x1x6272xf32, #tpu.memory_space<vmem>>
      %dma_wait3A_332 = tpu.memref_squeeze %dma_wait3A_331 : memref<1x1x6272xf32, #tpu.memory_space<vmem>> -> memref<6272xf32, #tpu.memory_space<vmem>>
      %dma_wait3A_333 = tpu.memref_slice %arg3[%add3A_327] : memref<1605632xf32, #tpu.memory_space<hbm>> -> memref<6272xf32, #tpu.memory_space<hbm>>
      %dma_wait3A_334 = arith.constant 0 : i32
      %dma_wait3A_335 = tpu.memref_slice %arg12[%dma_wait3A_328, %dma_wait3A_329, %dma_wait3A_334] : memref<2x3x6272xf32, #tpu.memory_space<vmem>> -> memref<1x1x6272xf32, #tpu.memory_space<vmem>>
      %dma_wait3A_336 = tpu.memref_squeeze %dma_wait3A_335 : memref<1x1x6272xf32, #tpu.memory_space<vmem>> -> memref<6272xf32, #tpu.memory_space<vmem>>
      %dma_wait3A_337 = tpu.memref_slice %arg3[%add3A_327] : memref<1605632xf32, #tpu.memory_space<hbm>> -> memref<6272xf32, #tpu.memory_space<hbm>>
      tpu.wait_dma2 semaphore(%arg16 : memref<!tpu.dma_semaphore, #tpu.memory_space<semaphore_mem>>) src(%dma_wait3A_337 : memref<6272xf32, #tpu.memory_space<hbm>>) dst(%dma_wait3A_336 : memref<6272xf32, #tpu.memory_space<vmem>>)
      %mul3A_338 = arith.constant 50176 : i32
      %mul3A_339 = arith.muli %add3A, %mul3A_338 : i32
      %mul3A_340 = arith.constant 6272 : i32
      %mul3A_341 = arith.muli %add3A_293, %mul3A_340 : i32
      %add3A_342 = arith.addi %mul3A_339, %mul3A_341 : i32
      %dma_wait3A_343 = arith.constant 1 : i32
      %dma_wait3A_344 = arith.constant 2 : i32
      %dma_wait3A_345 = arith.constant 0 : i32
      %dma_wait3A_346 = tpu.memref_slice %arg12[%dma_wait3A_343, %dma_wait3A_344, %dma_wait3A_345] : memref<2x3x6272xf32, #tpu.memory_space<vmem>> -> memref<1x1x6272xf32, #tpu.memory_space<vmem>>
      %dma_wait3A_347 = tpu.memref_squeeze %dma_wait3A_346 : memref<1x1x6272xf32, #tpu.memory_space<vmem>> -> memref<6272xf32, #tpu.memory_space<vmem>>
      %dma_wait3A_348 = tpu.memref_slice %arg4[%add3A_342] : memref<1605632xf32, #tpu.memory_space<hbm>> -> memref<6272xf32, #tpu.memory_space<hbm>>
      %dma_wait3A_349 = arith.constant 0 : i32
      %dma_wait3A_350 = tpu.memref_slice %arg12[%dma_wait3A_343, %dma_wait3A_344, %dma_wait3A_349] : memref<2x3x6272xf32, #tpu.memory_space<vmem>> -> memref<1x1x6272xf32, #tpu.memory_space<vmem>>
      %dma_wait3A_351 = tpu.memref_squeeze %dma_wait3A_350 : memref<1x1x6272xf32, #tpu.memory_space<vmem>> -> memref<6272xf32, #tpu.memory_space<vmem>>
      %dma_wait3A_352 = tpu.memref_slice %arg4[%add3A_342] : memref<1605632xf32, #tpu.memory_space<hbm>> -> memref<6272xf32, #tpu.memory_space<hbm>>
      tpu.wait_dma2 semaphore(%arg16 : memref<!tpu.dma_semaphore, #tpu.memory_space<semaphore_mem>>) src(%dma_wait3A_352 : memref<6272xf32, #tpu.memory_space<hbm>>) dst(%dma_wait3A_351 : memref<6272xf32, #tpu.memory_space<vmem>>)
      %dma_start3A_353 = arith.constant 1 : i32
      %dma_start3A_354 = arith.constant 0 : i32
      %dma_start3A_355 = arith.constant 1 : i32
      %dma_start3A_356 = arith.constant 0 : i32
      %dma_start3A_357 = tpu.memref_slice %arg12[%dma_start3A_353, %dma_start3A_354, %dma_start3A_356] : memref<2x3x6272xf32, #tpu.memory_space<vmem>> -> memref<1x1x6272xf32, #tpu.memory_space<vmem>>
      %dma_start3A_358 = tpu.memref_squeeze %dma_start3A_357 : memref<1x1x6272xf32, #tpu.memory_space<vmem>> -> memref<6272xf32, #tpu.memory_space<vmem>>
      %dma_start3A_359 = arith.constant 0 : i32
      %dma_start3A_360 = tpu.memref_slice %arg11[%dma_start3A_355, %dma_start3A_359] : memref<2x6272xi32, #tpu.memory_space<vmem>> -> memref<1x6272xi32, #tpu.memory_space<vmem>>
      %dma_start3A_361 = tpu.memref_squeeze %dma_start3A_360 : memref<1x6272xi32, #tpu.memory_space<vmem>> -> memref<6272xi32, #tpu.memory_space<vmem>>
      %dma_start3A_362 = arith.constant 0 : i32
      %dma_start3A_363 = tpu.memref_slice %arg8[%dma_start3A_362] : memref<100352xf32, #tpu.memory_space<vmem_shared>> -> memref<100352xf32, #tpu.memory_space<vmem_shared>>
      tpu.enqueue_indirect_dma source(%dma_start3A_358 : memref<6272xf32, #tpu.memory_space<vmem>>) target(%dma_start3A_363 : memref<100352xf32, #tpu.memory_space<vmem_shared>>) offsets(%dma_start3A_361 : memref<6272xi32, #tpu.memory_space<vmem>>) semaphore(%arg17 : memref<!tpu.dma_semaphore, #tpu.memory_space<semaphore_mem>>) {add = true}
      %dma_start3A_364 = arith.constant 1 : i32
      %dma_start3A_365 = arith.constant 1 : i32
      %dma_start3A_366 = arith.constant 1 : i32
      %dma_start3A_367 = arith.constant 0 : i32
      %dma_start3A_368 = tpu.memref_slice %arg12[%dma_start3A_364, %dma_start3A_365, %dma_start3A_367] : memref<2x3x6272xf32, #tpu.memory_space<vmem>> -> memref<1x1x6272xf32, #tpu.memory_space<vmem>>
      %dma_start3A_369 = tpu.memref_squeeze %dma_start3A_368 : memref<1x1x6272xf32, #tpu.memory_space<vmem>> -> memref<6272xf32, #tpu.memory_space<vmem>>
      %dma_start3A_370 = arith.constant 0 : i32
      %dma_start3A_371 = tpu.memref_slice %arg11[%dma_start3A_366, %dma_start3A_370] : memref<2x6272xi32, #tpu.memory_space<vmem>> -> memref<1x6272xi32, #tpu.memory_space<vmem>>
      %dma_start3A_372 = tpu.memref_squeeze %dma_start3A_371 : memref<1x6272xi32, #tpu.memory_space<vmem>> -> memref<6272xi32, #tpu.memory_space<vmem>>
      %dma_start3A_373 = arith.constant 0 : i32
      %dma_start3A_374 = tpu.memref_slice %arg9[%dma_start3A_373] : memref<100352xf32, #tpu.memory_space<vmem_shared>> -> memref<100352xf32, #tpu.memory_space<vmem_shared>>
      tpu.enqueue_indirect_dma source(%dma_start3A_369 : memref<6272xf32, #tpu.memory_space<vmem>>) target(%dma_start3A_374 : memref<100352xf32, #tpu.memory_space<vmem_shared>>) offsets(%dma_start3A_372 : memref<6272xi32, #tpu.memory_space<vmem>>) semaphore(%arg17 : memref<!tpu.dma_semaphore, #tpu.memory_space<semaphore_mem>>) {add = true}
      %dma_start3A_375 = arith.constant 1 : i32
      %dma_start3A_376 = arith.constant 2 : i32
      %dma_start3A_377 = arith.constant 1 : i32
      %dma_start3A_378 = arith.constant 0 : i32
      %dma_start3A_379 = tpu.memref_slice %arg12[%dma_start3A_375, %dma_start3A_376, %dma_start3A_378] : memref<2x3x6272xf32, #tpu.memory_space<vmem>> -> memref<1x1x6272xf32, #tpu.memory_space<vmem>>
      %dma_start3A_380 = tpu.memref_squeeze %dma_start3A_379 : memref<1x1x6272xf32, #tpu.memory_space<vmem>> -> memref<6272xf32, #tpu.memory_space<vmem>>
      %dma_start3A_381 = arith.constant 0 : i32
      %dma_start3A_382 = tpu.memref_slice %arg11[%dma_start3A_377, %dma_start3A_381] : memref<2x6272xi32, #tpu.memory_space<vmem>> -> memref<1x6272xi32, #tpu.memory_space<vmem>>
      %dma_start3A_383 = tpu.memref_squeeze %dma_start3A_382 : memref<1x6272xi32, #tpu.memory_space<vmem>> -> memref<6272xi32, #tpu.memory_space<vmem>>
      %dma_start3A_384 = arith.constant 0 : i32
      %dma_start3A_385 = tpu.memref_slice %arg10[%dma_start3A_384] : memref<100352xf32, #tpu.memory_space<vmem_shared>> -> memref<100352xf32, #tpu.memory_space<vmem_shared>>
      tpu.enqueue_indirect_dma source(%dma_start3A_380 : memref<6272xf32, #tpu.memory_space<vmem>>) target(%dma_start3A_385 : memref<100352xf32, #tpu.memory_space<vmem_shared>>) offsets(%dma_start3A_383 : memref<6272xi32, #tpu.memory_space<vmem>>) semaphore(%arg17 : memref<!tpu.dma_semaphore, #tpu.memory_space<semaphore_mem>>) {add = true}
      %dma_wait3A_386 = arith.constant 1 : i32
      %dma_wait3A_387 = arith.constant 0 : i32
      %dma_wait3A_388 = arith.constant 1 : i32
      %dma_wait3A_389 = arith.constant 0 : i32
      %dma_wait3A_390 = tpu.memref_slice %arg12[%dma_wait3A_386, %dma_wait3A_387, %dma_wait3A_389] : memref<2x3x6272xf32, #tpu.memory_space<vmem>> -> memref<1x1x6272xf32, #tpu.memory_space<vmem>>
      %dma_wait3A_391 = tpu.memref_squeeze %dma_wait3A_390 : memref<1x1x6272xf32, #tpu.memory_space<vmem>> -> memref<6272xf32, #tpu.memory_space<vmem>>
      %dma_wait3A_392 = arith.constant 0 : i32
      %dma_wait3A_393 = tpu.memref_slice %arg11[%dma_wait3A_388, %dma_wait3A_392] : memref<2x6272xi32, #tpu.memory_space<vmem>> -> memref<1x6272xi32, #tpu.memory_space<vmem>>
      %dma_wait3A_394 = tpu.memref_squeeze %dma_wait3A_393 : memref<1x6272xi32, #tpu.memory_space<vmem>> -> memref<6272xi32, #tpu.memory_space<vmem>>
      %dma_wait3A_395 = arith.constant 0 : i32
      %dma_wait3A_396 = tpu.memref_slice %arg8[%dma_wait3A_395] : memref<100352xf32, #tpu.memory_space<vmem_shared>> -> memref<100352xf32, #tpu.memory_space<vmem_shared>>
      tpu.wait_indirect_dma semaphore(%arg17 : memref<!tpu.dma_semaphore, #tpu.memory_space<semaphore_mem>>) src(%dma_wait3A_391 : memref<6272xf32, #tpu.memory_space<vmem>>) dst(%dma_wait3A_396 : memref<100352xf32, #tpu.memory_space<vmem_shared>>)
      %dma_wait3A_397 = arith.constant 1 : i32
      %dma_wait3A_398 = arith.constant 1 : i32
      %dma_wait3A_399 = arith.constant 1 : i32
      %dma_wait3A_400 = arith.constant 0 : i32
      %dma_wait3A_401 = tpu.memref_slice %arg12[%dma_wait3A_397, %dma_wait3A_398, %dma_wait3A_400] : memref<2x3x6272xf32, #tpu.memory_space<vmem>> -> memref<1x1x6272xf32, #tpu.memory_space<vmem>>
      %dma_wait3A_402 = tpu.memref_squeeze %dma_wait3A_401 : memref<1x1x6272xf32, #tpu.memory_space<vmem>> -> memref<6272xf32, #tpu.memory_space<vmem>>
      %dma_wait3A_403 = arith.constant 0 : i32
      %dma_wait3A_404 = tpu.memref_slice %arg11[%dma_wait3A_399, %dma_wait3A_403] : memref<2x6272xi32, #tpu.memory_space<vmem>> -> memref<1x6272xi32, #tpu.memory_space<vmem>>
      %dma_wait3A_405 = tpu.memref_squeeze %dma_wait3A_404 : memref<1x6272xi32, #tpu.memory_space<vmem>> -> memref<6272xi32, #tpu.memory_space<vmem>>
      %dma_wait3A_406 = arith.constant 0 : i32
      %dma_wait3A_407 = tpu.memref_slice %arg9[%dma_wait3A_406] : memref<100352xf32, #tpu.memory_space<vmem_shared>> -> memref<100352xf32, #tpu.memory_space<vmem_shared>>
      tpu.wait_indirect_dma semaphore(%arg17 : memref<!tpu.dma_semaphore, #tpu.memory_space<semaphore_mem>>) src(%dma_wait3A_402 : memref<6272xf32, #tpu.memory_space<vmem>>) dst(%dma_wait3A_407 : memref<100352xf32, #tpu.memory_space<vmem_shared>>)
      %dma_wait3A_408 = arith.constant 1 : i32
      %dma_wait3A_409 = arith.constant 2 : i32
      %dma_wait3A_410 = arith.constant 1 : i32
      %dma_wait3A_411 = arith.constant 0 : i32
      %dma_wait3A_412 = tpu.memref_slice %arg12[%dma_wait3A_408, %dma_wait3A_409, %dma_wait3A_411] : memref<2x3x6272xf32, #tpu.memory_space<vmem>> -> memref<1x1x6272xf32, #tpu.memory_space<vmem>>
      %dma_wait3A_413 = tpu.memref_squeeze %dma_wait3A_412 : memref<1x1x6272xf32, #tpu.memory_space<vmem>> -> memref<6272xf32, #tpu.memory_space<vmem>>
      %dma_wait3A_414 = arith.constant 0 : i32
      %dma_wait3A_415 = tpu.memref_slice %arg11[%dma_wait3A_410, %dma_wait3A_414] : memref<2x6272xi32, #tpu.memory_space<vmem>> -> memref<1x6272xi32, #tpu.memory_space<vmem>>
      %dma_wait3A_416 = tpu.memref_squeeze %dma_wait3A_415 : memref<1x6272xi32, #tpu.memory_space<vmem>> -> memref<6272xi32, #tpu.memory_space<vmem>>
      %dma_wait3A_417 = arith.constant 0 : i32
      %dma_wait3A_418 = tpu.memref_slice %arg10[%dma_wait3A_417] : memref<100352xf32, #tpu.memory_space<vmem_shared>> -> memref<100352xf32, #tpu.memory_space<vmem_shared>>
      tpu.wait_indirect_dma semaphore(%arg17 : memref<!tpu.dma_semaphore, #tpu.memory_space<semaphore_mem>>) src(%dma_wait3A_413 : memref<6272xf32, #tpu.memory_space<vmem>>) dst(%dma_wait3A_418 : memref<100352xf32, #tpu.memory_space<vmem_shared>>)
      %add3A_419 = arith.constant 2 : i32
      %add3A_420 = arith.addi %add3A_293, %add3A_419 : i32
      %lt3A_421 = arith.constant 8 : i32
      %lt3A_422 = arith.cmpi slt, %add3A_420, %lt3A_421 : i32
      %convert_element_type3A_423 = arith.extui %lt3A_422 : i1 to i32
      %cond3A_424 = arith.constant 0 : i32
      %cond3A_425 = arith.cmpi ne, %convert_element_type3A_423, %cond3A_424 : i32
      scf.if %cond3A_425 {
        %add3A_426 = arith.constant 2 : i32
        %add3A_427 = arith.addi %add3A_293, %add3A_426 : i32
        %mul3A_428 = arith.constant 50176 : i32
        %mul3A_429 = arith.muli %add3A, %mul3A_428 : i32
        %mul3A_430 = arith.constant 6272 : i32
        %mul3A_431 = arith.muli %add3A_427, %mul3A_430 : i32
        %add3A_432 = arith.addi %mul3A_429, %mul3A_431 : i32
        %dma_start3A_433 = arith.constant 1 : i32
        %dma_start3A_434 = arith.constant 0 : i32
        %dma_start3A_435 = tpu.memref_slice %arg11[%dma_start3A_433, %dma_start3A_434] : memref<2x6272xi32, #tpu.memory_space<vmem>> -> memref<1x6272xi32, #tpu.memory_space<vmem>>
        %dma_start3A_436 = tpu.memref_squeeze %dma_start3A_435 : memref<1x6272xi32, #tpu.memory_space<vmem>> -> memref<6272xi32, #tpu.memory_space<vmem>>
        %dma_start3A_437 = tpu.memref_slice %arg5[%add3A_432] : memref<1605632xi32, #tpu.memory_space<hbm>> -> memref<6272xi32, #tpu.memory_space<hbm>>
        %dma_start3A_438 = arith.constant 0 : i32
        %dma_start3A_439 = tpu.memref_slice %arg11[%dma_start3A_433, %dma_start3A_438] : memref<2x6272xi32, #tpu.memory_space<vmem>> -> memref<1x6272xi32, #tpu.memory_space<vmem>>
        %dma_start3A_440 = tpu.memref_squeeze %dma_start3A_439 : memref<1x6272xi32, #tpu.memory_space<vmem>> -> memref<6272xi32, #tpu.memory_space<vmem>>
        %dma_start3A_441 = tpu.memref_slice %arg5[%add3A_432] : memref<1605632xi32, #tpu.memory_space<hbm>> -> memref<6272xi32, #tpu.memory_space<hbm>>
        tpu.enqueue_dma source(%dma_start3A_441 : memref<6272xi32, #tpu.memory_space<hbm>>) target(%dma_start3A_440 : memref<6272xi32, #tpu.memory_space<vmem>>) target_semaphore(%arg14 : memref<!tpu.dma_semaphore, #tpu.memory_space<semaphore_mem>>)
        %add3A_442 = arith.constant 2 : i32
        %add3A_443 = arith.addi %add3A_293, %add3A_442 : i32
        %mul3A_444 = arith.constant 50176 : i32
        %mul3A_445 = arith.muli %add3A, %mul3A_444 : i32
        %mul3A_446 = arith.constant 6272 : i32
        %mul3A_447 = arith.muli %add3A_443, %mul3A_446 : i32
        %add3A_448 = arith.addi %mul3A_445, %mul3A_447 : i32
        %dma_start3A_449 = arith.constant 1 : i32
        %dma_start3A_450 = arith.constant 0 : i32
        %dma_start3A_451 = arith.constant 0 : i32
        %dma_start3A_452 = tpu.memref_slice %arg12[%dma_start3A_449, %dma_start3A_450, %dma_start3A_451] : memref<2x3x6272xf32, #tpu.memory_space<vmem>> -> memref<1x1x6272xf32, #tpu.memory_space<vmem>>
        %dma_start3A_453 = tpu.memref_squeeze %dma_start3A_452 : memref<1x1x6272xf32, #tpu.memory_space<vmem>> -> memref<6272xf32, #tpu.memory_space<vmem>>
        %dma_start3A_454 = tpu.memref_slice %arg2[%add3A_448] : memref<1605632xf32, #tpu.memory_space<hbm>> -> memref<6272xf32, #tpu.memory_space<hbm>>
        %dma_start3A_455 = arith.constant 0 : i32
        %dma_start3A_456 = tpu.memref_slice %arg12[%dma_start3A_449, %dma_start3A_450, %dma_start3A_455] : memref<2x3x6272xf32, #tpu.memory_space<vmem>> -> memref<1x1x6272xf32, #tpu.memory_space<vmem>>
        %dma_start3A_457 = tpu.memref_squeeze %dma_start3A_456 : memref<1x1x6272xf32, #tpu.memory_space<vmem>> -> memref<6272xf32, #tpu.memory_space<vmem>>
        %dma_start3A_458 = tpu.memref_slice %arg2[%add3A_448] : memref<1605632xf32, #tpu.memory_space<hbm>> -> memref<6272xf32, #tpu.memory_space<hbm>>
        tpu.enqueue_dma source(%dma_start3A_458 : memref<6272xf32, #tpu.memory_space<hbm>>) target(%dma_start3A_457 : memref<6272xf32, #tpu.memory_space<vmem>>) target_semaphore(%arg16 : memref<!tpu.dma_semaphore, #tpu.memory_space<semaphore_mem>>)
        %add3A_459 = arith.constant 2 : i32
        %add3A_460 = arith.addi %add3A_293, %add3A_459 : i32
        %mul3A_461 = arith.constant 50176 : i32
        %mul3A_462 = arith.muli %add3A, %mul3A_461 : i32
        %mul3A_463 = arith.constant 6272 : i32
        %mul3A_464 = arith.muli %add3A_460, %mul3A_463 : i32
        %add3A_465 = arith.addi %mul3A_462, %mul3A_464 : i32
        %dma_start3A_466 = arith.constant 1 : i32
        %dma_start3A_467 = arith.constant 1 : i32
        %dma_start3A_468 = arith.constant 0 : i32
        %dma_start3A_469 = tpu.memref_slice %arg12[%dma_start3A_466, %dma_start3A_467, %dma_start3A_468] : memref<2x3x6272xf32, #tpu.memory_space<vmem>> -> memref<1x1x6272xf32, #tpu.memory_space<vmem>>
        %dma_start3A_470 = tpu.memref_squeeze %dma_start3A_469 : memref<1x1x6272xf32, #tpu.memory_space<vmem>> -> memref<6272xf32, #tpu.memory_space<vmem>>
        %dma_start3A_471 = tpu.memref_slice %arg3[%add3A_465] : memref<1605632xf32, #tpu.memory_space<hbm>> -> memref<6272xf32, #tpu.memory_space<hbm>>
        %dma_start3A_472 = arith.constant 0 : i32
        %dma_start3A_473 = tpu.memref_slice %arg12[%dma_start3A_466, %dma_start3A_467, %dma_start3A_472] : memref<2x3x6272xf32, #tpu.memory_space<vmem>> -> memref<1x1x6272xf32, #tpu.memory_space<vmem>>
        %dma_start3A_474 = tpu.memref_squeeze %dma_start3A_473 : memref<1x1x6272xf32, #tpu.memory_space<vmem>> -> memref<6272xf32, #tpu.memory_space<vmem>>
        %dma_start3A_475 = tpu.memref_slice %arg3[%add3A_465] : memref<1605632xf32, #tpu.memory_space<hbm>> -> memref<6272xf32, #tpu.memory_space<hbm>>
        tpu.enqueue_dma source(%dma_start3A_475 : memref<6272xf32, #tpu.memory_space<hbm>>) target(%dma_start3A_474 : memref<6272xf32, #tpu.memory_space<vmem>>) target_semaphore(%arg16 : memref<!tpu.dma_semaphore, #tpu.memory_space<semaphore_mem>>)
        %add3A_476 = arith.constant 2 : i32
        %add3A_477 = arith.addi %add3A_293, %add3A_476 : i32
        %mul3A_478 = arith.constant 50176 : i32
        %mul3A_479 = arith.muli %add3A, %mul3A_478 : i32
        %mul3A_480 = arith.constant 6272 : i32
        %mul3A_481 = arith.muli %add3A_477, %mul3A_480 : i32
        %add3A_482 = arith.addi %mul3A_479, %mul3A_481 : i32
        %dma_start3A_483 = arith.constant 1 : i32
        %dma_start3A_484 = arith.constant 2 : i32
        %dma_start3A_485 = arith.constant 0 : i32
        %dma_start3A_486 = tpu.memref_slice %arg12[%dma_start3A_483, %dma_start3A_484, %dma_start3A_485] : memref<2x3x6272xf32, #tpu.memory_space<vmem>> -> memref<1x1x6272xf32, #tpu.memory_space<vmem>>
        %dma_start3A_487 = tpu.memref_squeeze %dma_start3A_486 : memref<1x1x6272xf32, #tpu.memory_space<vmem>> -> memref<6272xf32, #tpu.memory_space<vmem>>
        %dma_start3A_488 = tpu.memref_slice %arg4[%add3A_482] : memref<1605632xf32, #tpu.memory_space<hbm>> -> memref<6272xf32, #tpu.memory_space<hbm>>
        %dma_start3A_489 = arith.constant 0 : i32
        %dma_start3A_490 = tpu.memref_slice %arg12[%dma_start3A_483, %dma_start3A_484, %dma_start3A_489] : memref<2x3x6272xf32, #tpu.memory_space<vmem>> -> memref<1x1x6272xf32, #tpu.memory_space<vmem>>
        %dma_start3A_491 = tpu.memref_squeeze %dma_start3A_490 : memref<1x1x6272xf32, #tpu.memory_space<vmem>> -> memref<6272xf32, #tpu.memory_space<vmem>>
        %dma_start3A_492 = tpu.memref_slice %arg4[%add3A_482] : memref<1605632xf32, #tpu.memory_space<hbm>> -> memref<6272xf32, #tpu.memory_space<hbm>>
        tpu.enqueue_dma source(%dma_start3A_492 : memref<6272xf32, #tpu.memory_space<hbm>>) target(%dma_start3A_491 : memref<6272xf32, #tpu.memory_space<vmem>>) target_semaphore(%arg16 : memref<!tpu.dma_semaphore, #tpu.memory_space<semaphore_mem>>)
      } else {
      }
    }
    %scan3A_125 = arith.constant 4 : i32
    %barrier3A_126 = arith.constant 0 : index
    tpu.barrier barrier_id(%barrier3A_126)
    %mul3A_127 = arith.constant 6272 : i32
    %mul3A_128 = arith.muli %arg1, %mul3A_127 : i32
    %mul3A_129 = arith.constant 3 : i32
    %mul3A_130 = arith.muli %arg0, %mul3A_129 : i32
    %add3A_131 = arith.constant 0 : i32
    %add3A_132 = arith.addi %mul3A_130, %add3A_131 : i32
    %mul3A_133 = arith.constant 6272 : i32
    %mul3A_134 = arith.muli %arg1, %mul3A_133 : i32
    %run_scoped3A = arith.constant 0 : i32
    "tpu.region"() ({
      %run_scoped3A_153 = tpu.sem_alloc : memref<!tpu.dma_semaphore, #tpu.memory_space<semaphore_mem>>
      %dma_start3A_154 = tpu.memref_slice %arg7[%add3A_132, %run_scoped3A, %mul3A_134] : memref<6x1x100352xf32, #tpu.memory_space<hbm>> -> memref<1x1x6272xf32, #tpu.memory_space<hbm>>
      %dma_start3A_155 = tpu.memref_squeeze %dma_start3A_154 : memref<1x1x6272xf32, #tpu.memory_space<hbm>> -> memref<6272xf32, #tpu.memory_space<hbm>>
      %dma_start3A_156 = tpu.memref_slice %arg8[%mul3A_128] : memref<100352xf32, #tpu.memory_space<vmem_shared>> -> memref<6272xf32, #tpu.memory_space<vmem_shared>>
      tpu.enqueue_dma source(%dma_start3A_156 : memref<6272xf32, #tpu.memory_space<vmem_shared>>) target(%dma_start3A_155 : memref<6272xf32, #tpu.memory_space<hbm>>) target_semaphore(%run_scoped3A_153 : memref<!tpu.dma_semaphore, #tpu.memory_space<semaphore_mem>>)
      %dma_wait3A = tpu.memref_slice %arg7[%add3A_132, %run_scoped3A, %mul3A_134] : memref<6x1x100352xf32, #tpu.memory_space<hbm>> -> memref<1x1x6272xf32, #tpu.memory_space<hbm>>
      %dma_wait3A_157 = tpu.memref_squeeze %dma_wait3A : memref<1x1x6272xf32, #tpu.memory_space<hbm>> -> memref<6272xf32, #tpu.memory_space<hbm>>
      %dma_wait3A_158 = tpu.memref_slice %arg8[%mul3A_128] : memref<100352xf32, #tpu.memory_space<vmem_shared>> -> memref<6272xf32, #tpu.memory_space<vmem_shared>>
      tpu.wait_dma2 semaphore(%run_scoped3A_153 : memref<!tpu.dma_semaphore, #tpu.memory_space<semaphore_mem>>) src(%dma_wait3A_158 : memref<6272xf32, #tpu.memory_space<vmem_shared>>) dst(%dma_wait3A_157 : memref<6272xf32, #tpu.memory_space<hbm>>)
      tpu.yield
    }) : () -> ()
    %mul3A_135 = arith.constant 6272 : i32
    %mul3A_136 = arith.muli %arg1, %mul3A_135 : i32
    %mul3A_137 = arith.constant 3 : i32
    %mul3A_138 = arith.muli %arg0, %mul3A_137 : i32
    %add3A_139 = arith.constant 1 : i32
    %add3A_140 = arith.addi %mul3A_138, %add3A_139 : i32
    %mul3A_141 = arith.constant 6272 : i32
    %mul3A_142 = arith.muli %arg1, %mul3A_141 : i32
    %run_scoped3A_143 = arith.constant 0 : i32
    "tpu.region"() ({
      %run_scoped3A_153 = tpu.sem_alloc : memref<!tpu.dma_semaphore, #tpu.memory_space<semaphore_mem>>
      %dma_start3A_154 = tpu.memref_slice %arg7[%add3A_140, %run_scoped3A_143, %mul3A_142] : memref<6x1x100352xf32, #tpu.memory_space<hbm>> -> memref<1x1x6272xf32, #tpu.memory_space<hbm>>
      %dma_start3A_155 = tpu.memref_squeeze %dma_start3A_154 : memref<1x1x6272xf32, #tpu.memory_space<hbm>> -> memref<6272xf32, #tpu.memory_space<hbm>>
      %dma_start3A_156 = tpu.memref_slice %arg9[%mul3A_136] : memref<100352xf32, #tpu.memory_space<vmem_shared>> -> memref<6272xf32, #tpu.memory_space<vmem_shared>>
      tpu.enqueue_dma source(%dma_start3A_156 : memref<6272xf32, #tpu.memory_space<vmem_shared>>) target(%dma_start3A_155 : memref<6272xf32, #tpu.memory_space<hbm>>) target_semaphore(%run_scoped3A_153 : memref<!tpu.dma_semaphore, #tpu.memory_space<semaphore_mem>>)
      %dma_wait3A = tpu.memref_slice %arg7[%add3A_140, %run_scoped3A_143, %mul3A_142] : memref<6x1x100352xf32, #tpu.memory_space<hbm>> -> memref<1x1x6272xf32, #tpu.memory_space<hbm>>
      %dma_wait3A_157 = tpu.memref_squeeze %dma_wait3A : memref<1x1x6272xf32, #tpu.memory_space<hbm>> -> memref<6272xf32, #tpu.memory_space<hbm>>
      %dma_wait3A_158 = tpu.memref_slice %arg9[%mul3A_136] : memref<100352xf32, #tpu.memory_space<vmem_shared>> -> memref<6272xf32, #tpu.memory_space<vmem_shared>>
      tpu.wait_dma2 semaphore(%run_scoped3A_153 : memref<!tpu.dma_semaphore, #tpu.memory_space<semaphore_mem>>) src(%dma_wait3A_158 : memref<6272xf32, #tpu.memory_space<vmem_shared>>) dst(%dma_wait3A_157 : memref<6272xf32, #tpu.memory_space<hbm>>)
      tpu.yield
    }) : () -> ()
    %mul3A_144 = arith.constant 6272 : i32
    %mul3A_145 = arith.muli %arg1, %mul3A_144 : i32
    %mul3A_146 = arith.constant 3 : i32
    %mul3A_147 = arith.muli %arg0, %mul3A_146 : i32
    %add3A_148 = arith.constant 2 : i32
    %add3A_149 = arith.addi %mul3A_147, %add3A_148 : i32
    %mul3A_150 = arith.constant 6272 : i32
    %mul3A_151 = arith.muli %arg1, %mul3A_150 : i32
    %run_scoped3A_152 = arith.constant 0 : i32
    "tpu.region"() ({
      %run_scoped3A_153 = tpu.sem_alloc : memref<!tpu.dma_semaphore, #tpu.memory_space<semaphore_mem>>
      %dma_start3A_154 = tpu.memref_slice %arg7[%add3A_149, %run_scoped3A_152, %mul3A_151] : memref<6x1x100352xf32, #tpu.memory_space<hbm>> -> memref<1x1x6272xf32, #tpu.memory_space<hbm>>
      %dma_start3A_155 = tpu.memref_squeeze %dma_start3A_154 : memref<1x1x6272xf32, #tpu.memory_space<hbm>> -> memref<6272xf32, #tpu.memory_space<hbm>>
      %dma_start3A_156 = tpu.memref_slice %arg10[%mul3A_145] : memref<100352xf32, #tpu.memory_space<vmem_shared>> -> memref<6272xf32, #tpu.memory_space<vmem_shared>>
      tpu.enqueue_dma source(%dma_start3A_156 : memref<6272xf32, #tpu.memory_space<vmem_shared>>) target(%dma_start3A_155 : memref<6272xf32, #tpu.memory_space<hbm>>) target_semaphore(%run_scoped3A_153 : memref<!tpu.dma_semaphore, #tpu.memory_space<semaphore_mem>>)
      %dma_wait3A = tpu.memref_slice %arg7[%add3A_149, %run_scoped3A_152, %mul3A_151] : memref<6x1x100352xf32, #tpu.memory_space<hbm>> -> memref<1x1x6272xf32, #tpu.memory_space<hbm>>
      %dma_wait3A_157 = tpu.memref_squeeze %dma_wait3A : memref<1x1x6272xf32, #tpu.memory_space<hbm>> -> memref<6272xf32, #tpu.memory_space<hbm>>
      %dma_wait3A_158 = tpu.memref_slice %arg10[%mul3A_145] : memref<100352xf32, #tpu.memory_space<vmem_shared>> -> memref<6272xf32, #tpu.memory_space<vmem_shared>>
      tpu.wait_dma2 semaphore(%run_scoped3A_153 : memref<!tpu.dma_semaphore, #tpu.memory_space<semaphore_mem>>) src(%dma_wait3A_158 : memref<6272xf32, #tpu.memory_space<vmem_shared>>) dst(%dma_wait3A_157 : memref<6272xf32, #tpu.memory_space<hbm>>)
      tpu.yield
    }) : () -> ()
    return
  }
}

#map = affine_map<(d0, d1) -> (0, 0, 0)>
module attributes {stable_mosaic.version = 14 : i64} {
  func.func @gather_k(%arg0: i32, %arg1: i32, %arg2: memref<3x1x100000xf32, #tpu.memory_space<hbm>>, %arg3: memref<2x1x1600000xi32, #tpu.memory_space<hbm>>, %arg4: memref<6x1x1600000xf32, #tpu.memory_space<hbm>>, %arg5: memref<100000xf32, #tpu.memory_space<vmem>>, %arg6: memref<2x6400xi32, #tpu.memory_space<vmem>>, %arg7: memref<2x6400xf32, #tpu.memory_space<vmem>>, %arg8: memref<!tpu.dma_semaphore, #tpu.memory_space<semaphore_mem>>, %arg9: memref<!tpu.dma_semaphore, #tpu.memory_space<semaphore_mem>>, %arg10: memref<!tpu.dma_semaphore, #tpu.memory_space<semaphore_mem>>, %arg11: memref<!tpu.dma_semaphore, #tpu.memory_space<semaphore_mem>>) attributes {dimension_semantics = [#tpu.dimension_semantics<core_parallel>, #tpu.dimension_semantics<subcore_parallel>], iteration_bounds = array<i64: 2, 16>, scalar_prefetch = 0 : i64, scratch_operands = 7 : i64, tpu.core_type = #tpu.core_type<sc_vector_subcore>, window_params = [{transform_indices = #map}, {transform_indices = #map}, {transform_indices = #map}]} {
    %mul3A = arith.constant 2 : i32
    %mul3A_0 = arith.muli %arg1, %mul3A : i32
    %add3A = arith.addi %mul3A_0, %arg0 : i32
    %lt3A = arith.constant 30 : i32
    %lt3A_1 = arith.cmpi slt, %add3A, %lt3A : i32
    %convert_element_type3A = arith.extui %lt3A_1 : i1 to i32
    %cond3A = arith.constant 0 : i32
    %cond3A_2 = arith.cmpi ne, %convert_element_type3A, %cond3A : i32
    scf.if %cond3A_2 {
      %jit3A = arith.constant 15 : i32
      %div3A = arith.divsi %add3A, %jit3A : i32
      %sign3A = arith.constant 0 : i32
      %sign3A_3 = arith.cmpi sgt, %add3A, %sign3A : i32
      %sign3A_4 = arith.extui %sign3A_3 : i1 to i32
      %sign3A_5 = arith.constant 0 : i32
      %sign3A_6 = arith.cmpi slt, %add3A, %sign3A_5 : i32
      %sign3A_7 = arith.extui %sign3A_6 : i1 to i32
      %sign3A_8 = arith.subi %sign3A_4, %sign3A_7 : i32
      %sign3A_9 = arith.constant 0 : i32
      %sign3A_10 = arith.cmpi sgt, %jit3A, %sign3A_9 : i32
      %sign3A_11 = arith.extui %sign3A_10 : i1 to i32
      %sign3A_12 = arith.constant 0 : i32
      %sign3A_13 = arith.cmpi slt, %jit3A, %sign3A_12 : i32
      %sign3A_14 = arith.extui %sign3A_13 : i1 to i32
      %sign3A_15 = arith.subi %sign3A_11, %sign3A_14 : i32
      %ne3A = arith.cmpi ne, %sign3A_8, %sign3A_15 : i32
      %rem3A = arith.remsi %add3A, %jit3A : i32
      %ne3A_16 = arith.constant 0 : i32
      %ne3A_17 = arith.cmpi ne, %rem3A, %ne3A_16 : i32
      %and3A = arith.andi %ne3A, %ne3A_17 : i1
      %sub3A = arith.constant 1 : i32
      %sub3A_18 = arith.subi %div3A, %sub3A : i32
      %select_n3A = arith.select %and3A, %sub3A_18, %div3A : i32
      %jit3A_19 = arith.constant 15 : i32
      %eq3A = arith.constant 0 : i32
      %eq3A_20 = arith.cmpi eq, %jit3A_19, %eq3A : i32
      %jit3A_21 = arith.constant 1 : i32
      %select_n3A_22 = arith.select %eq3A_20, %jit3A_21, %jit3A_19 : i32
      %rem3A_23 = arith.remsi %add3A, %select_n3A_22 : i32
      %ne3A_24 = arith.constant 0 : i32
      %ne3A_25 = arith.cmpi ne, %rem3A_23, %ne3A_24 : i32
      %lt3A_26 = arith.constant 0 : i32
      %lt3A_27 = arith.cmpi slt, %rem3A_23, %lt3A_26 : i32
      %lt3A_28 = arith.constant 0 : i32
      %lt3A_29 = arith.cmpi slt, %select_n3A_22, %lt3A_28 : i32
      %ne3A_30 = arith.xori %lt3A_27, %lt3A_29 : i1
      %and3A_31 = arith.andi %ne3A_30, %ne3A_25 : i1
      %add3A_32 = arith.addi %rem3A_23, %select_n3A_22 : i32
      %select_n3A_33 = arith.select %and3A_31, %add3A_32, %rem3A_23 : i32
      %jit3A_34 = arith.constant 3 : i32
      %eq3A_35 = arith.constant 0 : i32
      %eq3A_36 = arith.cmpi eq, %jit3A_34, %eq3A_35 : i32
      %jit3A_37 = arith.constant 1 : i32
      %select_n3A_38 = arith.select %eq3A_36, %jit3A_37, %jit3A_34 : i32
      %rem3A_39 = arith.remsi %select_n3A_33, %select_n3A_38 : i32
      %ne3A_40 = arith.constant 0 : i32
      %ne3A_41 = arith.cmpi ne, %rem3A_39, %ne3A_40 : i32
      %lt3A_42 = arith.constant 0 : i32
      %lt3A_43 = arith.cmpi slt, %rem3A_39, %lt3A_42 : i32
      %lt3A_44 = arith.constant 0 : i32
      %lt3A_45 = arith.cmpi slt, %select_n3A_38, %lt3A_44 : i32
      %ne3A_46 = arith.xori %lt3A_43, %lt3A_45 : i1
      %and3A_47 = arith.andi %ne3A_46, %ne3A_41 : i1
      %add3A_48 = arith.addi %rem3A_39, %select_n3A_38 : i32
      %select_n3A_49 = arith.select %and3A_47, %add3A_48, %rem3A_39 : i32
      %jit3A_50 = arith.constant 3 : i32
      %div3A_51 = arith.divsi %select_n3A_33, %jit3A_50 : i32
      %sign3A_52 = arith.constant 0 : i32
      %sign3A_53 = arith.cmpi sgt, %select_n3A_33, %sign3A_52 : i32
      %sign3A_54 = arith.extui %sign3A_53 : i1 to i32
      %sign3A_55 = arith.constant 0 : i32
      %sign3A_56 = arith.cmpi slt, %select_n3A_33, %sign3A_55 : i32
      %sign3A_57 = arith.extui %sign3A_56 : i1 to i32
      %sign3A_58 = arith.subi %sign3A_54, %sign3A_57 : i32
      %sign3A_59 = arith.constant 0 : i32
      %sign3A_60 = arith.cmpi sgt, %jit3A_50, %sign3A_59 : i32
      %sign3A_61 = arith.extui %sign3A_60 : i1 to i32
      %sign3A_62 = arith.constant 0 : i32
      %sign3A_63 = arith.cmpi slt, %jit3A_50, %sign3A_62 : i32
      %sign3A_64 = arith.extui %sign3A_63 : i1 to i32
      %sign3A_65 = arith.subi %sign3A_61, %sign3A_64 : i32
      %ne3A_66 = arith.cmpi ne, %sign3A_58, %sign3A_65 : i32
      %rem3A_67 = arith.remsi %select_n3A_33, %jit3A_50 : i32
      %ne3A_68 = arith.constant 0 : i32
      %ne3A_69 = arith.cmpi ne, %rem3A_67, %ne3A_68 : i32
      %and3A_70 = arith.andi %ne3A_66, %ne3A_69 : i1
      %sub3A_71 = arith.constant 1 : i32
      %sub3A_72 = arith.subi %div3A_51, %sub3A_71 : i32
      %select_n3A_73 = arith.select %and3A_70, %sub3A_72, %div3A_51 : i32
      %mul3A_74 = arith.constant 3 : i32
      %mul3A_75 = arith.muli %select_n3A, %mul3A_74 : i32
      %add3A_76 = arith.addi %mul3A_75, %select_n3A_49 : i32
      %run_scoped3A = arith.constant 0 : i32
      "tpu.region"() ({
        %run_scoped3A_143 = tpu.sem_alloc : memref<!tpu.dma_semaphore, #tpu.memory_space<semaphore_mem>>
        %dma_start3A_144 = arith.constant 0 : i32
        %dma_start3A_145 = tpu.memref_slice %arg2[%select_n3A_49, %run_scoped3A, %dma_start3A_144] : memref<3x1x100000xf32, #tpu.memory_space<hbm>> -> memref<1x1x100000xf32, #tpu.memory_space<hbm>>
        %dma_start3A_146 = tpu.memref_squeeze %dma_start3A_145 : memref<1x1x100000xf32, #tpu.memory_space<hbm>> -> memref<100000xf32, #tpu.memory_space<hbm>>
        %dma_start3A_147 = arith.constant 0 : i32
        %dma_start3A_148 = tpu.memref_slice %arg2[%select_n3A_49, %run_scoped3A, %dma_start3A_147] : memref<3x1x100000xf32, #tpu.memory_space<hbm>> -> memref<1x1x100000xf32, #tpu.memory_space<hbm>>
        %dma_start3A_149 = tpu.memref_squeeze %dma_start3A_148 : memref<1x1x100000xf32, #tpu.memory_space<hbm>> -> memref<100000xf32, #tpu.memory_space<hbm>>
        tpu.enqueue_dma source(%dma_start3A_149 : memref<100000xf32, #tpu.memory_space<hbm>>) target(%arg5 : memref<100000xf32, #tpu.memory_space<vmem>>) target_semaphore(%run_scoped3A_143 : memref<!tpu.dma_semaphore, #tpu.memory_space<semaphore_mem>>)
        %dma_wait3A_150 = arith.constant 0 : i32
        %dma_wait3A_151 = tpu.memref_slice %arg2[%select_n3A_49, %run_scoped3A, %dma_wait3A_150] : memref<3x1x100000xf32, #tpu.memory_space<hbm>> -> memref<1x1x100000xf32, #tpu.memory_space<hbm>>
        %dma_wait3A_152 = tpu.memref_squeeze %dma_wait3A_151 : memref<1x1x100000xf32, #tpu.memory_space<hbm>> -> memref<100000xf32, #tpu.memory_space<hbm>>
        %dma_wait3A_153 = arith.constant 0 : i32
        %dma_wait3A_154 = tpu.memref_slice %arg2[%select_n3A_49, %run_scoped3A, %dma_wait3A_153] : memref<3x1x100000xf32, #tpu.memory_space<hbm>> -> memref<1x1x100000xf32, #tpu.memory_space<hbm>>
        %dma_wait3A_155 = tpu.memref_squeeze %dma_wait3A_154 : memref<1x1x100000xf32, #tpu.memory_space<hbm>> -> memref<100000xf32, #tpu.memory_space<hbm>>
        tpu.wait_dma2 semaphore(%run_scoped3A_143 : memref<!tpu.dma_semaphore, #tpu.memory_space<semaphore_mem>>) src(%dma_wait3A_155 : memref<100000xf32, #tpu.memory_space<hbm>>) dst(%arg5 : memref<100000xf32, #tpu.memory_space<vmem>>)
        tpu.yield
      }) : () -> ()
      %mul3A_77 = arith.constant 320000 : i32
      %mul3A_78 = arith.muli %select_n3A_73, %mul3A_77 : i32
      %add3A_79 = arith.constant 0 : i32
      %add3A_80 = arith.addi %mul3A_78, %add3A_79 : i32
      %dma_start3A = arith.constant 0 : i32
      %dma_start3A_81 = arith.constant 0 : i32
      %dma_start3A_82 = arith.constant 0 : i32
      %dma_start3A_83 = tpu.memref_slice %arg6[%dma_start3A_81, %dma_start3A_82] : memref<2x6400xi32, #tpu.memory_space<vmem>> -> memref<1x6400xi32, #tpu.memory_space<vmem>>
      %dma_start3A_84 = tpu.memref_squeeze %dma_start3A_83 : memref<1x6400xi32, #tpu.memory_space<vmem>> -> memref<6400xi32, #tpu.memory_space<vmem>>
      %dma_start3A_85 = tpu.memref_slice %arg3[%select_n3A, %dma_start3A, %add3A_80] : memref<2x1x1600000xi32, #tpu.memory_space<hbm>> -> memref<1x1x6400xi32, #tpu.memory_space<hbm>>
      %dma_start3A_86 = tpu.memref_squeeze %dma_start3A_85 : memref<1x1x6400xi32, #tpu.memory_space<hbm>> -> memref<6400xi32, #tpu.memory_space<hbm>>
      %dma_start3A_87 = arith.constant 0 : i32
      %dma_start3A_88 = tpu.memref_slice %arg6[%dma_start3A_81, %dma_start3A_87] : memref<2x6400xi32, #tpu.memory_space<vmem>> -> memref<1x6400xi32, #tpu.memory_space<vmem>>
      %dma_start3A_89 = tpu.memref_squeeze %dma_start3A_88 : memref<1x6400xi32, #tpu.memory_space<vmem>> -> memref<6400xi32, #tpu.memory_space<vmem>>
      %dma_start3A_90 = tpu.memref_slice %arg3[%select_n3A, %dma_start3A, %add3A_80] : memref<2x1x1600000xi32, #tpu.memory_space<hbm>> -> memref<1x1x6400xi32, #tpu.memory_space<hbm>>
      %dma_start3A_91 = tpu.memref_squeeze %dma_start3A_90 : memref<1x1x6400xi32, #tpu.memory_space<hbm>> -> memref<6400xi32, #tpu.memory_space<hbm>>
      tpu.enqueue_dma source(%dma_start3A_91 : memref<6400xi32, #tpu.memory_space<hbm>>) target(%dma_start3A_89 : memref<6400xi32, #tpu.memory_space<vmem>>) target_semaphore(%arg8 : memref<!tpu.dma_semaphore, #tpu.memory_space<semaphore_mem>>)
      %mul3A_92 = arith.constant 320000 : i32
      %mul3A_93 = arith.muli %select_n3A_73, %mul3A_92 : i32
      %add3A_94 = arith.constant 6400 : i32
      %add3A_95 = arith.addi %mul3A_93, %add3A_94 : i32
      %dma_start3A_96 = arith.constant 0 : i32
      %dma_start3A_97 = arith.constant 1 : i32
      %dma_start3A_98 = arith.constant 0 : i32
      %dma_start3A_99 = tpu.memref_slice %arg6[%dma_start3A_97, %dma_start3A_98] : memref<2x6400xi32, #tpu.memory_space<vmem>> -> memref<1x6400xi32, #tpu.memory_space<vmem>>
      %dma_start3A_100 = tpu.memref_squeeze %dma_start3A_99 : memref<1x6400xi32, #tpu.memory_space<vmem>> -> memref<6400xi32, #tpu.memory_space<vmem>>
      %dma_start3A_101 = tpu.memref_slice %arg3[%select_n3A, %dma_start3A_96, %add3A_95] : memref<2x1x1600000xi32, #tpu.memory_space<hbm>> -> memref<1x1x6400xi32, #tpu.memory_space<hbm>>
      %dma_start3A_102 = tpu.memref_squeeze %dma_start3A_101 : memref<1x1x6400xi32, #tpu.memory_space<hbm>> -> memref<6400xi32, #tpu.memory_space<hbm>>
      %dma_start3A_103 = arith.constant 0 : i32
      %dma_start3A_104 = tpu.memref_slice %arg6[%dma_start3A_97, %dma_start3A_103] : memref<2x6400xi32, #tpu.memory_space<vmem>> -> memref<1x6400xi32, #tpu.memory_space<vmem>>
      %dma_start3A_105 = tpu.memref_squeeze %dma_start3A_104 : memref<1x6400xi32, #tpu.memory_space<vmem>> -> memref<6400xi32, #tpu.memory_space<vmem>>
      %dma_start3A_106 = tpu.memref_slice %arg3[%select_n3A, %dma_start3A_96, %add3A_95] : memref<2x1x1600000xi32, #tpu.memory_space<hbm>> -> memref<1x1x6400xi32, #tpu.memory_space<hbm>>
      %dma_start3A_107 = tpu.memref_squeeze %dma_start3A_106 : memref<1x1x6400xi32, #tpu.memory_space<hbm>> -> memref<6400xi32, #tpu.memory_space<hbm>>
      tpu.enqueue_dma source(%dma_start3A_107 : memref<6400xi32, #tpu.memory_space<hbm>>) target(%dma_start3A_105 : memref<6400xi32, #tpu.memory_space<vmem>>) target_semaphore(%arg9 : memref<!tpu.dma_semaphore, #tpu.memory_space<semaphore_mem>>)
      %scan3A = arith.constant 0 : i32
      %scan3A_108 = arith.constant 25 : i32
      %scan3A_109 = arith.addi %scan3A, %scan3A_108 : i32
      %scan3A_110 = arith.constant 1 : i32
      scf.for %scan3A_143 = %scan3A to %scan3A_109 step %scan3A_110  : i32 {
        %mul3A_144 = arith.constant 1 : i32
        %mul3A_145 = arith.muli %scan3A_143, %mul3A_144 : i32
        %add3A_146 = arith.constant 0 : i32
        %add3A_147 = arith.addi %add3A_146, %mul3A_145 : i32
        %mul3A_148 = arith.constant 2 : i32
        %mul3A_149 = arith.muli %mul3A_148, %add3A_147 : i32
        %add3A_150 = arith.constant 0 : i32
        %add3A_151 = arith.addi %mul3A_149, %add3A_150 : i32
        %mul3A_152 = arith.constant 320000 : i32
        %mul3A_153 = arith.muli %select_n3A_73, %mul3A_152 : i32
        %mul3A_154 = arith.constant 6400 : i32
        %mul3A_155 = arith.muli %add3A_151, %mul3A_154 : i32
        %add3A_156 = arith.addi %mul3A_153, %mul3A_155 : i32
        %dma_wait3A_157 = arith.constant 0 : i32
        %dma_wait3A_158 = arith.constant 0 : i32
        %dma_wait3A_159 = arith.constant 0 : i32
        %dma_wait3A_160 = tpu.memref_slice %arg6[%dma_wait3A_158, %dma_wait3A_159] : memref<2x6400xi32, #tpu.memory_space<vmem>> -> memref<1x6400xi32, #tpu.memory_space<vmem>>
        %dma_wait3A_161 = tpu.memref_squeeze %dma_wait3A_160 : memref<1x6400xi32, #tpu.memory_space<vmem>> -> memref<6400xi32, #tpu.memory_space<vmem>>
        %dma_wait3A_162 = tpu.memref_slice %arg3[%select_n3A, %dma_wait3A_157, %add3A_156] : memref<2x1x1600000xi32, #tpu.memory_space<hbm>> -> memref<1x1x6400xi32, #tpu.memory_space<hbm>>
        %dma_wait3A_163 = tpu.memref_squeeze %dma_wait3A_162 : memref<1x1x6400xi32, #tpu.memory_space<hbm>> -> memref<6400xi32, #tpu.memory_space<hbm>>
        %dma_wait3A_164 = arith.constant 0 : i32
        %dma_wait3A_165 = tpu.memref_slice %arg6[%dma_wait3A_158, %dma_wait3A_164] : memref<2x6400xi32, #tpu.memory_space<vmem>> -> memref<1x6400xi32, #tpu.memory_space<vmem>>
        %dma_wait3A_166 = tpu.memref_squeeze %dma_wait3A_165 : memref<1x6400xi32, #tpu.memory_space<vmem>> -> memref<6400xi32, #tpu.memory_space<vmem>>
        %dma_wait3A_167 = tpu.memref_slice %arg3[%select_n3A, %dma_wait3A_157, %add3A_156] : memref<2x1x1600000xi32, #tpu.memory_space<hbm>> -> memref<1x1x6400xi32, #tpu.memory_space<hbm>>
        %dma_wait3A_168 = tpu.memref_squeeze %dma_wait3A_167 : memref<1x1x6400xi32, #tpu.memory_space<hbm>> -> memref<6400xi32, #tpu.memory_space<hbm>>
        tpu.wait_dma2 semaphore(%arg8 : memref<!tpu.dma_semaphore, #tpu.memory_space<semaphore_mem>>) src(%dma_wait3A_168 : memref<6400xi32, #tpu.memory_space<hbm>>) dst(%dma_wait3A_166 : memref<6400xi32, #tpu.memory_space<vmem>>)
        %ge3A = arith.constant 2 : i32
        %ge3A_169 = arith.cmpi sge, %add3A_151, %ge3A : i32
        %convert_element_type3A_170 = arith.extui %ge3A_169 : i1 to i32
        %cond3A_171 = arith.constant 0 : i32
        %cond3A_172 = arith.cmpi ne, %convert_element_type3A_170, %cond3A_171 : i32
        scf.if %cond3A_172 {
          %sub3A_252 = arith.constant 2 : i32
          %sub3A_253 = arith.subi %add3A_151, %sub3A_252 : i32
          %mul3A_254 = arith.constant 320000 : i32
          %mul3A_255 = arith.muli %select_n3A_73, %mul3A_254 : i32
          %mul3A_256 = arith.constant 6400 : i32
          %mul3A_257 = arith.muli %sub3A_253, %mul3A_256 : i32
          %add3A_258 = arith.addi %mul3A_255, %mul3A_257 : i32
          %dma_wait3A_259 = arith.constant 0 : i32
          %dma_wait3A_260 = arith.constant 0 : i32
          %dma_wait3A_261 = arith.constant 0 : i32
          %dma_wait3A_262 = tpu.memref_slice %arg7[%dma_wait3A_259, %dma_wait3A_261] : memref<2x6400xf32, #tpu.memory_space<vmem>> -> memref<1x6400xf32, #tpu.memory_space<vmem>>
          %dma_wait3A_263 = tpu.memref_squeeze %dma_wait3A_262 : memref<1x6400xf32, #tpu.memory_space<vmem>> -> memref<6400xf32, #tpu.memory_space<vmem>>
          %dma_wait3A_264 = tpu.memref_slice %arg4[%add3A_76, %dma_wait3A_260, %add3A_258] : memref<6x1x1600000xf32, #tpu.memory_space<hbm>> -> memref<1x1x6400xf32, #tpu.memory_space<hbm>>
          %dma_wait3A_265 = tpu.memref_squeeze %dma_wait3A_264 : memref<1x1x6400xf32, #tpu.memory_space<hbm>> -> memref<6400xf32, #tpu.memory_space<hbm>>
          %dma_wait3A_266 = tpu.memref_slice %arg4[%add3A_76, %dma_wait3A_260, %add3A_258] : memref<6x1x1600000xf32, #tpu.memory_space<hbm>> -> memref<1x1x6400xf32, #tpu.memory_space<hbm>>
          %dma_wait3A_267 = tpu.memref_squeeze %dma_wait3A_266 : memref<1x1x6400xf32, #tpu.memory_space<hbm>> -> memref<6400xf32, #tpu.memory_space<hbm>>
          %dma_wait3A_268 = arith.constant 0 : i32
          %dma_wait3A_269 = tpu.memref_slice %arg7[%dma_wait3A_259, %dma_wait3A_268] : memref<2x6400xf32, #tpu.memory_space<vmem>> -> memref<1x6400xf32, #tpu.memory_space<vmem>>
          %dma_wait3A_270 = tpu.memref_squeeze %dma_wait3A_269 : memref<1x6400xf32, #tpu.memory_space<vmem>> -> memref<6400xf32, #tpu.memory_space<vmem>>
          tpu.wait_dma2 semaphore(%arg10 : memref<!tpu.dma_semaphore, #tpu.memory_space<semaphore_mem>>) src(%dma_wait3A_270 : memref<6400xf32, #tpu.memory_space<vmem>>) dst(%dma_wait3A_267 : memref<6400xf32, #tpu.memory_space<hbm>>)
        } else {
        }
        %parallel_loop3A = arith.constant 0 : i32
        %parallel_loop3A_173 = arith.constant 6400 : i32
        %parallel_loop3A_174 = arith.constant 16 : i32
        scf.for %parallel_loop3A_252 = %parallel_loop3A to %parallel_loop3A_173 step %parallel_loop3A_174  : i32 {
          %parallel_loop3A_253 = arith.constant 0 : i32
          %parallel_loop3A_254 = arith.index_cast %parallel_loop3A_253 : i32 to index
          %parallel_loop3A_255 = arith.index_cast %parallel_loop3A_252 : i32 to index
          %parallel_loop3A_256 = tpu.vector_load %arg6[%parallel_loop3A_254, %parallel_loop3A_255] {strides = array<i32>} : memref<2x6400xi32, #tpu.memory_space<vmem>>, vector<16xi32>,
          %parallel_loop3A_257 = tpu.vector_load_idx %arg5[%parallel_loop3A_256] : memref<100000xf32, #tpu.memory_space<vmem>>[vector<16xi32>], vector<16xf32>,
          %parallel_loop3A_258 = arith.constant 0 : i32
          %parallel_loop3A_259 = arith.index_cast %parallel_loop3A_258 : i32 to index
          %parallel_loop3A_260 = arith.index_cast %parallel_loop3A_252 : i32 to index
          %parallel_loop3A_261 = tpu.vector_load %arg7[%parallel_loop3A_259, %parallel_loop3A_260] {strides = array<i32>} : memref<2x6400xf32, #tpu.memory_space<vmem>>, vector<16xf32>,
          tpu.vector_store %arg7[%parallel_loop3A_259, %parallel_loop3A_260], %parallel_loop3A_257 {strides = array<i32>} : memref<2x6400xf32, #tpu.memory_space<vmem>>, vector<16xf32>,
        } {sc.loop_unroll_factor = 8 : i64, sc.parallel_access}
        %mul3A_175 = arith.constant 320000 : i32
        %mul3A_176 = arith.muli %select_n3A_73, %mul3A_175 : i32
        %mul3A_177 = arith.constant 6400 : i32
        %mul3A_178 = arith.muli %add3A_151, %mul3A_177 : i32
        %add3A_179 = arith.addi %mul3A_176, %mul3A_178 : i32
        %dma_start3A_180 = arith.constant 0 : i32
        %dma_start3A_181 = arith.constant 0 : i32
        %dma_start3A_182 = arith.constant 0 : i32
        %dma_start3A_183 = tpu.memref_slice %arg7[%dma_start3A_180, %dma_start3A_182] : memref<2x6400xf32, #tpu.memory_space<vmem>> -> memref<1x6400xf32, #tpu.memory_space<vmem>>
        %dma_start3A_184 = tpu.memref_squeeze %dma_start3A_183 : memref<1x6400xf32, #tpu.memory_space<vmem>> -> memref<6400xf32, #tpu.memory_space<vmem>>
        %dma_start3A_185 = tpu.memref_slice %arg4[%add3A_76, %dma_start3A_181, %add3A_179] : memref<6x1x1600000xf32, #tpu.memory_space<hbm>> -> memref<1x1x6400xf32, #tpu.memory_space<hbm>>
        %dma_start3A_186 = tpu.memref_squeeze %dma_start3A_185 : memref<1x1x6400xf32, #tpu.memory_space<hbm>> -> memref<6400xf32, #tpu.memory_space<hbm>>
        %dma_start3A_187 = tpu.memref_slice %arg4[%add3A_76, %dma_start3A_181, %add3A_179] : memref<6x1x1600000xf32, #tpu.memory_space<hbm>> -> memref<1x1x6400xf32, #tpu.memory_space<hbm>>
        %dma_start3A_188 = tpu.memref_squeeze %dma_start3A_187 : memref<1x1x6400xf32, #tpu.memory_space<hbm>> -> memref<6400xf32, #tpu.memory_space<hbm>>
        %dma_start3A_189 = arith.constant 0 : i32
        %dma_start3A_190 = tpu.memref_slice %arg7[%dma_start3A_180, %dma_start3A_189] : memref<2x6400xf32, #tpu.memory_space<vmem>> -> memref<1x6400xf32, #tpu.memory_space<vmem>>
        %dma_start3A_191 = tpu.memref_squeeze %dma_start3A_190 : memref<1x6400xf32, #tpu.memory_space<vmem>> -> memref<6400xf32, #tpu.memory_space<vmem>>
        tpu.enqueue_dma source(%dma_start3A_191 : memref<6400xf32, #tpu.memory_space<vmem>>) target(%dma_start3A_188 : memref<6400xf32, #tpu.memory_space<hbm>>) target_semaphore(%arg10 : memref<!tpu.dma_semaphore, #tpu.memory_space<semaphore_mem>>)
        %add3A_192 = arith.constant 2 : i32
        %add3A_193 = arith.addi %add3A_151, %add3A_192 : i32
        %lt3A_194 = arith.constant 50 : i32
        %lt3A_195 = arith.cmpi slt, %add3A_193, %lt3A_194 : i32
        %convert_element_type3A_196 = arith.extui %lt3A_195 : i1 to i32
        %cond3A_197 = arith.constant 0 : i32
        %cond3A_198 = arith.cmpi ne, %convert_element_type3A_196, %cond3A_197 : i32
        scf.if %cond3A_198 {
          %add3A_252 = arith.constant 2 : i32
          %add3A_253 = arith.addi %add3A_151, %add3A_252 : i32
          %mul3A_254 = arith.constant 320000 : i32
          %mul3A_255 = arith.muli %select_n3A_73, %mul3A_254 : i32
          %mul3A_256 = arith.constant 6400 : i32
          %mul3A_257 = arith.muli %add3A_253, %mul3A_256 : i32
          %add3A_258 = arith.addi %mul3A_255, %mul3A_257 : i32
          %dma_start3A_259 = arith.constant 0 : i32
          %dma_start3A_260 = arith.constant 0 : i32
          %dma_start3A_261 = arith.constant 0 : i32
          %dma_start3A_262 = tpu.memref_slice %arg6[%dma_start3A_260, %dma_start3A_261] : memref<2x6400xi32, #tpu.memory_space<vmem>> -> memref<1x6400xi32, #tpu.memory_space<vmem>>
          %dma_start3A_263 = tpu.memref_squeeze %dma_start3A_262 : memref<1x6400xi32, #tpu.memory_space<vmem>> -> memref<6400xi32, #tpu.memory_space<vmem>>
          %dma_start3A_264 = tpu.memref_slice %arg3[%select_n3A, %dma_start3A_259, %add3A_258] : memref<2x1x1600000xi32, #tpu.memory_space<hbm>> -> memref<1x1x6400xi32, #tpu.memory_space<hbm>>
          %dma_start3A_265 = tpu.memref_squeeze %dma_start3A_264 : memref<1x1x6400xi32, #tpu.memory_space<hbm>> -> memref<6400xi32, #tpu.memory_space<hbm>>
          %dma_start3A_266 = arith.constant 0 : i32
          %dma_start3A_267 = tpu.memref_slice %arg6[%dma_start3A_260, %dma_start3A_266] : memref<2x6400xi32, #tpu.memory_space<vmem>> -> memref<1x6400xi32, #tpu.memory_space<vmem>>
          %dma_start3A_268 = tpu.memref_squeeze %dma_start3A_267 : memref<1x6400xi32, #tpu.memory_space<vmem>> -> memref<6400xi32, #tpu.memory_space<vmem>>
          %dma_start3A_269 = tpu.memref_slice %arg3[%select_n3A, %dma_start3A_259, %add3A_258] : memref<2x1x1600000xi32, #tpu.memory_space<hbm>> -> memref<1x1x6400xi32, #tpu.memory_space<hbm>>
          %dma_start3A_270 = tpu.memref_squeeze %dma_start3A_269 : memref<1x1x6400xi32, #tpu.memory_space<hbm>> -> memref<6400xi32, #tpu.memory_space<hbm>>
          tpu.enqueue_dma source(%dma_start3A_270 : memref<6400xi32, #tpu.memory_space<hbm>>) target(%dma_start3A_268 : memref<6400xi32, #tpu.memory_space<vmem>>) target_semaphore(%arg8 : memref<!tpu.dma_semaphore, #tpu.memory_space<semaphore_mem>>)
        } else {
        }
        %mul3A_199 = arith.constant 2 : i32
        %mul3A_200 = arith.muli %mul3A_199, %add3A_147 : i32
        %add3A_201 = arith.constant 1 : i32
        %add3A_202 = arith.addi %mul3A_200, %add3A_201 : i32
        %mul3A_203 = arith.constant 320000 : i32
        %mul3A_204 = arith.muli %select_n3A_73, %mul3A_203 : i32
        %mul3A_205 = arith.constant 6400 : i32
        %mul3A_206 = arith.muli %add3A_202, %mul3A_205 : i32
        %add3A_207 = arith.addi %mul3A_204, %mul3A_206 : i32
        %dma_wait3A_208 = arith.constant 0 : i32
        %dma_wait3A_209 = arith.constant 1 : i32
        %dma_wait3A_210 = arith.constant 0 : i32
        %dma_wait3A_211 = tpu.memref_slice %arg6[%dma_wait3A_209, %dma_wait3A_210] : memref<2x6400xi32, #tpu.memory_space<vmem>> -> memref<1x6400xi32, #tpu.memory_space<vmem>>
        %dma_wait3A_212 = tpu.memref_squeeze %dma_wait3A_211 : memref<1x6400xi32, #tpu.memory_space<vmem>> -> memref<6400xi32, #tpu.memory_space<vmem>>
        %dma_wait3A_213 = tpu.memref_slice %arg3[%select_n3A, %dma_wait3A_208, %add3A_207] : memref<2x1x1600000xi32, #tpu.memory_space<hbm>> -> memref<1x1x6400xi32, #tpu.memory_space<hbm>>
        %dma_wait3A_214 = tpu.memref_squeeze %dma_wait3A_213 : memref<1x1x6400xi32, #tpu.memory_space<hbm>> -> memref<6400xi32, #tpu.memory_space<hbm>>
        %dma_wait3A_215 = arith.constant 0 : i32
        %dma_wait3A_216 = tpu.memref_slice %arg6[%dma_wait3A_209, %dma_wait3A_215] : memref<2x6400xi32, #tpu.memory_space<vmem>> -> memref<1x6400xi32, #tpu.memory_space<vmem>>
        %dma_wait3A_217 = tpu.memref_squeeze %dma_wait3A_216 : memref<1x6400xi32, #tpu.memory_space<vmem>> -> memref<6400xi32, #tpu.memory_space<vmem>>
        %dma_wait3A_218 = tpu.memref_slice %arg3[%select_n3A, %dma_wait3A_208, %add3A_207] : memref<2x1x1600000xi32, #tpu.memory_space<hbm>> -> memref<1x1x6400xi32, #tpu.memory_space<hbm>>
        %dma_wait3A_219 = tpu.memref_squeeze %dma_wait3A_218 : memref<1x1x6400xi32, #tpu.memory_space<hbm>> -> memref<6400xi32, #tpu.memory_space<hbm>>
        tpu.wait_dma2 semaphore(%arg9 : memref<!tpu.dma_semaphore, #tpu.memory_space<semaphore_mem>>) src(%dma_wait3A_219 : memref<6400xi32, #tpu.memory_space<hbm>>) dst(%dma_wait3A_217 : memref<6400xi32, #tpu.memory_space<vmem>>)
        %ge3A_220 = arith.constant 2 : i32
        %ge3A_221 = arith.cmpi sge, %add3A_202, %ge3A_220 : i32
        %convert_element_type3A_222 = arith.extui %ge3A_221 : i1 to i32
        %cond3A_223 = arith.constant 0 : i32
        %cond3A_224 = arith.cmpi ne, %convert_element_type3A_222, %cond3A_223 : i32
        scf.if %cond3A_224 {
          %sub3A_252 = arith.constant 2 : i32
          %sub3A_253 = arith.subi %add3A_202, %sub3A_252 : i32
          %mul3A_254 = arith.constant 320000 : i32
          %mul3A_255 = arith.muli %select_n3A_73, %mul3A_254 : i32
          %mul3A_256 = arith.constant 6400 : i32
          %mul3A_257 = arith.muli %sub3A_253, %mul3A_256 : i32
          %add3A_258 = arith.addi %mul3A_255, %mul3A_257 : i32
          %dma_wait3A_259 = arith.constant 1 : i32
          %dma_wait3A_260 = arith.constant 0 : i32
          %dma_wait3A_261 = arith.constant 0 : i32
          %dma_wait3A_262 = tpu.memref_slice %arg7[%dma_wait3A_259, %dma_wait3A_261] : memref<2x6400xf32, #tpu.memory_space<vmem>> -> memref<1x6400xf32, #tpu.memory_space<vmem>>
          %dma_wait3A_263 = tpu.memref_squeeze %dma_wait3A_262 : memref<1x6400xf32, #tpu.memory_space<vmem>> -> memref<6400xf32, #tpu.memory_space<vmem>>
          %dma_wait3A_264 = tpu.memref_slice %arg4[%add3A_76, %dma_wait3A_260, %add3A_258] : memref<6x1x1600000xf32, #tpu.memory_space<hbm>> -> memref<1x1x6400xf32, #tpu.memory_space<hbm>>
          %dma_wait3A_265 = tpu.memref_squeeze %dma_wait3A_264 : memref<1x1x6400xf32, #tpu.memory_space<hbm>> -> memref<6400xf32, #tpu.memory_space<hbm>>
          %dma_wait3A_266 = tpu.memref_slice %arg4[%add3A_76, %dma_wait3A_260, %add3A_258] : memref<6x1x1600000xf32, #tpu.memory_space<hbm>> -> memref<1x1x6400xf32, #tpu.memory_space<hbm>>
          %dma_wait3A_267 = tpu.memref_squeeze %dma_wait3A_266 : memref<1x1x6400xf32, #tpu.memory_space<hbm>> -> memref<6400xf32, #tpu.memory_space<hbm>>
          %dma_wait3A_268 = arith.constant 0 : i32
          %dma_wait3A_269 = tpu.memref_slice %arg7[%dma_wait3A_259, %dma_wait3A_268] : memref<2x6400xf32, #tpu.memory_space<vmem>> -> memref<1x6400xf32, #tpu.memory_space<vmem>>
          %dma_wait3A_270 = tpu.memref_squeeze %dma_wait3A_269 : memref<1x6400xf32, #tpu.memory_space<vmem>> -> memref<6400xf32, #tpu.memory_space<vmem>>
          tpu.wait_dma2 semaphore(%arg11 : memref<!tpu.dma_semaphore, #tpu.memory_space<semaphore_mem>>) src(%dma_wait3A_270 : memref<6400xf32, #tpu.memory_space<vmem>>) dst(%dma_wait3A_267 : memref<6400xf32, #tpu.memory_space<hbm>>)
        } else {
        }
        %parallel_loop3A_225 = arith.constant 0 : i32
        %parallel_loop3A_226 = arith.constant 6400 : i32
        %parallel_loop3A_227 = arith.constant 16 : i32
        scf.for %parallel_loop3A_252 = %parallel_loop3A_225 to %parallel_loop3A_226 step %parallel_loop3A_227  : i32 {
          %parallel_loop3A_253 = arith.constant 1 : i32
          %parallel_loop3A_254 = arith.index_cast %parallel_loop3A_253 : i32 to index
          %parallel_loop3A_255 = arith.index_cast %parallel_loop3A_252 : i32 to index
          %parallel_loop3A_256 = tpu.vector_load %arg6[%parallel_loop3A_254, %parallel_loop3A_255] {strides = array<i32>} : memref<2x6400xi32, #tpu.memory_space<vmem>>, vector<16xi32>,
          %parallel_loop3A_257 = tpu.vector_load_idx %arg5[%parallel_loop3A_256] : memref<100000xf32, #tpu.memory_space<vmem>>[vector<16xi32>], vector<16xf32>,
          %parallel_loop3A_258 = arith.constant 1 : i32
          %parallel_loop3A_259 = arith.index_cast %parallel_loop3A_258 : i32 to index
          %parallel_loop3A_260 = arith.index_cast %parallel_loop3A_252 : i32 to index
          %parallel_loop3A_261 = tpu.vector_load %arg7[%parallel_loop3A_259, %parallel_loop3A_260] {strides = array<i32>} : memref<2x6400xf32, #tpu.memory_space<vmem>>, vector<16xf32>,
          tpu.vector_store %arg7[%parallel_loop3A_259, %parallel_loop3A_260], %parallel_loop3A_257 {strides = array<i32>} : memref<2x6400xf32, #tpu.memory_space<vmem>>, vector<16xf32>,
        } {sc.loop_unroll_factor = 8 : i64, sc.parallel_access}
        %mul3A_228 = arith.constant 320000 : i32
        %mul3A_229 = arith.muli %select_n3A_73, %mul3A_228 : i32
        %mul3A_230 = arith.constant 6400 : i32
        %mul3A_231 = arith.muli %add3A_202, %mul3A_230 : i32
        %add3A_232 = arith.addi %mul3A_229, %mul3A_231 : i32
        %dma_start3A_233 = arith.constant 1 : i32
        %dma_start3A_234 = arith.constant 0 : i32
        %dma_start3A_235 = arith.constant 0 : i32
        %dma_start3A_236 = tpu.memref_slice %arg7[%dma_start3A_233, %dma_start3A_235] : memref<2x6400xf32, #tpu.memory_space<vmem>> -> memref<1x6400xf32, #tpu.memory_space<vmem>>
        %dma_start3A_237 = tpu.memref_squeeze %dma_start3A_236 : memref<1x6400xf32, #tpu.memory_space<vmem>> -> memref<6400xf32, #tpu.memory_space<vmem>>
        %dma_start3A_238 = tpu.memref_slice %arg4[%add3A_76, %dma_start3A_234, %add3A_232] : memref<6x1x1600000xf32, #tpu.memory_space<hbm>> -> memref<1x1x6400xf32, #tpu.memory_space<hbm>>
        %dma_start3A_239 = tpu.memref_squeeze %dma_start3A_238 : memref<1x1x6400xf32, #tpu.memory_space<hbm>> -> memref<6400xf32, #tpu.memory_space<hbm>>
        %dma_start3A_240 = tpu.memref_slice %arg4[%add3A_76, %dma_start3A_234, %add3A_232] : memref<6x1x1600000xf32, #tpu.memory_space<hbm>> -> memref<1x1x6400xf32, #tpu.memory_space<hbm>>
        %dma_start3A_241 = tpu.memref_squeeze %dma_start3A_240 : memref<1x1x6400xf32, #tpu.memory_space<hbm>> -> memref<6400xf32, #tpu.memory_space<hbm>>
        %dma_start3A_242 = arith.constant 0 : i32
        %dma_start3A_243 = tpu.memref_slice %arg7[%dma_start3A_233, %dma_start3A_242] : memref<2x6400xf32, #tpu.memory_space<vmem>> -> memref<1x6400xf32, #tpu.memory_space<vmem>>
        %dma_start3A_244 = tpu.memref_squeeze %dma_start3A_243 : memref<1x6400xf32, #tpu.memory_space<vmem>> -> memref<6400xf32, #tpu.memory_space<vmem>>
        tpu.enqueue_dma source(%dma_start3A_244 : memref<6400xf32, #tpu.memory_space<vmem>>) target(%dma_start3A_241 : memref<6400xf32, #tpu.memory_space<hbm>>) target_semaphore(%arg11 : memref<!tpu.dma_semaphore, #tpu.memory_space<semaphore_mem>>)
        %add3A_245 = arith.constant 2 : i32
        %add3A_246 = arith.addi %add3A_202, %add3A_245 : i32
        %lt3A_247 = arith.constant 50 : i32
        %lt3A_248 = arith.cmpi slt, %add3A_246, %lt3A_247 : i32
        %convert_element_type3A_249 = arith.extui %lt3A_248 : i1 to i32
        %cond3A_250 = arith.constant 0 : i32
        %cond3A_251 = arith.cmpi ne, %convert_element_type3A_249, %cond3A_250 : i32
        scf.if %cond3A_251 {
          %add3A_252 = arith.constant 2 : i32
          %add3A_253 = arith.addi %add3A_202, %add3A_252 : i32
          %mul3A_254 = arith.constant 320000 : i32
          %mul3A_255 = arith.muli %select_n3A_73, %mul3A_254 : i32
          %mul3A_256 = arith.constant 6400 : i32
          %mul3A_257 = arith.muli %add3A_253, %mul3A_256 : i32
          %add3A_258 = arith.addi %mul3A_255, %mul3A_257 : i32
          %dma_start3A_259 = arith.constant 0 : i32
          %dma_start3A_260 = arith.constant 1 : i32
          %dma_start3A_261 = arith.constant 0 : i32
          %dma_start3A_262 = tpu.memref_slice %arg6[%dma_start3A_260, %dma_start3A_261] : memref<2x6400xi32, #tpu.memory_space<vmem>> -> memref<1x6400xi32, #tpu.memory_space<vmem>>
          %dma_start3A_263 = tpu.memref_squeeze %dma_start3A_262 : memref<1x6400xi32, #tpu.memory_space<vmem>> -> memref<6400xi32, #tpu.memory_space<vmem>>
          %dma_start3A_264 = tpu.memref_slice %arg3[%select_n3A, %dma_start3A_259, %add3A_258] : memref<2x1x1600000xi32, #tpu.memory_space<hbm>> -> memref<1x1x6400xi32, #tpu.memory_space<hbm>>
          %dma_start3A_265 = tpu.memref_squeeze %dma_start3A_264 : memref<1x1x6400xi32, #tpu.memory_space<hbm>> -> memref<6400xi32, #tpu.memory_space<hbm>>
          %dma_start3A_266 = arith.constant 0 : i32
          %dma_start3A_267 = tpu.memref_slice %arg6[%dma_start3A_260, %dma_start3A_266] : memref<2x6400xi32, #tpu.memory_space<vmem>> -> memref<1x6400xi32, #tpu.memory_space<vmem>>
          %dma_start3A_268 = tpu.memref_squeeze %dma_start3A_267 : memref<1x6400xi32, #tpu.memory_space<vmem>> -> memref<6400xi32, #tpu.memory_space<vmem>>
          %dma_start3A_269 = tpu.memref_slice %arg3[%select_n3A, %dma_start3A_259, %add3A_258] : memref<2x1x1600000xi32, #tpu.memory_space<hbm>> -> memref<1x1x6400xi32, #tpu.memory_space<hbm>>
          %dma_start3A_270 = tpu.memref_squeeze %dma_start3A_269 : memref<1x1x6400xi32, #tpu.memory_space<hbm>> -> memref<6400xi32, #tpu.memory_space<hbm>>
          tpu.enqueue_dma source(%dma_start3A_270 : memref<6400xi32, #tpu.memory_space<hbm>>) target(%dma_start3A_268 : memref<6400xi32, #tpu.memory_space<vmem>>) target_semaphore(%arg9 : memref<!tpu.dma_semaphore, #tpu.memory_space<semaphore_mem>>)
        } else {
        }
      }
      %scan3A_111 = arith.constant 25 : i32
      %mul3A_112 = arith.constant 320000 : i32
      %mul3A_113 = arith.muli %select_n3A_73, %mul3A_112 : i32
      %add3A_114 = arith.constant 307200 : i32
      %add3A_115 = arith.addi %mul3A_113, %add3A_114 : i32
      %dma_wait3A = arith.constant 0 : i32
      %dma_wait3A_116 = arith.constant 0 : i32
      %dma_wait3A_117 = arith.constant 0 : i32
      %dma_wait3A_118 = tpu.memref_slice %arg7[%dma_wait3A, %dma_wait3A_117] : memref<2x6400xf32, #tpu.memory_space<vmem>> -> memref<1x6400xf32, #tpu.memory_space<vmem>>
      %dma_wait3A_119 = tpu.memref_squeeze %dma_wait3A_118 : memref<1x6400xf32, #tpu.memory_space<vmem>> -> memref<6400xf32, #tpu.memory_space<vmem>>
      %dma_wait3A_120 = tpu.memref_slice %arg4[%add3A_76, %dma_wait3A_116, %add3A_115] : memref<6x1x1600000xf32, #tpu.memory_space<hbm>> -> memref<1x1x6400xf32, #tpu.memory_space<hbm>>
      %dma_wait3A_121 = tpu.memref_squeeze %dma_wait3A_120 : memref<1x1x6400xf32, #tpu.memory_space<hbm>> -> memref<6400xf32, #tpu.memory_space<hbm>>
      %dma_wait3A_122 = tpu.memref_slice %arg4[%add3A_76, %dma_wait3A_116, %add3A_115] : memref<6x1x1600000xf32, #tpu.memory_space<hbm>> -> memref<1x1x6400xf32, #tpu.memory_space<hbm>>
      %dma_wait3A_123 = tpu.memref_squeeze %dma_wait3A_122 : memref<1x1x6400xf32, #tpu.memory_space<hbm>> -> memref<6400xf32, #tpu.memory_space<hbm>>
      %dma_wait3A_124 = arith.constant 0 : i32
      %dma_wait3A_125 = tpu.memref_slice %arg7[%dma_wait3A, %dma_wait3A_124] : memref<2x6400xf32, #tpu.memory_space<vmem>> -> memref<1x6400xf32, #tpu.memory_space<vmem>>
      %dma_wait3A_126 = tpu.memref_squeeze %dma_wait3A_125 : memref<1x6400xf32, #tpu.memory_space<vmem>> -> memref<6400xf32, #tpu.memory_space<vmem>>
      tpu.wait_dma2 semaphore(%arg10 : memref<!tpu.dma_semaphore, #tpu.memory_space<semaphore_mem>>) src(%dma_wait3A_126 : memref<6400xf32, #tpu.memory_space<vmem>>) dst(%dma_wait3A_123 : memref<6400xf32, #tpu.memory_space<hbm>>)
      %mul3A_127 = arith.constant 320000 : i32
      %mul3A_128 = arith.muli %select_n3A_73, %mul3A_127 : i32
      %add3A_129 = arith.constant 313600 : i32
      %add3A_130 = arith.addi %mul3A_128, %add3A_129 : i32
      %dma_wait3A_131 = arith.constant 1 : i32
      %dma_wait3A_132 = arith.constant 0 : i32
      %dma_wait3A_133 = arith.constant 0 : i32
      %dma_wait3A_134 = tpu.memref_slice %arg7[%dma_wait3A_131, %dma_wait3A_133] : memref<2x6400xf32, #tpu.memory_space<vmem>> -> memref<1x6400xf32, #tpu.memory_space<vmem>>
      %dma_wait3A_135 = tpu.memref_squeeze %dma_wait3A_134 : memref<1x6400xf32, #tpu.memory_space<vmem>> -> memref<6400xf32, #tpu.memory_space<vmem>>
      %dma_wait3A_136 = tpu.memref_slice %arg4[%add3A_76, %dma_wait3A_132, %add3A_130] : memref<6x1x1600000xf32, #tpu.memory_space<hbm>> -> memref<1x1x6400xf32, #tpu.memory_space<hbm>>
      %dma_wait3A_137 = tpu.memref_squeeze %dma_wait3A_136 : memref<1x1x6400xf32, #tpu.memory_space<hbm>> -> memref<6400xf32, #tpu.memory_space<hbm>>
      %dma_wait3A_138 = tpu.memref_slice %arg4[%add3A_76, %dma_wait3A_132, %add3A_130] : memref<6x1x1600000xf32, #tpu.memory_space<hbm>> -> memref<1x1x6400xf32, #tpu.memory_space<hbm>>
      %dma_wait3A_139 = tpu.memref_squeeze %dma_wait3A_138 : memref<1x1x6400xf32, #tpu.memory_space<hbm>> -> memref<6400xf32, #tpu.memory_space<hbm>>
      %dma_wait3A_140 = arith.constant 0 : i32
      %dma_wait3A_141 = tpu.memref_slice %arg7[%dma_wait3A_131, %dma_wait3A_140] : memref<2x6400xf32, #tpu.memory_space<vmem>> -> memref<1x6400xf32, #tpu.memory_space<vmem>>
      %dma_wait3A_142 = tpu.memref_squeeze %dma_wait3A_141 : memref<1x6400xf32, #tpu.memory_space<vmem>> -> memref<6400xf32, #tpu.memory_space<vmem>>
      tpu.wait_dma2 semaphore(%arg11 : memref<!tpu.dma_semaphore, #tpu.memory_space<semaphore_mem>>) src(%dma_wait3A_142 : memref<6400xf32, #tpu.memory_space<vmem>>) dst(%dma_wait3A_139 : memref<6400xf32, #tpu.memory_space<hbm>>)
    } else {
    }
    return
  }
}

#map = affine_map<(d0, d1) -> (0, 0, 0)>
module attributes {stable_mosaic.version = 14 : i64} {
  func.func @gather_k(%arg0: i32, %arg1: i32, %arg2: memref<3x1x100000xf32, #tpu.memory_space<hbm>>, %arg3: memref<2x1x1600000xi32, #tpu.memory_space<hbm>>, %arg4: memref<6x1x1600000xf32, #tpu.memory_space<hbm>>, %arg5: memref<100000xf32, #tpu.memory_space<vmem>>, %arg6: memref<2x6400xi32, #tpu.memory_space<vmem>>, %arg7: memref<2x6400xf32, #tpu.memory_space<vmem>>, %arg8: memref<!tpu.dma_semaphore, #tpu.memory_space<semaphore_mem>>, %arg9: memref<!tpu.dma_semaphore, #tpu.memory_space<semaphore_mem>>, %arg10: memref<!tpu.dma_semaphore, #tpu.memory_space<semaphore_mem>>, %arg11: memref<!tpu.dma_semaphore, #tpu.memory_space<semaphore_mem>>) attributes {dimension_semantics = [#tpu.dimension_semantics<core_parallel>, #tpu.dimension_semantics<subcore_parallel>], iteration_bounds = array<i64: 2, 16>, scalar_prefetch = 0 : i64, scratch_operands = 7 : i64, tpu.core_type = #tpu.core_type<sc_vector_subcore>, window_params = [{transform_indices = #map}, {transform_indices = #map}, {transform_indices = #map}]} {
    %mul3A = arith.constant 2 : i32
    %mul3A_0 = arith.muli %arg1, %mul3A : i32
    %add3A = arith.addi %mul3A_0, %arg0 : i32
    %lt3A = arith.constant 30 : i32
    %lt3A_1 = arith.cmpi slt, %add3A, %lt3A : i32
    %convert_element_type3A = arith.extui %lt3A_1 : i1 to i32
    %cond3A = arith.constant 0 : i32
    %cond3A_2 = arith.cmpi ne, %convert_element_type3A, %cond3A : i32
    scf.if %cond3A_2 {
      %jit3A = arith.constant 15 : i32
      %div3A = arith.divsi %add3A, %jit3A : i32
      %sign3A = arith.constant 0 : i32
      %sign3A_3 = arith.cmpi sgt, %add3A, %sign3A : i32
      %sign3A_4 = arith.extui %sign3A_3 : i1 to i32
      %sign3A_5 = arith.constant 0 : i32
      %sign3A_6 = arith.cmpi slt, %add3A, %sign3A_5 : i32
      %sign3A_7 = arith.extui %sign3A_6 : i1 to i32
      %sign3A_8 = arith.subi %sign3A_4, %sign3A_7 : i32
      %sign3A_9 = arith.constant 0 : i32
      %sign3A_10 = arith.cmpi sgt, %jit3A, %sign3A_9 : i32
      %sign3A_11 = arith.extui %sign3A_10 : i1 to i32
      %sign3A_12 = arith.constant 0 : i32
      %sign3A_13 = arith.cmpi slt, %jit3A, %sign3A_12 : i32
      %sign3A_14 = arith.extui %sign3A_13 : i1 to i32
      %sign3A_15 = arith.subi %sign3A_11, %sign3A_14 : i32
      %ne3A = arith.cmpi ne, %sign3A_8, %sign3A_15 : i32
      %rem3A = arith.remsi %add3A, %jit3A : i32
      %ne3A_16 = arith.constant 0 : i32
      %ne3A_17 = arith.cmpi ne, %rem3A, %ne3A_16 : i32
      %and3A = arith.andi %ne3A, %ne3A_17 : i1
      %sub3A = arith.constant 1 : i32
      %sub3A_18 = arith.subi %div3A, %sub3A : i32
      %select_n3A = arith.select %and3A, %sub3A_18, %div3A : i32
      %jit3A_19 = arith.constant 15 : i32
      %eq3A = arith.constant 0 : i32
      %eq3A_20 = arith.cmpi eq, %jit3A_19, %eq3A : i32
      %jit3A_21 = arith.constant 1 : i32
      %select_n3A_22 = arith.select %eq3A_20, %jit3A_21, %jit3A_19 : i32
      %rem3A_23 = arith.remsi %add3A, %select_n3A_22 : i32
      %ne3A_24 = arith.constant 0 : i32
      %ne3A_25 = arith.cmpi ne, %rem3A_23, %ne3A_24 : i32
      %lt3A_26 = arith.constant 0 : i32
      %lt3A_27 = arith.cmpi slt, %rem3A_23, %lt3A_26 : i32
      %lt3A_28 = arith.constant 0 : i32
      %lt3A_29 = arith.cmpi slt, %select_n3A_22, %lt3A_28 : i32
      %ne3A_30 = arith.xori %lt3A_27, %lt3A_29 : i1
      %and3A_31 = arith.andi %ne3A_30, %ne3A_25 : i1
      %add3A_32 = arith.addi %rem3A_23, %select_n3A_22 : i32
      %select_n3A_33 = arith.select %and3A_31, %add3A_32, %rem3A_23 : i32
      %jit3A_34 = arith.constant 3 : i32
      %eq3A_35 = arith.constant 0 : i32
      %eq3A_36 = arith.cmpi eq, %jit3A_34, %eq3A_35 : i32
      %jit3A_37 = arith.constant 1 : i32
      %select_n3A_38 = arith.select %eq3A_36, %jit3A_37, %jit3A_34 : i32
      %rem3A_39 = arith.remsi %select_n3A_33, %select_n3A_38 : i32
      %ne3A_40 = arith.constant 0 : i32
      %ne3A_41 = arith.cmpi ne, %rem3A_39, %ne3A_40 : i32
      %lt3A_42 = arith.constant 0 : i32
      %lt3A_43 = arith.cmpi slt, %rem3A_39, %lt3A_42 : i32
      %lt3A_44 = arith.constant 0 : i32
      %lt3A_45 = arith.cmpi slt, %select_n3A_38, %lt3A_44 : i32
      %ne3A_46 = arith.xori %lt3A_43, %lt3A_45 : i1
      %and3A_47 = arith.andi %ne3A_46, %ne3A_41 : i1
      %add3A_48 = arith.addi %rem3A_39, %select_n3A_38 : i32
      %select_n3A_49 = arith.select %and3A_47, %add3A_48, %rem3A_39 : i32
      %jit3A_50 = arith.constant 3 : i32
      %div3A_51 = arith.divsi %select_n3A_33, %jit3A_50 : i32
      %sign3A_52 = arith.constant 0 : i32
      %sign3A_53 = arith.cmpi sgt, %select_n3A_33, %sign3A_52 : i32
      %sign3A_54 = arith.extui %sign3A_53 : i1 to i32
      %sign3A_55 = arith.constant 0 : i32
      %sign3A_56 = arith.cmpi slt, %select_n3A_33, %sign3A_55 : i32
      %sign3A_57 = arith.extui %sign3A_56 : i1 to i32
      %sign3A_58 = arith.subi %sign3A_54, %sign3A_57 : i32
      %sign3A_59 = arith.constant 0 : i32
      %sign3A_60 = arith.cmpi sgt, %jit3A_50, %sign3A_59 : i32
      %sign3A_61 = arith.extui %sign3A_60 : i1 to i32
      %sign3A_62 = arith.constant 0 : i32
      %sign3A_63 = arith.cmpi slt, %jit3A_50, %sign3A_62 : i32
      %sign3A_64 = arith.extui %sign3A_63 : i1 to i32
      %sign3A_65 = arith.subi %sign3A_61, %sign3A_64 : i32
      %ne3A_66 = arith.cmpi ne, %sign3A_58, %sign3A_65 : i32
      %rem3A_67 = arith.remsi %select_n3A_33, %jit3A_50 : i32
      %ne3A_68 = arith.constant 0 : i32
      %ne3A_69 = arith.cmpi ne, %rem3A_67, %ne3A_68 : i32
      %and3A_70 = arith.andi %ne3A_66, %ne3A_69 : i1
      %sub3A_71 = arith.constant 1 : i32
      %sub3A_72 = arith.subi %div3A_51, %sub3A_71 : i32
      %select_n3A_73 = arith.select %and3A_70, %sub3A_72, %div3A_51 : i32
      %mul3A_74 = arith.constant 3 : i32
      %mul3A_75 = arith.muli %select_n3A, %mul3A_74 : i32
      %add3A_76 = arith.addi %mul3A_75, %select_n3A_49 : i32
      %run_scoped3A = arith.constant 0 : i32
      "tpu.region"() ({
        %run_scoped3A_143 = tpu.sem_alloc : memref<!tpu.dma_semaphore, #tpu.memory_space<semaphore_mem>>
        %dma_start3A_144 = arith.constant 0 : i32
        %dma_start3A_145 = tpu.memref_slice %arg2[%select_n3A_49, %run_scoped3A, %dma_start3A_144] : memref<3x1x100000xf32, #tpu.memory_space<hbm>> -> memref<1x1x100000xf32, #tpu.memory_space<hbm>>
        %dma_start3A_146 = tpu.memref_squeeze %dma_start3A_145 : memref<1x1x100000xf32, #tpu.memory_space<hbm>> -> memref<100000xf32, #tpu.memory_space<hbm>>
        %dma_start3A_147 = arith.constant 0 : i32
        %dma_start3A_148 = tpu.memref_slice %arg2[%select_n3A_49, %run_scoped3A, %dma_start3A_147] : memref<3x1x100000xf32, #tpu.memory_space<hbm>> -> memref<1x1x100000xf32, #tpu.memory_space<hbm>>
        %dma_start3A_149 = tpu.memref_squeeze %dma_start3A_148 : memref<1x1x100000xf32, #tpu.memory_space<hbm>> -> memref<100000xf32, #tpu.memory_space<hbm>>
        tpu.enqueue_dma source(%dma_start3A_149 : memref<100000xf32, #tpu.memory_space<hbm>>) target(%arg5 : memref<100000xf32, #tpu.memory_space<vmem>>) target_semaphore(%run_scoped3A_143 : memref<!tpu.dma_semaphore, #tpu.memory_space<semaphore_mem>>)
        %dma_wait3A_150 = arith.constant 0 : i32
        %dma_wait3A_151 = tpu.memref_slice %arg2[%select_n3A_49, %run_scoped3A, %dma_wait3A_150] : memref<3x1x100000xf32, #tpu.memory_space<hbm>> -> memref<1x1x100000xf32, #tpu.memory_space<hbm>>
        %dma_wait3A_152 = tpu.memref_squeeze %dma_wait3A_151 : memref<1x1x100000xf32, #tpu.memory_space<hbm>> -> memref<100000xf32, #tpu.memory_space<hbm>>
        %dma_wait3A_153 = arith.constant 0 : i32
        %dma_wait3A_154 = tpu.memref_slice %arg2[%select_n3A_49, %run_scoped3A, %dma_wait3A_153] : memref<3x1x100000xf32, #tpu.memory_space<hbm>> -> memref<1x1x100000xf32, #tpu.memory_space<hbm>>
        %dma_wait3A_155 = tpu.memref_squeeze %dma_wait3A_154 : memref<1x1x100000xf32, #tpu.memory_space<hbm>> -> memref<100000xf32, #tpu.memory_space<hbm>>
        tpu.wait_dma2 semaphore(%run_scoped3A_143 : memref<!tpu.dma_semaphore, #tpu.memory_space<semaphore_mem>>) src(%dma_wait3A_155 : memref<100000xf32, #tpu.memory_space<hbm>>) dst(%arg5 : memref<100000xf32, #tpu.memory_space<vmem>>)
        tpu.yield
      }) : () -> ()
      %mul3A_77 = arith.constant 320000 : i32
      %mul3A_78 = arith.muli %select_n3A_73, %mul3A_77 : i32
      %add3A_79 = arith.constant 0 : i32
      %add3A_80 = arith.addi %mul3A_78, %add3A_79 : i32
      %dma_start3A = arith.constant 0 : i32
      %dma_start3A_81 = arith.constant 0 : i32
      %dma_start3A_82 = arith.constant 0 : i32
      %dma_start3A_83 = tpu.memref_slice %arg6[%dma_start3A_81, %dma_start3A_82] : memref<2x6400xi32, #tpu.memory_space<vmem>> -> memref<1x6400xi32, #tpu.memory_space<vmem>>
      %dma_start3A_84 = tpu.memref_squeeze %dma_start3A_83 : memref<1x6400xi32, #tpu.memory_space<vmem>> -> memref<6400xi32, #tpu.memory_space<vmem>>
      %dma_start3A_85 = tpu.memref_slice %arg3[%select_n3A, %dma_start3A, %add3A_80] : memref<2x1x1600000xi32, #tpu.memory_space<hbm>> -> memref<1x1x6400xi32, #tpu.memory_space<hbm>>
      %dma_start3A_86 = tpu.memref_squeeze %dma_start3A_85 : memref<1x1x6400xi32, #tpu.memory_space<hbm>> -> memref<6400xi32, #tpu.memory_space<hbm>>
      %dma_start3A_87 = arith.constant 0 : i32
      %dma_start3A_88 = tpu.memref_slice %arg6[%dma_start3A_81, %dma_start3A_87] : memref<2x6400xi32, #tpu.memory_space<vmem>> -> memref<1x6400xi32, #tpu.memory_space<vmem>>
      %dma_start3A_89 = tpu.memref_squeeze %dma_start3A_88 : memref<1x6400xi32, #tpu.memory_space<vmem>> -> memref<6400xi32, #tpu.memory_space<vmem>>
      %dma_start3A_90 = tpu.memref_slice %arg3[%select_n3A, %dma_start3A, %add3A_80] : memref<2x1x1600000xi32, #tpu.memory_space<hbm>> -> memref<1x1x6400xi32, #tpu.memory_space<hbm>>
      %dma_start3A_91 = tpu.memref_squeeze %dma_start3A_90 : memref<1x1x6400xi32, #tpu.memory_space<hbm>> -> memref<6400xi32, #tpu.memory_space<hbm>>
      tpu.enqueue_dma source(%dma_start3A_91 : memref<6400xi32, #tpu.memory_space<hbm>>) target(%dma_start3A_89 : memref<6400xi32, #tpu.memory_space<vmem>>) target_semaphore(%arg8 : memref<!tpu.dma_semaphore, #tpu.memory_space<semaphore_mem>>)
      %mul3A_92 = arith.constant 320000 : i32
      %mul3A_93 = arith.muli %select_n3A_73, %mul3A_92 : i32
      %add3A_94 = arith.constant 6400 : i32
      %add3A_95 = arith.addi %mul3A_93, %add3A_94 : i32
      %dma_start3A_96 = arith.constant 0 : i32
      %dma_start3A_97 = arith.constant 1 : i32
      %dma_start3A_98 = arith.constant 0 : i32
      %dma_start3A_99 = tpu.memref_slice %arg6[%dma_start3A_97, %dma_start3A_98] : memref<2x6400xi32, #tpu.memory_space<vmem>> -> memref<1x6400xi32, #tpu.memory_space<vmem>>
      %dma_start3A_100 = tpu.memref_squeeze %dma_start3A_99 : memref<1x6400xi32, #tpu.memory_space<vmem>> -> memref<6400xi32, #tpu.memory_space<vmem>>
      %dma_start3A_101 = tpu.memref_slice %arg3[%select_n3A, %dma_start3A_96, %add3A_95] : memref<2x1x1600000xi32, #tpu.memory_space<hbm>> -> memref<1x1x6400xi32, #tpu.memory_space<hbm>>
      %dma_start3A_102 = tpu.memref_squeeze %dma_start3A_101 : memref<1x1x6400xi32, #tpu.memory_space<hbm>> -> memref<6400xi32, #tpu.memory_space<hbm>>
      %dma_start3A_103 = arith.constant 0 : i32
      %dma_start3A_104 = tpu.memref_slice %arg6[%dma_start3A_97, %dma_start3A_103] : memref<2x6400xi32, #tpu.memory_space<vmem>> -> memref<1x6400xi32, #tpu.memory_space<vmem>>
      %dma_start3A_105 = tpu.memref_squeeze %dma_start3A_104 : memref<1x6400xi32, #tpu.memory_space<vmem>> -> memref<6400xi32, #tpu.memory_space<vmem>>
      %dma_start3A_106 = tpu.memref_slice %arg3[%select_n3A, %dma_start3A_96, %add3A_95] : memref<2x1x1600000xi32, #tpu.memory_space<hbm>> -> memref<1x1x6400xi32, #tpu.memory_space<hbm>>
      %dma_start3A_107 = tpu.memref_squeeze %dma_start3A_106 : memref<1x1x6400xi32, #tpu.memory_space<hbm>> -> memref<6400xi32, #tpu.memory_space<hbm>>
      tpu.enqueue_dma source(%dma_start3A_107 : memref<6400xi32, #tpu.memory_space<hbm>>) target(%dma_start3A_105 : memref<6400xi32, #tpu.memory_space<vmem>>) target_semaphore(%arg9 : memref<!tpu.dma_semaphore, #tpu.memory_space<semaphore_mem>>)
      %scan3A = arith.constant 0 : i32
      %scan3A_108 = arith.constant 25 : i32
      %scan3A_109 = arith.addi %scan3A, %scan3A_108 : i32
      %scan3A_110 = arith.constant 1 : i32
      scf.for %scan3A_143 = %scan3A to %scan3A_109 step %scan3A_110  : i32 {
        %mul3A_144 = arith.constant 1 : i32
        %mul3A_145 = arith.muli %scan3A_143, %mul3A_144 : i32
        %add3A_146 = arith.constant 0 : i32
        %add3A_147 = arith.addi %add3A_146, %mul3A_145 : i32
        %mul3A_148 = arith.constant 2 : i32
        %mul3A_149 = arith.muli %mul3A_148, %add3A_147 : i32
        %add3A_150 = arith.constant 0 : i32
        %add3A_151 = arith.addi %mul3A_149, %add3A_150 : i32
        %mul3A_152 = arith.constant 320000 : i32
        %mul3A_153 = arith.muli %select_n3A_73, %mul3A_152 : i32
        %mul3A_154 = arith.constant 6400 : i32
        %mul3A_155 = arith.muli %add3A_151, %mul3A_154 : i32
        %add3A_156 = arith.addi %mul3A_153, %mul3A_155 : i32
        %dma_wait3A_157 = arith.constant 0 : i32
        %dma_wait3A_158 = arith.constant 0 : i32
        %dma_wait3A_159 = arith.constant 0 : i32
        %dma_wait3A_160 = tpu.memref_slice %arg6[%dma_wait3A_158, %dma_wait3A_159] : memref<2x6400xi32, #tpu.memory_space<vmem>> -> memref<1x6400xi32, #tpu.memory_space<vmem>>
        %dma_wait3A_161 = tpu.memref_squeeze %dma_wait3A_160 : memref<1x6400xi32, #tpu.memory_space<vmem>> -> memref<6400xi32, #tpu.memory_space<vmem>>
        %dma_wait3A_162 = tpu.memref_slice %arg3[%select_n3A, %dma_wait3A_157, %add3A_156] : memref<2x1x1600000xi32, #tpu.memory_space<hbm>> -> memref<1x1x6400xi32, #tpu.memory_space<hbm>>
        %dma_wait3A_163 = tpu.memref_squeeze %dma_wait3A_162 : memref<1x1x6400xi32, #tpu.memory_space<hbm>> -> memref<6400xi32, #tpu.memory_space<hbm>>
        %dma_wait3A_164 = arith.constant 0 : i32
        %dma_wait3A_165 = tpu.memref_slice %arg6[%dma_wait3A_158, %dma_wait3A_164] : memref<2x6400xi32, #tpu.memory_space<vmem>> -> memref<1x6400xi32, #tpu.memory_space<vmem>>
        %dma_wait3A_166 = tpu.memref_squeeze %dma_wait3A_165 : memref<1x6400xi32, #tpu.memory_space<vmem>> -> memref<6400xi32, #tpu.memory_space<vmem>>
        %dma_wait3A_167 = tpu.memref_slice %arg3[%select_n3A, %dma_wait3A_157, %add3A_156] : memref<2x1x1600000xi32, #tpu.memory_space<hbm>> -> memref<1x1x6400xi32, #tpu.memory_space<hbm>>
        %dma_wait3A_168 = tpu.memref_squeeze %dma_wait3A_167 : memref<1x1x6400xi32, #tpu.memory_space<hbm>> -> memref<6400xi32, #tpu.memory_space<hbm>>
        tpu.wait_dma2 semaphore(%arg8 : memref<!tpu.dma_semaphore, #tpu.memory_space<semaphore_mem>>) src(%dma_wait3A_168 : memref<6400xi32, #tpu.memory_space<hbm>>) dst(%dma_wait3A_166 : memref<6400xi32, #tpu.memory_space<vmem>>)
        %ge3A = arith.constant 2 : i32
        %ge3A_169 = arith.cmpi sge, %add3A_151, %ge3A : i32
        %convert_element_type3A_170 = arith.extui %ge3A_169 : i1 to i32
        %cond3A_171 = arith.constant 0 : i32
        %cond3A_172 = arith.cmpi ne, %convert_element_type3A_170, %cond3A_171 : i32
        scf.if %cond3A_172 {
          %sub3A_252 = arith.constant 2 : i32
          %sub3A_253 = arith.subi %add3A_151, %sub3A_252 : i32
          %mul3A_254 = arith.constant 320000 : i32
          %mul3A_255 = arith.muli %select_n3A_73, %mul3A_254 : i32
          %mul3A_256 = arith.constant 6400 : i32
          %mul3A_257 = arith.muli %sub3A_253, %mul3A_256 : i32
          %add3A_258 = arith.addi %mul3A_255, %mul3A_257 : i32
          %dma_wait3A_259 = arith.constant 0 : i32
          %dma_wait3A_260 = arith.constant 0 : i32
          %dma_wait3A_261 = arith.constant 0 : i32
          %dma_wait3A_262 = tpu.memref_slice %arg7[%dma_wait3A_259, %dma_wait3A_261] : memref<2x6400xf32, #tpu.memory_space<vmem>> -> memref<1x6400xf32, #tpu.memory_space<vmem>>
          %dma_wait3A_263 = tpu.memref_squeeze %dma_wait3A_262 : memref<1x6400xf32, #tpu.memory_space<vmem>> -> memref<6400xf32, #tpu.memory_space<vmem>>
          %dma_wait3A_264 = tpu.memref_slice %arg4[%add3A_76, %dma_wait3A_260, %add3A_258] : memref<6x1x1600000xf32, #tpu.memory_space<hbm>> -> memref<1x1x6400xf32, #tpu.memory_space<hbm>>
          %dma_wait3A_265 = tpu.memref_squeeze %dma_wait3A_264 : memref<1x1x6400xf32, #tpu.memory_space<hbm>> -> memref<6400xf32, #tpu.memory_space<hbm>>
          %dma_wait3A_266 = tpu.memref_slice %arg4[%add3A_76, %dma_wait3A_260, %add3A_258] : memref<6x1x1600000xf32, #tpu.memory_space<hbm>> -> memref<1x1x6400xf32, #tpu.memory_space<hbm>>
          %dma_wait3A_267 = tpu.memref_squeeze %dma_wait3A_266 : memref<1x1x6400xf32, #tpu.memory_space<hbm>> -> memref<6400xf32, #tpu.memory_space<hbm>>
          %dma_wait3A_268 = arith.constant 0 : i32
          %dma_wait3A_269 = tpu.memref_slice %arg7[%dma_wait3A_259, %dma_wait3A_268] : memref<2x6400xf32, #tpu.memory_space<vmem>> -> memref<1x6400xf32, #tpu.memory_space<vmem>>
          %dma_wait3A_270 = tpu.memref_squeeze %dma_wait3A_269 : memref<1x6400xf32, #tpu.memory_space<vmem>> -> memref<6400xf32, #tpu.memory_space<vmem>>
          tpu.wait_dma2 semaphore(%arg10 : memref<!tpu.dma_semaphore, #tpu.memory_space<semaphore_mem>>) src(%dma_wait3A_270 : memref<6400xf32, #tpu.memory_space<vmem>>) dst(%dma_wait3A_267 : memref<6400xf32, #tpu.memory_space<hbm>>)
        } else {
        }
        %parallel_loop3A = arith.constant 0 : i32
        %parallel_loop3A_173 = arith.constant 6400 : i32
        %parallel_loop3A_174 = arith.constant 16 : i32
        scf.for %parallel_loop3A_252 = %parallel_loop3A to %parallel_loop3A_173 step %parallel_loop3A_174  : i32 {
          %parallel_loop3A_253 = arith.constant 0 : i32
          %parallel_loop3A_254 = arith.index_cast %parallel_loop3A_253 : i32 to index
          %parallel_loop3A_255 = arith.index_cast %parallel_loop3A_252 : i32 to index
          %parallel_loop3A_256 = tpu.vector_load %arg6[%parallel_loop3A_254, %parallel_loop3A_255] {strides = array<i32>} : memref<2x6400xi32, #tpu.memory_space<vmem>>, vector<16xi32>,
          %parallel_loop3A_257 = tpu.vector_load_idx %arg5[%parallel_loop3A_256] : memref<100000xf32, #tpu.memory_space<vmem>>[vector<16xi32>], vector<16xf32>,
          %parallel_loop3A_258 = arith.constant 0 : i32
          %parallel_loop3A_259 = arith.index_cast %parallel_loop3A_258 : i32 to index
          %parallel_loop3A_260 = arith.index_cast %parallel_loop3A_252 : i32 to index
          %parallel_loop3A_261 = tpu.vector_load %arg7[%parallel_loop3A_259, %parallel_loop3A_260] {strides = array<i32>} : memref<2x6400xf32, #tpu.memory_space<vmem>>, vector<16xf32>,
          tpu.vector_store %arg7[%parallel_loop3A_259, %parallel_loop3A_260], %parallel_loop3A_257 {strides = array<i32>} : memref<2x6400xf32, #tpu.memory_space<vmem>>, vector<16xf32>,
        } {sc.loop_unroll_factor = 8 : i64, sc.parallel_access}
        %mul3A_175 = arith.constant 320000 : i32
        %mul3A_176 = arith.muli %select_n3A_73, %mul3A_175 : i32
        %mul3A_177 = arith.constant 6400 : i32
        %mul3A_178 = arith.muli %add3A_151, %mul3A_177 : i32
        %add3A_179 = arith.addi %mul3A_176, %mul3A_178 : i32
        %dma_start3A_180 = arith.constant 0 : i32
        %dma_start3A_181 = arith.constant 0 : i32
        %dma_start3A_182 = arith.constant 0 : i32
        %dma_start3A_183 = tpu.memref_slice %arg7[%dma_start3A_180, %dma_start3A_182] : memref<2x6400xf32, #tpu.memory_space<vmem>> -> memref<1x6400xf32, #tpu.memory_space<vmem>>
        %dma_start3A_184 = tpu.memref_squeeze %dma_start3A_183 : memref<1x6400xf32, #tpu.memory_space<vmem>> -> memref<6400xf32, #tpu.memory_space<vmem>>
        %dma_start3A_185 = tpu.memref_slice %arg4[%add3A_76, %dma_start3A_181, %add3A_179] : memref<6x1x1600000xf32, #tpu.memory_space<hbm>> -> memref<1x1x6400xf32, #tpu.memory_space<hbm>>
        %dma_start3A_186 = tpu.memref_squeeze %dma_start3A_185 : memref<1x1x6400xf32, #tpu.memory_space<hbm>> -> memref<6400xf32, #tpu.memory_space<hbm>>
        %dma_start3A_187 = tpu.memref_slice %arg4[%add3A_76, %dma_start3A_181, %add3A_179] : memref<6x1x1600000xf32, #tpu.memory_space<hbm>> -> memref<1x1x6400xf32, #tpu.memory_space<hbm>>
        %dma_start3A_188 = tpu.memref_squeeze %dma_start3A_187 : memref<1x1x6400xf32, #tpu.memory_space<hbm>> -> memref<6400xf32, #tpu.memory_space<hbm>>
        %dma_start3A_189 = arith.constant 0 : i32
        %dma_start3A_190 = tpu.memref_slice %arg7[%dma_start3A_180, %dma_start3A_189] : memref<2x6400xf32, #tpu.memory_space<vmem>> -> memref<1x6400xf32, #tpu.memory_space<vmem>>
        %dma_start3A_191 = tpu.memref_squeeze %dma_start3A_190 : memref<1x6400xf32, #tpu.memory_space<vmem>> -> memref<6400xf32, #tpu.memory_space<vmem>>
        tpu.enqueue_dma source(%dma_start3A_191 : memref<6400xf32, #tpu.memory_space<vmem>>) target(%dma_start3A_188 : memref<6400xf32, #tpu.memory_space<hbm>>) target_semaphore(%arg10 : memref<!tpu.dma_semaphore, #tpu.memory_space<semaphore_mem>>)
        %add3A_192 = arith.constant 2 : i32
        %add3A_193 = arith.addi %add3A_151, %add3A_192 : i32
        %lt3A_194 = arith.constant 50 : i32
        %lt3A_195 = arith.cmpi slt, %add3A_193, %lt3A_194 : i32
        %convert_element_type3A_196 = arith.extui %lt3A_195 : i1 to i32
        %cond3A_197 = arith.constant 0 : i32
        %cond3A_198 = arith.cmpi ne, %convert_element_type3A_196, %cond3A_197 : i32
        scf.if %cond3A_198 {
          %add3A_252 = arith.constant 2 : i32
          %add3A_253 = arith.addi %add3A_151, %add3A_252 : i32
          %mul3A_254 = arith.constant 320000 : i32
          %mul3A_255 = arith.muli %select_n3A_73, %mul3A_254 : i32
          %mul3A_256 = arith.constant 6400 : i32
          %mul3A_257 = arith.muli %add3A_253, %mul3A_256 : i32
          %add3A_258 = arith.addi %mul3A_255, %mul3A_257 : i32
          %dma_start3A_259 = arith.constant 0 : i32
          %dma_start3A_260 = arith.constant 0 : i32
          %dma_start3A_261 = arith.constant 0 : i32
          %dma_start3A_262 = tpu.memref_slice %arg6[%dma_start3A_260, %dma_start3A_261] : memref<2x6400xi32, #tpu.memory_space<vmem>> -> memref<1x6400xi32, #tpu.memory_space<vmem>>
          %dma_start3A_263 = tpu.memref_squeeze %dma_start3A_262 : memref<1x6400xi32, #tpu.memory_space<vmem>> -> memref<6400xi32, #tpu.memory_space<vmem>>
          %dma_start3A_264 = tpu.memref_slice %arg3[%select_n3A, %dma_start3A_259, %add3A_258] : memref<2x1x1600000xi32, #tpu.memory_space<hbm>> -> memref<1x1x6400xi32, #tpu.memory_space<hbm>>
          %dma_start3A_265 = tpu.memref_squeeze %dma_start3A_264 : memref<1x1x6400xi32, #tpu.memory_space<hbm>> -> memref<6400xi32, #tpu.memory_space<hbm>>
          %dma_start3A_266 = arith.constant 0 : i32
          %dma_start3A_267 = tpu.memref_slice %arg6[%dma_start3A_260, %dma_start3A_266] : memref<2x6400xi32, #tpu.memory_space<vmem>> -> memref<1x6400xi32, #tpu.memory_space<vmem>>
          %dma_start3A_268 = tpu.memref_squeeze %dma_start3A_267 : memref<1x6400xi32, #tpu.memory_space<vmem>> -> memref<6400xi32, #tpu.memory_space<vmem>>
          %dma_start3A_269 = tpu.memref_slice %arg3[%select_n3A, %dma_start3A_259, %add3A_258] : memref<2x1x1600000xi32, #tpu.memory_space<hbm>> -> memref<1x1x6400xi32, #tpu.memory_space<hbm>>
          %dma_start3A_270 = tpu.memref_squeeze %dma_start3A_269 : memref<1x1x6400xi32, #tpu.memory_space<hbm>> -> memref<6400xi32, #tpu.memory_space<hbm>>
          tpu.enqueue_dma source(%dma_start3A_270 : memref<6400xi32, #tpu.memory_space<hbm>>) target(%dma_start3A_268 : memref<6400xi32, #tpu.memory_space<vmem>>) target_semaphore(%arg8 : memref<!tpu.dma_semaphore, #tpu.memory_space<semaphore_mem>>)
        } else {
        }
        %mul3A_199 = arith.constant 2 : i32
        %mul3A_200 = arith.muli %mul3A_199, %add3A_147 : i32
        %add3A_201 = arith.constant 1 : i32
        %add3A_202 = arith.addi %mul3A_200, %add3A_201 : i32
        %mul3A_203 = arith.constant 320000 : i32
        %mul3A_204 = arith.muli %select_n3A_73, %mul3A_203 : i32
        %mul3A_205 = arith.constant 6400 : i32
        %mul3A_206 = arith.muli %add3A_202, %mul3A_205 : i32
        %add3A_207 = arith.addi %mul3A_204, %mul3A_206 : i32
        %dma_wait3A_208 = arith.constant 0 : i32
        %dma_wait3A_209 = arith.constant 1 : i32
        %dma_wait3A_210 = arith.constant 0 : i32
        %dma_wait3A_211 = tpu.memref_slice %arg6[%dma_wait3A_209, %dma_wait3A_210] : memref<2x6400xi32, #tpu.memory_space<vmem>> -> memref<1x6400xi32, #tpu.memory_space<vmem>>
        %dma_wait3A_212 = tpu.memref_squeeze %dma_wait3A_211 : memref<1x6400xi32, #tpu.memory_space<vmem>> -> memref<6400xi32, #tpu.memory_space<vmem>>
        %dma_wait3A_213 = tpu.memref_slice %arg3[%select_n3A, %dma_wait3A_208, %add3A_207] : memref<2x1x1600000xi32, #tpu.memory_space<hbm>> -> memref<1x1x6400xi32, #tpu.memory_space<hbm>>
        %dma_wait3A_214 = tpu.memref_squeeze %dma_wait3A_213 : memref<1x1x6400xi32, #tpu.memory_space<hbm>> -> memref<6400xi32, #tpu.memory_space<hbm>>
        %dma_wait3A_215 = arith.constant 0 : i32
        %dma_wait3A_216 = tpu.memref_slice %arg6[%dma_wait3A_209, %dma_wait3A_215] : memref<2x6400xi32, #tpu.memory_space<vmem>> -> memref<1x6400xi32, #tpu.memory_space<vmem>>
        %dma_wait3A_217 = tpu.memref_squeeze %dma_wait3A_216 : memref<1x6400xi32, #tpu.memory_space<vmem>> -> memref<6400xi32, #tpu.memory_space<vmem>>
        %dma_wait3A_218 = tpu.memref_slice %arg3[%select_n3A, %dma_wait3A_208, %add3A_207] : memref<2x1x1600000xi32, #tpu.memory_space<hbm>> -> memref<1x1x6400xi32, #tpu.memory_space<hbm>>
        %dma_wait3A_219 = tpu.memref_squeeze %dma_wait3A_218 : memref<1x1x6400xi32, #tpu.memory_space<hbm>> -> memref<6400xi32, #tpu.memory_space<hbm>>
        tpu.wait_dma2 semaphore(%arg9 : memref<!tpu.dma_semaphore, #tpu.memory_space<semaphore_mem>>) src(%dma_wait3A_219 : memref<6400xi32, #tpu.memory_space<hbm>>) dst(%dma_wait3A_217 : memref<6400xi32, #tpu.memory_space<vmem>>)
        %ge3A_220 = arith.constant 2 : i32
        %ge3A_221 = arith.cmpi sge, %add3A_202, %ge3A_220 : i32
        %convert_element_type3A_222 = arith.extui %ge3A_221 : i1 to i32
        %cond3A_223 = arith.constant 0 : i32
        %cond3A_224 = arith.cmpi ne, %convert_element_type3A_222, %cond3A_223 : i32
        scf.if %cond3A_224 {
          %sub3A_252 = arith.constant 2 : i32
          %sub3A_253 = arith.subi %add3A_202, %sub3A_252 : i32
          %mul3A_254 = arith.constant 320000 : i32
          %mul3A_255 = arith.muli %select_n3A_73, %mul3A_254 : i32
          %mul3A_256 = arith.constant 6400 : i32
          %mul3A_257 = arith.muli %sub3A_253, %mul3A_256 : i32
          %add3A_258 = arith.addi %mul3A_255, %mul3A_257 : i32
          %dma_wait3A_259 = arith.constant 1 : i32
          %dma_wait3A_260 = arith.constant 0 : i32
          %dma_wait3A_261 = arith.constant 0 : i32
          %dma_wait3A_262 = tpu.memref_slice %arg7[%dma_wait3A_259, %dma_wait3A_261] : memref<2x6400xf32, #tpu.memory_space<vmem>> -> memref<1x6400xf32, #tpu.memory_space<vmem>>
          %dma_wait3A_263 = tpu.memref_squeeze %dma_wait3A_262 : memref<1x6400xf32, #tpu.memory_space<vmem>> -> memref<6400xf32, #tpu.memory_space<vmem>>
          %dma_wait3A_264 = tpu.memref_slice %arg4[%add3A_76, %dma_wait3A_260, %add3A_258] : memref<6x1x1600000xf32, #tpu.memory_space<hbm>> -> memref<1x1x6400xf32, #tpu.memory_space<hbm>>
          %dma_wait3A_265 = tpu.memref_squeeze %dma_wait3A_264 : memref<1x1x6400xf32, #tpu.memory_space<hbm>> -> memref<6400xf32, #tpu.memory_space<hbm>>
          %dma_wait3A_266 = tpu.memref_slice %arg4[%add3A_76, %dma_wait3A_260, %add3A_258] : memref<6x1x1600000xf32, #tpu.memory_space<hbm>> -> memref<1x1x6400xf32, #tpu.memory_space<hbm>>
          %dma_wait3A_267 = tpu.memref_squeeze %dma_wait3A_266 : memref<1x1x6400xf32, #tpu.memory_space<hbm>> -> memref<6400xf32, #tpu.memory_space<hbm>>
          %dma_wait3A_268 = arith.constant 0 : i32
          %dma_wait3A_269 = tpu.memref_slice %arg7[%dma_wait3A_259, %dma_wait3A_268] : memref<2x6400xf32, #tpu.memory_space<vmem>> -> memref<1x6400xf32, #tpu.memory_space<vmem>>
          %dma_wait3A_270 = tpu.memref_squeeze %dma_wait3A_269 : memref<1x6400xf32, #tpu.memory_space<vmem>> -> memref<6400xf32, #tpu.memory_space<vmem>>
          tpu.wait_dma2 semaphore(%arg11 : memref<!tpu.dma_semaphore, #tpu.memory_space<semaphore_mem>>) src(%dma_wait3A_270 : memref<6400xf32, #tpu.memory_space<vmem>>) dst(%dma_wait3A_267 : memref<6400xf32, #tpu.memory_space<hbm>>)
        } else {
        }
        %parallel_loop3A_225 = arith.constant 0 : i32
        %parallel_loop3A_226 = arith.constant 6400 : i32
        %parallel_loop3A_227 = arith.constant 16 : i32
        scf.for %parallel_loop3A_252 = %parallel_loop3A_225 to %parallel_loop3A_226 step %parallel_loop3A_227  : i32 {
          %parallel_loop3A_253 = arith.constant 1 : i32
          %parallel_loop3A_254 = arith.index_cast %parallel_loop3A_253 : i32 to index
          %parallel_loop3A_255 = arith.index_cast %parallel_loop3A_252 : i32 to index
          %parallel_loop3A_256 = tpu.vector_load %arg6[%parallel_loop3A_254, %parallel_loop3A_255] {strides = array<i32>} : memref<2x6400xi32, #tpu.memory_space<vmem>>, vector<16xi32>,
          %parallel_loop3A_257 = tpu.vector_load_idx %arg5[%parallel_loop3A_256] : memref<100000xf32, #tpu.memory_space<vmem>>[vector<16xi32>], vector<16xf32>,
          %parallel_loop3A_258 = arith.constant 1 : i32
          %parallel_loop3A_259 = arith.index_cast %parallel_loop3A_258 : i32 to index
          %parallel_loop3A_260 = arith.index_cast %parallel_loop3A_252 : i32 to index
          %parallel_loop3A_261 = tpu.vector_load %arg7[%parallel_loop3A_259, %parallel_loop3A_260] {strides = array<i32>} : memref<2x6400xf32, #tpu.memory_space<vmem>>, vector<16xf32>,
          tpu.vector_store %arg7[%parallel_loop3A_259, %parallel_loop3A_260], %parallel_loop3A_257 {strides = array<i32>} : memref<2x6400xf32, #tpu.memory_space<vmem>>, vector<16xf32>,
        } {sc.loop_unroll_factor = 8 : i64, sc.parallel_access}
        %mul3A_228 = arith.constant 320000 : i32
        %mul3A_229 = arith.muli %select_n3A_73, %mul3A_228 : i32
        %mul3A_230 = arith.constant 6400 : i32
        %mul3A_231 = arith.muli %add3A_202, %mul3A_230 : i32
        %add3A_232 = arith.addi %mul3A_229, %mul3A_231 : i32
        %dma_start3A_233 = arith.constant 1 : i32
        %dma_start3A_234 = arith.constant 0 : i32
        %dma_start3A_235 = arith.constant 0 : i32
        %dma_start3A_236 = tpu.memref_slice %arg7[%dma_start3A_233, %dma_start3A_235] : memref<2x6400xf32, #tpu.memory_space<vmem>> -> memref<1x6400xf32, #tpu.memory_space<vmem>>
        %dma_start3A_237 = tpu.memref_squeeze %dma_start3A_236 : memref<1x6400xf32, #tpu.memory_space<vmem>> -> memref<6400xf32, #tpu.memory_space<vmem>>
        %dma_start3A_238 = tpu.memref_slice %arg4[%add3A_76, %dma_start3A_234, %add3A_232] : memref<6x1x1600000xf32, #tpu.memory_space<hbm>> -> memref<1x1x6400xf32, #tpu.memory_space<hbm>>
        %dma_start3A_239 = tpu.memref_squeeze %dma_start3A_238 : memref<1x1x6400xf32, #tpu.memory_space<hbm>> -> memref<6400xf32, #tpu.memory_space<hbm>>
        %dma_start3A_240 = tpu.memref_slice %arg4[%add3A_76, %dma_start3A_234, %add3A_232] : memref<6x1x1600000xf32, #tpu.memory_space<hbm>> -> memref<1x1x6400xf32, #tpu.memory_space<hbm>>
        %dma_start3A_241 = tpu.memref_squeeze %dma_start3A_240 : memref<1x1x6400xf32, #tpu.memory_space<hbm>> -> memref<6400xf32, #tpu.memory_space<hbm>>
        %dma_start3A_242 = arith.constant 0 : i32
        %dma_start3A_243 = tpu.memref_slice %arg7[%dma_start3A_233, %dma_start3A_242] : memref<2x6400xf32, #tpu.memory_space<vmem>> -> memref<1x6400xf32, #tpu.memory_space<vmem>>
        %dma_start3A_244 = tpu.memref_squeeze %dma_start3A_243 : memref<1x6400xf32, #tpu.memory_space<vmem>> -> memref<6400xf32, #tpu.memory_space<vmem>>
        tpu.enqueue_dma source(%dma_start3A_244 : memref<6400xf32, #tpu.memory_space<vmem>>) target(%dma_start3A_241 : memref<6400xf32, #tpu.memory_space<hbm>>) target_semaphore(%arg11 : memref<!tpu.dma_semaphore, #tpu.memory_space<semaphore_mem>>)
        %add3A_245 = arith.constant 2 : i32
        %add3A_246 = arith.addi %add3A_202, %add3A_245 : i32
        %lt3A_247 = arith.constant 50 : i32
        %lt3A_248 = arith.cmpi slt, %add3A_246, %lt3A_247 : i32
        %convert_element_type3A_249 = arith.extui %lt3A_248 : i1 to i32
        %cond3A_250 = arith.constant 0 : i32
        %cond3A_251 = arith.cmpi ne, %convert_element_type3A_249, %cond3A_250 : i32
        scf.if %cond3A_251 {
          %add3A_252 = arith.constant 2 : i32
          %add3A_253 = arith.addi %add3A_202, %add3A_252 : i32
          %mul3A_254 = arith.constant 320000 : i32
          %mul3A_255 = arith.muli %select_n3A_73, %mul3A_254 : i32
          %mul3A_256 = arith.constant 6400 : i32
          %mul3A_257 = arith.muli %add3A_253, %mul3A_256 : i32
          %add3A_258 = arith.addi %mul3A_255, %mul3A_257 : i32
          %dma_start3A_259 = arith.constant 0 : i32
          %dma_start3A_260 = arith.constant 1 : i32
          %dma_start3A_261 = arith.constant 0 : i32
          %dma_start3A_262 = tpu.memref_slice %arg6[%dma_start3A_260, %dma_start3A_261] : memref<2x6400xi32, #tpu.memory_space<vmem>> -> memref<1x6400xi32, #tpu.memory_space<vmem>>
          %dma_start3A_263 = tpu.memref_squeeze %dma_start3A_262 : memref<1x6400xi32, #tpu.memory_space<vmem>> -> memref<6400xi32, #tpu.memory_space<vmem>>
          %dma_start3A_264 = tpu.memref_slice %arg3[%select_n3A, %dma_start3A_259, %add3A_258] : memref<2x1x1600000xi32, #tpu.memory_space<hbm>> -> memref<1x1x6400xi32, #tpu.memory_space<hbm>>
          %dma_start3A_265 = tpu.memref_squeeze %dma_start3A_264 : memref<1x1x6400xi32, #tpu.memory_space<hbm>> -> memref<6400xi32, #tpu.memory_space<hbm>>
          %dma_start3A_266 = arith.constant 0 : i32
          %dma_start3A_267 = tpu.memref_slice %arg6[%dma_start3A_260, %dma_start3A_266] : memref<2x6400xi32, #tpu.memory_space<vmem>> -> memref<1x6400xi32, #tpu.memory_space<vmem>>
          %dma_start3A_268 = tpu.memref_squeeze %dma_start3A_267 : memref<1x6400xi32, #tpu.memory_space<vmem>> -> memref<6400xi32, #tpu.memory_space<vmem>>
          %dma_start3A_269 = tpu.memref_slice %arg3[%select_n3A, %dma_start3A_259, %add3A_258] : memref<2x1x1600000xi32, #tpu.memory_space<hbm>> -> memref<1x1x6400xi32, #tpu.memory_space<hbm>>
          %dma_start3A_270 = tpu.memref_squeeze %dma_start3A_269 : memref<1x1x6400xi32, #tpu.memory_space<hbm>> -> memref<6400xi32, #tpu.memory_space<hbm>>
          tpu.enqueue_dma source(%dma_start3A_270 : memref<6400xi32, #tpu.memory_space<hbm>>) target(%dma_start3A_268 : memref<6400xi32, #tpu.memory_space<vmem>>) target_semaphore(%arg9 : memref<!tpu.dma_semaphore, #tpu.memory_space<semaphore_mem>>)
        } else {
        }
      }
      %scan3A_111 = arith.constant 25 : i32
      %mul3A_112 = arith.constant 320000 : i32
      %mul3A_113 = arith.muli %select_n3A_73, %mul3A_112 : i32
      %add3A_114 = arith.constant 307200 : i32
      %add3A_115 = arith.addi %mul3A_113, %add3A_114 : i32
      %dma_wait3A = arith.constant 0 : i32
      %dma_wait3A_116 = arith.constant 0 : i32
      %dma_wait3A_117 = arith.constant 0 : i32
      %dma_wait3A_118 = tpu.memref_slice %arg7[%dma_wait3A, %dma_wait3A_117] : memref<2x6400xf32, #tpu.memory_space<vmem>> -> memref<1x6400xf32, #tpu.memory_space<vmem>>
      %dma_wait3A_119 = tpu.memref_squeeze %dma_wait3A_118 : memref<1x6400xf32, #tpu.memory_space<vmem>> -> memref<6400xf32, #tpu.memory_space<vmem>>
      %dma_wait3A_120 = tpu.memref_slice %arg4[%add3A_76, %dma_wait3A_116, %add3A_115] : memref<6x1x1600000xf32, #tpu.memory_space<hbm>> -> memref<1x1x6400xf32, #tpu.memory_space<hbm>>
      %dma_wait3A_121 = tpu.memref_squeeze %dma_wait3A_120 : memref<1x1x6400xf32, #tpu.memory_space<hbm>> -> memref<6400xf32, #tpu.memory_space<hbm>>
      %dma_wait3A_122 = tpu.memref_slice %arg4[%add3A_76, %dma_wait3A_116, %add3A_115] : memref<6x1x1600000xf32, #tpu.memory_space<hbm>> -> memref<1x1x6400xf32, #tpu.memory_space<hbm>>
      %dma_wait3A_123 = tpu.memref_squeeze %dma_wait3A_122 : memref<1x1x6400xf32, #tpu.memory_space<hbm>> -> memref<6400xf32, #tpu.memory_space<hbm>>
      %dma_wait3A_124 = arith.constant 0 : i32
      %dma_wait3A_125 = tpu.memref_slice %arg7[%dma_wait3A, %dma_wait3A_124] : memref<2x6400xf32, #tpu.memory_space<vmem>> -> memref<1x6400xf32, #tpu.memory_space<vmem>>
      %dma_wait3A_126 = tpu.memref_squeeze %dma_wait3A_125 : memref<1x6400xf32, #tpu.memory_space<vmem>> -> memref<6400xf32, #tpu.memory_space<vmem>>
      tpu.wait_dma2 semaphore(%arg10 : memref<!tpu.dma_semaphore, #tpu.memory_space<semaphore_mem>>) src(%dma_wait3A_126 : memref<6400xf32, #tpu.memory_space<vmem>>) dst(%dma_wait3A_123 : memref<6400xf32, #tpu.memory_space<hbm>>)
      %mul3A_127 = arith.constant 320000 : i32
      %mul3A_128 = arith.muli %select_n3A_73, %mul3A_127 : i32
      %add3A_129 = arith.constant 313600 : i32
      %add3A_130 = arith.addi %mul3A_128, %add3A_129 : i32
      %dma_wait3A_131 = arith.constant 1 : i32
      %dma_wait3A_132 = arith.constant 0 : i32
      %dma_wait3A_133 = arith.constant 0 : i32
      %dma_wait3A_134 = tpu.memref_slice %arg7[%dma_wait3A_131, %dma_wait3A_133] : memref<2x6400xf32, #tpu.memory_space<vmem>> -> memref<1x6400xf32, #tpu.memory_space<vmem>>
      %dma_wait3A_135 = tpu.memref_squeeze %dma_wait3A_134 : memref<1x6400xf32, #tpu.memory_space<vmem>> -> memref<6400xf32, #tpu.memory_space<vmem>>
      %dma_wait3A_136 = tpu.memref_slice %arg4[%add3A_76, %dma_wait3A_132, %add3A_130] : memref<6x1x1600000xf32, #tpu.memory_space<hbm>> -> memref<1x1x6400xf32, #tpu.memory_space<hbm>>
      %dma_wait3A_137 = tpu.memref_squeeze %dma_wait3A_136 : memref<1x1x6400xf32, #tpu.memory_space<hbm>> -> memref<6400xf32, #tpu.memory_space<hbm>>
      %dma_wait3A_138 = tpu.memref_slice %arg4[%add3A_76, %dma_wait3A_132, %add3A_130] : memref<6x1x1600000xf32, #tpu.memory_space<hbm>> -> memref<1x1x6400xf32, #tpu.memory_space<hbm>>
      %dma_wait3A_139 = tpu.memref_squeeze %dma_wait3A_138 : memref<1x1x6400xf32, #tpu.memory_space<hbm>> -> memref<6400xf32, #tpu.memory_space<hbm>>
      %dma_wait3A_140 = arith.constant 0 : i32
      %dma_wait3A_141 = tpu.memref_slice %arg7[%dma_wait3A_131, %dma_wait3A_140] : memref<2x6400xf32, #tpu.memory_space<vmem>> -> memref<1x6400xf32, #tpu.memory_space<vmem>>
      %dma_wait3A_142 = tpu.memref_squeeze %dma_wait3A_141 : memref<1x6400xf32, #tpu.memory_space<vmem>> -> memref<6400xf32, #tpu.memory_space<vmem>>
      tpu.wait_dma2 semaphore(%arg11 : memref<!tpu.dma_semaphore, #tpu.memory_space<semaphore_mem>>) src(%dma_wait3A_142 : memref<6400xf32, #tpu.memory_space<vmem>>) dst(%dma_wait3A_139 : memref<6400xf32, #tpu.memory_space<hbm>>)
    } else {
    }
    return
  }
}

module attributes {stable_mosaic.version = 14 : i64} {
  func.func @body(%arg0: i32, %arg1: memref<6x1x32000xf32, #tpu.memory_space<vmem>>, %arg2: memref<4x32000xf32, #tpu.memory_space<vmem>>, %arg3: memref<32x12xf32, #tpu.memory_space<vmem>>, %arg4: memref<32x128xf32, #tpu.memory_space<vmem>>, %arg5: memref<2x32000xf32, #tpu.memory_space<vmem>>) attributes {dimension_semantics = [#tpu.dimension_semantics<arbitrary>], iteration_bounds = array<i64: 50>, scalar_prefetch = 0 : i64, scratch_operands = 0 : i64, tpu.core_type = #tpu.core_type<tc>, window_params = [{transform_indices = @transform_0, window_bounds = array<i64: 6, 1, 32000>}, {transform_indices = @transform_1, window_bounds = array<i64: 4, 32000>}, {pipeline_mode = #tpu.pipeline_mode<synchronous>, transform_indices = @transform_2, window_bounds = array<i64: 32, 12>}, {pipeline_mode = #tpu.pipeline_mode<synchronous>, transform_indices = @transform_3, window_bounds = array<i64: 32, 128>}, {transform_indices = @transform_4, window_bounds = array<i64: 2, 32000>}]} {
    %eq3A = arith.constant 0 : i32
    %eq3A_0 = arith.cmpi eq, %arg0, %eq3A : i32
    %convert_element_type3A = arith.extui %eq3A_0 : i1 to i32
    %cond3A = arith.constant 0 : i32
    %cond3A_1 = arith.cmpi ne, %convert_element_type3A, %cond3A : i32
    scf.if %cond3A_1 {
      %broadcast_in_dim3A_80 = arith.constant 0.000000e+00 : f32
      %broadcast_in_dim3A_81 = vector.broadcast %broadcast_in_dim3A_80 : f32 to vector<32x128xf32>
      %swap3A_82 = arith.constant 0 : index
      %swap3A_83 = arith.constant 0 : index
      %swap3A_84 = vector.load %arg4[%swap3A_82, %swap3A_83] : memref<32x128xf32, #tpu.memory_space<vmem>>, vector<32x128xf32>
      tpu.vector_store %arg4[%swap3A_82, %swap3A_83], %broadcast_in_dim3A_81 {strides = array<i32>} : memref<32x128xf32, #tpu.memory_space<vmem>>, vector<32x128xf32>,
    } else {
    }
    %get3A = arith.constant 0 : index
    %get3A_2 = arith.constant 0 : index
    %get3A_3 = arith.constant 0 : index
    %get3A_4 = vector.load %arg1[%get3A, %get3A_2, %get3A_3] : memref<6x1x32000xf32, #tpu.memory_space<vmem>>, vector<3x1x32000xf32>
    %get3A_5 = vector.shape_cast %get3A_4 : vector<3x1x32000xf32> to vector<3x32000xf32>
    %get3A_6 = arith.constant 3 : index
    %get3A_7 = arith.constant 0 : index
    %get3A_8 = arith.constant 0 : index
    %get3A_9 = vector.load %arg1[%get3A_6, %get3A_7, %get3A_8] : memref<6x1x32000xf32, #tpu.memory_space<vmem>>, vector<3x1x32000xf32>
    %get3A_10 = vector.shape_cast %get3A_9 : vector<3x1x32000xf32> to vector<3x32000xf32>
    %sub3A = arith.subf %get3A_5, %get3A_10 : vector<3x32000xf32>
    %mul3A = arith.mulf %sub3A, %sub3A : vector<3x32000xf32>
    %reduce_sum3A = arith.constant dense<0.000000e+00> : vector<32000xf32>
    %reduce_sum3A_11 = vector.multi_reduction <add>, %mul3A, %reduce_sum3A [0] : vector<3x32000xf32> to vector<32000xf32>
    %broadcast_in_dim3A = vector.shape_cast %reduce_sum3A_11 : vector<32000xf32> to vector<1x32000xf32>
    %sign3A = tpu.bitcast %broadcast_in_dim3A : vector<1x32000xf32> -> vector<1x32000xi32>
    %sign3A_12 = arith.constant -2147483648 : i32
    %sign3A_13 = vector.broadcast %sign3A_12 : i32 to vector<1x32000xi32>
    %sign3A_14 = arith.andi %sign3A, %sign3A_13 : vector<1x32000xi32>
    %sign3A_15 = arith.constant 1065353216 : i32
    %sign3A_16 = vector.broadcast %sign3A_15 : i32 to vector<1x32000xi32>
    %sign3A_17 = arith.ori %sign3A_16, %sign3A_14 : vector<1x32000xi32>
    %sign3A_18 = tpu.bitcast %sign3A_17 : vector<1x32000xi32> -> vector<1x32000xf32>
    %sign3A_19 = math.absf %broadcast_in_dim3A : vector<1x32000xf32>
    %sign3A_20 = arith.constant 0.000000e+00 : f32
    %sign3A_21 = vector.broadcast %sign3A_20 : f32 to vector<1x32000xf32>
    %sign3A_22 = arith.cmpf ogt, %sign3A_19, %sign3A_21 : vector<1x32000xf32>
    %sign3A_23 = arith.select %sign3A_22, %sign3A_18, %broadcast_in_dim3A : vector<1x32000xi1>, vector<1x32000xf32>
    %abs3A = math.absf %broadcast_in_dim3A : vector<1x32000xf32>
    %add3A = arith.constant 1.000000e+00 : f32
    %add3A_24 = vector.broadcast %add3A : f32 to vector<1x32000xf32>
    %add3A_25 = arith.addf %abs3A, %add3A_24 : vector<1x32000xf32>
    %log3A = math.log %add3A_25 : vector<1x32000xf32>
    %mul3A_26 = arith.mulf %sign3A_23, %log3A : vector<1x32000xf32>
    %mul3A_27 = arith.mulf %get3A_5, %get3A_10 : vector<3x32000xf32>
    %reduce_sum3A_28 = arith.constant dense<0.000000e+00> : vector<32000xf32>
    %reduce_sum3A_29 = vector.multi_reduction <add>, %mul3A_27, %reduce_sum3A_28 [0] : vector<3x32000xf32> to vector<32000xf32>
    %broadcast_in_dim3A_30 = vector.shape_cast %reduce_sum3A_29 : vector<32000xf32> to vector<1x32000xf32>
    %sign3A_31 = tpu.bitcast %broadcast_in_dim3A_30 : vector<1x32000xf32> -> vector<1x32000xi32>
    %sign3A_32 = arith.constant -2147483648 : i32
    %sign3A_33 = vector.broadcast %sign3A_32 : i32 to vector<1x32000xi32>
    %sign3A_34 = arith.andi %sign3A_31, %sign3A_33 : vector<1x32000xi32>
    %sign3A_35 = arith.constant 1065353216 : i32
    %sign3A_36 = vector.broadcast %sign3A_35 : i32 to vector<1x32000xi32>
    %sign3A_37 = arith.ori %sign3A_36, %sign3A_34 : vector<1x32000xi32>
    %sign3A_38 = tpu.bitcast %sign3A_37 : vector<1x32000xi32> -> vector<1x32000xf32>
    %sign3A_39 = math.absf %broadcast_in_dim3A_30 : vector<1x32000xf32>
    %sign3A_40 = arith.constant 0.000000e+00 : f32
    %sign3A_41 = vector.broadcast %sign3A_40 : f32 to vector<1x32000xf32>
    %sign3A_42 = arith.cmpf ogt, %sign3A_39, %sign3A_41 : vector<1x32000xf32>
    %sign3A_43 = arith.select %sign3A_42, %sign3A_38, %broadcast_in_dim3A_30 : vector<1x32000xi1>, vector<1x32000xf32>
    %abs3A_44 = math.absf %broadcast_in_dim3A_30 : vector<1x32000xf32>
    %add3A_45 = arith.constant 1.000000e+00 : f32
    %add3A_46 = vector.broadcast %add3A_45 : f32 to vector<1x32000xf32>
    %add3A_47 = arith.addf %abs3A_44, %add3A_46 : vector<1x32000xf32>
    %log3A_48 = math.log %add3A_47 : vector<1x32000xf32>
    %mul3A_49 = arith.mulf %sign3A_43, %log3A_48 : vector<1x32000xf32>
    %get3A_50 = arith.constant 0 : index
    %get3A_51 = arith.constant 0 : index
    %get3A_52 = vector.load %arg2[%get3A_50, %get3A_51] : memref<4x32000xf32, #tpu.memory_space<vmem>>, vector<4x32000xf32>
    %concatenate3A = tpu.concatenate %get3A_10, %get3A_5, %get3A_52, %mul3A_26, %mul3A_49 in 0 : vector<3x32000xf32>, vector<3x32000xf32>, vector<4x32000xf32>, vector<1x32000xf32>, vector<1x32000xf32> -> vector<12x32000xf32>
    %slice3A = vector.extract_strided_slice %concatenate3A {offsets = [10, 0], sizes = [2, 32000], strides = [1, 1]} : vector<12x32000xf32> to vector<2x32000xf32>
    %swap3A = arith.constant 0 : index
    %swap3A_53 = arith.constant 0 : index
    %swap3A_54 = vector.load %arg5[%swap3A, %swap3A_53] : memref<2x32000xf32, #tpu.memory_space<vmem>>, vector<2x32000xf32>
    tpu.vector_store %arg5[%swap3A, %swap3A_53], %slice3A {strides = array<i32>} : memref<2x32000xf32, #tpu.memory_space<vmem>>, vector<2x32000xf32>,
    %get3A_55 = arith.constant 0 : index
    %get3A_56 = arith.constant 0 : index
    %get3A_57 = vector.load %arg3[%get3A_55, %get3A_56] : memref<32x12xf32, #tpu.memory_space<vmem>>, vector<32x12xf32>
    %dot_general3A = arith.constant dense<0.000000e+00> : vector<32x32000xf32>
    %dot_general3A_58 = tpu.matmul %get3A_57, %concatenate3A, %dot_general3A {dimension_numbers = #tpu.dot_dimension_numbers<[1], [0], [0], [1], [0, 0, 1, 1], [], []>, transpose_lhs_hint = false} : vector<32x12xf32>, vector<12x32000xf32>, vector<32x32000xf32> -> vector<32x32000xf32>
    %get3A_59 = arith.constant 0 : index
    %get3A_60 = arith.constant 0 : index
    %get3A_61 = vector.load %arg4[%get3A_59, %get3A_60] : memref<32x128xf32, #tpu.memory_space<vmem>>, vector<32x1xf32>
    %reduce_sum3A_62 = arith.constant dense<0.000000e+00> : vector<32xf32>
    %reduce_sum3A_63 = vector.multi_reduction <add>, %dot_general3A_58, %reduce_sum3A_62 [1] : vector<32x32000xf32> to vector<32xf32>
    %broadcast_in_dim3A_64 = vector.shape_cast %reduce_sum3A_63 : vector<32xf32> to vector<32x1xf32>
    %add3A_65 = arith.addf %get3A_61, %broadcast_in_dim3A_64 : vector<32x1xf32>
    %swap3A_66 = arith.constant 0 : index
    %swap3A_67 = arith.constant 0 : index
    %swap3A_68 = vector.load %arg4[%swap3A_66, %swap3A_67] : memref<32x128xf32, #tpu.memory_space<vmem>>, vector<32x1xf32>
    tpu.vector_store %arg4[%swap3A_66, %swap3A_67], %add3A_65 {strides = array<i32>} : memref<32x128xf32, #tpu.memory_space<vmem>>, vector<32x1xf32>,
    %get3A_69 = arith.constant 0 : index
    %get3A_70 = arith.constant 1 : index
    %get3A_71 = vector.load %arg4[%get3A_69, %get3A_70] : memref<32x128xf32, #tpu.memory_space<vmem>>, vector<32x1xf32>
    %mul3A_72 = arith.mulf %dot_general3A_58, %dot_general3A_58 : vector<32x32000xf32>
    %reduce_sum3A_73 = arith.constant dense<0.000000e+00> : vector<32xf32>
    %reduce_sum3A_74 = vector.multi_reduction <add>, %mul3A_72, %reduce_sum3A_73 [1] : vector<32x32000xf32> to vector<32xf32>
    %broadcast_in_dim3A_75 = vector.shape_cast %reduce_sum3A_74 : vector<32xf32> to vector<32x1xf32>
    %add3A_76 = arith.addf %get3A_71, %broadcast_in_dim3A_75 : vector<32x1xf32>
    %swap3A_77 = arith.constant 0 : index
    %swap3A_78 = arith.constant 1 : index
    %swap3A_79 = vector.load %arg4[%swap3A_77, %swap3A_78] : memref<32x128xf32, #tpu.memory_space<vmem>>, vector<32x1xf32>
    tpu.vector_store %arg4[%swap3A_77, %swap3A_78], %add3A_76 {strides = array<i32>} : memref<32x128xf32, #tpu.memory_space<vmem>>, vector<32x1xf32>,
    return
  }
  func.func @transform_0(%arg0: i32) -> (i32, i32, i32) {
    %c0_i32 = arith.constant 0 : i32
    %c0_i32_0 = arith.constant 0 : i32
    %c0_i32_1 = arith.constant 0 : i32
    return %c0_i32, %c0_i32_0, %arg0 : i32, i32, i32
  }
  func.func @transform_1(%arg0: i32) -> (i32, i32) {
    %c0_i32 = arith.constant 0 : i32
    %c0_i32_0 = arith.constant 0 : i32
    return %c0_i32, %arg0 : i32, i32
  }
  func.func @transform_2(%arg0: i32) -> (i32, i32) {
    %c0_i32 = arith.constant 0 : i32
    %c0_i32_0 = arith.constant 0 : i32
    %c0_i32_1 = arith.constant 0 : i32
    return %c0_i32, %c0_i32_0 : i32, i32
  }
  func.func @transform_3(%arg0: i32) -> (i32, i32) {
    %c0_i32 = arith.constant 0 : i32
    %c0_i32_0 = arith.constant 0 : i32
    %c0_i32_1 = arith.constant 0 : i32
    return %c0_i32, %c0_i32_0 : i32, i32
  }
  func.func @transform_4(%arg0: i32) -> (i32, i32) {
    %c0_i32 = arith.constant 0 : i32
    %c0_i32_0 = arith.constant 0 : i32
    return %c0_i32, %arg0 : i32, i32
  }
}

module attributes {stable_mosaic.version = 14 : i64} {
  func.func @body(%arg0: i32, %arg1: memref<6x1x32768xf32, #tpu.memory_space<vmem>>, %arg2: memref<4x32768xf32, #tpu.memory_space<vmem>>, %arg3: memref<2x32768xf32, #tpu.memory_space<vmem>>, %arg4: memref<32x12xf32, #tpu.memory_space<vmem>>, %arg5: memref<32x1xf32, #tpu.memory_space<vmem>>, %arg6: memref<32x1xf32, #tpu.memory_space<vmem>>, %arg7: memref<33x32xf32, #tpu.memory_space<vmem>>, %arg8: memref<33x1xf32, #tpu.memory_space<vmem>>, %arg9: memref<32x32xf32, #tpu.memory_space<vmem>>, %arg10: memref<32x1xf32, #tpu.memory_space<vmem>>, %arg11: memref<1x32xf32, #tpu.memory_space<vmem>>, %arg12: memref<32768xf32, #tpu.memory_space<vmem>>, %arg13: memref<32768xf32, #tpu.memory_space<vmem>>, %arg14: memref<32768xf32, #tpu.memory_space<vmem>>) attributes {dimension_semantics = [#tpu.dimension_semantics<arbitrary>], iteration_bounds = array<i64: 49>, scalar_prefetch = 0 : i64, scratch_operands = 0 : i64, tpu.core_type = #tpu.core_type<tc>, window_params = [{transform_indices = @transform_0, window_bounds = array<i64: 6, 1, 32768>}, {transform_indices = @transform_1, window_bounds = array<i64: 4, 32768>}, {transform_indices = @transform_2, window_bounds = array<i64: 2, 32768>}, {pipeline_mode = #tpu.pipeline_mode<synchronous>, transform_indices = @transform_3, window_bounds = array<i64: 32, 12>}, {pipeline_mode = #tpu.pipeline_mode<synchronous>, transform_indices = @transform_4, window_bounds = array<i64: 32, 1>}, {pipeline_mode = #tpu.pipeline_mode<synchronous>, transform_indices = @transform_5, window_bounds = array<i64: 32, 1>}, {pipeline_mode = #tpu.pipeline_mode<synchronous>, transform_indices = @transform_6, window_bounds = array<i64: 33, 32>}, {pipeline_mode = #tpu.pipeline_mode<synchronous>, transform_indices = @transform_7, window_bounds = array<i64: 33, 1>}, {pipeline_mode = #tpu.pipeline_mode<synchronous>, transform_indices = @transform_8, window_bounds = array<i64: 32, 32>}, {pipeline_mode = #tpu.pipeline_mode<synchronous>, transform_indices = @transform_9, window_bounds = array<i64: 32, 1>}, {pipeline_mode = #tpu.pipeline_mode<synchronous>, transform_indices = @transform_10, window_bounds = array<i64: 1, 32>}, {transform_indices = @transform_11, window_bounds = array<i64: 32768>}, {transform_indices = @transform_12, window_bounds = array<i64: 32768>}, {transform_indices = @transform_13, window_bounds = array<i64: 32768>}]} {
    %get3A = arith.constant 0 : index
    %get3A_0 = arith.constant 0 : index
    %get3A_1 = arith.constant 0 : index
    %get3A_2 = vector.load %arg1[%get3A, %get3A_0, %get3A_1] : memref<6x1x32768xf32, #tpu.memory_space<vmem>>, vector<3x1x32768xf32>
    %get3A_3 = vector.shape_cast %get3A_2 : vector<3x1x32768xf32> to vector<3x32768xf32>
    %get3A_4 = arith.constant 3 : index
    %get3A_5 = arith.constant 0 : index
    %get3A_6 = arith.constant 0 : index
    %get3A_7 = vector.load %arg1[%get3A_4, %get3A_5, %get3A_6] : memref<6x1x32768xf32, #tpu.memory_space<vmem>>, vector<3x1x32768xf32>
    %get3A_8 = vector.shape_cast %get3A_7 : vector<3x1x32768xf32> to vector<3x32768xf32>
    %sub3A = arith.subf %get3A_3, %get3A_8 : vector<3x32768xf32>
    %get3A_9 = arith.constant 0 : index
    %get3A_10 = arith.constant 0 : index
    %get3A_11 = vector.load %arg2[%get3A_9, %get3A_10] : memref<4x32768xf32, #tpu.memory_space<vmem>>, vector<4x32768xf32>
    %get3A_12 = arith.constant 0 : index
    %get3A_13 = arith.constant 0 : index
    %get3A_14 = vector.load %arg3[%get3A_12, %get3A_13] : memref<2x32768xf32, #tpu.memory_space<vmem>>, vector<2x32768xf32>
    %concatenate3A = tpu.concatenate %get3A_8, %get3A_3, %get3A_11, %get3A_14 in 0 : vector<3x32768xf32>, vector<3x32768xf32>, vector<4x32768xf32>, vector<2x32768xf32> -> vector<12x32768xf32>
    %get3A_15 = arith.constant 0 : index
    %get3A_16 = arith.constant 0 : index
    %get3A_17 = vector.load %arg4[%get3A_15, %get3A_16] : memref<32x12xf32, #tpu.memory_space<vmem>>, vector<32x12xf32>
    %dot_general3A = arith.constant dense<0.000000e+00> : vector<32x32768xf32>
    %dot_general3A_18 = tpu.matmul %get3A_17, %concatenate3A, %dot_general3A {dimension_numbers = #tpu.dot_dimension_numbers<[1], [0], [0], [1], [0, 0, 1, 1], [], []>, transpose_lhs_hint = false} : vector<32x12xf32>, vector<12x32768xf32>, vector<32x32768xf32> -> vector<32x32768xf32>
    %get3A_19 = arith.constant 0 : index
    %get3A_20 = arith.constant 0 : index
    %get3A_21 = vector.load %arg5[%get3A_19, %get3A_20] : memref<32x1xf32, #tpu.memory_space<vmem>>, vector<32x1xf32>
    %mul3A = vector.broadcast %get3A_21 : vector<32x1xf32> to vector<32x32768xf32>
    %mul3A_22 = arith.mulf %dot_general3A_18, %mul3A : vector<32x32768xf32>
    %get3A_23 = arith.constant 0 : index
    %get3A_24 = arith.constant 0 : index
    %get3A_25 = vector.load %arg6[%get3A_23, %get3A_24] : memref<32x1xf32, #tpu.memory_space<vmem>>, vector<32x1xf32>
    %add3A = vector.broadcast %get3A_25 : vector<32x1xf32> to vector<32x32768xf32>
    %add3A_26 = arith.addf %mul3A_22, %add3A : vector<32x32768xf32>
    %max3A = arith.constant 0.000000e+00 : f32
    %max3A_27 = vector.broadcast %max3A : f32 to vector<32x32768xf32>
    %max3A_28 = arith.maximumf %add3A_26, %max3A_27 : vector<32x32768xf32>
    %get3A_29 = arith.constant 0 : index
    %get3A_30 = arith.constant 0 : index
    %get3A_31 = vector.load %arg7[%get3A_29, %get3A_30] : memref<33x32xf32, #tpu.memory_space<vmem>>, vector<33x32xf32>
    %dot_general3A_32 = arith.constant dense<0.000000e+00> : vector<33x32768xf32>
    %dot_general3A_33 = tpu.matmul %get3A_31, %max3A_28, %dot_general3A_32 {dimension_numbers = #tpu.dot_dimension_numbers<[1], [0], [0], [1], [0, 0, 1, 1], [], []>, transpose_lhs_hint = false} : vector<33x32xf32>, vector<32x32768xf32>, vector<33x32768xf32> -> vector<33x32768xf32>
    %get3A_34 = arith.constant 0 : index
    %get3A_35 = arith.constant 0 : index
    %get3A_36 = vector.load %arg8[%get3A_34, %get3A_35] : memref<33x1xf32, #tpu.memory_space<vmem>>, vector<33x1xf32>
    %add3A_37 = vector.broadcast %get3A_36 : vector<33x1xf32> to vector<33x32768xf32>
    %add3A_38 = arith.addf %dot_general3A_33, %add3A_37 : vector<33x32768xf32>
    %slice3A = vector.extract_strided_slice %add3A_38 {offsets = [0, 0], sizes = [32, 32768], strides = [1, 1]} : vector<33x32768xf32> to vector<32x32768xf32>
    %max3A_39 = arith.constant 0.000000e+00 : f32
    %max3A_40 = vector.broadcast %max3A_39 : f32 to vector<32x32768xf32>
    %max3A_41 = arith.maximumf %slice3A, %max3A_40 : vector<32x32768xf32>
    %slice3A_42 = vector.extract_strided_slice %add3A_38 {offsets = [32, 0], sizes = [1, 32768], strides = [1, 1]} : vector<33x32768xf32> to vector<1x32768xf32>
    %logistic3A = arith.negf %slice3A_42 : vector<1x32768xf32>
    %logistic3A_43 = math.exp %logistic3A : vector<1x32768xf32>
    %logistic3A_44 = arith.constant 1.000000e+00 : f32
    %logistic3A_45 = vector.broadcast %logistic3A_44 : f32 to vector<1x32768xf32>
    %logistic3A_46 = arith.addf %logistic3A_45, %logistic3A_43 : vector<1x32768xf32>
    %logistic3A_47 = arith.divf %logistic3A_45, %logistic3A_46 : vector<1x32768xf32>
    %mul3A_48 = vector.broadcast %logistic3A_47 : vector<1x32768xf32> to vector<32x32768xf32>
    %mul3A_49 = arith.mulf %max3A_41, %mul3A_48 : vector<32x32768xf32>
    %get3A_50 = arith.constant 0 : index
    %get3A_51 = arith.constant 0 : index
    %get3A_52 = vector.load %arg9[%get3A_50, %get3A_51] : memref<32x32xf32, #tpu.memory_space<vmem>>, vector<32x32xf32>
    %dot_general3A_53 = arith.constant dense<0.000000e+00> : vector<32x32768xf32>
    %dot_general3A_54 = tpu.matmul %get3A_52, %mul3A_49, %dot_general3A_53 {dimension_numbers = #tpu.dot_dimension_numbers<[1], [0], [0], [1], [0, 0, 1, 1], [], []>, transpose_lhs_hint = false} : vector<32x32xf32>, vector<32x32768xf32>, vector<32x32768xf32> -> vector<32x32768xf32>
    %get3A_55 = arith.constant 0 : index
    %get3A_56 = arith.constant 0 : index
    %get3A_57 = vector.load %arg10[%get3A_55, %get3A_56] : memref<32x1xf32, #tpu.memory_space<vmem>>, vector<32x1xf32>
    %add3A_58 = vector.broadcast %get3A_57 : vector<32x1xf32> to vector<32x32768xf32>
    %add3A_59 = arith.addf %dot_general3A_54, %add3A_58 : vector<32x32768xf32>
    %max3A_60 = arith.constant 0.000000e+00 : f32
    %max3A_61 = vector.broadcast %max3A_60 : f32 to vector<32x32768xf32>
    %max3A_62 = arith.maximumf %add3A_59, %max3A_61 : vector<32x32768xf32>
    %get3A_63 = arith.constant 0 : index
    %get3A_64 = arith.constant 0 : index
    %get3A_65 = vector.load %arg11[%get3A_63, %get3A_64] : memref<1x32xf32, #tpu.memory_space<vmem>>, vector<1x32xf32>
    %dot_general3A_66 = arith.constant dense<0.000000e+00> : vector<1x32768xf32>
    %dot_general3A_67 = tpu.matmul %get3A_65, %max3A_62, %dot_general3A_66 {dimension_numbers = #tpu.dot_dimension_numbers<[1], [0], [0], [1], [0, 0, 1, 1], [], []>, transpose_lhs_hint = false} : vector<1x32xf32>, vector<32x32768xf32>, vector<1x32768xf32> -> vector<1x32768xf32>
    %mul3A_68 = vector.broadcast %dot_general3A_67 : vector<1x32768xf32> to vector<3x32768xf32>
    %mul3A_69 = arith.mulf %sub3A, %mul3A_68 : vector<3x32768xf32>
    %jit3A = arith.constant -1.000000e+02 : f32
    %jit3A_70 = arith.constant 1.000000e+02 : f32
    %max3A_71 = vector.broadcast %jit3A : f32 to vector<3x32768xf32>
    %max3A_72 = arith.maximumf %max3A_71, %mul3A_69 : vector<3x32768xf32>
    %min3A = vector.broadcast %jit3A_70 : f32 to vector<3x32768xf32>
    %min3A_73 = arith.minimumf %min3A, %max3A_72 : vector<3x32768xf32>
    %slice3A_74 = vector.extract_strided_slice %min3A_73 {offsets = [0, 0], sizes = [1, 32768], strides = [1, 1]} : vector<3x32768xf32> to vector<1x32768xf32>
    %squeeze3A = vector.shape_cast %slice3A_74 : vector<1x32768xf32> to vector<32768xf32>
    %swap3A = arith.constant 0 : index
    %swap3A_75 = vector.load %arg12[%swap3A] : memref<32768xf32, #tpu.memory_space<vmem>>, vector<32768xf32>
    tpu.vector_store %arg12[%swap3A], %squeeze3A {strides = array<i32>} : memref<32768xf32, #tpu.memory_space<vmem>>, vector<32768xf32>,
    %slice3A_76 = vector.extract_strided_slice %min3A_73 {offsets = [1, 0], sizes = [1, 32768], strides = [1, 1]} : vector<3x32768xf32> to vector<1x32768xf32>
    %squeeze3A_77 = vector.shape_cast %slice3A_76 : vector<1x32768xf32> to vector<32768xf32>
    %swap3A_78 = arith.constant 0 : index
    %swap3A_79 = vector.load %arg13[%swap3A_78] : memref<32768xf32, #tpu.memory_space<vmem>>, vector<32768xf32>
    tpu.vector_store %arg13[%swap3A_78], %squeeze3A_77 {strides = array<i32>} : memref<32768xf32, #tpu.memory_space<vmem>>, vector<32768xf32>,
    %slice3A_80 = vector.extract_strided_slice %min3A_73 {offsets = [2, 0], sizes = [1, 32768], strides = [1, 1]} : vector<3x32768xf32> to vector<1x32768xf32>
    %squeeze3A_81 = vector.shape_cast %slice3A_80 : vector<1x32768xf32> to vector<32768xf32>
    %swap3A_82 = arith.constant 0 : index
    %swap3A_83 = vector.load %arg14[%swap3A_82] : memref<32768xf32, #tpu.memory_space<vmem>>, vector<32768xf32>
    tpu.vector_store %arg14[%swap3A_82], %squeeze3A_81 {strides = array<i32>} : memref<32768xf32, #tpu.memory_space<vmem>>, vector<32768xf32>,
    return
  }
  func.func @transform_0(%arg0: i32) -> (i32, i32, i32) {
    %c0_i32 = arith.constant 0 : i32
    %c0_i32_0 = arith.constant 0 : i32
    %c0_i32_1 = arith.constant 0 : i32
    return %c0_i32, %c0_i32_0, %arg0 : i32, i32, i32
  }
  func.func @transform_1(%arg0: i32) -> (i32, i32) {
    %c0_i32 = arith.constant 0 : i32
    %c0_i32_0 = arith.constant 0 : i32
    return %c0_i32, %arg0 : i32, i32
  }
  func.func @transform_2(%arg0: i32) -> (i32, i32) {
    %c0_i32 = arith.constant 0 : i32
    %c0_i32_0 = arith.constant 0 : i32
    return %c0_i32, %arg0 : i32, i32
  }
  func.func @transform_3(%arg0: i32) -> (i32, i32) {
    %c0_i32 = arith.constant 0 : i32
    %c0_i32_0 = arith.constant 0 : i32
    %c0_i32_1 = arith.constant 0 : i32
    return %c0_i32, %c0_i32_0 : i32, i32
  }
  func.func @transform_4(%arg0: i32) -> (i32, i32) {
    %c0_i32 = arith.constant 0 : i32
    %c0_i32_0 = arith.constant 0 : i32
    %c0_i32_1 = arith.constant 0 : i32
    return %c0_i32, %c0_i32_0 : i32, i32
  }
  func.func @transform_5(%arg0: i32) -> (i32, i32) {
    %c0_i32 = arith.constant 0 : i32
    %c0_i32_0 = arith.constant 0 : i32
    %c0_i32_1 = arith.constant 0 : i32
    return %c0_i32, %c0_i32_0 : i32, i32
  }
  func.func @transform_6(%arg0: i32) -> (i32, i32) {
    %c0_i32 = arith.constant 0 : i32
    %c0_i32_0 = arith.constant 0 : i32
    %c0_i32_1 = arith.constant 0 : i32
    return %c0_i32, %c0_i32_0 : i32, i32
  }
  func.func @transform_7(%arg0: i32) -> (i32, i32) {
    %c0_i32 = arith.constant 0 : i32
    %c0_i32_0 = arith.constant 0 : i32
    %c0_i32_1 = arith.constant 0 : i32
    return %c0_i32, %c0_i32_0 : i32, i32
  }
  func.func @transform_8(%arg0: i32) -> (i32, i32) {
    %c0_i32 = arith.constant 0 : i32
    %c0_i32_0 = arith.constant 0 : i32
    %c0_i32_1 = arith.constant 0 : i32
    return %c0_i32, %c0_i32_0 : i32, i32
  }
  func.func @transform_9(%arg0: i32) -> (i32, i32) {
    %c0_i32 = arith.constant 0 : i32
    %c0_i32_0 = arith.constant 0 : i32
    %c0_i32_1 = arith.constant 0 : i32
    return %c0_i32, %c0_i32_0 : i32, i32
  }
  func.func @transform_10(%arg0: i32) -> (i32, i32) {
    %c0_i32 = arith.constant 0 : i32
    %c0_i32_0 = arith.constant 0 : i32
    %c0_i32_1 = arith.constant 0 : i32
    return %c0_i32, %c0_i32_0 : i32, i32
  }
  func.func @transform_11(%arg0: i32) -> i32 {
    %c0_i32 = arith.constant 0 : i32
    return %arg0 : i32
  }
  func.func @transform_12(%arg0: i32) -> i32 {
    %c0_i32 = arith.constant 0 : i32
    return %arg0 : i32
  }
  func.func @transform_13(%arg0: i32) -> i32 {
    %c0_i32 = arith.constant 0 : i32
    return %arg0 : i32
  }
}

module attributes {stable_mosaic.version = 14 : i64} {
  func.func @body(%arg0: i32, %arg1: memref<3x1x12544xf32, #tpu.memory_space<vmem>>, %arg2: memref<6x1x12544xf32, #tpu.memory_space<vmem>>, %arg3: memref<3x1x12544xf32, #tpu.memory_space<vmem>>) attributes {dimension_semantics = [#tpu.dimension_semantics<arbitrary>], iteration_bounds = array<i64: 8>, scalar_prefetch = 0 : i64, scratch_operands = 0 : i64, tpu.core_type = #tpu.core_type<tc>, window_params = [{transform_indices = @transform_0, window_bounds = array<i64: 3, 1, 12544>}, {transform_indices = @transform_1, window_bounds = array<i64: 6, 1, 12544>}, {transform_indices = @transform_2, window_bounds = array<i64: 3, 1, 12544>}]} {
    %get3A = arith.constant 0 : index
    %get3A_0 = arith.constant 0 : index
    %get3A_1 = arith.constant 0 : index
    %get3A_2 = vector.load %arg1[%get3A, %get3A_0, %get3A_1] : memref<3x1x12544xf32, #tpu.memory_space<vmem>>, vector<3x1x12544xf32>
    %get3A_3 = arith.constant 0 : index
    %get3A_4 = arith.constant 0 : index
    %get3A_5 = arith.constant 0 : index
    %get3A_6 = vector.load %arg2[%get3A_3, %get3A_4, %get3A_5] : memref<6x1x12544xf32, #tpu.memory_space<vmem>>, vector<3x1x12544xf32>
    %get3A_7 = arith.constant 3 : index
    %get3A_8 = arith.constant 0 : index
    %get3A_9 = arith.constant 0 : index
    %get3A_10 = vector.load %arg2[%get3A_7, %get3A_8, %get3A_9] : memref<6x1x12544xf32, #tpu.memory_space<vmem>>, vector<3x1x12544xf32>
    %add3A = arith.addf %get3A_6, %get3A_10 : vector<3x1x12544xf32>
    %mul3A = arith.constant 1.000000e-03 : f32
    %mul3A_11 = vector.broadcast %mul3A : f32 to vector<3x1x12544xf32>
    %mul3A_12 = arith.mulf %mul3A_11, %add3A : vector<3x1x12544xf32>
    %add3A_13 = arith.addf %get3A_2, %mul3A_12 : vector<3x1x12544xf32>
    %swap3A = arith.constant 0 : index
    %swap3A_14 = arith.constant 0 : index
    %swap3A_15 = arith.constant 0 : index
    %swap3A_16 = vector.load %arg3[%swap3A, %swap3A_14, %swap3A_15] : memref<3x1x12544xf32, #tpu.memory_space<vmem>>, vector<3x1x12544xf32>
    tpu.vector_store %arg3[%swap3A, %swap3A_14, %swap3A_15], %add3A_13 {strides = array<i32>} : memref<3x1x12544xf32, #tpu.memory_space<vmem>>, vector<3x1x12544xf32>,
    return
  }
  func.func @transform_0(%arg0: i32) -> (i32, i32, i32) {
    %c0_i32 = arith.constant 0 : i32
    %c0_i32_0 = arith.constant 0 : i32
    %c0_i32_1 = arith.constant 0 : i32
    return %c0_i32, %c0_i32_0, %arg0 : i32, i32, i32
  }
  func.func @transform_1(%arg0: i32) -> (i32, i32, i32) {
    %c0_i32 = arith.constant 0 : i32
    %c0_i32_0 = arith.constant 0 : i32
    %c0_i32_1 = arith.constant 0 : i32
    return %c0_i32, %c0_i32_0, %arg0 : i32, i32, i32
  }
  func.func @transform_2(%arg0: i32) -> (i32, i32, i32) {
    %c0_i32 = arith.constant 0 : i32
    %c0_i32_0 = arith.constant 0 : i32
    %c0_i32_1 = arith.constant 0 : i32
    return %c0_i32, %c0_i32_0, %arg0 : i32, i32, i32
  }
}

module attributes {stable_mosaic.version = 14 : i64} {
  func.func @body(%arg0: i32, %arg1: memref<6x1x32000xf32, #tpu.memory_space<vmem>>, %arg2: memref<32x6xf32, #tpu.memory_space<vmem>>, %arg3: memref<32x1xf32, #tpu.memory_space<vmem>>, %arg4: memref<32x32xf32, #tpu.memory_space<vmem>>, %arg5: memref<32x1xf32, #tpu.memory_space<vmem>>, %arg6: memref<1x32xf32, #tpu.memory_space<vmem>>, %arg7: memref<1x1xf32, #tpu.memory_space<vmem>>, %arg8: memref<1x32000xf32, #tpu.memory_space<vmem>>) attributes {dimension_semantics = [#tpu.dimension_semantics<arbitrary>], iteration_bounds = array<i64: 50>, scalar_prefetch = 0 : i64, scratch_operands = 0 : i64, tpu.core_type = #tpu.core_type<tc>, window_params = [{transform_indices = @transform_0, window_bounds = array<i64: 6, 1, 32000>}, {pipeline_mode = #tpu.pipeline_mode<synchronous>, transform_indices = @transform_1, window_bounds = array<i64: 32, 6>}, {pipeline_mode = #tpu.pipeline_mode<synchronous>, transform_indices = @transform_2, window_bounds = array<i64: 32, 1>}, {pipeline_mode = #tpu.pipeline_mode<synchronous>, transform_indices = @transform_3, window_bounds = array<i64: 32, 32>}, {pipeline_mode = #tpu.pipeline_mode<synchronous>, transform_indices = @transform_4, window_bounds = array<i64: 32, 1>}, {pipeline_mode = #tpu.pipeline_mode<synchronous>, transform_indices = @transform_5, window_bounds = array<i64: 1, 32>}, {pipeline_mode = #tpu.pipeline_mode<synchronous>, transform_indices = @transform_6, window_bounds = array<i64: 1, 1>}, {transform_indices = @transform_7, window_bounds = array<i64: 1, 32000>}]} {
    %get3A = arith.constant 3 : index
    %get3A_0 = arith.constant 0 : index
    %get3A_1 = arith.constant 0 : index
    %get3A_2 = vector.load %arg1[%get3A, %get3A_0, %get3A_1] : memref<6x1x32000xf32, #tpu.memory_space<vmem>>, vector<3x1x32000xf32>
    %get3A_3 = vector.shape_cast %get3A_2 : vector<3x1x32000xf32> to vector<3x32000xf32>
    %get3A_4 = arith.constant 0 : index
    %get3A_5 = arith.constant 0 : index
    %get3A_6 = arith.constant 0 : index
    %get3A_7 = vector.load %arg1[%get3A_4, %get3A_5, %get3A_6] : memref<6x1x32000xf32, #tpu.memory_space<vmem>>, vector<3x1x32000xf32>
    %get3A_8 = vector.shape_cast %get3A_7 : vector<3x1x32000xf32> to vector<3x32000xf32>
    %concatenate3A = tpu.concatenate %get3A_3, %get3A_8 in 0 : vector<3x32000xf32>, vector<3x32000xf32> -> vector<6x32000xf32>
    %get3A_9 = arith.constant 0 : index
    %get3A_10 = arith.constant 0 : index
    %get3A_11 = vector.load %arg2[%get3A_9, %get3A_10] : memref<32x6xf32, #tpu.memory_space<vmem>>, vector<32x6xf32>
    %dot_general3A = arith.constant dense<0.000000e+00> : vector<32x32000xf32>
    %dot_general3A_12 = tpu.matmul %get3A_11, %concatenate3A, %dot_general3A {dimension_numbers = #tpu.dot_dimension_numbers<[1], [0], [0], [1], [0, 0, 1, 1], [], []>, transpose_lhs_hint = false} : vector<32x6xf32>, vector<6x32000xf32>, vector<32x32000xf32> -> vector<32x32000xf32>
    %get3A_13 = arith.constant 0 : index
    %get3A_14 = arith.constant 0 : index
    %get3A_15 = vector.load %arg3[%get3A_13, %get3A_14] : memref<32x1xf32, #tpu.memory_space<vmem>>, vector<32x1xf32>
    %add3A = vector.broadcast %get3A_15 : vector<32x1xf32> to vector<32x32000xf32>
    %add3A_16 = arith.addf %dot_general3A_12, %add3A : vector<32x32000xf32>
    %max3A = arith.constant 0.000000e+00 : f32
    %max3A_17 = vector.broadcast %max3A : f32 to vector<32x32000xf32>
    %max3A_18 = arith.maximumf %add3A_16, %max3A_17 : vector<32x32000xf32>
    %get3A_19 = arith.constant 0 : index
    %get3A_20 = arith.constant 0 : index
    %get3A_21 = vector.load %arg4[%get3A_19, %get3A_20] : memref<32x32xf32, #tpu.memory_space<vmem>>, vector<32x32xf32>
    %dot_general3A_22 = arith.constant dense<0.000000e+00> : vector<32x32000xf32>
    %dot_general3A_23 = tpu.matmul %get3A_21, %max3A_18, %dot_general3A_22 {dimension_numbers = #tpu.dot_dimension_numbers<[1], [0], [0], [1], [0, 0, 1, 1], [], []>, transpose_lhs_hint = false} : vector<32x32xf32>, vector<32x32000xf32>, vector<32x32000xf32> -> vector<32x32000xf32>
    %get3A_24 = arith.constant 0 : index
    %get3A_25 = arith.constant 0 : index
    %get3A_26 = vector.load %arg5[%get3A_24, %get3A_25] : memref<32x1xf32, #tpu.memory_space<vmem>>, vector<32x1xf32>
    %add3A_27 = vector.broadcast %get3A_26 : vector<32x1xf32> to vector<32x32000xf32>
    %add3A_28 = arith.addf %dot_general3A_23, %add3A_27 : vector<32x32000xf32>
    %max3A_29 = arith.constant 0.000000e+00 : f32
    %max3A_30 = vector.broadcast %max3A_29 : f32 to vector<32x32000xf32>
    %max3A_31 = arith.maximumf %add3A_28, %max3A_30 : vector<32x32000xf32>
    %get3A_32 = arith.constant 0 : index
    %get3A_33 = arith.constant 0 : index
    %get3A_34 = vector.load %arg6[%get3A_32, %get3A_33] : memref<1x32xf32, #tpu.memory_space<vmem>>, vector<1x32xf32>
    %dot_general3A_35 = arith.constant dense<0.000000e+00> : vector<1x32000xf32>
    %dot_general3A_36 = tpu.matmul %get3A_34, %max3A_31, %dot_general3A_35 {dimension_numbers = #tpu.dot_dimension_numbers<[1], [0], [0], [1], [0, 0, 1, 1], [], []>, transpose_lhs_hint = false} : vector<1x32xf32>, vector<32x32000xf32>, vector<1x32000xf32> -> vector<1x32000xf32>
    %get3A_37 = arith.constant 0 : index
    %get3A_38 = arith.constant 0 : index
    %get3A_39 = vector.load %arg7[%get3A_37, %get3A_38] : memref<1x1xf32, #tpu.memory_space<vmem>>, vector<1x1xf32>
    %add3A_40 = vector.broadcast %get3A_39 : vector<1x1xf32> to vector<1x32000xf32>
    %add3A_41 = arith.addf %dot_general3A_36, %add3A_40 : vector<1x32000xf32>
    %logistic3A = arith.negf %add3A_41 : vector<1x32000xf32>
    %logistic3A_42 = math.exp %logistic3A : vector<1x32000xf32>
    %logistic3A_43 = arith.constant 1.000000e+00 : f32
    %logistic3A_44 = vector.broadcast %logistic3A_43 : f32 to vector<1x32000xf32>
    %logistic3A_45 = arith.addf %logistic3A_44, %logistic3A_42 : vector<1x32000xf32>
    %logistic3A_46 = arith.divf %logistic3A_44, %logistic3A_45 : vector<1x32000xf32>
    %swap3A = arith.constant 0 : index
    %swap3A_47 = arith.constant 0 : index
    %swap3A_48 = vector.load %arg8[%swap3A, %swap3A_47] : memref<1x32000xf32, #tpu.memory_space<vmem>>, vector<1x32000xf32>
    tpu.vector_store %arg8[%swap3A, %swap3A_47], %logistic3A_46 {strides = array<i32>} : memref<1x32000xf32, #tpu.memory_space<vmem>>, vector<1x32000xf32>,
    return
  }
  func.func @transform_0(%arg0: i32) -> (i32, i32, i32) {
    %c0_i32 = arith.constant 0 : i32
    %c0_i32_0 = arith.constant 0 : i32
    %c0_i32_1 = arith.constant 0 : i32
    return %c0_i32, %c0_i32_0, %arg0 : i32, i32, i32
  }
  func.func @transform_1(%arg0: i32) -> (i32, i32) {
    %c0_i32 = arith.constant 0 : i32
    %c0_i32_0 = arith.constant 0 : i32
    %c0_i32_1 = arith.constant 0 : i32
    return %c0_i32, %c0_i32_0 : i32, i32
  }
  func.func @transform_2(%arg0: i32) -> (i32, i32) {
    %c0_i32 = arith.constant 0 : i32
    %c0_i32_0 = arith.constant 0 : i32
    %c0_i32_1 = arith.constant 0 : i32
    return %c0_i32, %c0_i32_0 : i32, i32
  }
  func.func @transform_3(%arg0: i32) -> (i32, i32) {
    %c0_i32 = arith.constant 0 : i32
    %c0_i32_0 = arith.constant 0 : i32
    %c0_i32_1 = arith.constant 0 : i32
    return %c0_i32, %c0_i32_0 : i32, i32
  }
  func.func @transform_4(%arg0: i32) -> (i32, i32) {
    %c0_i32 = arith.constant 0 : i32
    %c0_i32_0 = arith.constant 0 : i32
    %c0_i32_1 = arith.constant 0 : i32
    return %c0_i32, %c0_i32_0 : i32, i32
  }
  func.func @transform_5(%arg0: i32) -> (i32, i32) {
    %c0_i32 = arith.constant 0 : i32
    %c0_i32_0 = arith.constant 0 : i32
    %c0_i32_1 = arith.constant 0 : i32
    return %c0_i32, %c0_i32_0 : i32, i32
  }
  func.func @transform_6(%arg0: i32) -> (i32, i32) {
    %c0_i32 = arith.constant 0 : i32
    %c0_i32_0 = arith.constant 0 : i32
    %c0_i32_1 = arith.constant 0 : i32
    return %c0_i32, %c0_i32_0 : i32, i32
  }
  func.func @transform_7(%arg0: i32) -> (i32, i32) {
    %c0_i32 = arith.constant 0 : i32
    %c0_i32_0 = arith.constant 0 : i32
    return %c0_i32, %arg0 : i32, i32
  }
}

</mosaic_0001>

<sc_bundles>
// kernel: kernel.14.cloned.1.call-start
scs
__scs_entry_jumppad:
0x0: {  	(pc) =	sbr.rel $0x88, $3  }
0x1: {  	(tag) =	ssettag $0x0;
	lr =	simm.s32 $0x1  }
0x2: {  	[smem:$0x3F8D] =	sst lr;
	_ =	strace $0xD0000000  }
0x3: {  	_ = 	snop  }
0x4: {  	_ = 	snop  }
0x5: {  	_ = 	snop  }
0x6: {  	_ = 	snop  }
0x7: {  	_ = 	snop  }
__scs_overlays_trampoline_lowered:
0x8: {  	[smem:$0x3F9C] =	sst s0  }
0x9: {  	[smem:$0x3F9D] =	sst s1  }
0xa: {  	[smem:$0x3F9E] =	sst s2  }
0xb: {  	[smem:$0x3F9F] =	sst s3  }
0xc: {  	[smem:$0x3FA0] =	sst s4  }
0xd: {  	[smem:$0x3FA1] =	sst s5  }
0xe: {  	[smem:$0x3FA2] =	sst s6  }
0xf: {  	[smem:$0x3FA3] =	sst s7  }
0x10: {  	[smem:$0x3FA4] =	sst s8  }
0x11: {  	[smem:$0x3FA5] =	sst s9;
	s0 =	simm.s32 @!p0 $0x0  }
0x12: {  	s1 =	sld [smem:$0x3F8B];
	s0 =	simm.s32 @p0 $0x1  }
0x13: {  	[smem:$0x3FA6] =	sst s0;
	s0 =	simm.s32 @!p1 $0x0  }
0x14: {  	s2 =	sld [smem:$0x3F8A];
	s0 =	simm.s32 @p1 $0x1  }
0x15: {  	[smem:$0x3FA7] =	sst s0;
	s0 =	simm.s32 @!p2 $0x0  }
0x16: {  	s3 =	sld [smem:$0x3FDB];
	s0 =	simm.s32 @p2 $0x1  }
0x17: {  	s4 =	simm.s32 $0x1BF5;
	[smem:$0x3FA9] =	sst s0  }
0x18: {  	s0 =	sld [smem:$0x3F8C];
	_ =	swait.ge [sflag:s4], $0x0  }
0x19: {  	s7 =	sld [smem:$0x3F8D]  }
0x1a: {  	s8 =	sadd.s32 $0xFFFFE003, lr  }
0x1b: {  	s9 =	sadd.s32 $0xFFFFFEF7, lr;
	s5 =	simm.s32 $0xFFFFFFFF;
	p2 =	slt.u32 s8, $0xFFFFF086  }
0x1c: {  	p1 =	slt.u32 s9, $0xF7A;
	s5 =	simm.s32 @!p2 $0x0  }
0x1d: {  	s5 =	simm.s32 @p1 $0x1;
	p0 =	seq.s32 s7, s2  }
0x1e: {  	s7 =	smul.u32 @!p0 $0xF7A, s2;
	p2 =	seq.s32 @!p0 s5, $0x0  }
0x1f: {  	s9 =	smul.u32 $0xF7A, s1;
	s8 =	simm.s32 @!p0 $0x1BF5;
	p2 =	por !p2, p0  }
0x20: {  	[sflag:s8] =	ssyncset.s32 @!p0 $0xFFFFF086;
	s6 =	sadd.s32 @!p0 s3, s7;
	s7 =	simm.s32 @!p0 $0x108  }
0x21: {  	s3 =	sadd.s32 s3, s9;
	s6 =	sadd.s32 @!p0 $0x88, s6;
	s7 =	simm.s32 @p2 $0x1082  }
0x22: {  	[simem:s7], [sflag:s8] =	dma.local @!p0 [hbm:s6], $0xF7A  }
0x23: {  	s9 =	sor.u32 $0xD0000000, s2;
	s6 =	simm.s32 $0x108;
	_ =	swait.ge @!p0 [sflag:s8], $0x0  }
0x24: {  	s3 =	sadd.s32 $0x88, s3;
	s6 =	simm.s32 @!p1 $0x1082;
	[sflag:s4] =	ssyncset.s32 $0xFFFFF086  }
0x25: {  	[simem:s6], [sflag:s4] =	dma.local [hbm:s3], $0xF7A  }
0x26: {  	[smem:$0x3F8D] =	sst s1;
	(tag) =	ssettag s2;
	_ =	strace s9  }
0x27: {  	s1 =	sld [smem:$0x3F9D]  }
0x28: {  	s2 =	sld [smem:$0x3F9E]  }
0x29: {  	s4 =	sld [smem:$0x3FA0]  }
0x2a: {  	p0 =	seq.s32 s5, $0x0;
	s5 =	sld [smem:$0x3FA1]  }
0x2b: {  	s6 =	sld [smem:$0x3FA2]  }
0x2c: {  	s7 =	sld [smem:$0x3FA3]  }
0x2d: {  	s3 =	simm.s32 $0x108;
	s8 =	sld [smem:$0x3FA4]  }
0x2e: {  	s3 =	simm.s32 @!p0 $0x1082;
	s9 =	sld [smem:$0x3FA5]  }
0x2f: {  	lr =	sadd.s32 s0, s3;
	s0 =	sld [smem:$0x3F9C]  }
0x30: {  	s3 =	sld [smem:$0x3F9F]  }
0x31: {  	[smem:$0x3FA8] =	sst s10  }
0x32: {  	s10 =	sld [smem:$0x3FA6];
	_ =	sdelay $0x3  }
0x33: {  	p0 =	seq.s32 s10, $0x1;
	s10 =	sld [smem:$0x3FA8];
	_ =	sdelay $0x3  }
0x34: {  	[smem:$0x3FA8] =	sst s10  }
0x35: {  	s10 =	sld [smem:$0x3FA7];
	_ =	sdelay $0x3  }
0x36: {  	p1 =	seq.s32 s10, $0x1;
	s10 =	sld [smem:$0x3FA8];
	_ =	sdelay $0x3  }
0x37: {  	[smem:$0x3FA8] =	sst s10  }
0x38: {  	s10 =	sld [smem:$0x3FA9]  }
0x39: {  	_ = 	snop;
	(pc) =	sbr.ind lr, $3  }
0x3a: {  	_ = 	snop  }
0x3b: {  	_ = 	snop  }
0x3c: {  	p2 =	seq.s32 s10, $0x1;
	s10 =	sld [smem:$0x3FA8]  }
0x3d: {  	_ =	shalt  }
0x3e: {  	_ =	shalt  }
0x3f: {  	_ =	shalt  }
0x40: {  	_ =	shalt  }
0x41: {  	_ =	shalt  }
0x42: {  	_ =	shalt  }
0x43: {  	_ =	shalt  }
0x44: {  	_ =	shalt  }
0x45: {  	_ =	shalt  }
0x46: {  	_ =	shalt  }
0x47: {  	_ =	shalt  }
0x48: {  	_ =	shalt  }
0x49: {  	_ =	shalt  }
0x4a: {  	_ =	shalt  }
0x4b: {  	_ =	shalt  }
0x4c: {  	_ =	shalt  }
0x4d: {  	_ =	shalt  }
0x4e: {  	_ =	shalt  }
0x4f: {  	_ =	shalt  }
0x50: {  	_ =	shalt  }
0x51: {  	_ =	shalt  }
0x52: {  	_ =	shalt  }
0x53: {  	_ =	shalt  }
0x54: {  	_ =	shalt  }
0x55: {  	_ =	shalt  }
0x56: {  	_ =	shalt  }
0x57: {  	_ =	shalt  }
0x58: {  	_ =	shalt  }
0x59: {  	_ =	shalt  }
0x5a: {  	_ =	shalt  }
0x5b: {  	_ =	shalt  }
0x5c: {  	_ =	shalt  }
0x5d: {  	_ =	shalt  }
0x5e: {  	_ =	shalt  }
0x5f: {  	_ =	shalt  }
0x60: {  	_ =	shalt  }
0x61: {  	_ =	shalt  }
0x62: {  	_ =	shalt  }
0x63: {  	_ =	shalt  }
0x64: {  	_ =	shalt  }
0x65: {  	_ =	shalt  }
0x66: {  	_ =	shalt  }
0x67: {  	_ =	shalt  }
0x68: {  	_ =	shalt  }
0x69: {  	_ =	shalt  }
0x6a: {  	_ =	shalt  }
0x6b: {  	_ =	shalt  }
0x6c: {  	_ =	shalt  }
0x6d: {  	_ =	shalt  }
0x6e: {  	_ =	shalt  }
0x6f: {  	_ =	shalt  }
0x70: {  	_ =	shalt  }
0x71: {  	_ =	shalt  }
0x72: {  	_ =	shalt  }
0x73: {  	_ =	shalt  }
0x74: {  	_ =	shalt  }
0x75: {  	_ =	shalt  }
0x76: {  	_ =	shalt  }
0x77: {  	_ =	shalt  }
0x78: {  	_ =	shalt  }
0x79: {  	_ =	shalt  }
0x7a: {  	_ =	shalt  }
0x7b: {  	_ =	shalt  }
0x7c: {  	_ =	shalt  }
0x7d: {  	_ =	shalt  }
0x7e: {  	_ =	shalt  }
0x7f: {  	_ =	shalt  }
0x80: {  	_ =	shalt  }
0x81: {  	_ =	shalt  }
0x82: {  	_ =	shalt  }
0x83: {  	_ =	shalt  }
0x84: {  	_ =	shalt  }
0x85: {  	_ =	shalt  }
0x86: {  	_ =	shalt  }
0x87: {  	_ =	shalt  }
.Lfunc_end0:
.L_simem_size_0:
called_computation_lowered:
.L_overlay_start_0:
0x88: {  	s2 =	sld [smem:$0x3FD9]  }
0x89: {  	s3 =	sld [smem:$0x3FFE];
	_ =	sdelay $0x1  }
0x8a: {  	s1 =	srdreg.scid  }
0x8b: {  	s0 =	sand.u32 $0x1, s1  }
0x8c: {  	s17 =	sshll.u32 s0, $0xA;
	s2 =	sadd.s32 s3, s2  }
0x8d: {  	s2 =	sadd.s32 s2, s17  }
0x8e: {  	[smem:$0x3FB4] =	sst s2  }
0x8f: {  	_ = 	snop  }
0x90: {  	s2 =	sld [smem:$0x3FD0];
	(tm) =	ssettm $0x1  }
0x91: {  	s18 =	sld [smem:$0x3FFB];
	_ =	sdelay $0x3  }
0x92: {  	_ =	strace s18  }
0x93: {  	s3 =	sld [smem:$0x3FFC];
	_ =	sdelay $0x3  }
0x94: {  	_ =	strace s3  }
0x95: {  	s3 =	sld [smem:$0x3FFD];
	_ =	sdelay $0x3  }
0x96: {  	_ =	strace s3  }
0x97: {  	_ =	strace $0x8FFFFFFF  }
0x98: {  	s19 =	sld [smem:$0x3FDB];
	_ =	sdelay $0x1  }
0x99: {  	s4 =	simm.s32 $_scs_section_size  }
0x9a: {  	s5 =	simm.s32 $_size__tile_overlayer_lowered;
	s6 =	simm.s32 $_tile_overlayer_lowered  }
0x9b: {  	s22 =	simm.s32 $0x1BFF;
	s21 =	sshll.u32 s6, $0x1;
	s3 =	sadd.s32 s4, s19  }
0x9c: {  	s7 =	simm.s32 $0x0;
	s20 =	sshll.u32 s5, $0x1;
	s5 =	sadd.s32 s21, s3  }
0x9d: {  	[timem:s7], [sflag:s22] =	dma.local [hbm:s5], s20  }
0x9e: {  	_ =	swait.ge [sflag:s22], s20  }
0x9f: {  	s4 =	ssub.s32 $0x0, s20;
	[sflag:s22] =	ssyncset.done $0x0  }
0xa0: {  	[sflag:s22] =	ssyncadd.s32 s4;
	_ =	sdelay $0x1  }
0xa1: {  	s23 =	simm.s32 $0x1B8B  }
0xa2: {  	_ =	swait.ge [sflag:s23], $0x1  }
0xa3: {  	[sflag:s23] =	ssyncset.done $0x0  }
0xa4: {  	s25 =	simm.s32 $0x1B8E;
	s24 =	sld [smem:$0x3FFE];
	[sflag:s23] =	ssyncadd.s32 $0xFFFFFFFF  }
0xa5: {  	s26 =	simm.s32 $execute0_lowered;
	[smem:$0x3FD2] =	sst s25  }
0xa6: {  	s5 =	sshll.u32 s26, $0x1;
	_ =	strace $0x80000046;
	[dreg:$0x1] =	wrdreg $0xFFFFFFFF  }
0xa7: {  	s28 =	simm.s32 $_size_execute0_lowered;
	s3 =	sadd.s32 s3, s5;
	[dreg:$0x0] =	wrdreg $0x0  }
0xa8: {  	s5 =	sshll.u32 s28, $0x1;
	[dreg:$0x2] =	wrdreg s3  }
0xa9: {  	[dreg:$0x3] =	wrdreg s5  }
0xaa: {  	[dreg:$0x4] =	wrdreg $0xC0  }
0xab: {  	_ =	task [dreg:s7], $0x5FFFF  }
0xac: {  	[dreg:$0x1] =	wrdreg $0xFFFFFFFF  }
0xad: {  	[dreg:$0x0] =	wrdreg $0x60  }
0xae: {  	[dreg:$0x2] =	wrdreg s2  }
0xaf: {  	[dreg:$0x3] =	wrdreg s24  }
0xb0: {  	[dreg:$0x4] =	wrdreg $0x9  }
0xb1: {  	_ =	task.clear_ibuf [dreg:s7], $0x5FFFF;
	_ =	strace $0x90000046  }
0xb2: {  	s29 =	simm.s32 $0x9;
	_ =	strace $0x80000048  }
0xb3: {  	_ =	swait.ge [sflag:s29], $0x1  }
0xb4: {  	[sflag:s29] =	ssyncadd.s32 $0xFFFFFFFF  }
0xb5: {  	_ =	strace $0x90000048  }
0xb6: {  	_ =	sfence  }
0xb7: {  	s30 =	sld [smem:$0x0];
	_ =	sdelay $0x2  }
0xb8: {  	s31 =	sshll.u32 s1, $0xD;
	s1 =	sshrl.u32 s1, $0x2  }
0xb9: {  	s3 =	sand.u32 $0x4000, s31;
	s1 =	sadd.s32 s1, s30  }
0xba: {  	s0 =	sor.u32 s3, s0;
	s1 =	sshll.u32 s1, $0x11  }
0xbb: {  	s0 =	sor.u32 s1, s0  }
0xbc: {  	s0 =	sadd.s32 $0x8F2B, s0  }
0xbd: {  	[sflag:s0] =	ssyncadd.remote.s32 $0x1  }
0xbe: {  	_ =	sfence.sel $0xFFFF  }
0xbf: {  	[dreg:$0x0] =	wrdreg $0xFFFFFFFF;
	(pc) =	sbr.abs _section_cstart, $3  }
0xc0: {  	[dreg:$0x1] =	wrdreg $0xFFFFFFFF  }
0xc1: {  	_ =	task.clear_ibuf [dreg:s7], $0x2FFFF;
	_ =	strace $0x9FFFFFFF  }
0xc2: {  	(tm) =	ssettm $0x7FFFFFFF  }
0xc3: {  	_ =	shalt  }
tec
execute0_lowered:
.L_overlay_start_1:
0x0: {  	(tag) =	ssettag $0x1  }
0x1: {  	s1 =	stileid.u32  }
0x2: {  	p0 =	seq.s32 s1, $0xF  }
.Ltmp0:
0x3: {  	_ = 	snop;
	(pc) =	sbr.rel @!p0 .LBB2_1-.Ltmp0, $4  }
0x4: {  	s11 =	rddreg [dreg:$0x0]  }
0x5: {  	s4 =	rddreg [dreg:$0x1];
	s2 =	simm.s32 $0x0  }
0x6: {  	[smem:$0x7FF] =	sst s2  }
0x7: {  	s0 =	rddreg [dreg:$0x2];
	_ =	strace $0x80000047  }
.LBB2_14:
0x8: {  	_ =	sfence.sel $0x180000  }
0x9: {  	[bflag:$0x0] =	sbarrier.arrive $0xFFFF  }
0xa: {  	p0 =	sne.s32 s1, $0x0;
	_ =	strace $0x90000047  }
0xb: {  	s0 =	sadd.s32 @!p0 $0x100000, s0;
	[bflag:$0x2] =	sbarrier.arrive $0xFFFF  }
0xc: {  	[sflag:s0] =	ssyncadd.tile.s32 @!p0 $0x1;
	_ =	shalt  }
.LBB2_1:
0xd: {  	s3 =	srdreg.scid  }
0xe: {  	s28 =	sshll.u32 s1, $0x1;
	s8 =	sand.u32 $0x1, s3  }
0xf: {  	s3 =	sor.u32 s8, s28  }
0x10: {  	s5 =	smul.u32 $0x23, s3;
	_ =	sdelay $0x1  }
0x11: {  	s5 =	sshrl.u32 s5, $0x9  }
0x12: {  	s6 =	smul.u32 $0xF, s5;
	_ =	sdelay $0x1  }
0x13: {  	s3 =	ssub.s32 s3, s6  }
0x14: {  	s6 =	sand.u32 $0xFF, s3  }
0x15: {  	s6 =	smul.u32 $0x56, s6  }
0x16: {  	s16 =	simm.s32 $0x1;
	s17 =	simm.s32 $0x1B8A0;
	s18 =	simm.s32 $0x2  }
0x17: {  	s19 =	simm.s32 $0x4;
	s9 =	smul.u32 $0x3, s5;
	s6 =	sshrl.u32 s6, $0x8  }
0x18: {  	s20 =	simm.s32 $0x1D1A0;
	s21 =	simm.s32 $0x3;
	s7 =	smul.u32 $0x3, s6  }
0x19: {  	s22 =	simm.s32 $0x0;
	s14 =	ssub.s32 $0x2, s8;
	s5 =	smul.u32 $0x186A00, s5  }
0x1a: {  	s15 =	sshrl.u32 s14, $0x1;
	s10 =	smul.u32 $0x4E200, s6;
	s3 =	ssub.s32 s3, s7  }
0x1b: {  	s31 =	ssub.s32 s14, s15;
	s14 =	simm.s32 $0x186A0;
	s12 =	sand.u32 $0xFF, s3  }
0x1c: {  	s13 =	sadd.s32 s5, s10;
	s29 =	sadd.s32 s12, s9;
	s12 =	smul.u32 $0x30D4, s12  }
.Ltmp1:
0x1d: {  	s3 =	sadd.s32 $0x7000, s4;
	s5 =	sshrl.u32 s13, $0x3;
	(pc) =	sbr.rel .LBB2_2-.Ltmp1, $4  }
0x1e: {  	s15 =	simm.s32 $0x19FA0;
	s5 =	sadd.s32 s3, s5;
	s30 =	smul.u32 $0x186A00, s29  }
0x1f: {  	s4 =	sadd.s32 $0x68C00, s4;
	s8 =	sadd.s32 $0x3200, s13;
	s6 =	sadd.s32 $0x320, s5  }
0x20: {  	s11 =	sadd.s32 s11, s12;
	s12 =	smax.u32 s31, $0x1;
	s7 =	sadd.s32 s10, s30  }
0x21: {  	s10 =	sadd.s32 $0x4B00, s13;
	s13 =	simm.s32 $0x5;
	s9 =	sadd.s32 $0x1900, s7  }
.LBB2_13:
0x22: {  	s22 =	sadd.s32 $0x1, s22  }
0x23: {  	_ =	swait.ge [sflag:s21], $0x1900;
	p0 =	sne.s32 s22, s12  }
.Ltmp2:
0x24: {  	[sflag:s21] =	ssyncset.done $0x0;
	(pc) =	sbr.rel @!p0 .LBB2_14-.Ltmp2, $4  }
0x25: {  	[sflag:s21] =	ssyncadd.s32 $0xFFFFE700  }
0x26: {  	_ =	swait.ge [sflag:s19], $0x1900  }
0x27: {  	[sflag:s19] =	ssyncset.done $0x0  }
0x28: {  	[sflag:s19] =	ssyncadd.s32 $0xFFFFE700  }
.LBB2_2:
0x29: {  	s23 =	simm.s32 $0x0  }
0x2a: {  	[tilespmem:s23], [sflag:$0x5] =	stream.linear.gather [hbm4b:s11+s23], $0x186A0, $0x38;
	[tilespmem:$0x1EAA0] =	vst v63  }
0x2b: {  	_ =	swait.ge [sflag:s13], $0x186A0  }
0x2c: {  	[sflag:s13] =	ssyncset.done $0x0  }
0x2d: {  	[sflag:s13] =	ssyncadd.s32 $0xFFFE7960  }
0x2e: {  	[tilespmem:s14], [sflag:$0x1] =	stream.linear.gather [hbm4b:s5+s23], $0x1900, $0x38;
	[tilespmem:$0x1EAA0] =	vst v63  }
0x2f: {  	_ = 	snop  }
0x30: {  	[tilespmem:s15], [sflag:$0x2] =	stream.linear.gather [hbm4b:s6+s23], $0x1900, $0x38;
	[tilespmem:$0x1EAA0] =	vst v63  }
.LBB2_3:
0x31: {  	_ =	swait.ge [sflag:s16], $0x1900  }
0x32: {  	p0 =	seq.s32 s23, $0x0;
	[sflag:s16] =	ssyncset.done $0x0  }
0x33: {  	s24 =	simm.s32 @!p0 $0x3;
	[sflag:s16] =	ssyncadd.s32 $0xFFFFE700  }
0x34: {  	_ =	swait.ge @!p0 [sflag:s24], $0x1900  }
0x35: {  	[sflag:s24] =	ssyncset.done @!p0 $0x0  }
0x36: {  	s31 =	simm.s32 $0x186E0;
	[sflag:s24] =	ssyncadd.s32 @!p0 $0xFFFFE700  }
0x37: {  	v0 =	vld [tilespmem:s31+$0x30]  }
0x38: {  	v1 =	vld [tilespmem:s31+$0xFFFFFFD0]  }
0x39: {  	v2 =	vld [tilespmem:s31+$0xFFFFFFE0]  }
0x3a: {  	v3 =	vld [tilespmem:s31+$0xFFFFFFF0]  }
0x3b: {  	v4 =	vld [tilespmem:s31+$0x0]  }
0x3c: {  	v6 =	vld [tilespmem:s31+$0x10]  }
0x3d: {  	v7 =	vld [tilespmem:s31+$0x20]  }
0x3e: {  	v8 =	vld [tilespmem:s31+$0xFFFFFFC0]  }
0x3f: {  	v9 =	vld.idx.msk [tilespmem:v0+s2+$0x0], $0xffff  }
0x40: {  	v10 =	vld.idx.msk [tilespmem:v1+s2+$0x0], $0xffff  }
0x41: {  	v5 =	vld.idx.msk [tilespmem:v2+s2+$0x0], $0xffff  }
0x42: {  	v3 =	vld.idx.msk [tilespmem:v3+s2+$0x0], $0xffff  }
0x43: {  	v1 =	vld.idx.msk [tilespmem:v4+s2+$0x0], $0xffff  }
0x44: {  	s25 =	simm.s32 $0x1B8E0;
	v2 =	vld.idx.msk [tilespmem:v6+s2+$0x0], $0xffff  }
0x45: {  	v0 =	vld.idx.msk [tilespmem:v7+s2+$0x0], $0xffff;
	[tilespmem:s25+$0x30] =	vst v9  }
0x46: {  	s26 =	simm.s32 $0x0;
	s28 =	simm.s32 $0x18760;
	s24 =	smul.u32 $0x3200, s23;
	v4 =	vld.idx.msk [tilespmem:v8+s2+$0x0], $0xffff;
	[tilespmem:s25+$0xFFFFFFD0] =	vst v10  }
.LBB2_4:
0x47: {  	v6 =	vld [tilespmem:s28+$0x30];
	s26 =	sadd.s32 $0x80, s26;
	[tilespmem:s25+$0xFFFFFFE0] =	vst v5  }
0x48: {  	v5 =	vld [tilespmem:s28+$0xFFFFFFD0];
	p1 =	slt.u32 s26, $0x1880;
	[tilespmem:s25+$0xFFFFFFF0] =	vst v3  }
0x49: {  	v3 =	vld [tilespmem:s28+$0xFFFFFFE0];
	[tilespmem:s25+$0x0] =	vst v1  }
0x4a: {  	v1 =	vld [tilespmem:s28+$0xFFFFFFF0];
	[tilespmem:s25+$0x10] =	vst v2  }
0x4b: {  	v2 =	vld [tilespmem:s28+$0x0];
	[tilespmem:s25+$0x20] =	vst v0  }
0x4c: {  	v0 =	vld [tilespmem:s28+$0x10];
	[tilespmem:s25+$0xFFFFFFC0] =	vst v4  }
0x4d: {  	v4 =	vld [tilespmem:s28+$0x20]  }
0x4e: {  	v7 =	vld [tilespmem:s28+$0xFFFFFFC0]  }
0x4f: {  	v6 =	vld.idx.msk [tilespmem:v6+s2+$0x0], $0xffff  }
0x50: {  	v8 =	vld.idx.msk [tilespmem:v5+s2+$0x0], $0xffff  }
0x51: {  	v5 =	vld.idx.msk [tilespmem:v3+s2+$0x0], $0xffff  }
.Ltmp3:
0x52: {  	v3 =	vld.idx.msk [tilespmem:v1+s2+$0x0], $0xffff;
	(pc) =	sbr.rel @p1 .LBB2_4-.Ltmp3, $4  }
0x53: {  	v1 =	vld.idx.msk [tilespmem:v2+s2+$0x0], $0xffff  }
0x54: {  	s25 =	sadd.s32 $0x80, s25;
	v2 =	vld.idx.msk [tilespmem:v0+s2+$0x0], $0xffff  }
0x55: {  	v0 =	vld.idx.msk [tilespmem:v4+s2+$0x0], $0xffff;
	[tilespmem:s25+$0x30] =	vst v6  }
0x56: {  	s28 =	sadd.s32 $0x80, s28;
	v4 =	vld.idx.msk [tilespmem:v7+s2+$0x0], $0xffff;
	[tilespmem:s25+$0xFFFFFFD0] =	vst v8  }
0x57: {  	[tilespmem:s25+$0xFFFFFFE0] =	vst v5  }
0x58: {  	[tilespmem:s25+$0xFFFFFFF0] =	vst v3;
	p1 =	sne.s32 s23, $0x18  }
.Ltmp4:
0x59: {  	[tilespmem:s25+$0x0] =	vst v1;
	(pc) =	sbr.rel @p1 .LBB2_7-.Ltmp4, $4  }
0x5a: {  	s26 =	sadd.s32 s24, s7;
	[tilespmem:s25+$0x10] =	vst v2  }
0x5b: {  	s26 =	sshrl.u32 s26, $0x3;
	[tilespmem:s25+$0x20] =	vst v0  }
0x5c: {  	s31 =	sadd.s32 s4, s26;
	[tilespmem:s25+$0xFFFFFFC0] =	vst v4  }
0x5d: {  	[hbm4b:s31+s2] =	stream.linear.scatter [tilespmem:s17], [sflag:$0x3], $0x1900, $0x38;
	[tilespmem:$0x1EAA0] =	vst v63  }
.Ltmp5:
0x5e: {  	(pc) =	sbr.rel .LBB2_8-.Ltmp5, $4  }
0x5f: {  	_ = 	snop  }
0x60: {  	_ =	swait.ge [sflag:s18], $0x1900  }
0x61: {  	[sflag:s18] =	ssyncset.done $0x0  }
0x62: {  	[sflag:s18] =	ssyncadd.s32 $0xFFFFE700  }
.LBB2_7:
0x63: {  	s25 =	sadd.s32 s24, s8  }
0x64: {  	s25 =	sshrl.u32 s25, $0x3  }
.Ltmp6:
0x65: {  	s25 =	sadd.s32 s3, s25;
	(pc) =	sbr.rel @p0 .LBB2_9-.Ltmp6, $4  }
0x66: {  	[tilespmem:s14], [sflag:$0x1] =	stream.linear.gather [hbm4b:s25+s2], $0x1900, $0x38;
	[tilespmem:$0x1EAA0] =	vst v63  }
0x67: {  	_ =	swait.ge [sflag:s18], $0x1900  }
0x68: {  	[sflag:s18] =	ssyncset.done $0x0  }
0x69: {  	[sflag:s18] =	ssyncadd.s32 $0xFFFFE700  }
.LBB2_8:
0x6a: {  	_ =	swait.ge [sflag:s19], $0x1900  }
0x6b: {  	[sflag:s19] =	ssyncset.done $0x0  }
0x6c: {  	[sflag:s19] =	ssyncadd.s32 $0xFFFFE700  }
.LBB2_9:
0x6d: {  	s25 =	simm.s32 $0x1A010  }
0x6e: {  	v0 =	vld [tilespmem:s25+$0x0]  }
0x6f: {  	v1 =	vld [tilespmem:s25+$0xFFFFFFA0]  }
0x70: {  	v2 =	vld [tilespmem:s25+$0xFFFFFFB0]  }
0x71: {  	v3 =	vld [tilespmem:s25+$0xFFFFFFC0]  }
0x72: {  	v6 =	vld [tilespmem:s25+$0xFFFFFFD0]  }
0x73: {  	v7 =	vld [tilespmem:s25+$0xFFFFFFE0]  }
0x74: {  	v8 =	vld [tilespmem:s25+$0xFFFFFFF0]  }
0x75: {  	v9 =	vld [tilespmem:s25+$0xFFFFFF90]  }
0x76: {  	v10 =	vld.idx.msk [tilespmem:v0+s2+$0x0], $0xffff  }
0x77: {  	v11 =	vld.idx.msk [tilespmem:v1+s2+$0x0], $0xffff  }
0x78: {  	v5 =	vld.idx.msk [tilespmem:v2+s2+$0x0], $0xffff  }
0x79: {  	v4 =	vld.idx.msk [tilespmem:v3+s2+$0x0], $0xffff  }
0x7a: {  	v1 =	vld.idx.msk [tilespmem:v6+s2+$0x0], $0xffff  }
0x7b: {  	s25 =	simm.s32 $0x1D210;
	v2 =	vld.idx.msk [tilespmem:v7+s2+$0x0], $0xffff  }
0x7c: {  	v0 =	vld.idx.msk [tilespmem:v8+s2+$0x0], $0xffff;
	[tilespmem:s25+$0x0] =	vst v10  }
0x7d: {  	s26 =	simm.s32 $0x0;
	s28 =	simm.s32 $0x1A090;
	v3 =	vld.idx.msk [tilespmem:v9+s2+$0x0], $0xffff;
	[tilespmem:s25+$0xFFFFFFA0] =	vst v11  }
.LBB2_10:
0x7e: {  	v6 =	vld [tilespmem:s28+$0x0];
	s26 =	sadd.s32 $0x80, s26;
	[tilespmem:s25+$0xFFFFFFB0] =	vst v5  }
0x7f: {  	v5 =	vld [tilespmem:s28+$0xFFFFFFA0];
	p0 =	slt.u32 s26, $0x1880;
	[tilespmem:s25+$0xFFFFFFC0] =	vst v4  }
0x80: {  	v4 =	vld [tilespmem:s28+$0xFFFFFFB0];
	[tilespmem:s25+$0xFFFFFFD0] =	vst v1  }
0x81: {  	v1 =	vld [tilespmem:s28+$0xFFFFFFC0];
	[tilespmem:s25+$0xFFFFFFE0] =	vst v2  }
0x82: {  	v2 =	vld [tilespmem:s28+$0xFFFFFFD0];
	[tilespmem:s25+$0xFFFFFFF0] =	vst v0  }
0x83: {  	v0 =	vld [tilespmem:s28+$0xFFFFFFE0];
	[tilespmem:s25+$0xFFFFFF90] =	vst v3  }
0x84: {  	v3 =	vld [tilespmem:s28+$0xFFFFFFF0]  }
0x85: {  	v7 =	vld [tilespmem:s28+$0xFFFFFF90]  }
0x86: {  	v6 =	vld.idx.msk [tilespmem:v6+s2+$0x0], $0xffff  }
0x87: {  	v8 =	vld.idx.msk [tilespmem:v5+s2+$0x0], $0xffff  }
0x88: {  	v5 =	vld.idx.msk [tilespmem:v4+s2+$0x0], $0xffff  }
.Ltmp7:
0x89: {  	v4 =	vld.idx.msk [tilespmem:v1+s2+$0x0], $0xffff;
	(pc) =	sbr.rel @p0 .LBB2_10-.Ltmp7, $4  }
0x8a: {  	v1 =	vld.idx.msk [tilespmem:v2+s2+$0x0], $0xffff  }
0x8b: {  	s25 =	sadd.s32 $0x80, s25;
	v2 =	vld.idx.msk [tilespmem:v0+s2+$0x0], $0xffff  }
0x8c: {  	v0 =	vld.idx.msk [tilespmem:v3+s2+$0x0], $0xffff;
	[tilespmem:s25+$0x0] =	vst v6  }
0x8d: {  	s28 =	sadd.s32 $0x80, s28;
	v3 =	vld.idx.msk [tilespmem:v7+s2+$0x0], $0xffff;
	[tilespmem:s25+$0xFFFFFFA0] =	vst v8  }
0x8e: {  	[tilespmem:s25+$0xFFFFFFB0] =	vst v5  }
0x8f: {  	[tilespmem:s25+$0xFFFFFFC0] =	vst v4;
	p0 =	seq.s32 s23, $0x18  }
.Ltmp8:
0x90: {  	[tilespmem:s25+$0xFFFFFFD0] =	vst v1;
	(pc) =	sbr.rel @p0 .LBB2_13-.Ltmp8, $4  }
0x91: {  	s26 =	sadd.s32 s24, s9;
	[tilespmem:s25+$0xFFFFFFE0] =	vst v2  }
0x92: {  	s26 =	sshrl.u32 s26, $0x3;
	[tilespmem:s25+$0xFFFFFFF0] =	vst v0  }
0x93: {  	s31 =	sadd.s32 s4, s26;
	[tilespmem:s25+$0xFFFFFF90] =	vst v3  }
0x94: {  	[hbm4b:s31+s2] =	stream.linear.scatter [tilespmem:s20], [sflag:$0x4], $0x1900, $0x38;
	[tilespmem:$0x1EAA0] =	vst v63  }
.Ltmp9:
0x95: {  	(pc) =	sbr.rel .LBB2_3-.Ltmp9, $4  }
0x96: {  	s24 =	sadd.s32 s24, s10  }
0x97: {  	s24 =	sshrl.u32 s24, $0x3  }
0x98: {  	s23 =	sadd.s32 $0x1, s23;
	s24 =	sadd.s32 s3, s24  }
0x99: {  	[tilespmem:s15], [sflag:$0x2] =	stream.linear.gather [hbm4b:s24+s2], $0x1900, $0x38;
	[tilespmem:$0x1EAA0] =	vst v63  }
.Lfunc_end2:
_tile_overlayer_lowered:
.L_overlay_start_2:
0x9a: {  	(tag) =	ssettag $0x2  }
0x9b: {  	s0 =	rddreg [dreg:$0x0];
	s2 =	stileid.u32  }
0x9c: {  	s1 =	rddreg [dreg:$0x1];
	p0 =	sne.s32 s2, $0x0  }
0x9d: {  	s3 =	rddreg [dreg:$0x2];
	[bflag:$0x3] =	sbarrier.arrive $0xFFFF;
	s2 =	simm.s32 @!p0 $0x1C05  }
0x9e: {  	[timem:s3], [sflag:s2] =	dma.local @!p0 [hbm:s0], s1  }
0x9f: {  	s0 =	simm.s32 @!p0 $0x5  }
0xa0: {  	_ =	swait.ge @!p0 [sflag:s0], s1  }
0xa1: {  	s1 =	ssub.s32 @!p0 $0x0, s1;
	[sflag:s0] =	ssyncset.done @!p0 $0x0  }
0xa2: {  	[sflag:s0] =	ssyncadd.s32 @!p0 s1  }
0xa3: {  	[bflag:$0x3] =	sbarrier.arrive $0xFFFF  }
0xa4: {  	_ =	shalt  }

// kernel: kernel.17.cloned.1.call-start
scs
__scs_entry_jumppad:
0x0: {  	(pc) =	sbr.rel $0x88, $3  }
0x1: {  	(tag) =	ssettag $0x0;
	lr =	simm.s32 $0x1  }
0x2: {  	[smem:$0x3F8D] =	sst lr;
	_ =	strace $0xD0000000  }
0x3: {  	_ = 	snop  }
0x4: {  	_ = 	snop  }
0x5: {  	_ = 	snop  }
0x6: {  	_ = 	snop  }
0x7: {  	_ = 	snop  }
__scs_overlays_trampoline_lowered:
0x8: {  	[smem:$0x3F9C] =	sst s0  }
0x9: {  	[smem:$0x3F9D] =	sst s1  }
0xa: {  	[smem:$0x3F9E] =	sst s2  }
0xb: {  	[smem:$0x3F9F] =	sst s3  }
0xc: {  	[smem:$0x3FA0] =	sst s4  }
0xd: {  	[smem:$0x3FA1] =	sst s5  }
0xe: {  	[smem:$0x3FA2] =	sst s6  }
0xf: {  	[smem:$0x3FA3] =	sst s7  }
0x10: {  	[smem:$0x3FA4] =	sst s8  }
0x11: {  	[smem:$0x3FA5] =	sst s9;
	s0 =	simm.s32 @!p0 $0x0  }
0x12: {  	s1 =	sld [smem:$0x3F8B];
	s0 =	simm.s32 @p0 $0x1  }
0x13: {  	[smem:$0x3FA6] =	sst s0;
	s0 =	simm.s32 @!p1 $0x0  }
0x14: {  	s2 =	sld [smem:$0x3F8A];
	s0 =	simm.s32 @p1 $0x1  }
0x15: {  	[smem:$0x3FA7] =	sst s0;
	s0 =	simm.s32 @!p2 $0x0  }
0x16: {  	s3 =	sld [smem:$0x3FDB];
	s0 =	simm.s32 @p2 $0x1  }
0x17: {  	s4 =	simm.s32 $0x1BF5;
	[smem:$0x3FA9] =	sst s0  }
0x18: {  	s0 =	sld [smem:$0x3F8C];
	_ =	swait.ge [sflag:s4], $0x0  }
0x19: {  	s7 =	sld [smem:$0x3F8D]  }
0x1a: {  	s8 =	sadd.s32 $0xFFFFE003, lr  }
0x1b: {  	s9 =	sadd.s32 $0xFFFFFEF7, lr;
	s5 =	simm.s32 $0xFFFFFFFF;
	p2 =	slt.u32 s8, $0xFFFFF086  }
0x1c: {  	p1 =	slt.u32 s9, $0xF7A;
	s5 =	simm.s32 @!p2 $0x0  }
0x1d: {  	s5 =	simm.s32 @p1 $0x1;
	p0 =	seq.s32 s7, s2  }
0x1e: {  	s7 =	smul.u32 @!p0 $0xF7A, s2;
	p2 =	seq.s32 @!p0 s5, $0x0  }
0x1f: {  	s9 =	smul.u32 $0xF7A, s1;
	s8 =	simm.s32 @!p0 $0x1BF5;
	p2 =	por !p2, p0  }
0x20: {  	[sflag:s8] =	ssyncset.s32 @!p0 $0xFFFFF086;
	s6 =	sadd.s32 @!p0 s3, s7;
	s7 =	simm.s32 @!p0 $0x108  }
0x21: {  	s3 =	sadd.s32 s3, s9;
	s6 =	sadd.s32 @!p0 $0x88, s6;
	s7 =	simm.s32 @p2 $0x1082  }
0x22: {  	[simem:s7], [sflag:s8] =	dma.local @!p0 [hbm:s6], $0xF7A  }
0x23: {  	s9 =	sor.u32 $0xD0000000, s2;
	s6 =	simm.s32 $0x108;
	_ =	swait.ge @!p0 [sflag:s8], $0x0  }
0x24: {  	s3 =	sadd.s32 $0x88, s3;
	s6 =	simm.s32 @!p1 $0x1082;
	[sflag:s4] =	ssyncset.s32 $0xFFFFF086  }
0x25: {  	[simem:s6], [sflag:s4] =	dma.local [hbm:s3], $0xF7A  }
0x26: {  	[smem:$0x3F8D] =	sst s1;
	(tag) =	ssettag s2;
	_ =	strace s9  }
0x27: {  	s1 =	sld [smem:$0x3F9D]  }
0x28: {  	s2 =	sld [smem:$0x3F9E]  }
0x29: {  	s4 =	sld [smem:$0x3FA0]  }
0x2a: {  	p0 =	seq.s32 s5, $0x0;
	s5 =	sld [smem:$0x3FA1]  }
0x2b: {  	s6 =	sld [smem:$0x3FA2]  }
0x2c: {  	s7 =	sld [smem:$0x3FA3]  }
0x2d: {  	s3 =	simm.s32 $0x108;
	s8 =	sld [smem:$0x3FA4]  }
0x2e: {  	s3 =	simm.s32 @!p0 $0x1082;
	s9 =	sld [smem:$0x3FA5]  }
0x2f: {  	lr =	sadd.s32 s0, s3;
	s0 =	sld [smem:$0x3F9C]  }
0x30: {  	s3 =	sld [smem:$0x3F9F]  }
0x31: {  	[smem:$0x3FA8] =	sst s10  }
0x32: {  	s10 =	sld [smem:$0x3FA6];
	_ =	sdelay $0x3  }
0x33: {  	p0 =	seq.s32 s10, $0x1;
	s10 =	sld [smem:$0x3FA8];
	_ =	sdelay $0x3  }
0x34: {  	[smem:$0x3FA8] =	sst s10  }
0x35: {  	s10 =	sld [smem:$0x3FA7];
	_ =	sdelay $0x3  }
0x36: {  	p1 =	seq.s32 s10, $0x1;
	s10 =	sld [smem:$0x3FA8];
	_ =	sdelay $0x3  }
0x37: {  	[smem:$0x3FA8] =	sst s10  }
0x38: {  	s10 =	sld [smem:$0x3FA9]  }
0x39: {  	_ = 	snop;
	(pc) =	sbr.ind lr, $3  }
0x3a: {  	_ = 	snop  }
0x3b: {  	_ = 	snop  }
0x3c: {  	p2 =	seq.s32 s10, $0x1;
	s10 =	sld [smem:$0x3FA8]  }
0x3d: {  	_ =	shalt  }
0x3e: {  	_ =	shalt  }
0x3f: {  	_ =	shalt  }
0x40: {  	_ =	shalt  }
0x41: {  	_ =	shalt  }
0x42: {  	_ =	shalt  }
0x43: {  	_ =	shalt  }
0x44: {  	_ =	shalt  }
0x45: {  	_ =	shalt  }
0x46: {  	_ =	shalt  }
0x47: {  	_ =	shalt  }
0x48: {  	_ =	shalt  }
0x49: {  	_ =	shalt  }
0x4a: {  	_ =	shalt  }
0x4b: {  	_ =	shalt  }
0x4c: {  	_ =	shalt  }
0x4d: {  	_ =	shalt  }
0x4e: {  	_ =	shalt  }
0x4f: {  	_ =	shalt  }
0x50: {  	_ =	shalt  }
0x51: {  	_ =	shalt  }
0x52: {  	_ =	shalt  }
0x53: {  	_ =	shalt  }
0x54: {  	_ =	shalt  }
0x55: {  	_ =	shalt  }
0x56: {  	_ =	shalt  }
0x57: {  	_ =	shalt  }
0x58: {  	_ =	shalt  }
0x59: {  	_ =	shalt  }
0x5a: {  	_ =	shalt  }
0x5b: {  	_ =	shalt  }
0x5c: {  	_ =	shalt  }
0x5d: {  	_ =	shalt  }
0x5e: {  	_ =	shalt  }
0x5f: {  	_ =	shalt  }
0x60: {  	_ =	shalt  }
0x61: {  	_ =	shalt  }
0x62: {  	_ =	shalt  }
0x63: {  	_ =	shalt  }
0x64: {  	_ =	shalt  }
0x65: {  	_ =	shalt  }
0x66: {  	_ =	shalt  }
0x67: {  	_ =	shalt  }
0x68: {  	_ =	shalt  }
0x69: {  	_ =	shalt  }
0x6a: {  	_ =	shalt  }
0x6b: {  	_ =	shalt  }
0x6c: {  	_ =	shalt  }
0x6d: {  	_ =	shalt  }
0x6e: {  	_ =	shalt  }
0x6f: {  	_ =	shalt  }
0x70: {  	_ =	shalt  }
0x71: {  	_ =	shalt  }
0x72: {  	_ =	shalt  }
0x73: {  	_ =	shalt  }
0x74: {  	_ =	shalt  }
0x75: {  	_ =	shalt  }
0x76: {  	_ =	shalt  }
0x77: {  	_ =	shalt  }
0x78: {  	_ =	shalt  }
0x79: {  	_ =	shalt  }
0x7a: {  	_ =	shalt  }
0x7b: {  	_ =	shalt  }
0x7c: {  	_ =	shalt  }
0x7d: {  	_ =	shalt  }
0x7e: {  	_ =	shalt  }
0x7f: {  	_ =	shalt  }
0x80: {  	_ =	shalt  }
0x81: {  	_ =	shalt  }
0x82: {  	_ =	shalt  }
0x83: {  	_ =	shalt  }
0x84: {  	_ =	shalt  }
0x85: {  	_ =	shalt  }
0x86: {  	_ =	shalt  }
0x87: {  	_ =	shalt  }
.Lfunc_end0:
.L_simem_size_0:
called_computation.1_lowered:
.L_overlay_start_0:
0x88: {  	s2 =	sld [smem:$0x3FD9]  }
0x89: {  	s3 =	sld [smem:$0x3FFE];
	_ =	sdelay $0x1  }
0x8a: {  	s1 =	srdreg.scid  }
0x8b: {  	s0 =	sand.u32 $0x1, s1  }
0x8c: {  	s17 =	sshll.u32 s0, $0xA;
	s2 =	sadd.s32 s3, s2  }
0x8d: {  	s2 =	sadd.s32 s2, s17  }
0x8e: {  	[smem:$0x3FB4] =	sst s2  }
0x8f: {  	_ = 	snop  }
0x90: {  	s2 =	sld [smem:$0x3FD0];
	(tm) =	ssettm $0x1  }
0x91: {  	s18 =	sld [smem:$0x3FFB];
	_ =	sdelay $0x3  }
0x92: {  	_ =	strace s18  }
0x93: {  	s3 =	sld [smem:$0x3FFC];
	_ =	sdelay $0x3  }
0x94: {  	_ =	strace s3  }
0x95: {  	s3 =	sld [smem:$0x3FFD];
	_ =	sdelay $0x3  }
0x96: {  	_ =	strace s3  }
0x97: {  	_ =	strace $0x8FFFFFFF  }
0x98: {  	s19 =	sld [smem:$0x3FDB];
	_ =	sdelay $0x1  }
0x99: {  	s4 =	simm.s32 $_scs_section_size  }
0x9a: {  	s5 =	simm.s32 $_size__tile_overlayer_lowered;
	s6 =	simm.s32 $_tile_overlayer_lowered  }
0x9b: {  	s22 =	simm.s32 $0x1BFF;
	s21 =	sshll.u32 s6, $0x1;
	s3 =	sadd.s32 s4, s19  }
0x9c: {  	s7 =	simm.s32 $0x0;
	s20 =	sshll.u32 s5, $0x1;
	s5 =	sadd.s32 s21, s3  }
0x9d: {  	[timem:s7], [sflag:s22] =	dma.local [hbm:s5], s20  }
0x9e: {  	_ =	swait.ge [sflag:s22], s20  }
0x9f: {  	s4 =	ssub.s32 $0x0, s20;
	[sflag:s22] =	ssyncset.done $0x0  }
0xa0: {  	[sflag:s22] =	ssyncadd.s32 s4;
	_ =	sdelay $0x1  }
0xa1: {  	s23 =	simm.s32 $0x1B8B  }
0xa2: {  	_ =	swait.ge [sflag:s23], $0x1  }
0xa3: {  	[sflag:s23] =	ssyncset.done $0x0  }
0xa4: {  	s25 =	simm.s32 $0x1B8E;
	s24 =	sld [smem:$0x3FFE];
	[sflag:s23] =	ssyncadd.s32 $0xFFFFFFFF  }
0xa5: {  	s26 =	simm.s32 $execute0_lowered;
	[smem:$0x3FD2] =	sst s25  }
0xa6: {  	s5 =	sshll.u32 s26, $0x1;
	_ =	strace $0x80000049;
	[dreg:$0x1] =	wrdreg $0xFFFFFFFF  }
0xa7: {  	s28 =	simm.s32 $_size_execute0_lowered;
	s3 =	sadd.s32 s3, s5;
	[dreg:$0x0] =	wrdreg $0x0  }
0xa8: {  	s5 =	sshll.u32 s28, $0x1;
	[dreg:$0x2] =	wrdreg s3  }
0xa9: {  	[dreg:$0x3] =	wrdreg s5  }
0xaa: {  	[dreg:$0x4] =	wrdreg $0xC0  }
0xab: {  	_ =	task [dreg:s7], $0x5FFFF  }
0xac: {  	[dreg:$0x1] =	wrdreg $0xFFFFFFFF  }
0xad: {  	[dreg:$0x0] =	wrdreg $0x60  }
0xae: {  	[dreg:$0x2] =	wrdreg s24  }
0xaf: {  	[dreg:$0x3] =	wrdreg s2  }
0xb0: {  	[dreg:$0x4] =	wrdreg $0x0  }
0xb1: {  	[dreg:$0x5] =	wrdreg $0x18800  }
0xb2: {  	[dreg:$0x6] =	wrdreg $0x31000  }
0xb3: {  	[dreg:$0x7] =	wrdreg $0x9  }
0xb4: {  	_ =	task.clear_ibuf [dreg:s7], $0x8FFFF;
	_ =	strace $0x90000049  }
0xb5: {  	s29 =	simm.s32 $0x9;
	_ =	strace $0x8000004B  }
0xb6: {  	_ =	swait.ge [sflag:s29], $0x1  }
0xb7: {  	[sflag:s29] =	ssyncadd.s32 $0xFFFFFFFF  }
0xb8: {  	_ =	strace $0x9000004B  }
0xb9: {  	_ =	sfence  }
0xba: {  	s30 =	sld [smem:$0x0];
	_ =	sdelay $0x2  }
0xbb: {  	s31 =	sshll.u32 s1, $0xD;
	s1 =	sshrl.u32 s1, $0x2  }
0xbc: {  	s3 =	sand.u32 $0x4000, s31;
	s1 =	sadd.s32 s1, s30  }
0xbd: {  	s0 =	sor.u32 s3, s0;
	s1 =	sshll.u32 s1, $0x11  }
0xbe: {  	s0 =	sor.u32 s1, s0  }
0xbf: {  	s0 =	sadd.s32 $0x8F2B, s0  }
0xc0: {  	[sflag:s0] =	ssyncadd.remote.s32 $0x1  }
0xc1: {  	_ =	sfence.sel $0xFFFF  }
0xc2: {  	[dreg:$0x0] =	wrdreg $0xFFFFFFFF;
	(pc) =	sbr.abs _section_cstart, $3  }
0xc3: {  	[dreg:$0x1] =	wrdreg $0xFFFFFFFF  }
0xc4: {  	_ =	task.clear_ibuf [dreg:s7], $0x2FFFF;
	_ =	strace $0x9FFFFFFF  }
0xc5: {  	(tm) =	ssettm $0x7FFFFFFF  }
tec
execute0_lowered:
.L_overlay_start_1:
0x0: {  	(tag) =	ssettag $0x1  }
0x1: {  	s0 =	rddreg [dreg:$0x0]  }
0x2: {  	s4 =	rddreg [dreg:$0x1]  }
0x3: {  	s1 =	rddreg [dreg:$0x2]  }
0x4: {  	s2 =	rddreg [dreg:$0x3]  }
0x5: {  	s3 =	rddreg [dreg:$0x4];
	s5 =	simm.s32 $0x0;
	s15 =	stileid.u32  }
0x6: {  	s11 =	srdreg.scid;
	s31 =	simm.s32 $0x4;
	[smem:$0x7FF] =	sst s5  }
0x7: {  	s6 =	sadd.s32 $0x68C00, s0;
	s7 =	sadd.s32 $0x99C00, s0;
	s10 =	smul.u32 $0x1880, s15  }
0x8: {  	s8 =	sadd.s32 $0xCAC00, s0;
	s9 =	sadd.s32 $0x18DC00, s0;
	s11 =	sand.u32 $0x1, s11  }
0x9: {  	s14 =	sshll.u32 s15, $0x1;
	s19 =	sshll.u32 s15, $0x6;
	s15 =	smul.u32 $0x18800, s15  }
0xa: {  	_ =	strace $0x8000004A;
	s13 =	ssub.s32 $0x2, s11;
	s22 =	smul.u32 $0x49800, s11  }
0xb: {  	s14 =	sor.u32 s11, s14;
	s11 =	smul.u32 $0xC400, s11;
	s12 =	sshrl.u32 s10, $0x3  }
0xc: {  	s18 =	sshrl.u32 s13, $0x1;
	s14 =	smul.u32 $0xC400, s14;
	s16 =	sadd.s32 s10, s1  }
0xd: {  	s20 =	sadd.s32 s10, s2;
	s23 =	sadd.s32 s10, s3;
	[dreg:$0x6] =	wrdreg s16  }
0xe: {  	s0 =	sadd.s32 s12, s0;
	s13 =	ssub.s32 s13, s18;
	[dreg:$0x9] =	wrdreg s20  }
0xf: {  	s12 =	sor.u32 $0x1C06, s19;
	[dreg:$0xa] =	wrdreg s23;
	s10 =	sadd.s32 s10, s22  }
0x10: {  	s11 =	sadd.s32 s11, s15;
	s15 =	simm.s32 $0xAB80;
	s16 =	simm.s32 $0x6200  }
0x11: {  	s0 =	sadd.s32 $0xFBC00, s0;
	s21 =	sshrl.u32 s14, $0x3;
	s10 =	sshrl.u32 s10, $0x3  }
0x12: {  	s19 =	sadd.s32 $0x4980, s11;
	s22 =	smax.u32 s13, $0x1;
	[dreg:$0x8] =	wrdreg s12  }
0x13: {  	s23 =	sadd.s32 $0x3100, s11;
	s11 =	simm.s32 $0x6;
	[dreg:$0x7] =	wrdreg s0  }
0x14: {  	s14 =	simm.s32 $0x9300;
	s24 =	sadd.s32 s9, s21;
	[dreg:$0x14] =	wrdreg s22  }
0x15: {  	s25 =	sadd.s32 s6, s21;
	s26 =	sadd.s32 s7, s21;
	[dreg:$0x15] =	wrdreg s23  }
0x16: {  	s30 =	sadd.s32 s8, s21;
	s0 =	sadd.s32 $0x310, s21;
	[dreg:$0xb] =	wrdreg s24  }
0x17: {  	s10 =	sadd.s32 s4, s10;
	s21 =	sshrl.u32 s19, $0x3;
	[dreg:$0xc] =	wrdreg s25  }
0x18: {  	s19 =	simm.s32 $0xF500;
	s22 =	simm.s32 $0x3;
	[dreg:$0xd] =	wrdreg s26  }
0x19: {  	s23 =	simm.s32 $0x1880;
	s4 =	simm.s32 $0x0;
	[dreg:$0xe] =	wrdreg s30  }
0x1a: {  	s17 =	sadd.s32 s9, s0;
	s18 =	sadd.s32 s6, s0;
	[dreg:$0x11] =	wrdreg s10  }
0x1b: {  	s20 =	sadd.s32 s7, s0;
	s0 =	sadd.s32 s8, s0;
	[dreg:$0xf] =	wrdreg s17  }
0x1c: {  	s25 =	sadd.s32 s21, s8;
	s26 =	sadd.s32 s21, s7;
	[dreg:$0x10] =	wrdreg s18  }
.Ltmp0:
0x1d: {  	s28 =	sadd.s32 s21, s6;
	[dreg:$0x12] =	wrdreg s20;
	(pc) =	sbr.rel .LBB2_1-.Ltmp0, $4  }
0x1e: {  	s29 =	sadd.s32 s21, s9;
	s24 =	sadd.s32 $0x3100, s10;
	[dreg:$0x13] =	wrdreg s0  }
0x1f: {  	s30 =	sadd.s32 $0x6200, s10;
	s10 =	simm.s32 $0x4980;
	[dreg:$0x16] =	wrdreg s24  }
0x20: {  	s21 =	simm.s32 $0x2;
	[dreg:$0x17] =	wrdreg s30;
	s17 =	simm.s32 $0xC400  }
0x21: {  	s18 =	simm.s32 $0xDC80;
	s20 =	simm.s32 $0x1;
	s24 =	simm.s32 $0x5  }
.LBB2_4:
0x22: {  	[bflag:$0x0] =	sbarrier.arrive $0xFFFF  }
0x23: {  	s12 =	rddreg [dreg:$0x8]  }
0x24: {  	s0 =	rddreg [dreg:$0x11]  }
0x25: {  	s11 =	simm.s32 $0x6;
	s4 =	rddreg [dreg:$0x19]  }
0x26: {  	[hbm:s0], [sflag:s12] =	dma.local [spmem:s4], $0x310  }
0x27: {  	_ =	swait.ge [sflag:s11], $0x310  }
0x28: {  	[sflag:s11] =	ssyncset.done $0x0;
	s13 =	rddreg [dreg:$0x16]  }
0x29: {  	s30 =	rddreg [dreg:$0x1a];
	[sflag:s11] =	ssyncadd.s32 $0xFFFFFCF0  }
0x2a: {  	[hbm:s13], [sflag:s12] =	dma.local [spmem:s30], $0x310  }
0x2b: {  	_ =	swait.ge [sflag:s11], $0x310  }
0x2c: {  	[sflag:s11] =	ssyncset.done $0x0;
	s13 =	rddreg [dreg:$0x17]  }
0x2d: {  	s30 =	rddreg [dreg:$0x1b];
	[sflag:s11] =	ssyncadd.s32 $0xFFFFFCF0  }
0x2e: {  	[hbm:s13], [sflag:s12] =	dma.local [spmem:s30], $0x310  }
0x2f: {  	_ =	swait.ge [sflag:s11], $0x310  }
0x30: {  	s13 =	rddreg [dreg:$0x18]  }
0x31: {  	s30 =	rddreg [dreg:$0x14];
	s4 =	sadd.s32 $0x1, s13  }
0x32: {  	p0 =	sne.s32 s4, s30  }
.Ltmp1:
0x33: {  	_ = 	snop;
	(pc) =	sbr.rel @!p0 .LBB2_5-.Ltmp1, $3  }
0x34: {  	_ =	sdelay $0x1  }
0x35: {  	[sflag:s11] =	ssyncset.done $0x0  }
0x36: {  	[sflag:s11] =	ssyncadd.s32 $0xFFFFFCF0  }
.LBB2_1:
0x37: {  	[dreg:$0x18] =	wrdreg s4  }
0x38: {  	s0 =	rddreg [dreg:$0x6]  }
0x39: {  	s30 =	sshrl.u32 s0, $0x3;
	s0 =	rddreg [dreg:$0x7]  }
0x3a: {  	[dreg:$0x19] =	wrdreg s30  }
0x3b: {  	[spmem:s30], [sflag:s12] =	dma.local [hbm:s0], $0x310  }
0x3c: {  	_ =	swait.ge [sflag:s11], $0x310  }
0x3d: {  	s13 =	rddreg [dreg:$0x9]  }
0x3e: {  	[sflag:s11] =	ssyncset.done $0x0;
	s4 =	sshrl.u32 s13, $0x3  }
0x3f: {  	[sflag:s11] =	ssyncadd.s32 $0xFFFFFCF0;
	[dreg:$0x1a] =	wrdreg s4  }
0x40: {  	[spmem:s4], [sflag:s12] =	dma.local [hbm:s0], $0x310  }
0x41: {  	_ =	swait.ge [sflag:s11], $0x310  }
0x42: {  	s30 =	rddreg [dreg:$0xa]  }
0x43: {  	[sflag:s11] =	ssyncset.done $0x0;
	s4 =	sshrl.u32 s30, $0x3  }
0x44: {  	[sflag:s11] =	ssyncadd.s32 $0xFFFFFCF0;
	[dreg:$0x1b] =	wrdreg s4  }
0x45: {  	[spmem:s4], [sflag:s12] =	dma.local [hbm:s0], $0x310  }
0x46: {  	_ =	swait.ge [sflag:s11], $0x310  }
0x47: {  	[sflag:s11] =	ssyncset.done $0x0  }
0x48: {  	[sflag:s11] =	ssyncadd.s32 $0xFFFFFCF0  }
0x49: {  	[bflag:$0x0] =	sbarrier.arrive $0xFFFF  }
0x4a: {  	s11 =	rddreg [dreg:$0xb]  }
0x4b: {  	s12 =	rddreg [dreg:$0xc]  }
0x4c: {  	[tilespmem:s10], [sflag:$0x1] =	stream.linear.gather [hbm4b:s11+s5], $0x1880, $0x38;
	[tilespmem:$0x10D80] =	vst v63  }
0x4d: {  	s13 =	simm.s32 $0x7A80;
	s30 =	rddreg [dreg:$0xd]  }
0x4e: {  	[tilespmem:s13], [sflag:$0x3] =	stream.linear.gather [hbm4b:s12+s5], $0x1880, $0x38;
	[tilespmem:$0x10D80] =	vst v63  }
0x4f: {  	s4 =	rddreg [dreg:$0xe]  }
0x50: {  	[tilespmem:s14], [sflag:$0x3] =	stream.linear.gather [hbm4b:s30+s5], $0x1880, $0x38;
	[tilespmem:$0x10D80] =	vst v63  }
0x51: {  	s11 =	rddreg [dreg:$0xf]  }
0x52: {  	[tilespmem:s15], [sflag:$0x3] =	stream.linear.gather [hbm4b:s4+s5], $0x1880, $0x38;
	[tilespmem:$0x10D80] =	vst v63  }
0x53: {  	s12 =	rddreg [dreg:$0x10]  }
0x54: {  	[tilespmem:s16], [sflag:$0x2] =	stream.linear.gather [hbm4b:s11+s5], $0x1880, $0x38;
	[tilespmem:$0x10D80] =	vst v63  }
0x55: {  	s13 =	rddreg [dreg:$0x12]  }
0x56: {  	[tilespmem:s17], [sflag:$0x4] =	stream.linear.gather [hbm4b:s12+s5], $0x1880, $0x38;
	[tilespmem:$0x10D80] =	vst v63  }
0x57: {  	s30 =	rddreg [dreg:$0x13]  }
0x58: {  	[tilespmem:s18], [sflag:$0x4] =	stream.linear.gather [hbm4b:s13+s5], $0x1880, $0x38;
	[tilespmem:$0x10D80] =	vst v63  }
0x59: {  	s0 =	simm.s32 $0x0;
	s11 =	rddreg [dreg:$0x15]  }
0x5a: {  	[tilespmem:s19], [sflag:$0x4] =	stream.linear.gather [hbm4b:s30+s5], $0x1880, $0x38;
	[tilespmem:$0x10D80] =	vst v63  }
.LBB2_2:
0x5b: {  	_ =	swait.ge [sflag:s20], $0x1880  }
0x5c: {  	[sflag:s20] =	ssyncset.done $0x0  }
0x5d: {  	[sflag:s20] =	ssyncadd.s32 $0xFFFFE780  }
0x5e: {  	_ =	swait.ge [sflag:s22], $0x1880  }
0x5f: {  	[sflag:s22] =	ssyncset.done $0x0  }
0x60: {  	[sflag:s22] =	ssyncadd.s32 $0xFFFFE780  }
0x61: {  	_ =	swait.ge [sflag:s22], $0x1880  }
0x62: {  	[sflag:s22] =	ssyncset.done $0x0  }
0x63: {  	[sflag:s22] =	ssyncadd.s32 $0xFFFFE780  }
0x64: {  	_ =	swait.ge [sflag:s22], $0x1880  }
0x65: {  	[sflag:s22] =	ssyncset.done $0x0  }
0x66: {  	s4 =	simm.s32 $0x7A80;
	[sflag:s22] =	ssyncadd.s32 $0xFFFFE780  }
0x67: {  	[spmem:s1] =	stream.indirect.scatter.add.f32 [tilespmem:s4], [sflag:$0x5], $0x1, s10, s23, $0xb8;
	[tilespmem:$0x10D80] =	vst v63  }
0x68: {  	_ = 	snop  }
0x69: {  	[spmem:s2] =	stream.indirect.scatter.add.f32 [tilespmem:s14], [sflag:$0x5], $0x1, s10, s23, $0xb8;
	[tilespmem:$0x10D80] =	vst v63  }
0x6a: {  	_ = 	snop  }
0x6b: {  	[spmem:s3] =	stream.indirect.scatter.add.f32 [tilespmem:s15], [sflag:$0x5], $0x1, s10, s23, $0xb8;
	[tilespmem:$0x10D80] =	vst v63  }
0x6c: {  	_ =	swait.ge [sflag:s24], $0x1880  }
0x6d: {  	[sflag:s24] =	ssyncset.done $0x0  }
0x6e: {  	[sflag:s24] =	ssyncadd.s32 $0xFFFFE780  }
0x6f: {  	_ =	swait.ge [sflag:s24], $0x1880  }
0x70: {  	[sflag:s24] =	ssyncset.done $0x0  }
0x71: {  	[sflag:s24] =	ssyncadd.s32 $0xFFFFE780  }
0x72: {  	p0 =	seq.s32 s0, $0x1260;
	_ =	swait.ge [sflag:s24], $0x1880  }
0x73: {  	s12 =	sshrl.u32 @!p0 s11, $0x3;
	s13 =	simm.s32 @!p0 $0x4980;
	[sflag:s24] =	ssyncset.done $0x0  }
0x74: {  	s30 =	sadd.s32 @!p0 s9, s12;
	s4 =	simm.s32 @!p0 $0x0;
	[sflag:s24] =	ssyncadd.s32 $0xFFFFE780  }
0x75: {  	[tilespmem:s13], [sflag:$0x1] =	stream.linear.gather @!p0 [hbm4b:s30+s4], $0x1880, $0x38;
	[tilespmem:$0x10D80] =	vst v63  }
0x76: {  	s13 =	sadd.s32 @!p0 s6, s12;
	s30 =	simm.s32 @!p0 $0x7A80  }
0x77: {  	[tilespmem:s30], [sflag:$0x3] =	stream.linear.gather @!p0 [hbm4b:s13+s4], $0x1880, $0x38;
	[tilespmem:$0x10D80] =	vst v63  }
0x78: {  	s13 =	sadd.s32 @!p0 s7, s12;
	s30 =	simm.s32 @!p0 $0x9300  }
0x79: {  	[tilespmem:s30], [sflag:$0x3] =	stream.linear.gather @!p0 [hbm4b:s13+s4], $0x1880, $0x38;
	[tilespmem:$0x10D80] =	vst v63  }
0x7a: {  	s12 =	sadd.s32 @!p0 s8, s12;
	s13 =	simm.s32 @!p0 $0xAB80  }
0x7b: {  	[tilespmem:s13], [sflag:$0x3] =	stream.linear.gather @!p0 [hbm4b:s12+s4], $0x1880, $0x38;
	[tilespmem:$0x10D80] =	vst v63  }
0x7c: {  	_ =	swait.ge [sflag:s21], $0x1880  }
0x7d: {  	[sflag:s21] =	ssyncset.done $0x0  }
0x7e: {  	[sflag:s21] =	ssyncadd.s32 $0xFFFFE780  }
0x7f: {  	_ =	swait.ge [sflag:s31], $0x1880  }
0x80: {  	[sflag:s31] =	ssyncset.done $0x0  }
0x81: {  	[sflag:s31] =	ssyncadd.s32 $0xFFFFE780  }
0x82: {  	_ =	swait.ge [sflag:s31], $0x1880  }
0x83: {  	[sflag:s31] =	ssyncset.done $0x0  }
0x84: {  	[sflag:s31] =	ssyncadd.s32 $0xFFFFE780  }
0x85: {  	_ =	swait.ge [sflag:s31], $0x1880  }
0x86: {  	[sflag:s31] =	ssyncset.done $0x0  }
0x87: {  	[sflag:s31] =	ssyncadd.s32 $0xFFFFE780  }
0x88: {  	[spmem:s1] =	stream.indirect.scatter.add.f32 [tilespmem:s17], [sflag:$0x5], $0x1, s16, s23, $0xb8;
	[tilespmem:$0x10D80] =	vst v63  }
0x89: {  	_ = 	snop  }
0x8a: {  	[spmem:s2] =	stream.indirect.scatter.add.f32 [tilespmem:s18], [sflag:$0x5], $0x1, s16, s23, $0xb8;
	[tilespmem:$0x10D80] =	vst v63  }
0x8b: {  	_ = 	snop  }
0x8c: {  	[spmem:s3] =	stream.indirect.scatter.add.f32 [tilespmem:s19], [sflag:$0x5], $0x1, s16, s23, $0xb8;
	[tilespmem:$0x10D80] =	vst v63  }
0x8d: {  	_ =	swait.ge [sflag:s24], $0x1880  }
0x8e: {  	[sflag:s24] =	ssyncset.done $0x0  }
0x8f: {  	[sflag:s24] =	ssyncadd.s32 $0xFFFFE780  }
0x90: {  	_ =	swait.ge [sflag:s24], $0x1880  }
.Ltmp2:
0x91: {  	[sflag:s24] =	ssyncset.done $0x0;
	(pc) =	sbr.rel @p0 .LBB2_4-.Ltmp2, $4  }
0x92: {  	[sflag:s24] =	ssyncadd.s32 $0xFFFFE780  }
0x93: {  	_ =	swait.ge [sflag:s24], $0x1880  }
0x94: {  	[sflag:s24] =	ssyncset.done $0x0  }
0x95: {  	[sflag:s24] =	ssyncadd.s32 $0xFFFFE780  }
0x96: {  	s4 =	sadd.s32 s0, s29  }
0x97: {  	[tilespmem:s16], [sflag:$0x2] =	stream.linear.gather [hbm4b:s4+s5], $0x1880, $0x38;
	[tilespmem:$0x10D80] =	vst v63  }
0x98: {  	s12 =	sadd.s32 s0, s28  }
0x99: {  	[tilespmem:s17], [sflag:$0x4] =	stream.linear.gather [hbm4b:s12+s5], $0x1880, $0x38;
	[tilespmem:$0x10D80] =	vst v63  }
.Ltmp3:
0x9a: {  	_ = 	snop;
	(pc) =	sbr.rel .LBB2_2-.Ltmp3, $4  }
0x9b: {  	s13 =	sadd.s32 s0, s26  }
0x9c: {  	[tilespmem:s18], [sflag:$0x4] =	stream.linear.gather [hbm4b:s13+s5], $0x1880, $0x38;
	[tilespmem:$0x10D80] =	vst v63  }
0x9d: {  	s30 =	sadd.s32 s0, s25;
	s0 =	sadd.s32 $0x620, s0;
	s11 =	sadd.s32 $0x3100, s11  }
0x9e: {  	[tilespmem:s19], [sflag:$0x4] =	stream.linear.gather [hbm4b:s30+s5], $0x1880, $0x38;
	[tilespmem:$0x10D80] =	vst v63  }
.LBB2_5:
0x9f: {  	_ =	sfence.sel $0x180000  }
0xa0: {  	[bflag:$0x0] =	sbarrier.arrive $0xFFFF  }
0xa1: {  	_ =	strace $0x9000004A  }
0xa2: {  	s0 =	stileid.u32;
	[bflag:$0x2] =	sbarrier.arrive $0xFFFF  }
0xa3: {  	p0 =	sne.s32 s0, $0x0;
	s0 =	rddreg [dreg:$0x5]  }
0xa4: {  	s0 =	sadd.s32 @!p0 $0x100000, s0  }
0xa5: {  	[sflag:s0] =	ssyncadd.tile.s32 @!p0 $0x1;
	_ =	shalt  }
.Lfunc_end2:
_tile_overlayer_lowered:
.L_overlay_start_2:
0xa6: {  	(tag) =	ssettag $0x2  }
0xa7: {  	s0 =	rddreg [dreg:$0x0];
	s2 =	stileid.u32  }
0xa8: {  	s1 =	rddreg [dreg:$0x1];
	p0 =	sne.s32 s2, $0x0  }
0xa9: {  	s3 =	rddreg [dreg:$0x2];
	[bflag:$0x3] =	sbarrier.arrive $0xFFFF;
	s2 =	simm.s32 @!p0 $0x1C06  }
0xaa: {  	[timem:s3], [sflag:s2] =	dma.local @!p0 [hbm:s0], s1  }
0xab: {  	s0 =	simm.s32 @!p0 $0x6  }
0xac: {  	_ =	swait.ge @!p0 [sflag:s0], s1  }
0xad: {  	s1 =	ssub.s32 @!p0 $0x0, s1;
	[sflag:s0] =	ssyncset.done @!p0 $0x0  }
0xae: {  	[sflag:s0] =	ssyncadd.s32 @!p0 s1  }
0xaf: {  	[bflag:$0x3] =	sbarrier.arrive $0xFFFF  }
0xb0: {  	_ =	shalt  }

// kernel: kernel.20.cloned.1.call-start
scs
__scs_entry_jumppad:
0x0: {  	(pc) =	sbr.rel $0x88, $3  }
0x1: {  	(tag) =	ssettag $0x0;
	lr =	simm.s32 $0x1  }
0x2: {  	[smem:$0x3F8D] =	sst lr;
	_ =	strace $0xD0000000  }
0x3: {  	_ = 	snop  }
0x4: {  	_ = 	snop  }
0x5: {  	_ = 	snop  }
0x6: {  	_ = 	snop  }
0x7: {  	_ = 	snop  }
__scs_overlays_trampoline_lowered:
0x8: {  	[smem:$0x3F9C] =	sst s0  }
0x9: {  	[smem:$0x3F9D] =	sst s1  }
0xa: {  	[smem:$0x3F9E] =	sst s2  }
0xb: {  	[smem:$0x3F9F] =	sst s3  }
0xc: {  	[smem:$0x3FA0] =	sst s4  }
0xd: {  	[smem:$0x3FA1] =	sst s5  }
0xe: {  	[smem:$0x3FA2] =	sst s6  }
0xf: {  	[smem:$0x3FA3] =	sst s7  }
0x10: {  	[smem:$0x3FA4] =	sst s8  }
0x11: {  	[smem:$0x3FA5] =	sst s9;
	s0 =	simm.s32 @!p0 $0x0  }
0x12: {  	s1 =	sld [smem:$0x3F8B];
	s0 =	simm.s32 @p0 $0x1  }
0x13: {  	[smem:$0x3FA6] =	sst s0;
	s0 =	simm.s32 @!p1 $0x0  }
0x14: {  	s2 =	sld [smem:$0x3F8A];
	s0 =	simm.s32 @p1 $0x1  }
0x15: {  	[smem:$0x3FA7] =	sst s0;
	s0 =	simm.s32 @!p2 $0x0  }
0x16: {  	s3 =	sld [smem:$0x3FDB];
	s0 =	simm.s32 @p2 $0x1  }
0x17: {  	s4 =	simm.s32 $0x1BF5;
	[smem:$0x3FA9] =	sst s0  }
0x18: {  	s0 =	sld [smem:$0x3F8C];
	_ =	swait.ge [sflag:s4], $0x0  }
0x19: {  	s7 =	sld [smem:$0x3F8D]  }
0x1a: {  	s8 =	sadd.s32 $0xFFFFE003, lr  }
0x1b: {  	s9 =	sadd.s32 $0xFFFFFEF7, lr;
	s5 =	simm.s32 $0xFFFFFFFF;
	p2 =	slt.u32 s8, $0xFFFFF086  }
0x1c: {  	p1 =	slt.u32 s9, $0xF7A;
	s5 =	simm.s32 @!p2 $0x0  }
0x1d: {  	s5 =	simm.s32 @p1 $0x1;
	p0 =	seq.s32 s7, s2  }
0x1e: {  	s7 =	smul.u32 @!p0 $0xF7A, s2;
	p2 =	seq.s32 @!p0 s5, $0x0  }
0x1f: {  	s9 =	smul.u32 $0xF7A, s1;
	s8 =	simm.s32 @!p0 $0x1BF5;
	p2 =	por !p2, p0  }
0x20: {  	[sflag:s8] =	ssyncset.s32 @!p0 $0xFFFFF086;
	s6 =	sadd.s32 @!p0 s3, s7;
	s7 =	simm.s32 @!p0 $0x108  }
0x21: {  	s3 =	sadd.s32 s3, s9;
	s6 =	sadd.s32 @!p0 $0x88, s6;
	s7 =	simm.s32 @p2 $0x1082  }
0x22: {  	[simem:s7], [sflag:s8] =	dma.local @!p0 [hbm:s6], $0xF7A  }
0x23: {  	s9 =	sor.u32 $0xD0000000, s2;
	s6 =	simm.s32 $0x108;
	_ =	swait.ge @!p0 [sflag:s8], $0x0  }
0x24: {  	s3 =	sadd.s32 $0x88, s3;
	s6 =	simm.s32 @!p1 $0x1082;
	[sflag:s4] =	ssyncset.s32 $0xFFFFF086  }
0x25: {  	[simem:s6], [sflag:s4] =	dma.local [hbm:s3], $0xF7A  }
0x26: {  	[smem:$0x3F8D] =	sst s1;
	(tag) =	ssettag s2;
	_ =	strace s9  }
0x27: {  	s1 =	sld [smem:$0x3F9D]  }
0x28: {  	s2 =	sld [smem:$0x3F9E]  }
0x29: {  	s4 =	sld [smem:$0x3FA0]  }
0x2a: {  	p0 =	seq.s32 s5, $0x0;
	s5 =	sld [smem:$0x3FA1]  }
0x2b: {  	s6 =	sld [smem:$0x3FA2]  }
0x2c: {  	s7 =	sld [smem:$0x3FA3]  }
0x2d: {  	s3 =	simm.s32 $0x108;
	s8 =	sld [smem:$0x3FA4]  }
0x2e: {  	s3 =	simm.s32 @!p0 $0x1082;
	s9 =	sld [smem:$0x3FA5]  }
0x2f: {  	lr =	sadd.s32 s0, s3;
	s0 =	sld [smem:$0x3F9C]  }
0x30: {  	s3 =	sld [smem:$0x3F9F]  }
0x31: {  	[smem:$0x3FA8] =	sst s10  }
0x32: {  	s10 =	sld [smem:$0x3FA6];
	_ =	sdelay $0x3  }
0x33: {  	p0 =	seq.s32 s10, $0x1;
	s10 =	sld [smem:$0x3FA8];
	_ =	sdelay $0x3  }
0x34: {  	[smem:$0x3FA8] =	sst s10  }
0x35: {  	s10 =	sld [smem:$0x3FA7];
	_ =	sdelay $0x3  }
0x36: {  	p1 =	seq.s32 s10, $0x1;
	s10 =	sld [smem:$0x3FA8];
	_ =	sdelay $0x3  }
0x37: {  	[smem:$0x3FA8] =	sst s10  }
0x38: {  	s10 =	sld [smem:$0x3FA9]  }
0x39: {  	_ = 	snop;
	(pc) =	sbr.ind lr, $3  }
0x3a: {  	_ = 	snop  }
0x3b: {  	_ = 	snop  }
0x3c: {  	p2 =	seq.s32 s10, $0x1;
	s10 =	sld [smem:$0x3FA8]  }
0x3d: {  	_ =	shalt  }
0x3e: {  	_ =	shalt  }
0x3f: {  	_ =	shalt  }
0x40: {  	_ =	shalt  }
0x41: {  	_ =	shalt  }
0x42: {  	_ =	shalt  }
0x43: {  	_ =	shalt  }
0x44: {  	_ =	shalt  }
0x45: {  	_ =	shalt  }
0x46: {  	_ =	shalt  }
0x47: {  	_ =	shalt  }
0x48: {  	_ =	shalt  }
0x49: {  	_ =	shalt  }
0x4a: {  	_ =	shalt  }
0x4b: {  	_ =	shalt  }
0x4c: {  	_ =	shalt  }
0x4d: {  	_ =	shalt  }
0x4e: {  	_ =	shalt  }
0x4f: {  	_ =	shalt  }
0x50: {  	_ =	shalt  }
0x51: {  	_ =	shalt  }
0x52: {  	_ =	shalt  }
0x53: {  	_ =	shalt  }
0x54: {  	_ =	shalt  }
0x55: {  	_ =	shalt  }
0x56: {  	_ =	shalt  }
0x57: {  	_ =	shalt  }
0x58: {  	_ =	shalt  }
0x59: {  	_ =	shalt  }
0x5a: {  	_ =	shalt  }
0x5b: {  	_ =	shalt  }
0x5c: {  	_ =	shalt  }
0x5d: {  	_ =	shalt  }
0x5e: {  	_ =	shalt  }
0x5f: {  	_ =	shalt  }
0x60: {  	_ =	shalt  }
0x61: {  	_ =	shalt  }
0x62: {  	_ =	shalt  }
0x63: {  	_ =	shalt  }
0x64: {  	_ =	shalt  }
0x65: {  	_ =	shalt  }
0x66: {  	_ =	shalt  }
0x67: {  	_ =	shalt  }
0x68: {  	_ =	shalt  }
0x69: {  	_ =	shalt  }
0x6a: {  	_ =	shalt  }
0x6b: {  	_ =	shalt  }
0x6c: {  	_ =	shalt  }
0x6d: {  	_ =	shalt  }
0x6e: {  	_ =	shalt  }
0x6f: {  	_ =	shalt  }
0x70: {  	_ =	shalt  }
0x71: {  	_ =	shalt  }
0x72: {  	_ =	shalt  }
0x73: {  	_ =	shalt  }
0x74: {  	_ =	shalt  }
0x75: {  	_ =	shalt  }
0x76: {  	_ =	shalt  }
0x77: {  	_ =	shalt  }
0x78: {  	_ =	shalt  }
0x79: {  	_ =	shalt  }
0x7a: {  	_ =	shalt  }
0x7b: {  	_ =	shalt  }
0x7c: {  	_ =	shalt  }
0x7d: {  	_ =	shalt  }
0x7e: {  	_ =	shalt  }
0x7f: {  	_ =	shalt  }
0x80: {  	_ =	shalt  }
0x81: {  	_ =	shalt  }
0x82: {  	_ =	shalt  }
0x83: {  	_ =	shalt  }
0x84: {  	_ =	shalt  }
0x85: {  	_ =	shalt  }
0x86: {  	_ =	shalt  }
0x87: {  	_ =	shalt  }
.Lfunc_end0:
.L_simem_size_0:
called_computation.2_lowered:
.L_overlay_start_0:
0x88: {  	s2 =	sld [smem:$0x3FD9]  }
0x89: {  	s3 =	sld [smem:$0x3FFE];
	_ =	sdelay $0x1  }
0x8a: {  	s1 =	srdreg.scid  }
0x8b: {  	s0 =	sand.u32 $0x1, s1  }
0x8c: {  	s17 =	sshll.u32 s0, $0xA;
	s2 =	sadd.s32 s3, s2  }
0x8d: {  	s2 =	sadd.s32 s2, s17  }
0x8e: {  	[smem:$0x3FB4] =	sst s2  }
0x8f: {  	_ = 	snop  }
0x90: {  	s2 =	sld [smem:$0x3FD0];
	(tm) =	ssettm $0x1  }
0x91: {  	s18 =	sld [smem:$0x3FFB];
	_ =	sdelay $0x3  }
0x92: {  	_ =	strace s18  }
0x93: {  	s3 =	sld [smem:$0x3FFC];
	_ =	sdelay $0x3  }
0x94: {  	_ =	strace s3  }
0x95: {  	s3 =	sld [smem:$0x3FFD];
	_ =	sdelay $0x3  }
0x96: {  	_ =	strace s3  }
0x97: {  	_ =	strace $0x8FFFFFFF  }
0x98: {  	s19 =	sld [smem:$0x3FDB];
	_ =	sdelay $0x1  }
0x99: {  	s4 =	simm.s32 $_scs_section_size  }
0x9a: {  	s5 =	simm.s32 $_size__tile_overlayer_lowered;
	s6 =	simm.s32 $_tile_overlayer_lowered  }
0x9b: {  	s22 =	simm.s32 $0x1BFF;
	s21 =	sshll.u32 s6, $0x1;
	s3 =	sadd.s32 s4, s19  }
0x9c: {  	s7 =	simm.s32 $0x0;
	s20 =	sshll.u32 s5, $0x1;
	s5 =	sadd.s32 s21, s3  }
0x9d: {  	[timem:s7], [sflag:s22] =	dma.local [hbm:s5], s20  }
0x9e: {  	_ =	swait.ge [sflag:s22], s20  }
0x9f: {  	s4 =	ssub.s32 $0x0, s20;
	[sflag:s22] =	ssyncset.done $0x0  }
0xa0: {  	[sflag:s22] =	ssyncadd.s32 s4;
	_ =	sdelay $0x1  }
0xa1: {  	s23 =	simm.s32 $0x1B8B  }
0xa2: {  	_ =	swait.ge [sflag:s23], $0x1  }
0xa3: {  	[sflag:s23] =	ssyncset.done $0x0  }
0xa4: {  	s25 =	simm.s32 $0x1B8E;
	s24 =	sld [smem:$0x3FFE];
	[sflag:s23] =	ssyncadd.s32 $0xFFFFFFFF  }
0xa5: {  	s26 =	simm.s32 $execute0_lowered;
	[smem:$0x3FD2] =	sst s25  }
0xa6: {  	s5 =	sshll.u32 s26, $0x1;
	_ =	strace $0x8000004C;
	[dreg:$0x1] =	wrdreg $0xFFFFFFFF  }
0xa7: {  	s28 =	simm.s32 $_size_execute0_lowered;
	s3 =	sadd.s32 s3, s5;
	[dreg:$0x0] =	wrdreg $0x0  }
0xa8: {  	s5 =	sshll.u32 s28, $0x1;
	[dreg:$0x2] =	wrdreg s3  }
0xa9: {  	[dreg:$0x3] =	wrdreg s5  }
0xaa: {  	[dreg:$0x4] =	wrdreg $0xC0  }
0xab: {  	_ =	task [dreg:s7], $0x5FFFF  }
0xac: {  	[dreg:$0x1] =	wrdreg $0xFFFFFFFF  }
0xad: {  	[dreg:$0x0] =	wrdreg $0x60  }
0xae: {  	[dreg:$0x2] =	wrdreg s2  }
0xaf: {  	[dreg:$0x3] =	wrdreg s24  }
0xb0: {  	[dreg:$0x4] =	wrdreg $0x9  }
0xb1: {  	_ =	task.clear_ibuf [dreg:s7], $0x5FFFF;
	_ =	strace $0x9000004C  }
0xb2: {  	s29 =	simm.s32 $0x9;
	_ =	strace $0x8000004E  }
0xb3: {  	_ =	swait.ge [sflag:s29], $0x1  }
0xb4: {  	[sflag:s29] =	ssyncadd.s32 $0xFFFFFFFF  }
0xb5: {  	_ =	strace $0x9000004E  }
0xb6: {  	_ =	sfence  }
0xb7: {  	s30 =	sld [smem:$0x0];
	_ =	sdelay $0x2  }
0xb8: {  	s31 =	sshll.u32 s1, $0xD;
	s1 =	sshrl.u32 s1, $0x2  }
0xb9: {  	s3 =	sand.u32 $0x4000, s31;
	s1 =	sadd.s32 s1, s30  }
0xba: {  	s0 =	sor.u32 s3, s0;
	s1 =	sshll.u32 s1, $0x11  }
0xbb: {  	s0 =	sor.u32 s1, s0  }
0xbc: {  	s0 =	sadd.s32 $0x8F2B, s0  }
0xbd: {  	[sflag:s0] =	ssyncadd.remote.s32 $0x1  }
0xbe: {  	_ =	sfence.sel $0xFFFF  }
0xbf: {  	[dreg:$0x0] =	wrdreg $0xFFFFFFFF;
	(pc) =	sbr.abs _section_cstart, $3  }
0xc0: {  	[dreg:$0x1] =	wrdreg $0xFFFFFFFF  }
0xc1: {  	_ =	task.clear_ibuf [dreg:s7], $0x2FFFF;
	_ =	strace $0x9FFFFFFF  }
0xc2: {  	(tm) =	ssettm $0x7FFFFFFF  }
0xc3: {  	_ =	shalt  }
tec
execute0_lowered:
.L_overlay_start_1:
0x0: {  	(tag) =	ssettag $0x1  }
0x1: {  	s1 =	stileid.u32  }
0x2: {  	p0 =	seq.s32 s1, $0xF  }
.Ltmp0:
0x3: {  	_ = 	snop;
	(pc) =	sbr.rel @!p0 .LBB2_1-.Ltmp0, $4  }
0x4: {  	s11 =	rddreg [dreg:$0x0]  }
0x5: {  	s4 =	rddreg [dreg:$0x1];
	s2 =	simm.s32 $0x0  }
0x6: {  	[smem:$0x7FF] =	sst s2  }
0x7: {  	s0 =	rddreg [dreg:$0x2];
	_ =	strace $0x8000004D  }
.LBB2_14:
0x8: {  	_ =	sfence.sel $0x180000  }
0x9: {  	[bflag:$0x0] =	sbarrier.arrive $0xFFFF  }
0xa: {  	p0 =	sne.s32 s1, $0x0;
	_ =	strace $0x9000004D  }
0xb: {  	s0 =	sadd.s32 @!p0 $0x100000, s0;
	[bflag:$0x2] =	sbarrier.arrive $0xFFFF  }
0xc: {  	[sflag:s0] =	ssyncadd.tile.s32 @!p0 $0x1;
	_ =	shalt  }
.LBB2_1:
0xd: {  	s3 =	srdreg.scid  }
0xe: {  	s28 =	sshll.u32 s1, $0x1;
	s8 =	sand.u32 $0x1, s3  }
0xf: {  	s3 =	sor.u32 s8, s28  }
0x10: {  	s5 =	smul.u32 $0x23, s3;
	_ =	sdelay $0x1  }
0x11: {  	s5 =	sshrl.u32 s5, $0x9  }
0x12: {  	s6 =	smul.u32 $0xF, s5;
	_ =	sdelay $0x1  }
0x13: {  	s3 =	ssub.s32 s3, s6  }
0x14: {  	s6 =	sand.u32 $0xFF, s3  }
0x15: {  	s6 =	smul.u32 $0x56, s6  }
0x16: {  	s16 =	simm.s32 $0x1;
	s17 =	simm.s32 $0x1B8A0;
	s18 =	simm.s32 $0x2  }
0x17: {  	s19 =	simm.s32 $0x4;
	s9 =	smul.u32 $0x3, s5;
	s6 =	sshrl.u32 s6, $0x8  }
0x18: {  	s20 =	simm.s32 $0x1D1A0;
	s21 =	simm.s32 $0x3;
	s7 =	smul.u32 $0x3, s6  }
0x19: {  	s22 =	simm.s32 $0x0;
	s14 =	ssub.s32 $0x2, s8;
	s5 =	smul.u32 $0x186A00, s5  }
0x1a: {  	s15 =	sshrl.u32 s14, $0x1;
	s10 =	smul.u32 $0x4E200, s6;
	s3 =	ssub.s32 s3, s7  }
0x1b: {  	s31 =	ssub.s32 s14, s15;
	s14 =	simm.s32 $0x186A0;
	s12 =	sand.u32 $0xFF, s3  }
0x1c: {  	s13 =	sadd.s32 s5, s10;
	s29 =	sadd.s32 s12, s9;
	s12 =	smul.u32 $0x30D4, s12  }
.Ltmp1:
0x1d: {  	s3 =	sadd.s32 $0x7000, s4;
	s5 =	sshrl.u32 s13, $0x3;
	(pc) =	sbr.rel .LBB2_2-.Ltmp1, $4  }
0x1e: {  	s15 =	simm.s32 $0x19FA0;
	s5 =	sadd.s32 s3, s5;
	s30 =	smul.u32 $0x186A00, s29  }
0x1f: {  	s4 =	sadd.s32 $0x1BEC00, s4;
	s8 =	sadd.s32 $0x3200, s13;
	s6 =	sadd.s32 $0x320, s5  }
0x20: {  	s11 =	sadd.s32 s11, s12;
	s12 =	smax.u32 s31, $0x1;
	s7 =	sadd.s32 s10, s30  }
0x21: {  	s10 =	sadd.s32 $0x4B00, s13;
	s13 =	simm.s32 $0x5;
	s9 =	sadd.s32 $0x1900, s7  }
.LBB2_13:
0x22: {  	s22 =	sadd.s32 $0x1, s22  }
0x23: {  	_ =	swait.ge [sflag:s21], $0x1900;
	p0 =	sne.s32 s22, s12  }
.Ltmp2:
0x24: {  	[sflag:s21] =	ssyncset.done $0x0;
	(pc) =	sbr.rel @!p0 .LBB2_14-.Ltmp2, $4  }
0x25: {  	[sflag:s21] =	ssyncadd.s32 $0xFFFFE700  }
0x26: {  	_ =	swait.ge [sflag:s19], $0x1900  }
0x27: {  	[sflag:s19] =	ssyncset.done $0x0  }
0x28: {  	[sflag:s19] =	ssyncadd.s32 $0xFFFFE700  }
.LBB2_2:
0x29: {  	s23 =	simm.s32 $0x0  }
0x2a: {  	[tilespmem:s23], [sflag:$0x5] =	stream.linear.gather [hbm4b:s11+s23], $0x186A0, $0x38;
	[tilespmem:$0x1EAA0] =	vst v63  }
0x2b: {  	_ =	swait.ge [sflag:s13], $0x186A0  }
0x2c: {  	[sflag:s13] =	ssyncset.done $0x0  }
0x2d: {  	[sflag:s13] =	ssyncadd.s32 $0xFFFE7960  }
0x2e: {  	[tilespmem:s14], [sflag:$0x1] =	stream.linear.gather [hbm4b:s5+s23], $0x1900, $0x38;
	[tilespmem:$0x1EAA0] =	vst v63  }
0x2f: {  	_ = 	snop  }
0x30: {  	[tilespmem:s15], [sflag:$0x2] =	stream.linear.gather [hbm4b:s6+s23], $0x1900, $0x38;
	[tilespmem:$0x1EAA0] =	vst v63  }
.LBB2_3:
0x31: {  	_ =	swait.ge [sflag:s16], $0x1900  }
0x32: {  	p0 =	seq.s32 s23, $0x0;
	[sflag:s16] =	ssyncset.done $0x0  }
0x33: {  	s24 =	simm.s32 @!p0 $0x3;
	[sflag:s16] =	ssyncadd.s32 $0xFFFFE700  }
0x34: {  	_ =	swait.ge @!p0 [sflag:s24], $0x1900  }
0x35: {  	[sflag:s24] =	ssyncset.done @!p0 $0x0  }
0x36: {  	s31 =	simm.s32 $0x186E0;
	[sflag:s24] =	ssyncadd.s32 @!p0 $0xFFFFE700  }
0x37: {  	v0 =	vld [tilespmem:s31+$0x30]  }
0x38: {  	v1 =	vld [tilespmem:s31+$0xFFFFFFD0]  }
0x39: {  	v2 =	vld [tilespmem:s31+$0xFFFFFFE0]  }
0x3a: {  	v3 =	vld [tilespmem:s31+$0xFFFFFFF0]  }
0x3b: {  	v4 =	vld [tilespmem:s31+$0x0]  }
0x3c: {  	v6 =	vld [tilespmem:s31+$0x10]  }
0x3d: {  	v7 =	vld [tilespmem:s31+$0x20]  }
0x3e: {  	v8 =	vld [tilespmem:s31+$0xFFFFFFC0]  }
0x3f: {  	v9 =	vld.idx.msk [tilespmem:v0+s2+$0x0], $0xffff  }
0x40: {  	v10 =	vld.idx.msk [tilespmem:v1+s2+$0x0], $0xffff  }
0x41: {  	v5 =	vld.idx.msk [tilespmem:v2+s2+$0x0], $0xffff  }
0x42: {  	v3 =	vld.idx.msk [tilespmem:v3+s2+$0x0], $0xffff  }
0x43: {  	v1 =	vld.idx.msk [tilespmem:v4+s2+$0x0], $0xffff  }
0x44: {  	s25 =	simm.s32 $0x1B8E0;
	v2 =	vld.idx.msk [tilespmem:v6+s2+$0x0], $0xffff  }
0x45: {  	v0 =	vld.idx.msk [tilespmem:v7+s2+$0x0], $0xffff;
	[tilespmem:s25+$0x30] =	vst v9  }
0x46: {  	s26 =	simm.s32 $0x0;
	s28 =	simm.s32 $0x18760;
	s24 =	smul.u32 $0x3200, s23;
	v4 =	vld.idx.msk [tilespmem:v8+s2+$0x0], $0xffff;
	[tilespmem:s25+$0xFFFFFFD0] =	vst v10  }
.LBB2_4:
0x47: {  	v6 =	vld [tilespmem:s28+$0x30];
	s26 =	sadd.s32 $0x80, s26;
	[tilespmem:s25+$0xFFFFFFE0] =	vst v5  }
0x48: {  	v5 =	vld [tilespmem:s28+$0xFFFFFFD0];
	p1 =	slt.u32 s26, $0x1880;
	[tilespmem:s25+$0xFFFFFFF0] =	vst v3  }
0x49: {  	v3 =	vld [tilespmem:s28+$0xFFFFFFE0];
	[tilespmem:s25+$0x0] =	vst v1  }
0x4a: {  	v1 =	vld [tilespmem:s28+$0xFFFFFFF0];
	[tilespmem:s25+$0x10] =	vst v2  }
0x4b: {  	v2 =	vld [tilespmem:s28+$0x0];
	[tilespmem:s25+$0x20] =	vst v0  }
0x4c: {  	v0 =	vld [tilespmem:s28+$0x10];
	[tilespmem:s25+$0xFFFFFFC0] =	vst v4  }
0x4d: {  	v4 =	vld [tilespmem:s28+$0x20]  }
0x4e: {  	v7 =	vld [tilespmem:s28+$0xFFFFFFC0]  }
0x4f: {  	v6 =	vld.idx.msk [tilespmem:v6+s2+$0x0], $0xffff  }
0x50: {  	v8 =	vld.idx.msk [tilespmem:v5+s2+$0x0], $0xffff  }
0x51: {  	v5 =	vld.idx.msk [tilespmem:v3+s2+$0x0], $0xffff  }
.Ltmp3:
0x52: {  	v3 =	vld.idx.msk [tilespmem:v1+s2+$0x0], $0xffff;
	(pc) =	sbr.rel @p1 .LBB2_4-.Ltmp3, $4  }
0x53: {  	v1 =	vld.idx.msk [tilespmem:v2+s2+$0x0], $0xffff  }
0x54: {  	s25 =	sadd.s32 $0x80, s25;
	v2 =	vld.idx.msk [tilespmem:v0+s2+$0x0], $0xffff  }
0x55: {  	v0 =	vld.idx.msk [tilespmem:v4+s2+$0x0], $0xffff;
	[tilespmem:s25+$0x30] =	vst v6  }
0x56: {  	s28 =	sadd.s32 $0x80, s28;
	v4 =	vld.idx.msk [tilespmem:v7+s2+$0x0], $0xffff;
	[tilespmem:s25+$0xFFFFFFD0] =	vst v8  }
0x57: {  	[tilespmem:s25+$0xFFFFFFE0] =	vst v5  }
0x58: {  	[tilespmem:s25+$0xFFFFFFF0] =	vst v3;
	p1 =	sne.s32 s23, $0x18  }
.Ltmp4:
0x59: {  	[tilespmem:s25+$0x0] =	vst v1;
	(pc) =	sbr.rel @p1 .LBB2_7-.Ltmp4, $4  }
0x5a: {  	s26 =	sadd.s32 s24, s7;
	[tilespmem:s25+$0x10] =	vst v2  }
0x5b: {  	s26 =	sshrl.u32 s26, $0x3;
	[tilespmem:s25+$0x20] =	vst v0  }
0x5c: {  	s31 =	sadd.s32 s4, s26;
	[tilespmem:s25+$0xFFFFFFC0] =	vst v4  }
0x5d: {  	[hbm4b:s31+s2] =	stream.linear.scatter [tilespmem:s17], [sflag:$0x3], $0x1900, $0x38;
	[tilespmem:$0x1EAA0] =	vst v63  }
.Ltmp5:
0x5e: {  	(pc) =	sbr.rel .LBB2_8-.Ltmp5, $4  }
0x5f: {  	_ = 	snop  }
0x60: {  	_ =	swait.ge [sflag:s18], $0x1900  }
0x61: {  	[sflag:s18] =	ssyncset.done $0x0  }
0x62: {  	[sflag:s18] =	ssyncadd.s32 $0xFFFFE700  }
.LBB2_7:
0x63: {  	s25 =	sadd.s32 s24, s8  }
0x64: {  	s25 =	sshrl.u32 s25, $0x3  }
.Ltmp6:
0x65: {  	s25 =	sadd.s32 s3, s25;
	(pc) =	sbr.rel @p0 .LBB2_9-.Ltmp6, $4  }
0x66: {  	[tilespmem:s14], [sflag:$0x1] =	stream.linear.gather [hbm4b:s25+s2], $0x1900, $0x38;
	[tilespmem:$0x1EAA0] =	vst v63  }
0x67: {  	_ =	swait.ge [sflag:s18], $0x1900  }
0x68: {  	[sflag:s18] =	ssyncset.done $0x0  }
0x69: {  	[sflag:s18] =	ssyncadd.s32 $0xFFFFE700  }
.LBB2_8:
0x6a: {  	_ =	swait.ge [sflag:s19], $0x1900  }
0x6b: {  	[sflag:s19] =	ssyncset.done $0x0  }
0x6c: {  	[sflag:s19] =	ssyncadd.s32 $0xFFFFE700  }
.LBB2_9:
0x6d: {  	s25 =	simm.s32 $0x1A010  }
0x6e: {  	v0 =	vld [tilespmem:s25+$0x0]  }
0x6f: {  	v1 =	vld [tilespmem:s25+$0xFFFFFFA0]  }
0x70: {  	v2 =	vld [tilespmem:s25+$0xFFFFFFB0]  }
0x71: {  	v3 =	vld [tilespmem:s25+$0xFFFFFFC0]  }
0x72: {  	v6 =	vld [tilespmem:s25+$0xFFFFFFD0]  }
0x73: {  	v7 =	vld [tilespmem:s25+$0xFFFFFFE0]  }
0x74: {  	v8 =	vld [tilespmem:s25+$0xFFFFFFF0]  }
0x75: {  	v9 =	vld [tilespmem:s25+$0xFFFFFF90]  }
0x76: {  	v10 =	vld.idx.msk [tilespmem:v0+s2+$0x0], $0xffff  }
0x77: {  	v11 =	vld.idx.msk [tilespmem:v1+s2+$0x0], $0xffff  }
0x78: {  	v5 =	vld.idx.msk [tilespmem:v2+s2+$0x0], $0xffff  }
0x79: {  	v4 =	vld.idx.msk [tilespmem:v3+s2+$0x0], $0xffff  }
0x7a: {  	v1 =	vld.idx.msk [tilespmem:v6+s2+$0x0], $0xffff  }
0x7b: {  	s25 =	simm.s32 $0x1D210;
	v2 =	vld.idx.msk [tilespmem:v7+s2+$0x0], $0xffff  }
0x7c: {  	v0 =	vld.idx.msk [tilespmem:v8+s2+$0x0], $0xffff;
	[tilespmem:s25+$0x0] =	vst v10  }
0x7d: {  	s26 =	simm.s32 $0x0;
	s28 =	simm.s32 $0x1A090;
	v3 =	vld.idx.msk [tilespmem:v9+s2+$0x0], $0xffff;
	[tilespmem:s25+$0xFFFFFFA0] =	vst v11  }
.LBB2_10:
0x7e: {  	v6 =	vld [tilespmem:s28+$0x0];
	s26 =	sadd.s32 $0x80, s26;
	[tilespmem:s25+$0xFFFFFFB0] =	vst v5  }
0x7f: {  	v5 =	vld [tilespmem:s28+$0xFFFFFFA0];
	p0 =	slt.u32 s26, $0x1880;
	[tilespmem:s25+$0xFFFFFFC0] =	vst v4  }
0x80: {  	v4 =	vld [tilespmem:s28+$0xFFFFFFB0];
	[tilespmem:s25+$0xFFFFFFD0] =	vst v1  }
0x81: {  	v1 =	vld [tilespmem:s28+$0xFFFFFFC0];
	[tilespmem:s25+$0xFFFFFFE0] =	vst v2  }
0x82: {  	v2 =	vld [tilespmem:s28+$0xFFFFFFD0];
	[tilespmem:s25+$0xFFFFFFF0] =	vst v0  }
0x83: {  	v0 =	vld [tilespmem:s28+$0xFFFFFFE0];
	[tilespmem:s25+$0xFFFFFF90] =	vst v3  }
0x84: {  	v3 =	vld [tilespmem:s28+$0xFFFFFFF0]  }
0x85: {  	v7 =	vld [tilespmem:s28+$0xFFFFFF90]  }
0x86: {  	v6 =	vld.idx.msk [tilespmem:v6+s2+$0x0], $0xffff  }
0x87: {  	v8 =	vld.idx.msk [tilespmem:v5+s2+$0x0], $0xffff  }
0x88: {  	v5 =	vld.idx.msk [tilespmem:v4+s2+$0x0], $0xffff  }
.Ltmp7:
0x89: {  	v4 =	vld.idx.msk [tilespmem:v1+s2+$0x0], $0xffff;
	(pc) =	sbr.rel @p0 .LBB2_10-.Ltmp7, $4  }
0x8a: {  	v1 =	vld.idx.msk [tilespmem:v2+s2+$0x0], $0xffff  }
0x8b: {  	s25 =	sadd.s32 $0x80, s25;
	v2 =	vld.idx.msk [tilespmem:v0+s2+$0x0], $0xffff  }
0x8c: {  	v0 =	vld.idx.msk [tilespmem:v3+s2+$0x0], $0xffff;
	[tilespmem:s25+$0x0] =	vst v6  }
0x8d: {  	s28 =	sadd.s32 $0x80, s28;
	v3 =	vld.idx.msk [tilespmem:v7+s2+$0x0], $0xffff;
	[tilespmem:s25+$0xFFFFFFA0] =	vst v8  }
0x8e: {  	[tilespmem:s25+$0xFFFFFFB0] =	vst v5  }
0x8f: {  	[tilespmem:s25+$0xFFFFFFC0] =	vst v4;
	p0 =	seq.s32 s23, $0x18  }
.Ltmp8:
0x90: {  	[tilespmem:s25+$0xFFFFFFD0] =	vst v1;
	(pc) =	sbr.rel @p0 .LBB2_13-.Ltmp8, $4  }
0x91: {  	s26 =	sadd.s32 s24, s9;
	[tilespmem:s25+$0xFFFFFFE0] =	vst v2  }
0x92: {  	s26 =	sshrl.u32 s26, $0x3;
	[tilespmem:s25+$0xFFFFFFF0] =	vst v0  }
0x93: {  	s31 =	sadd.s32 s4, s26;
	[tilespmem:s25+$0xFFFFFF90] =	vst v3  }
0x94: {  	[hbm4b:s31+s2] =	stream.linear.scatter [tilespmem:s20], [sflag:$0x4], $0x1900, $0x38;
	[tilespmem:$0x1EAA0] =	vst v63  }
.Ltmp9:
0x95: {  	(pc) =	sbr.rel .LBB2_3-.Ltmp9, $4  }
0x96: {  	s24 =	sadd.s32 s24, s10  }
0x97: {  	s24 =	sshrl.u32 s24, $0x3  }
0x98: {  	s23 =	sadd.s32 $0x1, s23;
	s24 =	sadd.s32 s3, s24  }
0x99: {  	[tilespmem:s15], [sflag:$0x2] =	stream.linear.gather [hbm4b:s24+s2], $0x1900, $0x38;
	[tilespmem:$0x1EAA0] =	vst v63  }
.Lfunc_end2:
_tile_overlayer_lowered:
.L_overlay_start_2:
0x9a: {  	(tag) =	ssettag $0x2  }
0x9b: {  	s0 =	rddreg [dreg:$0x0];
	s2 =	stileid.u32  }
0x9c: {  	s1 =	rddreg [dreg:$0x1];
	p0 =	sne.s32 s2, $0x0  }
0x9d: {  	s3 =	rddreg [dreg:$0x2];
	[bflag:$0x3] =	sbarrier.arrive $0xFFFF;
	s2 =	simm.s32 @!p0 $0x1C05  }
0x9e: {  	[timem:s3], [sflag:s2] =	dma.local @!p0 [hbm:s0], s1  }
0x9f: {  	s0 =	simm.s32 @!p0 $0x5  }
0xa0: {  	_ =	swait.ge @!p0 [sflag:s0], s1  }
0xa1: {  	s1 =	ssub.s32 @!p0 $0x0, s1;
	[sflag:s0] =	ssyncset.done @!p0 $0x0  }
0xa2: {  	[sflag:s0] =	ssyncadd.s32 @!p0 s1  }
0xa3: {  	[bflag:$0x3] =	sbarrier.arrive $0xFFFF  }
0xa4: {  	_ =	shalt  }

// kernel: kernel.23.cloned.1.call-start
scs
__scs_entry_jumppad:
0x0: {  	(pc) =	sbr.rel $0x88, $3  }
0x1: {  	(tag) =	ssettag $0x0;
	lr =	simm.s32 $0x1  }
0x2: {  	[smem:$0x3F8D] =	sst lr;
	_ =	strace $0xD0000000  }
0x3: {  	_ = 	snop  }
0x4: {  	_ = 	snop  }
0x5: {  	_ = 	snop  }
0x6: {  	_ = 	snop  }
0x7: {  	_ = 	snop  }
__scs_overlays_trampoline_lowered:
0x8: {  	[smem:$0x3F9C] =	sst s0  }
0x9: {  	[smem:$0x3F9D] =	sst s1  }
0xa: {  	[smem:$0x3F9E] =	sst s2  }
0xb: {  	[smem:$0x3F9F] =	sst s3  }
0xc: {  	[smem:$0x3FA0] =	sst s4  }
0xd: {  	[smem:$0x3FA1] =	sst s5  }
0xe: {  	[smem:$0x3FA2] =	sst s6  }
0xf: {  	[smem:$0x3FA3] =	sst s7  }
0x10: {  	[smem:$0x3FA4] =	sst s8  }
0x11: {  	[smem:$0x3FA5] =	sst s9;
	s0 =	simm.s32 @!p0 $0x0  }
0x12: {  	s1 =	sld [smem:$0x3F8B];
	s0 =	simm.s32 @p0 $0x1  }
0x13: {  	[smem:$0x3FA6] =	sst s0;
	s0 =	simm.s32 @!p1 $0x0  }
0x14: {  	s2 =	sld [smem:$0x3F8A];
	s0 =	simm.s32 @p1 $0x1  }
0x15: {  	[smem:$0x3FA7] =	sst s0;
	s0 =	simm.s32 @!p2 $0x0  }
0x16: {  	s3 =	sld [smem:$0x3FDB];
	s0 =	simm.s32 @p2 $0x1  }
0x17: {  	s4 =	simm.s32 $0x1BF5;
	[smem:$0x3FA9] =	sst s0  }
0x18: {  	s0 =	sld [smem:$0x3F8C];
	_ =	swait.ge [sflag:s4], $0x0  }
0x19: {  	s7 =	sld [smem:$0x3F8D]  }
0x1a: {  	s8 =	sadd.s32 $0xFFFFE003, lr  }
0x1b: {  	s9 =	sadd.s32 $0xFFFFFEF7, lr;
	s5 =	simm.s32 $0xFFFFFFFF;
	p2 =	slt.u32 s8, $0xFFFFF086  }
0x1c: {  	p1 =	slt.u32 s9, $0xF7A;
	s5 =	simm.s32 @!p2 $0x0  }
0x1d: {  	s5 =	simm.s32 @p1 $0x1;
	p0 =	seq.s32 s7, s2  }
0x1e: {  	s7 =	smul.u32 @!p0 $0xF7A, s2;
	p2 =	seq.s32 @!p0 s5, $0x0  }
0x1f: {  	s9 =	smul.u32 $0xF7A, s1;
	s8 =	simm.s32 @!p0 $0x1BF5;
	p2 =	por !p2, p0  }
0x20: {  	[sflag:s8] =	ssyncset.s32 @!p0 $0xFFFFF086;
	s6 =	sadd.s32 @!p0 s3, s7;
	s7 =	simm.s32 @!p0 $0x108  }
0x21: {  	s3 =	sadd.s32 s3, s9;
	s6 =	sadd.s32 @!p0 $0x88, s6;
	s7 =	simm.s32 @p2 $0x1082  }
0x22: {  	[simem:s7], [sflag:s8] =	dma.local @!p0 [hbm:s6], $0xF7A  }
0x23: {  	s9 =	sor.u32 $0xD0000000, s2;
	s6 =	simm.s32 $0x108;
	_ =	swait.ge @!p0 [sflag:s8], $0x0  }
0x24: {  	s3 =	sadd.s32 $0x88, s3;
	s6 =	simm.s32 @!p1 $0x1082;
	[sflag:s4] =	ssyncset.s32 $0xFFFFF086  }
0x25: {  	[simem:s6], [sflag:s4] =	dma.local [hbm:s3], $0xF7A  }
0x26: {  	[smem:$0x3F8D] =	sst s1;
	(tag) =	ssettag s2;
	_ =	strace s9  }
0x27: {  	s1 =	sld [smem:$0x3F9D]  }
0x28: {  	s2 =	sld [smem:$0x3F9E]  }
0x29: {  	s4 =	sld [smem:$0x3FA0]  }
0x2a: {  	p0 =	seq.s32 s5, $0x0;
	s5 =	sld [smem:$0x3FA1]  }
0x2b: {  	s6 =	sld [smem:$0x3FA2]  }
0x2c: {  	s7 =	sld [smem:$0x3FA3]  }
0x2d: {  	s3 =	simm.s32 $0x108;
	s8 =	sld [smem:$0x3FA4]  }
0x2e: {  	s3 =	simm.s32 @!p0 $0x1082;
	s9 =	sld [smem:$0x3FA5]  }
0x2f: {  	lr =	sadd.s32 s0, s3;
	s0 =	sld [smem:$0x3F9C]  }
0x30: {  	s3 =	sld [smem:$0x3F9F]  }
0x31: {  	[smem:$0x3FA8] =	sst s10  }
0x32: {  	s10 =	sld [smem:$0x3FA6];
	_ =	sdelay $0x3  }
0x33: {  	p0 =	seq.s32 s10, $0x1;
	s10 =	sld [smem:$0x3FA8];
	_ =	sdelay $0x3  }
0x34: {  	[smem:$0x3FA8] =	sst s10  }
0x35: {  	s10 =	sld [smem:$0x3FA7];
	_ =	sdelay $0x3  }
0x36: {  	p1 =	seq.s32 s10, $0x1;
	s10 =	sld [smem:$0x3FA8];
	_ =	sdelay $0x3  }
0x37: {  	[smem:$0x3FA8] =	sst s10  }
0x38: {  	s10 =	sld [smem:$0x3FA9]  }
0x39: {  	_ = 	snop;
	(pc) =	sbr.ind lr, $3  }
0x3a: {  	_ = 	snop  }
0x3b: {  	_ = 	snop  }
0x3c: {  	p2 =	seq.s32 s10, $0x1;
	s10 =	sld [smem:$0x3FA8]  }
0x3d: {  	_ =	shalt  }
0x3e: {  	_ =	shalt  }
0x3f: {  	_ =	shalt  }
0x40: {  	_ =	shalt  }
0x41: {  	_ =	shalt  }
0x42: {  	_ =	shalt  }
0x43: {  	_ =	shalt  }
0x44: {  	_ =	shalt  }
0x45: {  	_ =	shalt  }
0x46: {  	_ =	shalt  }
0x47: {  	_ =	shalt  }
0x48: {  	_ =	shalt  }
0x49: {  	_ =	shalt  }
0x4a: {  	_ =	shalt  }
0x4b: {  	_ =	shalt  }
0x4c: {  	_ =	shalt  }
0x4d: {  	_ =	shalt  }
0x4e: {  	_ =	shalt  }
0x4f: {  	_ =	shalt  }
0x50: {  	_ =	shalt  }
0x51: {  	_ =	shalt  }
0x52: {  	_ =	shalt  }
0x53: {  	_ =	shalt  }
0x54: {  	_ =	shalt  }
0x55: {  	_ =	shalt  }
0x56: {  	_ =	shalt  }
0x57: {  	_ =	shalt  }
0x58: {  	_ =	shalt  }
0x59: {  	_ =	shalt  }
0x5a: {  	_ =	shalt  }
0x5b: {  	_ =	shalt  }
0x5c: {  	_ =	shalt  }
0x5d: {  	_ =	shalt  }
0x5e: {  	_ =	shalt  }
0x5f: {  	_ =	shalt  }
0x60: {  	_ =	shalt  }
0x61: {  	_ =	shalt  }
0x62: {  	_ =	shalt  }
0x63: {  	_ =	shalt  }
0x64: {  	_ =	shalt  }
0x65: {  	_ =	shalt  }
0x66: {  	_ =	shalt  }
0x67: {  	_ =	shalt  }
0x68: {  	_ =	shalt  }
0x69: {  	_ =	shalt  }
0x6a: {  	_ =	shalt  }
0x6b: {  	_ =	shalt  }
0x6c: {  	_ =	shalt  }
0x6d: {  	_ =	shalt  }
0x6e: {  	_ =	shalt  }
0x6f: {  	_ =	shalt  }
0x70: {  	_ =	shalt  }
0x71: {  	_ =	shalt  }
0x72: {  	_ =	shalt  }
0x73: {  	_ =	shalt  }
0x74: {  	_ =	shalt  }
0x75: {  	_ =	shalt  }
0x76: {  	_ =	shalt  }
0x77: {  	_ =	shalt  }
0x78: {  	_ =	shalt  }
0x79: {  	_ =	shalt  }
0x7a: {  	_ =	shalt  }
0x7b: {  	_ =	shalt  }
0x7c: {  	_ =	shalt  }
0x7d: {  	_ =	shalt  }
0x7e: {  	_ =	shalt  }
0x7f: {  	_ =	shalt  }
0x80: {  	_ =	shalt  }
0x81: {  	_ =	shalt  }
0x82: {  	_ =	shalt  }
0x83: {  	_ =	shalt  }
0x84: {  	_ =	shalt  }
0x85: {  	_ =	shalt  }
0x86: {  	_ =	shalt  }
0x87: {  	_ =	shalt  }
.Lfunc_end0:
.L_simem_size_0:
called_computation.3_lowered:
.L_overlay_start_0:
0x88: {  	s2 =	sld [smem:$0x3FD9]  }
0x89: {  	s3 =	sld [smem:$0x3FFE];
	_ =	sdelay $0x1  }
0x8a: {  	s1 =	srdreg.scid  }
0x8b: {  	s0 =	sand.u32 $0x1, s1  }
0x8c: {  	s17 =	sshll.u32 s0, $0xA;
	s2 =	sadd.s32 s3, s2  }
0x8d: {  	s2 =	sadd.s32 s2, s17  }
0x8e: {  	[smem:$0x3FB4] =	sst s2  }
0x8f: {  	_ = 	snop  }
0x90: {  	s2 =	sld [smem:$0x3FD0];
	(tm) =	ssettm $0x1  }
0x91: {  	s18 =	sld [smem:$0x3FFB];
	_ =	sdelay $0x3  }
0x92: {  	_ =	strace s18  }
0x93: {  	s3 =	sld [smem:$0x3FFC];
	_ =	sdelay $0x3  }
0x94: {  	_ =	strace s3  }
0x95: {  	s3 =	sld [smem:$0x3FFD];
	_ =	sdelay $0x3  }
0x96: {  	_ =	strace s3  }
0x97: {  	_ =	strace $0x8FFFFFFF  }
0x98: {  	s19 =	sld [smem:$0x3FDB];
	_ =	sdelay $0x1  }
0x99: {  	s4 =	simm.s32 $_scs_section_size  }
0x9a: {  	s5 =	simm.s32 $_size__tile_overlayer_lowered;
	s6 =	simm.s32 $_tile_overlayer_lowered  }
0x9b: {  	s22 =	simm.s32 $0x1BFF;
	s21 =	sshll.u32 s6, $0x1;
	s3 =	sadd.s32 s4, s19  }
0x9c: {  	s7 =	simm.s32 $0x0;
	s20 =	sshll.u32 s5, $0x1;
	s5 =	sadd.s32 s21, s3  }
0x9d: {  	[timem:s7], [sflag:s22] =	dma.local [hbm:s5], s20  }
0x9e: {  	_ =	swait.ge [sflag:s22], s20  }
0x9f: {  	s4 =	ssub.s32 $0x0, s20;
	[sflag:s22] =	ssyncset.done $0x0  }
0xa0: {  	[sflag:s22] =	ssyncadd.s32 s4;
	_ =	sdelay $0x1  }
0xa1: {  	s23 =	simm.s32 $0x1B8B  }
0xa2: {  	_ =	swait.ge [sflag:s23], $0x1  }
0xa3: {  	[sflag:s23] =	ssyncset.done $0x0  }
0xa4: {  	s25 =	simm.s32 $0x1B8E;
	s24 =	sld [smem:$0x3FFE];
	[sflag:s23] =	ssyncadd.s32 $0xFFFFFFFF  }
0xa5: {  	s26 =	simm.s32 $execute0_lowered;
	[smem:$0x3FD2] =	sst s25  }
0xa6: {  	s5 =	sshll.u32 s26, $0x1;
	_ =	strace $0x8000004F;
	[dreg:$0x1] =	wrdreg $0xFFFFFFFF  }
0xa7: {  	s28 =	simm.s32 $_size_execute0_lowered;
	s3 =	sadd.s32 s3, s5;
	[dreg:$0x0] =	wrdreg $0x0  }
0xa8: {  	s5 =	sshll.u32 s28, $0x1;
	[dreg:$0x2] =	wrdreg s3  }
0xa9: {  	[dreg:$0x3] =	wrdreg s5  }
0xaa: {  	[dreg:$0x4] =	wrdreg $0xC0  }
0xab: {  	_ =	task [dreg:s7], $0x5FFFF  }
0xac: {  	[dreg:$0x1] =	wrdreg $0xFFFFFFFF  }
0xad: {  	[dreg:$0x0] =	wrdreg $0x60  }
0xae: {  	[dreg:$0x2] =	wrdreg s24  }
0xaf: {  	[dreg:$0x3] =	wrdreg s2  }
0xb0: {  	[dreg:$0x4] =	wrdreg $0x0  }
0xb1: {  	[dreg:$0x5] =	wrdreg $0x18800  }
0xb2: {  	[dreg:$0x6] =	wrdreg $0x31000  }
0xb3: {  	[dreg:$0x7] =	wrdreg $0x9  }
0xb4: {  	_ =	task.clear_ibuf [dreg:s7], $0x8FFFF;
	_ =	strace $0x9000004F  }
0xb5: {  	s29 =	simm.s32 $0x9;
	_ =	strace $0x80000051  }
0xb6: {  	_ =	swait.ge [sflag:s29], $0x1  }
0xb7: {  	[sflag:s29] =	ssyncadd.s32 $0xFFFFFFFF  }
0xb8: {  	_ =	strace $0x90000051  }
0xb9: {  	_ =	sfence  }
0xba: {  	s30 =	sld [smem:$0x0];
	_ =	sdelay $0x2  }
0xbb: {  	s31 =	sshll.u32 s1, $0xD;
	s1 =	sshrl.u32 s1, $0x2  }
0xbc: {  	s3 =	sand.u32 $0x4000, s31;
	s1 =	sadd.s32 s1, s30  }
0xbd: {  	s0 =	sor.u32 s3, s0;
	s1 =	sshll.u32 s1, $0x11  }
0xbe: {  	s0 =	sor.u32 s1, s0  }
0xbf: {  	s0 =	sadd.s32 $0x8F2B, s0  }
0xc0: {  	[sflag:s0] =	ssyncadd.remote.s32 $0x1  }
0xc1: {  	_ =	sfence.sel $0xFFFF  }
0xc2: {  	[dreg:$0x0] =	wrdreg $0xFFFFFFFF;
	(pc) =	sbr.abs _section_cstart, $3  }
0xc3: {  	[dreg:$0x1] =	wrdreg $0xFFFFFFFF  }
0xc4: {  	_ =	task.clear_ibuf [dreg:s7], $0x2FFFF;
	_ =	strace $0x9FFFFFFF  }
0xc5: {  	(tm) =	ssettm $0x7FFFFFFF  }
tec
execute0_lowered:
.L_overlay_start_1:
0x0: {  	(tag) =	ssettag $0x1  }
0x1: {  	s0 =	rddreg [dreg:$0x0]  }
0x2: {  	s4 =	rddreg [dreg:$0x1]  }
0x3: {  	s1 =	rddreg [dreg:$0x2]  }
0x4: {  	s2 =	rddreg [dreg:$0x3]  }
0x5: {  	s3 =	rddreg [dreg:$0x4];
	s5 =	simm.s32 $0x0;
	s15 =	stileid.u32  }
0x6: {  	s11 =	srdreg.scid;
	s31 =	simm.s32 $0x4;
	[smem:$0x7FF] =	sst s5  }
0x7: {  	s6 =	sadd.s32 $0xFEE00, s0;
	s7 =	sadd.s32 $0x12FE00, s0;
	s10 =	smul.u32 $0x1880, s15  }
0x8: {  	s8 =	sadd.s32 $0x68C00, s0;
	s9 =	sadd.s32 $0x18DC00, s0;
	s11 =	sand.u32 $0x1, s11  }
0x9: {  	s14 =	sshll.u32 s15, $0x1;
	s19 =	sshll.u32 s15, $0x6;
	s15 =	smul.u32 $0x18800, s15  }
0xa: {  	_ =	strace $0x80000050;
	s13 =	ssub.s32 $0x2, s11;
	s22 =	smul.u32 $0x49800, s11  }
0xb: {  	s14 =	sor.u32 s11, s14;
	s11 =	smul.u32 $0xC400, s11;
	s12 =	sshrl.u32 s10, $0x3  }
0xc: {  	s18 =	sshrl.u32 s13, $0x1;
	s14 =	smul.u32 $0xC400, s14;
	s16 =	sadd.s32 s10, s1  }
0xd: {  	s20 =	sadd.s32 s10, s2;
	s23 =	sadd.s32 s10, s3;
	[dreg:$0x6] =	wrdreg s16  }
0xe: {  	s0 =	sadd.s32 s12, s0;
	s13 =	ssub.s32 s13, s18;
	[dreg:$0x9] =	wrdreg s20  }
0xf: {  	s12 =	sor.u32 $0x1C06, s19;
	[dreg:$0xa] =	wrdreg s23;
	s10 =	sadd.s32 s10, s22  }
0x10: {  	s11 =	sadd.s32 s11, s15;
	s15 =	simm.s32 $0xAB80;
	s16 =	simm.s32 $0x6200  }
0x11: {  	s0 =	sadd.s32 $0xFBC00, s0;
	s21 =	sshrl.u32 s14, $0x3;
	s10 =	sshrl.u32 s10, $0x3  }
0x12: {  	s19 =	sadd.s32 $0x4980, s11;
	s22 =	smax.u32 s13, $0x1;
	[dreg:$0x8] =	wrdreg s12  }
0x13: {  	s23 =	sadd.s32 $0x3100, s11;
	s11 =	simm.s32 $0x6;
	[dreg:$0x7] =	wrdreg s0  }
0x14: {  	s14 =	simm.s32 $0x9300;
	s24 =	sadd.s32 s9, s21;
	[dreg:$0x14] =	wrdreg s22  }
0x15: {  	s25 =	sadd.s32 s6, s21;
	s26 =	sadd.s32 s7, s21;
	[dreg:$0x15] =	wrdreg s23  }
0x16: {  	s30 =	sadd.s32 s8, s21;
	s0 =	sadd.s32 $0x310, s21;
	[dreg:$0xb] =	wrdreg s24  }
0x17: {  	s10 =	sadd.s32 s4, s10;
	s21 =	sshrl.u32 s19, $0x3;
	[dreg:$0xc] =	wrdreg s25  }
0x18: {  	s19 =	simm.s32 $0xF500;
	s22 =	simm.s32 $0x3;
	[dreg:$0xd] =	wrdreg s26  }
0x19: {  	s23 =	simm.s32 $0x1880;
	s4 =	simm.s32 $0x0;
	[dreg:$0xe] =	wrdreg s30  }
0x1a: {  	s17 =	sadd.s32 s9, s0;
	s18 =	sadd.s32 s6, s0;
	[dreg:$0x11] =	wrdreg s10  }
0x1b: {  	s20 =	sadd.s32 s7, s0;
	s0 =	sadd.s32 s8, s0;
	[dreg:$0xf] =	wrdreg s17  }
0x1c: {  	s25 =	sadd.s32 s21, s8;
	s26 =	sadd.s32 s21, s7;
	[dreg:$0x10] =	wrdreg s18  }
.Ltmp0:
0x1d: {  	s28 =	sadd.s32 s21, s6;
	[dreg:$0x12] =	wrdreg s20;
	(pc) =	sbr.rel .LBB2_1-.Ltmp0, $4  }
0x1e: {  	s29 =	sadd.s32 s21, s9;
	s24 =	sadd.s32 $0x3100, s10;
	[dreg:$0x13] =	wrdreg s0  }
0x1f: {  	s30 =	sadd.s32 $0x6200, s10;
	s10 =	simm.s32 $0x4980;
	[dreg:$0x16] =	wrdreg s24  }
0x20: {  	s21 =	simm.s32 $0x2;
	[dreg:$0x17] =	wrdreg s30;
	s17 =	simm.s32 $0xC400  }
0x21: {  	s18 =	simm.s32 $0xDC80;
	s20 =	simm.s32 $0x1;
	s24 =	simm.s32 $0x5  }
.LBB2_4:
0x22: {  	[bflag:$0x0] =	sbarrier.arrive $0xFFFF  }
0x23: {  	s12 =	rddreg [dreg:$0x8]  }
0x24: {  	s0 =	rddreg [dreg:$0x11]  }
0x25: {  	s11 =	simm.s32 $0x6;
	s4 =	rddreg [dreg:$0x19]  }
0x26: {  	[hbm:s0], [sflag:s12] =	dma.local [spmem:s4], $0x310  }
0x27: {  	_ =	swait.ge [sflag:s11], $0x310  }
0x28: {  	[sflag:s11] =	ssyncset.done $0x0;
	s13 =	rddreg [dreg:$0x16]  }
0x29: {  	s30 =	rddreg [dreg:$0x1a];
	[sflag:s11] =	ssyncadd.s32 $0xFFFFFCF0  }
0x2a: {  	[hbm:s13], [sflag:s12] =	dma.local [spmem:s30], $0x310  }
0x2b: {  	_ =	swait.ge [sflag:s11], $0x310  }
0x2c: {  	[sflag:s11] =	ssyncset.done $0x0;
	s13 =	rddreg [dreg:$0x17]  }
0x2d: {  	s30 =	rddreg [dreg:$0x1b];
	[sflag:s11] =	ssyncadd.s32 $0xFFFFFCF0  }
0x2e: {  	[hbm:s13], [sflag:s12] =	dma.local [spmem:s30], $0x310  }
0x2f: {  	_ =	swait.ge [sflag:s11], $0x310  }
0x30: {  	s13 =	rddreg [dreg:$0x18]  }
0x31: {  	s30 =	rddreg [dreg:$0x14];
	s4 =	sadd.s32 $0x1, s13  }
0x32: {  	p0 =	sne.s32 s4, s30  }
.Ltmp1:
0x33: {  	_ = 	snop;
	(pc) =	sbr.rel @!p0 .LBB2_5-.Ltmp1, $3  }
0x34: {  	_ =	sdelay $0x1  }
0x35: {  	[sflag:s11] =	ssyncset.done $0x0  }
0x36: {  	[sflag:s11] =	ssyncadd.s32 $0xFFFFFCF0  }
.LBB2_1:
0x37: {  	[dreg:$0x18] =	wrdreg s4  }
0x38: {  	s0 =	rddreg [dreg:$0x6]  }
0x39: {  	s30 =	sshrl.u32 s0, $0x3;
	s0 =	rddreg [dreg:$0x7]  }
0x3a: {  	[dreg:$0x19] =	wrdreg s30  }
0x3b: {  	[spmem:s30], [sflag:s12] =	dma.local [hbm:s0], $0x310  }
0x3c: {  	_ =	swait.ge [sflag:s11], $0x310  }
0x3d: {  	s13 =	rddreg [dreg:$0x9]  }
0x3e: {  	[sflag:s11] =	ssyncset.done $0x0;
	s4 =	sshrl.u32 s13, $0x3  }
0x3f: {  	[sflag:s11] =	ssyncadd.s32 $0xFFFFFCF0;
	[dreg:$0x1a] =	wrdreg s4  }
0x40: {  	[spmem:s4], [sflag:s12] =	dma.local [hbm:s0], $0x310  }
0x41: {  	_ =	swait.ge [sflag:s11], $0x310  }
0x42: {  	s30 =	rddreg [dreg:$0xa]  }
0x43: {  	[sflag:s11] =	ssyncset.done $0x0;
	s4 =	sshrl.u32 s30, $0x3  }
0x44: {  	[sflag:s11] =	ssyncadd.s32 $0xFFFFFCF0;
	[dreg:$0x1b] =	wrdreg s4  }
0x45: {  	[spmem:s4], [sflag:s12] =	dma.local [hbm:s0], $0x310  }
0x46: {  	_ =	swait.ge [sflag:s11], $0x310  }
0x47: {  	[sflag:s11] =	ssyncset.done $0x0  }
0x48: {  	[sflag:s11] =	ssyncadd.s32 $0xFFFFFCF0  }
0x49: {  	[bflag:$0x0] =	sbarrier.arrive $0xFFFF  }
0x4a: {  	s11 =	rddreg [dreg:$0xb]  }
0x4b: {  	s12 =	rddreg [dreg:$0xc]  }
0x4c: {  	[tilespmem:s10], [sflag:$0x1] =	stream.linear.gather [hbm4b:s11+s5], $0x1880, $0x38;
	[tilespmem:$0x10D80] =	vst v63  }
0x4d: {  	s13 =	simm.s32 $0x7A80;
	s30 =	rddreg [dreg:$0xd]  }
0x4e: {  	[tilespmem:s13], [sflag:$0x3] =	stream.linear.gather [hbm4b:s12+s5], $0x1880, $0x38;
	[tilespmem:$0x10D80] =	vst v63  }
0x4f: {  	s4 =	rddreg [dreg:$0xe]  }
0x50: {  	[tilespmem:s14], [sflag:$0x3] =	stream.linear.gather [hbm4b:s30+s5], $0x1880, $0x38;
	[tilespmem:$0x10D80] =	vst v63  }
0x51: {  	s11 =	rddreg [dreg:$0xf]  }
0x52: {  	[tilespmem:s15], [sflag:$0x3] =	stream.linear.gather [hbm4b:s4+s5], $0x1880, $0x38;
	[tilespmem:$0x10D80] =	vst v63  }
0x53: {  	s12 =	rddreg [dreg:$0x10]  }
0x54: {  	[tilespmem:s16], [sflag:$0x2] =	stream.linear.gather [hbm4b:s11+s5], $0x1880, $0x38;
	[tilespmem:$0x10D80] =	vst v63  }
0x55: {  	s13 =	rddreg [dreg:$0x12]  }
0x56: {  	[tilespmem:s17], [sflag:$0x4] =	stream.linear.gather [hbm4b:s12+s5], $0x1880, $0x38;
	[tilespmem:$0x10D80] =	vst v63  }
0x57: {  	s30 =	rddreg [dreg:$0x13]  }
0x58: {  	[tilespmem:s18], [sflag:$0x4] =	stream.linear.gather [hbm4b:s13+s5], $0x1880, $0x38;
	[tilespmem:$0x10D80] =	vst v63  }
0x59: {  	s0 =	simm.s32 $0x0;
	s11 =	rddreg [dreg:$0x15]  }
0x5a: {  	[tilespmem:s19], [sflag:$0x4] =	stream.linear.gather [hbm4b:s30+s5], $0x1880, $0x38;
	[tilespmem:$0x10D80] =	vst v63  }
.LBB2_2:
0x5b: {  	_ =	swait.ge [sflag:s20], $0x1880  }
0x5c: {  	[sflag:s20] =	ssyncset.done $0x0  }
0x5d: {  	[sflag:s20] =	ssyncadd.s32 $0xFFFFE780  }
0x5e: {  	_ =	swait.ge [sflag:s22], $0x1880  }
0x5f: {  	[sflag:s22] =	ssyncset.done $0x0  }
0x60: {  	[sflag:s22] =	ssyncadd.s32 $0xFFFFE780  }
0x61: {  	_ =	swait.ge [sflag:s22], $0x1880  }
0x62: {  	[sflag:s22] =	ssyncset.done $0x0  }
0x63: {  	[sflag:s22] =	ssyncadd.s32 $0xFFFFE780  }
0x64: {  	_ =	swait.ge [sflag:s22], $0x1880  }
0x65: {  	[sflag:s22] =	ssyncset.done $0x0  }
0x66: {  	s4 =	simm.s32 $0x7A80;
	[sflag:s22] =	ssyncadd.s32 $0xFFFFE780  }
0x67: {  	[spmem:s1] =	stream.indirect.scatter.add.f32 [tilespmem:s4], [sflag:$0x5], $0x1, s10, s23, $0xb8;
	[tilespmem:$0x10D80] =	vst v63  }
0x68: {  	_ = 	snop  }
0x69: {  	[spmem:s2] =	stream.indirect.scatter.add.f32 [tilespmem:s14], [sflag:$0x5], $0x1, s10, s23, $0xb8;
	[tilespmem:$0x10D80] =	vst v63  }
0x6a: {  	_ = 	snop  }
0x6b: {  	[spmem:s3] =	stream.indirect.scatter.add.f32 [tilespmem:s15], [sflag:$0x5], $0x1, s10, s23, $0xb8;
	[tilespmem:$0x10D80] =	vst v63  }
0x6c: {  	_ =	swait.ge [sflag:s24], $0x1880  }
0x6d: {  	[sflag:s24] =	ssyncset.done $0x0  }
0x6e: {  	[sflag:s24] =	ssyncadd.s32 $0xFFFFE780  }
0x6f: {  	_ =	swait.ge [sflag:s24], $0x1880  }
0x70: {  	[sflag:s24] =	ssyncset.done $0x0  }
0x71: {  	[sflag:s24] =	ssyncadd.s32 $0xFFFFE780  }
0x72: {  	p0 =	seq.s32 s0, $0x1260;
	_ =	swait.ge [sflag:s24], $0x1880  }
0x73: {  	s12 =	sshrl.u32 @!p0 s11, $0x3;
	s13 =	simm.s32 @!p0 $0x4980;
	[sflag:s24] =	ssyncset.done $0x0  }
0x74: {  	s30 =	sadd.s32 @!p0 s9, s12;
	s4 =	simm.s32 @!p0 $0x0;
	[sflag:s24] =	ssyncadd.s32 $0xFFFFE780  }
0x75: {  	[tilespmem:s13], [sflag:$0x1] =	stream.linear.gather @!p0 [hbm4b:s30+s4], $0x1880, $0x38;
	[tilespmem:$0x10D80] =	vst v63  }
0x76: {  	s13 =	sadd.s32 @!p0 s6, s12;
	s30 =	simm.s32 @!p0 $0x7A80  }
0x77: {  	[tilespmem:s30], [sflag:$0x3] =	stream.linear.gather @!p0 [hbm4b:s13+s4], $0x1880, $0x38;
	[tilespmem:$0x10D80] =	vst v63  }
0x78: {  	s13 =	sadd.s32 @!p0 s7, s12;
	s30 =	simm.s32 @!p0 $0x9300  }
0x79: {  	[tilespmem:s30], [sflag:$0x3] =	stream.linear.gather @!p0 [hbm4b:s13+s4], $0x1880, $0x38;
	[tilespmem:$0x10D80] =	vst v63  }
0x7a: {  	s12 =	sadd.s32 @!p0 s8, s12;
	s13 =	simm.s32 @!p0 $0xAB80  }
0x7b: {  	[tilespmem:s13], [sflag:$0x3] =	stream.linear.gather @!p0 [hbm4b:s12+s4], $0x1880, $0x38;
	[tilespmem:$0x10D80] =	vst v63  }
0x7c: {  	_ =	swait.ge [sflag:s21], $0x1880  }
0x7d: {  	[sflag:s21] =	ssyncset.done $0x0  }
0x7e: {  	[sflag:s21] =	ssyncadd.s32 $0xFFFFE780  }
0x7f: {  	_ =	swait.ge [sflag:s31], $0x1880  }
0x80: {  	[sflag:s31] =	ssyncset.done $0x0  }
0x81: {  	[sflag:s31] =	ssyncadd.s32 $0xFFFFE780  }
0x82: {  	_ =	swait.ge [sflag:s31], $0x1880  }
0x83: {  	[sflag:s31] =	ssyncset.done $0x0  }
0x84: {  	[sflag:s31] =	ssyncadd.s32 $0xFFFFE780  }
0x85: {  	_ =	swait.ge [sflag:s31], $0x1880  }
0x86: {  	[sflag:s31] =	ssyncset.done $0x0  }
0x87: {  	[sflag:s31] =	ssyncadd.s32 $0xFFFFE780  }
0x88: {  	[spmem:s1] =	stream.indirect.scatter.add.f32 [tilespmem:s17], [sflag:$0x5], $0x1, s16, s23, $0xb8;
	[tilespmem:$0x10D80] =	vst v63  }
0x89: {  	_ = 	snop  }
0x8a: {  	[spmem:s2] =	stream.indirect.scatter.add.f32 [tilespmem:s18], [sflag:$0x5], $0x1, s16, s23, $0xb8;
	[tilespmem:$0x10D80] =	vst v63  }
0x8b: {  	_ = 	snop  }
0x8c: {  	[spmem:s3] =	stream.indirect.scatter.add.f32 [tilespmem:s19], [sflag:$0x5], $0x1, s16, s23, $0xb8;
	[tilespmem:$0x10D80] =	vst v63  }
0x8d: {  	_ =	swait.ge [sflag:s24], $0x1880  }
0x8e: {  	[sflag:s24] =	ssyncset.done $0x0  }
0x8f: {  	[sflag:s24] =	ssyncadd.s32 $0xFFFFE780  }
0x90: {  	_ =	swait.ge [sflag:s24], $0x1880  }
.Ltmp2:
0x91: {  	[sflag:s24] =	ssyncset.done $0x0;
	(pc) =	sbr.rel @p0 .LBB2_4-.Ltmp2, $4  }
0x92: {  	[sflag:s24] =	ssyncadd.s32 $0xFFFFE780  }
0x93: {  	_ =	swait.ge [sflag:s24], $0x1880  }
0x94: {  	[sflag:s24] =	ssyncset.done $0x0  }
0x95: {  	[sflag:s24] =	ssyncadd.s32 $0xFFFFE780  }
0x96: {  	s4 =	sadd.s32 s0, s29  }
0x97: {  	[tilespmem:s16], [sflag:$0x2] =	stream.linear.gather [hbm4b:s4+s5], $0x1880, $0x38;
	[tilespmem:$0x10D80] =	vst v63  }
0x98: {  	s12 =	sadd.s32 s0, s28  }
0x99: {  	[tilespmem:s17], [sflag:$0x4] =	stream.linear.gather [hbm4b:s12+s5], $0x1880, $0x38;
	[tilespmem:$0x10D80] =	vst v63  }
.Ltmp3:
0x9a: {  	_ = 	snop;
	(pc) =	sbr.rel .LBB2_2-.Ltmp3, $4  }
0x9b: {  	s13 =	sadd.s32 s0, s26  }
0x9c: {  	[tilespmem:s18], [sflag:$0x4] =	stream.linear.gather [hbm4b:s13+s5], $0x1880, $0x38;
	[tilespmem:$0x10D80] =	vst v63  }
0x9d: {  	s30 =	sadd.s32 s0, s25;
	s0 =	sadd.s32 $0x620, s0;
	s11 =	sadd.s32 $0x3100, s11  }
0x9e: {  	[tilespmem:s19], [sflag:$0x4] =	stream.linear.gather [hbm4b:s30+s5], $0x1880, $0x38;
	[tilespmem:$0x10D80] =	vst v63  }
.LBB2_5:
0x9f: {  	_ =	sfence.sel $0x180000  }
0xa0: {  	[bflag:$0x0] =	sbarrier.arrive $0xFFFF  }
0xa1: {  	_ =	strace $0x90000050  }
0xa2: {  	s0 =	stileid.u32;
	[bflag:$0x2] =	sbarrier.arrive $0xFFFF  }
0xa3: {  	p0 =	sne.s32 s0, $0x0;
	s0 =	rddreg [dreg:$0x5]  }
0xa4: {  	s0 =	sadd.s32 @!p0 $0x100000, s0  }
0xa5: {  	[sflag:s0] =	ssyncadd.tile.s32 @!p0 $0x1;
	_ =	shalt  }
.Lfunc_end2:
_tile_overlayer_lowered:
.L_overlay_start_2:
0xa6: {  	(tag) =	ssettag $0x2  }
0xa7: {  	s0 =	rddreg [dreg:$0x0];
	s2 =	stileid.u32  }
0xa8: {  	s1 =	rddreg [dreg:$0x1];
	p0 =	sne.s32 s2, $0x0  }
0xa9: {  	s3 =	rddreg [dreg:$0x2];
	[bflag:$0x3] =	sbarrier.arrive $0xFFFF;
	s2 =	simm.s32 @!p0 $0x1C06  }
0xaa: {  	[timem:s3], [sflag:s2] =	dma.local @!p0 [hbm:s0], s1  }
0xab: {  	s0 =	simm.s32 @!p0 $0x6  }
0xac: {  	_ =	swait.ge @!p0 [sflag:s0], s1  }
0xad: {  	s1 =	ssub.s32 @!p0 $0x0, s1;
	[sflag:s0] =	ssyncset.done @!p0 $0x0  }
0xae: {  	[sflag:s0] =	ssyncadd.s32 @!p0 s1  }
0xaf: {  	[bflag:$0x3] =	sbarrier.arrive $0xFFFF  }
0xb0: {  	_ =	shalt  }

// kernel: kernel.26.cloned.1.call-start
scs
__scs_entry_jumppad:
0x0: {  	(pc) =	sbr.rel $0x88, $3  }
0x1: {  	(tag) =	ssettag $0x0;
	lr =	simm.s32 $0x1  }
0x2: {  	[smem:$0x3F8D] =	sst lr;
	_ =	strace $0xD0000000  }
0x3: {  	_ = 	snop  }
0x4: {  	_ = 	snop  }
0x5: {  	_ = 	snop  }
0x6: {  	_ = 	snop  }
0x7: {  	_ = 	snop  }
__scs_overlays_trampoline_lowered:
0x8: {  	[smem:$0x3F9C] =	sst s0  }
0x9: {  	[smem:$0x3F9D] =	sst s1  }
0xa: {  	[smem:$0x3F9E] =	sst s2  }
0xb: {  	[smem:$0x3F9F] =	sst s3  }
0xc: {  	[smem:$0x3FA0] =	sst s4  }
0xd: {  	[smem:$0x3FA1] =	sst s5  }
0xe: {  	[smem:$0x3FA2] =	sst s6  }
0xf: {  	[smem:$0x3FA3] =	sst s7  }
0x10: {  	[smem:$0x3FA4] =	sst s8  }
0x11: {  	[smem:$0x3FA5] =	sst s9;
	s0 =	simm.s32 @!p0 $0x0  }
0x12: {  	s1 =	sld [smem:$0x3F8B];
	s0 =	simm.s32 @p0 $0x1  }
0x13: {  	[smem:$0x3FA6] =	sst s0;
	s0 =	simm.s32 @!p1 $0x0  }
0x14: {  	s2 =	sld [smem:$0x3F8A];
	s0 =	simm.s32 @p1 $0x1  }
0x15: {  	[smem:$0x3FA7] =	sst s0;
	s0 =	simm.s32 @!p2 $0x0  }
0x16: {  	s3 =	sld [smem:$0x3FDB];
	s0 =	simm.s32 @p2 $0x1  }
0x17: {  	s4 =	simm.s32 $0x1BF5;
	[smem:$0x3FA9] =	sst s0  }
0x18: {  	s0 =	sld [smem:$0x3F8C];
	_ =	swait.ge [sflag:s4], $0x0  }
0x19: {  	s7 =	sld [smem:$0x3F8D]  }
0x1a: {  	s8 =	sadd.s32 $0xFFFFE003, lr  }
0x1b: {  	s9 =	sadd.s32 $0xFFFFFEF7, lr;
	s5 =	simm.s32 $0xFFFFFFFF;
	p2 =	slt.u32 s8, $0xFFFFF086  }
0x1c: {  	p1 =	slt.u32 s9, $0xF7A;
	s5 =	simm.s32 @!p2 $0x0  }
0x1d: {  	s5 =	simm.s32 @p1 $0x1;
	p0 =	seq.s32 s7, s2  }
0x1e: {  	s7 =	smul.u32 @!p0 $0xF7A, s2;
	p2 =	seq.s32 @!p0 s5, $0x0  }
0x1f: {  	s9 =	smul.u32 $0xF7A, s1;
	s8 =	simm.s32 @!p0 $0x1BF5;
	p2 =	por !p2, p0  }
0x20: {  	[sflag:s8] =	ssyncset.s32 @!p0 $0xFFFFF086;
	s6 =	sadd.s32 @!p0 s3, s7;
	s7 =	simm.s32 @!p0 $0x108  }
0x21: {  	s3 =	sadd.s32 s3, s9;
	s6 =	sadd.s32 @!p0 $0x88, s6;
	s7 =	simm.s32 @p2 $0x1082  }
0x22: {  	[simem:s7], [sflag:s8] =	dma.local @!p0 [hbm:s6], $0xF7A  }
0x23: {  	s9 =	sor.u32 $0xD0000000, s2;
	s6 =	simm.s32 $0x108;
	_ =	swait.ge @!p0 [sflag:s8], $0x0  }
0x24: {  	s3 =	sadd.s32 $0x88, s3;
	s6 =	simm.s32 @!p1 $0x1082;
	[sflag:s4] =	ssyncset.s32 $0xFFFFF086  }
0x25: {  	[simem:s6], [sflag:s4] =	dma.local [hbm:s3], $0xF7A  }
0x26: {  	[smem:$0x3F8D] =	sst s1;
	(tag) =	ssettag s2;
	_ =	strace s9  }
0x27: {  	s1 =	sld [smem:$0x3F9D]  }
0x28: {  	s2 =	sld [smem:$0x3F9E]  }
0x29: {  	s4 =	sld [smem:$0x3FA0]  }
0x2a: {  	p0 =	seq.s32 s5, $0x0;
	s5 =	sld [smem:$0x3FA1]  }
0x2b: {  	s6 =	sld [smem:$0x3FA2]  }
0x2c: {  	s7 =	sld [smem:$0x3FA3]  }
0x2d: {  	s3 =	simm.s32 $0x108;
	s8 =	sld [smem:$0x3FA4]  }
0x2e: {  	s3 =	simm.s32 @!p0 $0x1082;
	s9 =	sld [smem:$0x3FA5]  }
0x2f: {  	lr =	sadd.s32 s0, s3;
	s0 =	sld [smem:$0x3F9C]  }
0x30: {  	s3 =	sld [smem:$0x3F9F]  }
0x31: {  	[smem:$0x3FA8] =	sst s10  }
0x32: {  	s10 =	sld [smem:$0x3FA6];
	_ =	sdelay $0x3  }
0x33: {  	p0 =	seq.s32 s10, $0x1;
	s10 =	sld [smem:$0x3FA8];
	_ =	sdelay $0x3  }
0x34: {  	[smem:$0x3FA8] =	sst s10  }
0x35: {  	s10 =	sld [smem:$0x3FA7];
	_ =	sdelay $0x3  }
0x36: {  	p1 =	seq.s32 s10, $0x1;
	s10 =	sld [smem:$0x3FA8];
	_ =	sdelay $0x3  }
0x37: {  	[smem:$0x3FA8] =	sst s10  }
0x38: {  	s10 =	sld [smem:$0x3FA9]  }
0x39: {  	_ = 	snop;
	(pc) =	sbr.ind lr, $3  }
0x3a: {  	_ = 	snop  }
0x3b: {  	_ = 	snop  }
0x3c: {  	p2 =	seq.s32 s10, $0x1;
	s10 =	sld [smem:$0x3FA8]  }
0x3d: {  	_ =	shalt  }
0x3e: {  	_ =	shalt  }
0x3f: {  	_ =	shalt  }
0x40: {  	_ =	shalt  }
0x41: {  	_ =	shalt  }
0x42: {  	_ =	shalt  }
0x43: {  	_ =	shalt  }
0x44: {  	_ =	shalt  }
0x45: {  	_ =	shalt  }
0x46: {  	_ =	shalt  }
0x47: {  	_ =	shalt  }
0x48: {  	_ =	shalt  }
0x49: {  	_ =	shalt  }
0x4a: {  	_ =	shalt  }
0x4b: {  	_ =	shalt  }
0x4c: {  	_ =	shalt  }
0x4d: {  	_ =	shalt  }
0x4e: {  	_ =	shalt  }
0x4f: {  	_ =	shalt  }
0x50: {  	_ =	shalt  }
0x51: {  	_ =	shalt  }
0x52: {  	_ =	shalt  }
0x53: {  	_ =	shalt  }
0x54: {  	_ =	shalt  }
0x55: {  	_ =	shalt  }
0x56: {  	_ =	shalt  }
0x57: {  	_ =	shalt  }
0x58: {  	_ =	shalt  }
0x59: {  	_ =	shalt  }
0x5a: {  	_ =	shalt  }
0x5b: {  	_ =	shalt  }
0x5c: {  	_ =	shalt  }
0x5d: {  	_ =	shalt  }
0x5e: {  	_ =	shalt  }
0x5f: {  	_ =	shalt  }
0x60: {  	_ =	shalt  }
0x61: {  	_ =	shalt  }
0x62: {  	_ =	shalt  }
0x63: {  	_ =	shalt  }
0x64: {  	_ =	shalt  }
0x65: {  	_ =	shalt  }
0x66: {  	_ =	shalt  }
0x67: {  	_ =	shalt  }
0x68: {  	_ =	shalt  }
0x69: {  	_ =	shalt  }
0x6a: {  	_ =	shalt  }
0x6b: {  	_ =	shalt  }
0x6c: {  	_ =	shalt  }
0x6d: {  	_ =	shalt  }
0x6e: {  	_ =	shalt  }
0x6f: {  	_ =	shalt  }
0x70: {  	_ =	shalt  }
0x71: {  	_ =	shalt  }
0x72: {  	_ =	shalt  }
0x73: {  	_ =	shalt  }
0x74: {  	_ =	shalt  }
0x75: {  	_ =	shalt  }
0x76: {  	_ =	shalt  }
0x77: {  	_ =	shalt  }
0x78: {  	_ =	shalt  }
0x79: {  	_ =	shalt  }
0x7a: {  	_ =	shalt  }
0x7b: {  	_ =	shalt  }
0x7c: {  	_ =	shalt  }
0x7d: {  	_ =	shalt  }
0x7e: {  	_ =	shalt  }
0x7f: {  	_ =	shalt  }
0x80: {  	_ =	shalt  }
0x81: {  	_ =	shalt  }
0x82: {  	_ =	shalt  }
0x83: {  	_ =	shalt  }
0x84: {  	_ =	shalt  }
0x85: {  	_ =	shalt  }
0x86: {  	_ =	shalt  }
0x87: {  	_ =	shalt  }
.Lfunc_end0:
.L_simem_size_0:
called_computation.4_lowered:
.L_overlay_start_0:
0x88: {  	s2 =	sld [smem:$0x3FD9]  }
0x89: {  	s3 =	sld [smem:$0x3FFE];
	_ =	sdelay $0x1  }
0x8a: {  	s1 =	srdreg.scid  }
0x8b: {  	s0 =	sand.u32 $0x1, s1  }
0x8c: {  	s17 =	sshll.u32 s0, $0xA;
	s2 =	sadd.s32 s3, s2  }
0x8d: {  	s2 =	sadd.s32 s2, s17  }
0x8e: {  	[smem:$0x3FB4] =	sst s2  }
0x8f: {  	_ = 	snop  }
0x90: {  	s2 =	sld [smem:$0x3FD0];
	(tm) =	ssettm $0x1  }
0x91: {  	s18 =	sld [smem:$0x3FFB];
	_ =	sdelay $0x3  }
0x92: {  	_ =	strace s18  }
0x93: {  	s3 =	sld [smem:$0x3FFC];
	_ =	sdelay $0x3  }
0x94: {  	_ =	strace s3  }
0x95: {  	s3 =	sld [smem:$0x3FFD];
	_ =	sdelay $0x3  }
0x96: {  	_ =	strace s3  }
0x97: {  	_ =	strace $0x8FFFFFFF  }
0x98: {  	s19 =	sld [smem:$0x3FDB];
	_ =	sdelay $0x1  }
0x99: {  	s4 =	simm.s32 $_scs_section_size  }
0x9a: {  	s5 =	simm.s32 $_size__tile_overlayer_lowered;
	s6 =	simm.s32 $_tile_overlayer_lowered  }
0x9b: {  	s22 =	simm.s32 $0x1BFF;
	s21 =	sshll.u32 s6, $0x1;
	s3 =	sadd.s32 s4, s19  }
0x9c: {  	s7 =	simm.s32 $0x0;
	s20 =	sshll.u32 s5, $0x1;
	s5 =	sadd.s32 s21, s3  }
0x9d: {  	[timem:s7], [sflag:s22] =	dma.local [hbm:s5], s20  }
0x9e: {  	_ =	swait.ge [sflag:s22], s20  }
0x9f: {  	s4 =	ssub.s32 $0x0, s20;
	[sflag:s22] =	ssyncset.done $0x0  }
0xa0: {  	[sflag:s22] =	ssyncadd.s32 s4;
	_ =	sdelay $0x1  }
0xa1: {  	s23 =	simm.s32 $0x1B8B  }
0xa2: {  	_ =	swait.ge [sflag:s23], $0x1  }
0xa3: {  	[sflag:s23] =	ssyncset.done $0x0  }
0xa4: {  	s25 =	simm.s32 $0x1B8E;
	s24 =	sld [smem:$0x3FFE];
	[sflag:s23] =	ssyncadd.s32 $0xFFFFFFFF  }
0xa5: {  	s26 =	simm.s32 $execute0_lowered;
	[smem:$0x3FD2] =	sst s25  }
0xa6: {  	s5 =	sshll.u32 s26, $0x1;
	_ =	strace $0x80000052;
	[dreg:$0x1] =	wrdreg $0xFFFFFFFF  }
0xa7: {  	s28 =	simm.s32 $_size_execute0_lowered;
	s3 =	sadd.s32 s3, s5;
	[dreg:$0x0] =	wrdreg $0x0  }
0xa8: {  	s5 =	sshll.u32 s28, $0x1;
	[dreg:$0x2] =	wrdreg s3  }
0xa9: {  	[dreg:$0x3] =	wrdreg s5  }
0xaa: {  	[dreg:$0x4] =	wrdreg $0xC0  }
0xab: {  	_ =	task [dreg:s7], $0x5FFFF  }
0xac: {  	[dreg:$0x1] =	wrdreg $0xFFFFFFFF  }
0xad: {  	[dreg:$0x0] =	wrdreg $0x60  }
0xae: {  	[dreg:$0x2] =	wrdreg s2  }
0xaf: {  	[dreg:$0x3] =	wrdreg s24  }
0xb0: {  	[dreg:$0x4] =	wrdreg $0x9  }
0xb1: {  	_ =	task.clear_ibuf [dreg:s7], $0x5FFFF;
	_ =	strace $0x90000052  }
0xb2: {  	s29 =	simm.s32 $0x9;
	_ =	strace $0x80000054  }
0xb3: {  	_ =	swait.ge [sflag:s29], $0x1  }
0xb4: {  	[sflag:s29] =	ssyncadd.s32 $0xFFFFFFFF  }
0xb5: {  	_ =	strace $0x90000054  }
0xb6: {  	_ =	sfence  }
0xb7: {  	s30 =	sld [smem:$0x0];
	_ =	sdelay $0x2  }
0xb8: {  	s31 =	sshll.u32 s1, $0xD;
	s1 =	sshrl.u32 s1, $0x2  }
0xb9: {  	s3 =	sand.u32 $0x4000, s31;
	s1 =	sadd.s32 s1, s30  }
0xba: {  	s0 =	sor.u32 s3, s0;
	s1 =	sshll.u32 s1, $0x11  }
0xbb: {  	s0 =	sor.u32 s1, s0  }
0xbc: {  	s0 =	sadd.s32 $0x8F2B, s0  }
0xbd: {  	[sflag:s0] =	ssyncadd.remote.s32 $0x1  }
0xbe: {  	_ =	sfence.sel $0xFFFF  }
0xbf: {  	[dreg:$0x0] =	wrdreg $0xFFFFFFFF;
	(pc) =	sbr.abs _section_cstart, $3  }
0xc0: {  	[dreg:$0x1] =	wrdreg $0xFFFFFFFF  }
0xc1: {  	_ =	task.clear_ibuf [dreg:s7], $0x2FFFF;
	_ =	strace $0x9FFFFFFF  }
0xc2: {  	(tm) =	ssettm $0x7FFFFFFF  }
0xc3: {  	_ =	shalt  }
tec
execute0_lowered:
.L_overlay_start_1:
0x0: {  	(tag) =	ssettag $0x1  }
0x1: {  	s1 =	stileid.u32  }
0x2: {  	p0 =	seq.s32 s1, $0xF  }
.Ltmp0:
0x3: {  	_ = 	snop;
	(pc) =	sbr.rel @!p0 .LBB2_1-.Ltmp0, $4  }
0x4: {  	s11 =	rddreg [dreg:$0x0]  }
0x5: {  	s4 =	rddreg [dreg:$0x1];
	s2 =	simm.s32 $0x0  }
0x6: {  	[smem:$0x7FF] =	sst s2  }
0x7: {  	s0 =	rddreg [dreg:$0x2];
	_ =	strace $0x80000053  }
.LBB2_14:
0x8: {  	_ =	sfence.sel $0x180000  }
0x9: {  	[bflag:$0x0] =	sbarrier.arrive $0xFFFF  }
0xa: {  	p0 =	sne.s32 s1, $0x0;
	_ =	strace $0x90000053  }
0xb: {  	s0 =	sadd.s32 @!p0 $0x100000, s0;
	[bflag:$0x2] =	sbarrier.arrive $0xFFFF  }
0xc: {  	[sflag:s0] =	ssyncadd.tile.s32 @!p0 $0x1;
	_ =	shalt  }
.LBB2_1:
0xd: {  	s3 =	srdreg.scid  }
0xe: {  	s28 =	sshll.u32 s1, $0x1;
	s8 =	sand.u32 $0x1, s3  }
0xf: {  	s3 =	sor.u32 s8, s28  }
0x10: {  	s5 =	smul.u32 $0x23, s3;
	_ =	sdelay $0x1  }
0x11: {  	s5 =	sshrl.u32 s5, $0x9  }
0x12: {  	s6 =	smul.u32 $0xF, s5;
	_ =	sdelay $0x1  }
0x13: {  	s3 =	ssub.s32 s3, s6  }
0x14: {  	s6 =	sand.u32 $0xFF, s3  }
0x15: {  	s6 =	smul.u32 $0x56, s6  }
0x16: {  	s16 =	simm.s32 $0x1;
	s17 =	simm.s32 $0x1B8A0;
	s18 =	simm.s32 $0x2  }
0x17: {  	s19 =	simm.s32 $0x4;
	s9 =	smul.u32 $0x3, s5;
	s6 =	sshrl.u32 s6, $0x8  }
0x18: {  	s20 =	simm.s32 $0x1D1A0;
	s21 =	simm.s32 $0x3;
	s7 =	smul.u32 $0x3, s6  }
0x19: {  	s22 =	simm.s32 $0x0;
	s14 =	ssub.s32 $0x2, s8;
	s5 =	smul.u32 $0x186A00, s5  }
0x1a: {  	s15 =	sshrl.u32 s14, $0x1;
	s10 =	smul.u32 $0x4E200, s6;
	s3 =	ssub.s32 s3, s7  }
0x1b: {  	s31 =	ssub.s32 s14, s15;
	s14 =	simm.s32 $0x186A0;
	s12 =	sand.u32 $0xFF, s3  }
0x1c: {  	s13 =	sadd.s32 s5, s10;
	s29 =	sadd.s32 s12, s9;
	s12 =	smul.u32 $0x30D4, s12  }
.Ltmp1:
0x1d: {  	s3 =	sadd.s32 $0x7000, s4;
	s5 =	sshrl.u32 s13, $0x3;
	(pc) =	sbr.rel .LBB2_2-.Ltmp1, $4  }
0x1e: {  	s15 =	simm.s32 $0x19FA0;
	s5 =	sadd.s32 s3, s5;
	s30 =	smul.u32 $0x186A00, s29  }
0x1f: {  	s4 =	sadd.s32 $0x68C00, s4;
	s8 =	sadd.s32 $0x3200, s13;
	s6 =	sadd.s32 $0x320, s5  }
0x20: {  	s11 =	sadd.s32 s11, s12;
	s12 =	smax.u32 s31, $0x1;
	s7 =	sadd.s32 s10, s30  }
0x21: {  	s10 =	sadd.s32 $0x4B00, s13;
	s13 =	simm.s32 $0x5;
	s9 =	sadd.s32 $0x1900, s7  }
.LBB2_13:
0x22: {  	s22 =	sadd.s32 $0x1, s22  }
0x23: {  	_ =	swait.ge [sflag:s21], $0x1900;
	p0 =	sne.s32 s22, s12  }
.Ltmp2:
0x24: {  	[sflag:s21] =	ssyncset.done $0x0;
	(pc) =	sbr.rel @!p0 .LBB2_14-.Ltmp2, $4  }
0x25: {  	[sflag:s21] =	ssyncadd.s32 $0xFFFFE700  }
0x26: {  	_ =	swait.ge [sflag:s19], $0x1900  }
0x27: {  	[sflag:s19] =	ssyncset.done $0x0  }
0x28: {  	[sflag:s19] =	ssyncadd.s32 $0xFFFFE700  }
.LBB2_2:
0x29: {  	s23 =	simm.s32 $0x0  }
0x2a: {  	[tilespmem:s23], [sflag:$0x5] =	stream.linear.gather [hbm4b:s11+s23], $0x186A0, $0x38;
	[tilespmem:$0x1EAA0] =	vst v63  }
0x2b: {  	_ =	swait.ge [sflag:s13], $0x186A0  }
0x2c: {  	[sflag:s13] =	ssyncset.done $0x0  }
0x2d: {  	[sflag:s13] =	ssyncadd.s32 $0xFFFE7960  }
0x2e: {  	[tilespmem:s14], [sflag:$0x1] =	stream.linear.gather [hbm4b:s5+s23], $0x1900, $0x38;
	[tilespmem:$0x1EAA0] =	vst v63  }
0x2f: {  	_ = 	snop  }
0x30: {  	[tilespmem:s15], [sflag:$0x2] =	stream.linear.gather [hbm4b:s6+s23], $0x1900, $0x38;
	[tilespmem:$0x1EAA0] =	vst v63  }
.LBB2_3:
0x31: {  	_ =	swait.ge [sflag:s16], $0x1900  }
0x32: {  	p0 =	seq.s32 s23, $0x0;
	[sflag:s16] =	ssyncset.done $0x0  }
0x33: {  	s24 =	simm.s32 @!p0 $0x3;
	[sflag:s16] =	ssyncadd.s32 $0xFFFFE700  }
0x34: {  	_ =	swait.ge @!p0 [sflag:s24], $0x1900  }
0x35: {  	[sflag:s24] =	ssyncset.done @!p0 $0x0  }
0x36: {  	s31 =	simm.s32 $0x186E0;
	[sflag:s24] =	ssyncadd.s32 @!p0 $0xFFFFE700  }
0x37: {  	v0 =	vld [tilespmem:s31+$0x30]  }
0x38: {  	v1 =	vld [tilespmem:s31+$0xFFFFFFD0]  }
0x39: {  	v2 =	vld [tilespmem:s31+$0xFFFFFFE0]  }
0x3a: {  	v3 =	vld [tilespmem:s31+$0xFFFFFFF0]  }
0x3b: {  	v4 =	vld [tilespmem:s31+$0x0]  }
0x3c: {  	v6 =	vld [tilespmem:s31+$0x10]  }
0x3d: {  	v7 =	vld [tilespmem:s31+$0x20]  }
0x3e: {  	v8 =	vld [tilespmem:s31+$0xFFFFFFC0]  }
0x3f: {  	v9 =	vld.idx.msk [tilespmem:v0+s2+$0x0], $0xffff  }
0x40: {  	v10 =	vld.idx.msk [tilespmem:v1+s2+$0x0], $0xffff  }
0x41: {  	v5 =	vld.idx.msk [tilespmem:v2+s2+$0x0], $0xffff  }
0x42: {  	v3 =	vld.idx.msk [tilespmem:v3+s2+$0x0], $0xffff  }
0x43: {  	v1 =	vld.idx.msk [tilespmem:v4+s2+$0x0], $0xffff  }
0x44: {  	s25 =	simm.s32 $0x1B8E0;
	v2 =	vld.idx.msk [tilespmem:v6+s2+$0x0], $0xffff  }
0x45: {  	v0 =	vld.idx.msk [tilespmem:v7+s2+$0x0], $0xffff;
	[tilespmem:s25+$0x30] =	vst v9  }
0x46: {  	s26 =	simm.s32 $0x0;
	s28 =	simm.s32 $0x18760;
	s24 =	smul.u32 $0x3200, s23;
	v4 =	vld.idx.msk [tilespmem:v8+s2+$0x0], $0xffff;
	[tilespmem:s25+$0xFFFFFFD0] =	vst v10  }
.LBB2_4:
0x47: {  	v6 =	vld [tilespmem:s28+$0x30];
	s26 =	sadd.s32 $0x80, s26;
	[tilespmem:s25+$0xFFFFFFE0] =	vst v5  }
0x48: {  	v5 =	vld [tilespmem:s28+$0xFFFFFFD0];
	p1 =	slt.u32 s26, $0x1880;
	[tilespmem:s25+$0xFFFFFFF0] =	vst v3  }
0x49: {  	v3 =	vld [tilespmem:s28+$0xFFFFFFE0];
	[tilespmem:s25+$0x0] =	vst v1  }
0x4a: {  	v1 =	vld [tilespmem:s28+$0xFFFFFFF0];
	[tilespmem:s25+$0x10] =	vst v2  }
0x4b: {  	v2 =	vld [tilespmem:s28+$0x0];
	[tilespmem:s25+$0x20] =	vst v0  }
0x4c: {  	v0 =	vld [tilespmem:s28+$0x10];
	[tilespmem:s25+$0xFFFFFFC0] =	vst v4  }
0x4d: {  	v4 =	vld [tilespmem:s28+$0x20]  }
0x4e: {  	v7 =	vld [tilespmem:s28+$0xFFFFFFC0]  }
0x4f: {  	v6 =	vld.idx.msk [tilespmem:v6+s2+$0x0], $0xffff  }
0x50: {  	v8 =	vld.idx.msk [tilespmem:v5+s2+$0x0], $0xffff  }
0x51: {  	v5 =	vld.idx.msk [tilespmem:v3+s2+$0x0], $0xffff  }
.Ltmp3:
0x52: {  	v3 =	vld.idx.msk [tilespmem:v1+s2+$0x0], $0xffff;
	(pc) =	sbr.rel @p1 .LBB2_4-.Ltmp3, $4  }
0x53: {  	v1 =	vld.idx.msk [tilespmem:v2+s2+$0x0], $0xffff  }
0x54: {  	s25 =	sadd.s32 $0x80, s25;
	v2 =	vld.idx.msk [tilespmem:v0+s2+$0x0], $0xffff  }
0x55: {  	v0 =	vld.idx.msk [tilespmem:v4+s2+$0x0], $0xffff;
	[tilespmem:s25+$0x30] =	vst v6  }
0x56: {  	s28 =	sadd.s32 $0x80, s28;
	v4 =	vld.idx.msk [tilespmem:v7+s2+$0x0], $0xffff;
	[tilespmem:s25+$0xFFFFFFD0] =	vst v8  }
0x57: {  	[tilespmem:s25+$0xFFFFFFE0] =	vst v5  }
0x58: {  	[tilespmem:s25+$0xFFFFFFF0] =	vst v3;
	p1 =	sne.s32 s23, $0x18  }
.Ltmp4:
0x59: {  	[tilespmem:s25+$0x0] =	vst v1;
	(pc) =	sbr.rel @p1 .LBB2_7-.Ltmp4, $4  }
0x5a: {  	s26 =	sadd.s32 s24, s7;
	[tilespmem:s25+$0x10] =	vst v2  }
0x5b: {  	s26 =	sshrl.u32 s26, $0x3;
	[tilespmem:s25+$0x20] =	vst v0  }
0x5c: {  	s31 =	sadd.s32 s4, s26;
	[tilespmem:s25+$0xFFFFFFC0] =	vst v4  }
0x5d: {  	[hbm4b:s31+s2] =	stream.linear.scatter [tilespmem:s17], [sflag:$0x3], $0x1900, $0x38;
	[tilespmem:$0x1EAA0] =	vst v63  }
.Ltmp5:
0x5e: {  	(pc) =	sbr.rel .LBB2_8-.Ltmp5, $4  }
0x5f: {  	_ = 	snop  }
0x60: {  	_ =	swait.ge [sflag:s18], $0x1900  }
0x61: {  	[sflag:s18] =	ssyncset.done $0x0  }
0x62: {  	[sflag:s18] =	ssyncadd.s32 $0xFFFFE700  }
.LBB2_7:
0x63: {  	s25 =	sadd.s32 s24, s8  }
0x64: {  	s25 =	sshrl.u32 s25, $0x3  }
.Ltmp6:
0x65: {  	s25 =	sadd.s32 s3, s25;
	(pc) =	sbr.rel @p0 .LBB2_9-.Ltmp6, $4  }
0x66: {  	[tilespmem:s14], [sflag:$0x1] =	stream.linear.gather [hbm4b:s25+s2], $0x1900, $0x38;
	[tilespmem:$0x1EAA0] =	vst v63  }
0x67: {  	_ =	swait.ge [sflag:s18], $0x1900  }
0x68: {  	[sflag:s18] =	ssyncset.done $0x0  }
0x69: {  	[sflag:s18] =	ssyncadd.s32 $0xFFFFE700  }
.LBB2_8:
0x6a: {  	_ =	swait.ge [sflag:s19], $0x1900  }
0x6b: {  	[sflag:s19] =	ssyncset.done $0x0  }
0x6c: {  	[sflag:s19] =	ssyncadd.s32 $0xFFFFE700  }
.LBB2_9:
0x6d: {  	s25 =	simm.s32 $0x1A010  }
0x6e: {  	v0 =	vld [tilespmem:s25+$0x0]  }
0x6f: {  	v1 =	vld [tilespmem:s25+$0xFFFFFFA0]  }
0x70: {  	v2 =	vld [tilespmem:s25+$0xFFFFFFB0]  }
0x71: {  	v3 =	vld [tilespmem:s25+$0xFFFFFFC0]  }
0x72: {  	v6 =	vld [tilespmem:s25+$0xFFFFFFD0]  }
0x73: {  	v7 =	vld [tilespmem:s25+$0xFFFFFFE0]  }
0x74: {  	v8 =	vld [tilespmem:s25+$0xFFFFFFF0]  }
0x75: {  	v9 =	vld [tilespmem:s25+$0xFFFFFF90]  }
0x76: {  	v10 =	vld.idx.msk [tilespmem:v0+s2+$0x0], $0xffff  }
0x77: {  	v11 =	vld.idx.msk [tilespmem:v1+s2+$0x0], $0xffff  }
0x78: {  	v5 =	vld.idx.msk [tilespmem:v2+s2+$0x0], $0xffff  }
0x79: {  	v4 =	vld.idx.msk [tilespmem:v3+s2+$0x0], $0xffff  }
0x7a: {  	v1 =	vld.idx.msk [tilespmem:v6+s2+$0x0], $0xffff  }
0x7b: {  	s25 =	simm.s32 $0x1D210;
	v2 =	vld.idx.msk [tilespmem:v7+s2+$0x0], $0xffff  }
0x7c: {  	v0 =	vld.idx.msk [tilespmem:v8+s2+$0x0], $0xffff;
	[tilespmem:s25+$0x0] =	vst v10  }
0x7d: {  	s26 =	simm.s32 $0x0;
	s28 =	simm.s32 $0x1A090;
	v3 =	vld.idx.msk [tilespmem:v9+s2+$0x0], $0xffff;
	[tilespmem:s25+$0xFFFFFFA0] =	vst v11  }
.LBB2_10:
0x7e: {  	v6 =	vld [tilespmem:s28+$0x0];
	s26 =	sadd.s32 $0x80, s26;
	[tilespmem:s25+$0xFFFFFFB0] =	vst v5  }
0x7f: {  	v5 =	vld [tilespmem:s28+$0xFFFFFFA0];
	p0 =	slt.u32 s26, $0x1880;
	[tilespmem:s25+$0xFFFFFFC0] =	vst v4  }
0x80: {  	v4 =	vld [tilespmem:s28+$0xFFFFFFB0];
	[tilespmem:s25+$0xFFFFFFD0] =	vst v1  }
0x81: {  	v1 =	vld [tilespmem:s28+$0xFFFFFFC0];
	[tilespmem:s25+$0xFFFFFFE0] =	vst v2  }
0x82: {  	v2 =	vld [tilespmem:s28+$0xFFFFFFD0];
	[tilespmem:s25+$0xFFFFFFF0] =	vst v0  }
0x83: {  	v0 =	vld [tilespmem:s28+$0xFFFFFFE0];
	[tilespmem:s25+$0xFFFFFF90] =	vst v3  }
0x84: {  	v3 =	vld [tilespmem:s28+$0xFFFFFFF0]  }
0x85: {  	v7 =	vld [tilespmem:s28+$0xFFFFFF90]  }
0x86: {  	v6 =	vld.idx.msk [tilespmem:v6+s2+$0x0], $0xffff  }
0x87: {  	v8 =	vld.idx.msk [tilespmem:v5+s2+$0x0], $0xffff  }
0x88: {  	v5 =	vld.idx.msk [tilespmem:v4+s2+$0x0], $0xffff  }
.Ltmp7:
0x89: {  	v4 =	vld.idx.msk [tilespmem:v1+s2+$0x0], $0xffff;
	(pc) =	sbr.rel @p0 .LBB2_10-.Ltmp7, $4  }
0x8a: {  	v1 =	vld.idx.msk [tilespmem:v2+s2+$0x0], $0xffff  }
0x8b: {  	s25 =	sadd.s32 $0x80, s25;
	v2 =	vld.idx.msk [tilespmem:v0+s2+$0x0], $0xffff  }
0x8c: {  	v0 =	vld.idx.msk [tilespmem:v3+s2+$0x0], $0xffff;
	[tilespmem:s25+$0x0] =	vst v6  }
0x8d: {  	s28 =	sadd.s32 $0x80, s28;
	v3 =	vld.idx.msk [tilespmem:v7+s2+$0x0], $0xffff;
	[tilespmem:s25+$0xFFFFFFA0] =	vst v8  }
0x8e: {  	[tilespmem:s25+$0xFFFFFFB0] =	vst v5  }
0x8f: {  	[tilespmem:s25+$0xFFFFFFC0] =	vst v4;
	p0 =	seq.s32 s23, $0x18  }
.Ltmp8:
0x90: {  	[tilespmem:s25+$0xFFFFFFD0] =	vst v1;
	(pc) =	sbr.rel @p0 .LBB2_13-.Ltmp8, $4  }
0x91: {  	s26 =	sadd.s32 s24, s9;
	[tilespmem:s25+$0xFFFFFFE0] =	vst v2  }
0x92: {  	s26 =	sshrl.u32 s26, $0x3;
	[tilespmem:s25+$0xFFFFFFF0] =	vst v0  }
0x93: {  	s31 =	sadd.s32 s4, s26;
	[tilespmem:s25+$0xFFFFFF90] =	vst v3  }
0x94: {  	[hbm4b:s31+s2] =	stream.linear.scatter [tilespmem:s20], [sflag:$0x4], $0x1900, $0x38;
	[tilespmem:$0x1EAA0] =	vst v63  }
.Ltmp9:
0x95: {  	(pc) =	sbr.rel .LBB2_3-.Ltmp9, $4  }
0x96: {  	s24 =	sadd.s32 s24, s10  }
0x97: {  	s24 =	sshrl.u32 s24, $0x3  }
0x98: {  	s23 =	sadd.s32 $0x1, s23;
	s24 =	sadd.s32 s3, s24  }
0x99: {  	[tilespmem:s15], [sflag:$0x2] =	stream.linear.gather [hbm4b:s24+s2], $0x1900, $0x38;
	[tilespmem:$0x1EAA0] =	vst v63  }
.Lfunc_end2:
_tile_overlayer_lowered:
.L_overlay_start_2:
0x9a: {  	(tag) =	ssettag $0x2  }
0x9b: {  	s0 =	rddreg [dreg:$0x0];
	s2 =	stileid.u32  }
0x9c: {  	s1 =	rddreg [dreg:$0x1];
	p0 =	sne.s32 s2, $0x0  }
0x9d: {  	s3 =	rddreg [dreg:$0x2];
	[bflag:$0x3] =	sbarrier.arrive $0xFFFF;
	s2 =	simm.s32 @!p0 $0x1C05  }
0x9e: {  	[timem:s3], [sflag:s2] =	dma.local @!p0 [hbm:s0], s1  }
0x9f: {  	s0 =	simm.s32 @!p0 $0x5  }
0xa0: {  	_ =	swait.ge @!p0 [sflag:s0], s1  }
0xa1: {  	s1 =	ssub.s32 @!p0 $0x0, s1;
	[sflag:s0] =	ssyncset.done @!p0 $0x0  }
0xa2: {  	[sflag:s0] =	ssyncadd.s32 @!p0 s1  }
0xa3: {  	[bflag:$0x3] =	sbarrier.arrive $0xFFFF  }
0xa4: {  	_ =	shalt  }

</sc_bundles>
